<compile_context>
chip_gen: v7x
topology: tpu7x:2x2x1
jax: 0.10.2.dev20260603
libtpu: 0.0.44.dev20260713+nightly
codegen_flags: <defaults>
</compile_context>

<pallas_src>
import functools

import jax
import jax.numpy as jnp
from jax import lax
from jax.experimental import pallas as pl
from jax.experimental.pallas import tpu as pltpu
from jax.experimental.pallas import tpu_sc as plsc

F32 = jnp.float32

_N = 10000
_D = 128
_E = 320000
_NC, _NS = 2, 16
_NW = _NC * _NS
_NP = 10240
_STRIPE = _NP // _NS
_CH = 80
_CPW = 128
_EPW = _CPW * _CH
_EP = _NW * _EPW
_EPC = _EP // _NC
_BS = 400
_NB = _N // _BS

_MESH = plsc.VectorSubcoreMesh(
    core_axis_name="c", subcore_axis_name="s",
    num_cores=_NC, num_subcores=_NS)



def _deg_body(dst2d, out0, out1, dstv, onesv, zb, deg_sh):
    ci = lax.axis_index("c")
    si = lax.axis_index("s")
    w = si * _NC + ci
    soff = pl.multiple_of(si * _STRIPE, 8)

    @pl.loop(0, _STRIPE // 16)
    def _zero(i):
        zb[pl.ds(pl.multiple_of(i * 16, 8), 16)] = jnp.zeros((16,), F32)

    pltpu.sync_copy(zb, deg_sh.at[pl.ds(soff, _STRIPE)])
    for j in range(_CH // 16):
        onesv[pl.ds(j * 16, 16)] = jnp.ones((16,), F32)
    pltpu.sync_copy(dst2d.at[pl.ds(pl.multiple_of(w * _CPW, 8), _CPW)], dstv)
    plsc.subcore_barrier()

    @pl.loop(0, _CPW)
    def _scat(c):
        pltpu.sync_copy(onesv, deg_sh.at[dstv.at[c]], add=True)

    plsc.subcore_barrier()

    @pl.when(ci == 0)
    def _w0():
        pltpu.sync_copy(deg_sh.at[pl.ds(soff, _STRIPE)],
                        out0.at[pl.ds(soff, _STRIPE)])

    @pl.when(ci == 1)
    def _w1():
        pltpu.sync_copy(deg_sh.at[pl.ds(soff, _STRIPE)],
                        out1.at[pl.ds(soff, _STRIPE)])


_deg_call = functools.partial(
    pl.kernel,
    out_type=(jax.ShapeDtypeStruct((_NP,), F32),
              jax.ShapeDtypeStruct((_NP,), F32)),
    mesh=_MESH,
    scratch_types=[
        pltpu.VMEM((_CPW, _CH), jnp.int32),
        pltpu.VMEM((_CH,), F32),
        pltpu.VMEM((_STRIPE,), F32),
        pltpu.VMEM_SHARED((_NP,), F32),
    ],
)(_deg_body)


_NBUF = 2
_NWB = 16
_EPT = _EPC // _NS
_CPT = _EPT // _CH


def _agg_body(idx, h, out, *scr):
    srcv, dstv = scr[0], scr[1]
    bufs = scr[2:2 + _NBUF]
    sems = scr[2 + _NBUF:2 + 2 * _NBUF]
    wsems = scr[2 + 2 * _NBUF:2 + 2 * _NBUF + _NWB]
    agg_sh = scr[2 + 2 * _NBUF + _NWB]
    ci = lax.axis_index("c")
    si = lax.axis_index("s")
    soff = pl.multiple_of(si * _STRIPE, 8)
    r0 = bufs[0]

    @pl.loop(0, _CH)
    def _zero(i):
        for j in range(_D // 16):
            r0[i, pl.ds(j * 16, 16)] = jnp.zeros((16,), F32)

    for k in range(_STRIPE // _CH):
        pltpu.sync_copy(r0, agg_sh.at[pl.ds(soff + k * _CH, _CH)])
    ebase = (si * _NC + ci) * _EPT
    pltpu.sync_copy(idx.at[pl.ds(pl.multiple_of(ebase, 8), _EPT)], srcv)
    pltpu.sync_copy(idx.at[pl.ds(pl.multiple_of(_EP + ebase, 8), _EPT)],
                    dstv)
    plsc.subcore_barrier()

    def g(c, j):
        iv = srcv.at[pl.ds(pl.multiple_of(c * _CH, 8), _CH)]
        return pltpu.make_async_copy(h.at[iv], bufs[j], sems[j])

    for j in range(_NBUF):
        g(j, j).start()

    @pl.loop(0, _CPT // _NBUF - 1)
    def _main(gi):
        c = gi * _NBUF
        for j in range(_NBUF):
            g(c + j, j).wait()
            pltpu.sync_copy(
                bufs[j],
                agg_sh.at[dstv.at[pl.ds(pl.multiple_of((c + j) * _CH, 8),
                                        _CH)]],
                add=True)
            g(c + j + _NBUF, j).start()

    for j in range(_NBUF):
        c = _CPT - _NBUF + j
        g(c, j).wait()
        pltpu.sync_copy(
            bufs[j],
            agg_sh.at[dstv.at[pl.ds(pl.multiple_of(c * _CH, 8), _CH)]],
            add=True)

    plsc.subcore_barrier()

    obase = ci * (_NP * _D)

    def w(r, j):
        row = soff + r
        return pltpu.make_async_copy(
            agg_sh.at[row], out.at[pl.ds(obase + row * _D, _D)], wsems[j])

    for j in range(_NWB):
        w(j, j).start()

    @pl.loop(0, _STRIPE // _NWB - 1)
    def _wr(gi):
        r = gi * _NWB
        for j in range(_NWB):
            w(r + j, j).wait()
            w(r + j + _NWB, j).start()

    for j in range(_NWB):
        w(_STRIPE - _NWB + j, j).wait()


_agg_call = functools.partial(
    pl.kernel,
    out_type=jax.ShapeDtypeStruct((2 * _NP * _D,), F32),
    mesh=_MESH,
    scratch_types=(
        [pltpu.VMEM((_EPT,), jnp.int32),
         pltpu.VMEM((_EPT,), jnp.int32)]
        + [pltpu.VMEM((_CH, _D), F32)] * _NBUF
        + [pltpu.SemaphoreType.DMA] * _NBUF
        + [pltpu.SemaphoreType.DMA] * _NWB
        + [pltpu.VMEM_SHARED((_NP, _D), F32)]
    ),
)(_agg_body)


def _agg(idx, h):
    s = _agg_call(idx, h).reshape(2, _NP, _D)
    return s[0], s[1]



def _tc2_body(d0_ref, d1_ref, x_ref, w0_ref, h_ref, dinv_ref):
    deg = d0_ref[...] + d1_ref[...]
    dinv = lax.rsqrt(deg + 1.0)
    h = jnp.dot(x_ref[...], w0_ref[...], preferred_element_type=F32)
    h_ref[...] = h * dinv
    dinv_ref[...] = dinv


def _tc2(d0, d1, x, W0):
    col = pl.BlockSpec((_BS, 1), lambda i: (i, 0))
    return pl.pallas_call(
        _tc2_body,
        grid=(_NB,),
        in_specs=[
            col, col,
            pl.BlockSpec((_BS, _D), lambda i: (i, 0)),
            pl.BlockSpec((_D, _D), lambda i: (0, 0)),
        ],
        out_specs=[
            pl.BlockSpec((_BS, _D), lambda i: (i, 0)),
            col,
        ],
        out_shape=[
            jax.ShapeDtypeStruct((_N, _D), F32),
            jax.ShapeDtypeStruct((_N, 1), F32),
        ],
    )(d0, d1, x, W0)


def _tc3_body(s0_ref, s1_ref, h_ref, dinv_ref, b0_ref, lng_ref, lnb_ref,
              mw1_ref, mb1_ref, mw2_ref, mb2_ref, w1_ref, out_ref):
    dinv = dinv_ref[...]
    s = s0_ref[...] + s1_ref[...]
    a = dinv * (s + h_ref[...]) + b0_ref[...]
    t = jnp.tanh(a)
    mu = jnp.mean(t, axis=1, keepdims=True)
    var = jnp.mean((t - mu) ** 2, axis=1, keepdims=True)
    ln = (t - mu) * lax.rsqrt(var + 1e-5) * lng_ref[...] + lnb_ref[...]
    u = jnp.dot(ln, mw1_ref[...], preferred_element_type=F32) + mb1_ref[...]
    p = jnp.dot(u, mw2_ref[...], preferred_element_type=F32) + mb2_ref[...]
    out_ref[...] = dinv * jnp.dot(p, w1_ref[...], preferred_element_type=F32)


def _tc3(s0, s1, h0, dinv, b0, lng, lnb, mW1, mb1, mW2, mb2, W1):
    blk = pl.BlockSpec((_BS, _D), lambda i: (i, 0))
    full = pl.BlockSpec((_D, _D), lambda i: (0, 0))
    row = pl.BlockSpec((1, _D), lambda i: (0, 0))
    col = pl.BlockSpec((_BS, 1), lambda i: (i, 0))
    return pl.pallas_call(
        _tc3_body,
        grid=(_NB,),
        in_specs=[blk, blk, blk, col,
                  row, row, row, full, row, full, row, full],
        out_specs=blk,
        out_shape=jax.ShapeDtypeStruct((_N, _D), F32),
    )(s0, s1, h0, dinv, b0, lng, lnb, mW1, mb1, mW2, mb2, W1)


def _tc4_body(s0_ref, s1_ref, h_ref, dinv_ref, b1_ref, mw1_ref, mb1_ref,
              mw2_ref, mb2_ref, emb_ref, out_ref):
    dinv = dinv_ref[...]
    s = s0_ref[...] + s1_ref[...]
    a = dinv * (s + h_ref[...]) + b1_ref[...]
    emb_ref[...] = a
    t = jnp.tanh(a)
    u = jnp.dot(t, mw1_ref[...], preferred_element_type=F32) + mb1_ref[...]
    p = jnp.dot(u, mw2_ref[...], preferred_element_type=F32) + mb2_ref[...]
    m = jnp.max(p, axis=1, keepdims=True)
    lse = jnp.log(jnp.sum(jnp.exp(p - m), axis=1, keepdims=True)) + m
    out_ref[...] = p - lse


def _tc4(s0, s1, h1, dinv, b1, mW1, mb1, mW2, mb2):
    blk = pl.BlockSpec((_BS, _D), lambda i: (i, 0))
    full = pl.BlockSpec((_D, _D), lambda i: (0, 0))
    row = pl.BlockSpec((1, _D), lambda i: (0, 0))
    col = pl.BlockSpec((_BS, 1), lambda i: (i, 0))
    return pl.pallas_call(
        _tc4_body,
        grid=(_NB,),
        in_specs=[blk, blk, blk, col, row, full, row, full, row],
        out_specs=[blk, blk],
        out_shape=[
            jax.ShapeDtypeStruct((_N, _D), F32),
            jax.ShapeDtypeStruct((_N, _D), F32),
        ],
    )(s0, s1, h1, dinv, b1, mW1, mb1, mW2, mb2)



def kernel(x, edge_index, batch, W0, b0, W1, b1, ln_g, ln_b,
           mW1, mb1, mW2, mb2):
    src = edge_index[0]
    dst = edge_index[1]
    pad = _EP - _E
    src1 = jnp.concatenate([src, jnp.zeros((pad,), jnp.int32)])
    dstp = jnp.concatenate([dst, jnp.full((pad,), _NP - 1, jnp.int32)])
    idx = jnp.concatenate([src1, dstp])
    dst2d = dstp.reshape(_EP // _CH, _CH)

    d0, d1 = _deg_call(dst2d)
    d0 = d0.reshape(_NP, 1)
    d1 = d1.reshape(_NP, 1)

    h0, dinv = _tc2(d0, d1, x, W0)
    s0a, s0b = _agg(idx, h0)
    h1 = _tc3(s0a, s0b, h0, dinv,
              b0.reshape(1, _D), ln_g.reshape(1, _D),
              ln_b.reshape(1, _D), mW1, mb1.reshape(1, _D),
              mW2, mb2.reshape(1, _D), W1)
    s1a, s1b = _agg(idx, h1)
    emb, out2 = _tc4(s1a, s1b, h1, dinv,
                     b1.reshape(1, _D), mW1, mb1.reshape(1, _D),
                     mW2, mb2.reshape(1, _D))
    return emb, out2

# --- scband reference (transcript-rebuilt; emitter-appended) ---
"""Pipeline reference for scband-vanilla-gcn-79645873537297 (READ-ONLY COPY).

The authoritative reference and input builder live on the scoring server;
editing this copy changes nothing except your own understanding.
"""

import jax, jax.numpy as jnp
import numpy as np

N = 10000
E = 320000
D = 128


def setup_inputs(seed: int = 0) -> dict:
    key = jax.random.key(seed)
    ks = jax.random.split(key, 16)
    s = 1.0 / np.sqrt(D)
    inp = {}
    inp["x"] = jax.random.normal(ks[0], (N, D), dtype=jnp.float32)
    inp["edge_index"] = jax.random.randint(ks[1], (2, E), 0, N, dtype=jnp.int32)
    inp["batch"] = jnp.zeros((N,), dtype=jnp.int32)
    # GCNConv layer 0 (input_dim -> output_dim) and layer 1 (output_dim -> output_dim)
    inp["W0"] = jax.random.uniform(ks[2], (D, D), jnp.float32, -s, s)
    inp["b0"] = jnp.zeros((D,), jnp.float32)
    inp["W1"] = jax.random.uniform(ks[3], (D, D), jnp.float32, -s, s)
    inp["b1"] = jnp.zeros((D,), jnp.float32)
    # LayerNorm (lns[0]) used between layers
    inp["ln_g"] = jnp.ones((D,), jnp.float32)
    inp["ln_b"] = jnp.zeros((D,), jnp.float32)
    # post_mp: Linear(D,D) -> Dropout -> Linear(D, output_dim_data=D)
    inp["mW1"] = jax.random.uniform(ks[4], (D, D), jnp.float32, -s, s)
    inp["mb1"] = jnp.zeros((D,), jnp.float32)
    inp["mW2"] = jax.random.uniform(ks[5], (D, D), jnp.float32, -s, s)
    inp["mb2"] = jnp.zeros((D,), jnp.float32)
    return inp


def gcn_conv(x, src, dst, W, b, n):
    # PyG GCNConv with add_self_loops=True: D^-1/2 (A+I) D^-1/2 X W + b
    h = x @ W
    deg = jax.ops.segment_sum(jnp.ones(src.shape[0], jnp.float32), dst, num_segments=n) + 1.0
    dinv = deg ** -0.5
    norm = dinv[src] * dinv[dst]
    agg = jax.ops.segment_sum(h[src] * norm[:, None], dst, num_segments=n)
    agg = agg + h * (dinv * dinv)[:, None]  # self-loop term
    return agg + b


def layernorm(x, g, b):
    mu = jnp.mean(x, axis=-1, keepdims=True)
    var = jnp.var(x, axis=-1, keepdims=True)
    return (x - mu) / jnp.sqrt(var + 1e-5) * g + b


def reference(x, edge_index, batch, W0, b0, W1, b1, ln_g, ln_b, mW1, mb1, mW2, mb2):
    src, dst = edge_index[0], edge_index[1]
    convs = [(W0, b0), (W1, b1)]
    num_layers = 2
    emb = x
    for i in range(num_layers):
        x = gcn_conv(x, src, dst, convs[i][0], convs[i][1], x.shape[0])
        emb = x
        x = jnp.tanh(x)
        # dropout p=0.25, eval mode -> identity
        if i != num_layers - 1:
            x = layernorm(x, ln_g, ln_b)
        x = x @ mW1 + mb1  # post_mp linear 1 (+ dropout identity)
        x = x @ mW2 + mb2  # post_mp linear 2
    return emb, jax.nn.log_softmax(x, axis=1)

if __name__ == "__main__":
    import jax
    _d = setup_inputs()
    print(jax.jit(kernel)(*tuple(_d.values())))

</pallas_src>

<mosaic_0001>
#map = affine_map<(d0, d1) -> (0, 0)>
#map1 = affine_map<(d0, d1) -> (0)>
module attributes {stable_mosaic.version = 14 : i64} {
  func.func @_deg_body(%arg0: i32, %arg1: i32, %arg2: memref<4096x80xi32, #tpu.memory_space<hbm>>, %arg3: memref<10240xf32, #tpu.memory_space<hbm>>, %arg4: memref<10240xf32, #tpu.memory_space<hbm>>, %arg5: memref<128x80xi32, #tpu.memory_space<vmem>>, %arg6: memref<80xf32, #tpu.memory_space<vmem>>, %arg7: memref<640xf32, #tpu.memory_space<vmem>>, %arg8: memref<10240xf32, #tpu.memory_space<vmem_shared>>) attributes {dimension_semantics = [#tpu.dimension_semantics<core_parallel>, #tpu.dimension_semantics<subcore_parallel>], iteration_bounds = array<i64: 2, 16>, scalar_prefetch = 0 : i64, scratch_operands = 4 : i64, tpu.core_type = #tpu.core_type<sc_vector_subcore>, window_params = [{transform_indices = #map}, {transform_indices = #map1}, {transform_indices = #map1}]} {
    %mul3A = arith.constant 2 : i32
    %mul3A_0 = arith.muli %arg1, %mul3A : i32
    %add3A = arith.addi %mul3A_0, %arg0 : i32
    %mul3A_1 = arith.constant 640 : i32
    %mul3A_2 = arith.muli %arg1, %mul3A_1 : i32
    %multiple_of3A = tpu.assume_multiple %mul3A_2, 8 : i32
    %scan3A = arith.constant 0 : i32
    %scan3A_3 = arith.constant 40 : i32
    %scan3A_4 = arith.addi %scan3A, %scan3A_3 : i32
    %scan3A_5 = arith.constant 1 : i32
    scf.for %scan3A_51 = %scan3A to %scan3A_4 step %scan3A_5  : i32 {
      %mul3A_52 = arith.constant 1 : i32
      %mul3A_53 = arith.muli %scan3A_51, %mul3A_52 : i32
      %add3A_54 = arith.constant 0 : i32
      %add3A_55 = arith.addi %add3A_54, %mul3A_53 : i32
      %broadcast_in_dim3A_56 = arith.constant 0.000000e+00 : f32
      %broadcast_in_dim3A_57 = vector.broadcast %broadcast_in_dim3A_56 : f32 to vector<16xf32>
      %mul3A_58 = arith.constant 16 : i32
      %mul3A_59 = arith.muli %add3A_55, %mul3A_58 : i32
      %multiple_of3A_60 = tpu.assume_multiple %mul3A_59, 8 : i32
      %swap3A_61 = arith.index_cast %multiple_of3A_60 : i32 to index
      %swap3A_62 = tpu.vector_load %arg7[%swap3A_61] {strides = array<i32>} : memref<640xf32, #tpu.memory_space<vmem>>, vector<16xf32>,
      %swap3A_63 = vector.shape_cast %swap3A_62 : vector<16xf32> to vector<16xf32>
      %swap3A_64 = vector.shape_cast %broadcast_in_dim3A_57 : vector<16xf32> to vector<16xf32>
      tpu.vector_store %arg7[%swap3A_61], %swap3A_64 {strides = array<i32>} : memref<640xf32, #tpu.memory_space<vmem>>, vector<16xf32>,
    }
    %scan3A_6 = arith.constant 40 : i32
    "tpu.region"() ({
      %run_scoped3A = tpu.sem_alloc : memref<!tpu.dma_semaphore, #tpu.memory_space<semaphore_mem>>
      %dma_start3A = tpu.memref_slice %arg8[%multiple_of3A] : memref<10240xf32, #tpu.memory_space<vmem_shared>> -> memref<640xf32, #tpu.memory_space<vmem_shared>>
      %dma_start3A_51 = tpu.memref_slice %arg8[%multiple_of3A] : memref<10240xf32, #tpu.memory_space<vmem_shared>> -> memref<640xf32, #tpu.memory_space<vmem_shared>>
      tpu.enqueue_dma source(%arg7 : memref<640xf32, #tpu.memory_space<vmem>>) target(%dma_start3A_51 : memref<640xf32, #tpu.memory_space<vmem_shared>>) target_semaphore(%run_scoped3A : memref<!tpu.dma_semaphore, #tpu.memory_space<semaphore_mem>>)
      %dma_wait3A = tpu.memref_slice %arg8[%multiple_of3A] : memref<10240xf32, #tpu.memory_space<vmem_shared>> -> memref<640xf32, #tpu.memory_space<vmem_shared>>
      %dma_wait3A_52 = tpu.memref_slice %arg8[%multiple_of3A] : memref<10240xf32, #tpu.memory_space<vmem_shared>> -> memref<640xf32, #tpu.memory_space<vmem_shared>>
      tpu.wait_dma2 semaphore(%run_scoped3A : memref<!tpu.dma_semaphore, #tpu.memory_space<semaphore_mem>>) src(%arg7 : memref<640xf32, #tpu.memory_space<vmem>>) dst(%dma_wait3A_52 : memref<640xf32, #tpu.memory_space<vmem_shared>>)
      tpu.yield
    }) : () -> ()
    %broadcast_in_dim3A = arith.constant 1.000000e+00 : f32
    %broadcast_in_dim3A_7 = vector.broadcast %broadcast_in_dim3A : f32 to vector<16xf32>
    %swap3A = arith.constant 0 : index
    %swap3A_8 = tpu.vector_load %arg6[%swap3A] {strides = array<i32>} : memref<80xf32, #tpu.memory_space<vmem>>, vector<16xf32>,
    %swap3A_9 = vector.shape_cast %swap3A_8 : vector<16xf32> to vector<16xf32>
    %swap3A_10 = vector.shape_cast %broadcast_in_dim3A_7 : vector<16xf32> to vector<16xf32>
    tpu.vector_store %arg6[%swap3A], %swap3A_10 {strides = array<i32>} : memref<80xf32, #tpu.memory_space<vmem>>, vector<16xf32>,
    %broadcast_in_dim3A_11 = arith.constant 1.000000e+00 : f32
    %broadcast_in_dim3A_12 = vector.broadcast %broadcast_in_dim3A_11 : f32 to vector<16xf32>
    %swap3A_13 = arith.constant 16 : index
    %swap3A_14 = tpu.vector_load %arg6[%swap3A_13] {strides = array<i32>} : memref<80xf32, #tpu.memory_space<vmem>>, vector<16xf32>,
    %swap3A_15 = vector.shape_cast %swap3A_14 : vector<16xf32> to vector<16xf32>
    %swap3A_16 = vector.shape_cast %broadcast_in_dim3A_12 : vector<16xf32> to vector<16xf32>
    tpu.vector_store %arg6[%swap3A_13], %swap3A_16 {strides = array<i32>} : memref<80xf32, #tpu.memory_space<vmem>>, vector<16xf32>,
    %broadcast_in_dim3A_17 = arith.constant 1.000000e+00 : f32
    %broadcast_in_dim3A_18 = vector.broadcast %broadcast_in_dim3A_17 : f32 to vector<16xf32>
    %swap3A_19 = arith.constant 32 : index
    %swap3A_20 = tpu.vector_load %arg6[%swap3A_19] {strides = array<i32>} : memref<80xf32, #tpu.memory_space<vmem>>, vector<16xf32>,
    %swap3A_21 = vector.shape_cast %swap3A_20 : vector<16xf32> to vector<16xf32>
    %swap3A_22 = vector.shape_cast %broadcast_in_dim3A_18 : vector<16xf32> to vector<16xf32>
    tpu.vector_store %arg6[%swap3A_19], %swap3A_22 {strides = array<i32>} : memref<80xf32, #tpu.memory_space<vmem>>, vector<16xf32>,
    %broadcast_in_dim3A_23 = arith.constant 1.000000e+00 : f32
    %broadcast_in_dim3A_24 = vector.broadcast %broadcast_in_dim3A_23 : f32 to vector<16xf32>
    %swap3A_25 = arith.constant 48 : index
    %swap3A_26 = tpu.vector_load %arg6[%swap3A_25] {strides = array<i32>} : memref<80xf32, #tpu.memory_space<vmem>>, vector<16xf32>,
    %swap3A_27 = vector.shape_cast %swap3A_26 : vector<16xf32> to vector<16xf32>
    %swap3A_28 = vector.shape_cast %broadcast_in_dim3A_24 : vector<16xf32> to vector<16xf32>
    tpu.vector_store %arg6[%swap3A_25], %swap3A_28 {strides = array<i32>} : memref<80xf32, #tpu.memory_space<vmem>>, vector<16xf32>,
    %broadcast_in_dim3A_29 = arith.constant 1.000000e+00 : f32
    %broadcast_in_dim3A_30 = vector.broadcast %broadcast_in_dim3A_29 : f32 to vector<16xf32>
    %swap3A_31 = arith.constant 64 : index
    %swap3A_32 = tpu.vector_load %arg6[%swap3A_31] {strides = array<i32>} : memref<80xf32, #tpu.memory_space<vmem>>, vector<16xf32>,
    %swap3A_33 = vector.shape_cast %swap3A_32 : vector<16xf32> to vector<16xf32>
    %swap3A_34 = vector.shape_cast %broadcast_in_dim3A_30 : vector<16xf32> to vector<16xf32>
    tpu.vector_store %arg6[%swap3A_31], %swap3A_34 {strides = array<i32>} : memref<80xf32, #tpu.memory_space<vmem>>, vector<16xf32>,
    %mul3A_35 = arith.constant 128 : i32
    %mul3A_36 = arith.muli %add3A, %mul3A_35 : i32
    %multiple_of3A_37 = tpu.assume_multiple %mul3A_36, 8 : i32
    "tpu.region"() ({
      %run_scoped3A = tpu.sem_alloc : memref<!tpu.dma_semaphore, #tpu.memory_space<semaphore_mem>>
      %dma_start3A = arith.constant 0 : i32
      %dma_start3A_51 = tpu.memref_slice %arg2[%multiple_of3A_37, %dma_start3A] : memref<4096x80xi32, #tpu.memory_space<hbm>> -> memref<128x80xi32, #tpu.memory_space<hbm>>
      %dma_start3A_52 = arith.constant 0 : i32
      %dma_start3A_53 = tpu.memref_slice %arg2[%multiple_of3A_37, %dma_start3A_52] : memref<4096x80xi32, #tpu.memory_space<hbm>> -> memref<128x80xi32, #tpu.memory_space<hbm>>
      tpu.enqueue_dma source(%dma_start3A_53 : memref<128x80xi32, #tpu.memory_space<hbm>>) target(%arg5 : memref<128x80xi32, #tpu.memory_space<vmem>>) target_semaphore(%run_scoped3A : memref<!tpu.dma_semaphore, #tpu.memory_space<semaphore_mem>>)
      %dma_wait3A = arith.constant 0 : i32
      %dma_wait3A_54 = tpu.memref_slice %arg2[%multiple_of3A_37, %dma_wait3A] : memref<4096x80xi32, #tpu.memory_space<hbm>> -> memref<128x80xi32, #tpu.memory_space<hbm>>
      %dma_wait3A_55 = arith.constant 0 : i32
      %dma_wait3A_56 = tpu.memref_slice %arg2[%multiple_of3A_37, %dma_wait3A_55] : memref<4096x80xi32, #tpu.memory_space<hbm>> -> memref<128x80xi32, #tpu.memory_space<hbm>>
      tpu.wait_dma2 semaphore(%run_scoped3A : memref<!tpu.dma_semaphore, #tpu.memory_space<semaphore_mem>>) src(%dma_wait3A_56 : memref<128x80xi32, #tpu.memory_space<hbm>>) dst(%arg5 : memref<128x80xi32, #tpu.memory_space<vmem>>)
      tpu.yield
    }) : () -> ()
    %barrier3A = arith.constant 0 : index
    tpu.barrier barrier_id(%barrier3A)
    %scan3A_38 = arith.constant 0 : i32
    %scan3A_39 = arith.constant 128 : i32
    %scan3A_40 = arith.addi %scan3A_38, %scan3A_39 : i32
    %scan3A_41 = arith.constant 1 : i32
    scf.for %scan3A_51 = %scan3A_38 to %scan3A_40 step %scan3A_41  : i32 {
      %mul3A_52 = arith.constant 1 : i32
      %mul3A_53 = arith.muli %scan3A_51, %mul3A_52 : i32
      %add3A_54 = arith.constant 0 : i32
      %add3A_55 = arith.addi %add3A_54, %mul3A_53 : i32
      "tpu.region"() ({
        %run_scoped3A = tpu.sem_alloc : memref<!tpu.dma_semaphore, #tpu.memory_space<semaphore_mem>>
        %dma_start3A = arith.constant 0 : i32
        %dma_start3A_56 = tpu.memref_slice %arg5[%add3A_55, %dma_start3A] : memref<128x80xi32, #tpu.memory_space<vmem>> -> memref<1x80xi32, #tpu.memory_space<vmem>>
        %dma_start3A_57 = tpu.memref_squeeze %dma_start3A_56 : memref<1x80xi32, #tpu.memory_space<vmem>> -> memref<80xi32, #tpu.memory_space<vmem>>
        %dma_start3A_58 = arith.constant 0 : i32
        %dma_start3A_59 = tpu.memref_slice %arg8[%dma_start3A_58] : memref<10240xf32, #tpu.memory_space<vmem_shared>> -> memref<10240xf32, #tpu.memory_space<vmem_shared>>
        tpu.enqueue_indirect_dma source(%arg6 : memref<80xf32, #tpu.memory_space<vmem>>) target(%dma_start3A_59 : memref<10240xf32, #tpu.memory_space<vmem_shared>>) offsets(%dma_start3A_57 : memref<80xi32, #tpu.memory_space<vmem>>) semaphore(%run_scoped3A : memref<!tpu.dma_semaphore, #tpu.memory_space<semaphore_mem>>) {add = true}
        %dma_wait3A = arith.constant 0 : i32
        %dma_wait3A_60 = tpu.memref_slice %arg5[%add3A_55, %dma_wait3A] : memref<128x80xi32, #tpu.memory_space<vmem>> -> memref<1x80xi32, #tpu.memory_space<vmem>>
        %dma_wait3A_61 = tpu.memref_squeeze %dma_wait3A_60 : memref<1x80xi32, #tpu.memory_space<vmem>> -> memref<80xi32, #tpu.memory_space<vmem>>
        %dma_wait3A_62 = arith.constant 0 : i32
        %dma_wait3A_63 = tpu.memref_slice %arg8[%dma_wait3A_62] : memref<10240xf32, #tpu.memory_space<vmem_shared>> -> memref<10240xf32, #tpu.memory_space<vmem_shared>>
        tpu.wait_indirect_dma semaphore(%run_scoped3A : memref<!tpu.dma_semaphore, #tpu.memory_space<semaphore_mem>>) src(%arg6 : memref<80xf32, #tpu.memory_space<vmem>>) dst(%dma_wait3A_63 : memref<10240xf32, #tpu.memory_space<vmem_shared>>)
        tpu.yield
      }) : () -> ()
    }
    %scan3A_42 = arith.constant 128 : i32
    %barrier3A_43 = arith.constant 0 : index
    tpu.barrier barrier_id(%barrier3A_43)
    %eq3A = arith.constant 0 : i32
    %eq3A_44 = arith.cmpi eq, %arg0, %eq3A : i32
    %convert_element_type3A = arith.extui %eq3A_44 : i1 to i32
    %cond3A = arith.constant 0 : i32
    %cond3A_45 = arith.cmpi ne, %convert_element_type3A, %cond3A : i32
    scf.if %cond3A_45 {
      "tpu.region"() ({
        %run_scoped3A = tpu.sem_alloc : memref<!tpu.dma_semaphore, #tpu.memory_space<semaphore_mem>>
        %dma_start3A = tpu.memref_slice %arg3[%multiple_of3A] : memref<10240xf32, #tpu.memory_space<hbm>> -> memref<640xf32, #tpu.memory_space<hbm>>
        %dma_start3A_51 = tpu.memref_slice %arg8[%multiple_of3A] : memref<10240xf32, #tpu.memory_space<vmem_shared>> -> memref<640xf32, #tpu.memory_space<vmem_shared>>
        tpu.enqueue_dma source(%dma_start3A_51 : memref<640xf32, #tpu.memory_space<vmem_shared>>) target(%dma_start3A : memref<640xf32, #tpu.memory_space<hbm>>) target_semaphore(%run_scoped3A : memref<!tpu.dma_semaphore, #tpu.memory_space<semaphore_mem>>)
        %dma_wait3A = tpu.memref_slice %arg3[%multiple_of3A] : memref<10240xf32, #tpu.memory_space<hbm>> -> memref<640xf32, #tpu.memory_space<hbm>>
        %dma_wait3A_52 = tpu.memref_slice %arg8[%multiple_of3A] : memref<10240xf32, #tpu.memory_space<vmem_shared>> -> memref<640xf32, #tpu.memory_space<vmem_shared>>
        tpu.wait_dma2 semaphore(%run_scoped3A : memref<!tpu.dma_semaphore, #tpu.memory_space<semaphore_mem>>) src(%dma_wait3A_52 : memref<640xf32, #tpu.memory_space<vmem_shared>>) dst(%dma_wait3A : memref<640xf32, #tpu.memory_space<hbm>>)
        tpu.yield
      }) : () -> ()
    } else {
    }
    %eq3A_46 = arith.constant 1 : i32
    %eq3A_47 = arith.cmpi eq, %arg0, %eq3A_46 : i32
    %convert_element_type3A_48 = arith.extui %eq3A_47 : i1 to i32
    %cond3A_49 = arith.constant 0 : i32
    %cond3A_50 = arith.cmpi ne, %convert_element_type3A_48, %cond3A_49 : i32
    scf.if %cond3A_50 {
      "tpu.region"() ({
        %run_scoped3A = tpu.sem_alloc : memref<!tpu.dma_semaphore, #tpu.memory_space<semaphore_mem>>
        %dma_start3A = tpu.memref_slice %arg4[%multiple_of3A] : memref<10240xf32, #tpu.memory_space<hbm>> -> memref<640xf32, #tpu.memory_space<hbm>>
        %dma_start3A_51 = tpu.memref_slice %arg8[%multiple_of3A] : memref<10240xf32, #tpu.memory_space<vmem_shared>> -> memref<640xf32, #tpu.memory_space<vmem_shared>>
        tpu.enqueue_dma source(%dma_start3A_51 : memref<640xf32, #tpu.memory_space<vmem_shared>>) target(%dma_start3A : memref<640xf32, #tpu.memory_space<hbm>>) target_semaphore(%run_scoped3A : memref<!tpu.dma_semaphore, #tpu.memory_space<semaphore_mem>>)
        %dma_wait3A = tpu.memref_slice %arg4[%multiple_of3A] : memref<10240xf32, #tpu.memory_space<hbm>> -> memref<640xf32, #tpu.memory_space<hbm>>
        %dma_wait3A_52 = tpu.memref_slice %arg8[%multiple_of3A] : memref<10240xf32, #tpu.memory_space<vmem_shared>> -> memref<640xf32, #tpu.memory_space<vmem_shared>>
        tpu.wait_dma2 semaphore(%run_scoped3A : memref<!tpu.dma_semaphore, #tpu.memory_space<semaphore_mem>>) src(%dma_wait3A_52 : memref<640xf32, #tpu.memory_space<vmem_shared>>) dst(%dma_wait3A : memref<640xf32, #tpu.memory_space<hbm>>)
        tpu.yield
      }) : () -> ()
    } else {
    }
    return
  }
}

#map = affine_map<(d0, d1) -> (0)>
#map1 = affine_map<(d0, d1) -> (0, 0)>
module attributes {stable_mosaic.version = 14 : i64} {
  func.func @_agg_body(%arg0: i32, %arg1: i32, %arg2: memref<655360xi32, #tpu.memory_space<hbm>>, %arg3: memref<10000x128xf32, #tpu.memory_space<hbm>>, %arg4: memref<2621440xf32, #tpu.memory_space<hbm>>, %arg5: memref<10240xi32, #tpu.memory_space<vmem>>, %arg6: memref<10240xi32, #tpu.memory_space<vmem>>, %arg7: memref<80x128xf32, #tpu.memory_space<vmem>>, %arg8: memref<80x128xf32, #tpu.memory_space<vmem>>, %arg9: memref<!tpu.dma_semaphore, #tpu.memory_space<semaphore_mem>>, %arg10: memref<!tpu.dma_semaphore, #tpu.memory_space<semaphore_mem>>, %arg11: memref<!tpu.dma_semaphore, #tpu.memory_space<semaphore_mem>>, %arg12: memref<!tpu.dma_semaphore, #tpu.memory_space<semaphore_mem>>, %arg13: memref<!tpu.dma_semaphore, #tpu.memory_space<semaphore_mem>>, %arg14: memref<!tpu.dma_semaphore, #tpu.memory_space<semaphore_mem>>, %arg15: memref<!tpu.dma_semaphore, #tpu.memory_space<semaphore_mem>>, %arg16: memref<!tpu.dma_semaphore, #tpu.memory_space<semaphore_mem>>, %arg17: memref<!tpu.dma_semaphore, #tpu.memory_space<semaphore_mem>>, %arg18: memref<!tpu.dma_semaphore, #tpu.memory_space<semaphore_mem>>, %arg19: memref<!tpu.dma_semaphore, #tpu.memory_space<semaphore_mem>>, %arg20: memref<!tpu.dma_semaphore, #tpu.memory_space<semaphore_mem>>, %arg21: memref<!tpu.dma_semaphore, #tpu.memory_space<semaphore_mem>>, %arg22: memref<!tpu.dma_semaphore, #tpu.memory_space<semaphore_mem>>, %arg23: memref<!tpu.dma_semaphore, #tpu.memory_space<semaphore_mem>>, %arg24: memref<!tpu.dma_semaphore, #tpu.memory_space<semaphore_mem>>, %arg25: memref<!tpu.dma_semaphore, #tpu.memory_space<semaphore_mem>>, %arg26: memref<!tpu.dma_semaphore, #tpu.memory_space<semaphore_mem>>, %arg27: memref<10240x128xf32, #tpu.memory_space<vmem_shared>>) attributes {dimension_semantics = [#tpu.dimension_semantics<core_parallel>, #tpu.dimension_semantics<subcore_parallel>], iteration_bounds = array<i64: 2, 16>, scalar_prefetch = 0 : i64, scratch_operands = 23 : i64, tpu.core_type = #tpu.core_type<sc_vector_subcore>, window_params = [{transform_indices = #map}, {transform_indices = #map1}, {transform_indices = #map}]} {
    %mul3A = arith.constant 640 : i32
    %mul3A_0 = arith.muli %arg1, %mul3A : i32
    %multiple_of3A = tpu.assume_multiple %mul3A_0, 8 : i32
    %scan3A = arith.constant 0 : i32
    %scan3A_1 = arith.constant 80 : i32
    %scan3A_2 = arith.addi %scan3A, %scan3A_1 : i32
    %scan3A_3 = arith.constant 1 : i32
    scf.for %scan3A_356 = %scan3A to %scan3A_2 step %scan3A_3  : i32 {
      %mul3A_357 = arith.constant 1 : i32
      %mul3A_358 = arith.muli %scan3A_356, %mul3A_357 : i32
      %add3A_359 = arith.constant 0 : i32
      %add3A_360 = arith.addi %add3A_359, %mul3A_358 : i32
      %broadcast_in_dim3A = arith.constant 0.000000e+00 : f32
      %broadcast_in_dim3A_361 = vector.broadcast %broadcast_in_dim3A : f32 to vector<16xf32>
      %swap3A = arith.index_cast %add3A_360 : i32 to index
      %swap3A_362 = arith.constant 0 : index
      %swap3A_363 = tpu.vector_load %arg7[%swap3A, %swap3A_362] {strides = array<i32>} : memref<80x128xf32, #tpu.memory_space<vmem>>, vector<1x16xf32>,
      %swap3A_364 = vector.shape_cast %swap3A_363 : vector<1x16xf32> to vector<16xf32>
      %swap3A_365 = vector.shape_cast %broadcast_in_dim3A_361 : vector<16xf32> to vector<1x16xf32>
      tpu.vector_store %arg7[%swap3A, %swap3A_362], %swap3A_365 {strides = array<i32>} : memref<80x128xf32, #tpu.memory_space<vmem>>, vector<1x16xf32>,
      %broadcast_in_dim3A_366 = arith.constant 0.000000e+00 : f32
      %broadcast_in_dim3A_367 = vector.broadcast %broadcast_in_dim3A_366 : f32 to vector<16xf32>
      %swap3A_368 = arith.index_cast %add3A_360 : i32 to index
      %swap3A_369 = arith.constant 16 : index
      %swap3A_370 = tpu.vector_load %arg7[%swap3A_368, %swap3A_369] {strides = array<i32>} : memref<80x128xf32, #tpu.memory_space<vmem>>, vector<1x16xf32>,
      %swap3A_371 = vector.shape_cast %swap3A_370 : vector<1x16xf32> to vector<16xf32>
      %swap3A_372 = vector.shape_cast %broadcast_in_dim3A_367 : vector<16xf32> to vector<1x16xf32>
      tpu.vector_store %arg7[%swap3A_368, %swap3A_369], %swap3A_372 {strides = array<i32>} : memref<80x128xf32, #tpu.memory_space<vmem>>, vector<1x16xf32>,
      %broadcast_in_dim3A_373 = arith.constant 0.000000e+00 : f32
      %broadcast_in_dim3A_374 = vector.broadcast %broadcast_in_dim3A_373 : f32 to vector<16xf32>
      %swap3A_375 = arith.index_cast %add3A_360 : i32 to index
      %swap3A_376 = arith.constant 32 : index
      %swap3A_377 = tpu.vector_load %arg7[%swap3A_375, %swap3A_376] {strides = array<i32>} : memref<80x128xf32, #tpu.memory_space<vmem>>, vector<1x16xf32>,
      %swap3A_378 = vector.shape_cast %swap3A_377 : vector<1x16xf32> to vector<16xf32>
      %swap3A_379 = vector.shape_cast %broadcast_in_dim3A_374 : vector<16xf32> to vector<1x16xf32>
      tpu.vector_store %arg7[%swap3A_375, %swap3A_376], %swap3A_379 {strides = array<i32>} : memref<80x128xf32, #tpu.memory_space<vmem>>, vector<1x16xf32>,
      %broadcast_in_dim3A_380 = arith.constant 0.000000e+00 : f32
      %broadcast_in_dim3A_381 = vector.broadcast %broadcast_in_dim3A_380 : f32 to vector<16xf32>
      %swap3A_382 = arith.index_cast %add3A_360 : i32 to index
      %swap3A_383 = arith.constant 48 : index
      %swap3A_384 = tpu.vector_load %arg7[%swap3A_382, %swap3A_383] {strides = array<i32>} : memref<80x128xf32, #tpu.memory_space<vmem>>, vector<1x16xf32>,
      %swap3A_385 = vector.shape_cast %swap3A_384 : vector<1x16xf32> to vector<16xf32>
      %swap3A_386 = vector.shape_cast %broadcast_in_dim3A_381 : vector<16xf32> to vector<1x16xf32>
      tpu.vector_store %arg7[%swap3A_382, %swap3A_383], %swap3A_386 {strides = array<i32>} : memref<80x128xf32, #tpu.memory_space<vmem>>, vector<1x16xf32>,
      %broadcast_in_dim3A_387 = arith.constant 0.000000e+00 : f32
      %broadcast_in_dim3A_388 = vector.broadcast %broadcast_in_dim3A_387 : f32 to vector<16xf32>
      %swap3A_389 = arith.index_cast %add3A_360 : i32 to index
      %swap3A_390 = arith.constant 64 : index
      %swap3A_391 = tpu.vector_load %arg7[%swap3A_389, %swap3A_390] {strides = array<i32>} : memref<80x128xf32, #tpu.memory_space<vmem>>, vector<1x16xf32>,
      %swap3A_392 = vector.shape_cast %swap3A_391 : vector<1x16xf32> to vector<16xf32>
      %swap3A_393 = vector.shape_cast %broadcast_in_dim3A_388 : vector<16xf32> to vector<1x16xf32>
      tpu.vector_store %arg7[%swap3A_389, %swap3A_390], %swap3A_393 {strides = array<i32>} : memref<80x128xf32, #tpu.memory_space<vmem>>, vector<1x16xf32>,
      %broadcast_in_dim3A_394 = arith.constant 0.000000e+00 : f32
      %broadcast_in_dim3A_395 = vector.broadcast %broadcast_in_dim3A_394 : f32 to vector<16xf32>
      %swap3A_396 = arith.index_cast %add3A_360 : i32 to index
      %swap3A_397 = arith.constant 80 : index
      %swap3A_398 = tpu.vector_load %arg7[%swap3A_396, %swap3A_397] {strides = array<i32>} : memref<80x128xf32, #tpu.memory_space<vmem>>, vector<1x16xf32>,
      %swap3A_399 = vector.shape_cast %swap3A_398 : vector<1x16xf32> to vector<16xf32>
      %swap3A_400 = vector.shape_cast %broadcast_in_dim3A_395 : vector<16xf32> to vector<1x16xf32>
      tpu.vector_store %arg7[%swap3A_396, %swap3A_397], %swap3A_400 {strides = array<i32>} : memref<80x128xf32, #tpu.memory_space<vmem>>, vector<1x16xf32>,
      %broadcast_in_dim3A_401 = arith.constant 0.000000e+00 : f32
      %broadcast_in_dim3A_402 = vector.broadcast %broadcast_in_dim3A_401 : f32 to vector<16xf32>
      %swap3A_403 = arith.index_cast %add3A_360 : i32 to index
      %swap3A_404 = arith.constant 96 : index
      %swap3A_405 = tpu.vector_load %arg7[%swap3A_403, %swap3A_404] {strides = array<i32>} : memref<80x128xf32, #tpu.memory_space<vmem>>, vector<1x16xf32>,
      %swap3A_406 = vector.shape_cast %swap3A_405 : vector<1x16xf32> to vector<16xf32>
      %swap3A_407 = vector.shape_cast %broadcast_in_dim3A_402 : vector<16xf32> to vector<1x16xf32>
      tpu.vector_store %arg7[%swap3A_403, %swap3A_404], %swap3A_407 {strides = array<i32>} : memref<80x128xf32, #tpu.memory_space<vmem>>, vector<1x16xf32>,
      %broadcast_in_dim3A_408 = arith.constant 0.000000e+00 : f32
      %broadcast_in_dim3A_409 = vector.broadcast %broadcast_in_dim3A_408 : f32 to vector<16xf32>
      %swap3A_410 = arith.index_cast %add3A_360 : i32 to index
      %swap3A_411 = arith.constant 112 : index
      %swap3A_412 = tpu.vector_load %arg7[%swap3A_410, %swap3A_411] {strides = array<i32>} : memref<80x128xf32, #tpu.memory_space<vmem>>, vector<1x16xf32>,
      %swap3A_413 = vector.shape_cast %swap3A_412 : vector<1x16xf32> to vector<16xf32>
      %swap3A_414 = vector.shape_cast %broadcast_in_dim3A_409 : vector<16xf32> to vector<1x16xf32>
      tpu.vector_store %arg7[%swap3A_410, %swap3A_411], %swap3A_414 {strides = array<i32>} : memref<80x128xf32, #tpu.memory_space<vmem>>, vector<1x16xf32>,
    }
    %scan3A_4 = arith.constant 80 : i32
    %add3A = arith.constant 0 : i32
    %add3A_5 = arith.addi %multiple_of3A, %add3A : i32
    "tpu.region"() ({
      %run_scoped3A = tpu.sem_alloc : memref<!tpu.dma_semaphore, #tpu.memory_space<semaphore_mem>>
      %dma_start3A_356 = arith.constant 0 : i32
      %dma_start3A_357 = tpu.memref_slice %arg27[%add3A_5, %dma_start3A_356] : memref<10240x128xf32, #tpu.memory_space<vmem_shared>> -> memref<80x128xf32, #tpu.memory_space<vmem_shared>>
      %dma_start3A_358 = arith.constant 0 : i32
      %dma_start3A_359 = tpu.memref_slice %arg27[%add3A_5, %dma_start3A_358] : memref<10240x128xf32, #tpu.memory_space<vmem_shared>> -> memref<80x128xf32, #tpu.memory_space<vmem_shared>>
      tpu.enqueue_dma source(%arg7 : memref<80x128xf32, #tpu.memory_space<vmem>>) target(%dma_start3A_359 : memref<80x128xf32, #tpu.memory_space<vmem_shared>>) target_semaphore(%run_scoped3A : memref<!tpu.dma_semaphore, #tpu.memory_space<semaphore_mem>>)
      %dma_wait3A_360 = arith.constant 0 : i32
      %dma_wait3A_361 = tpu.memref_slice %arg27[%add3A_5, %dma_wait3A_360] : memref<10240x128xf32, #tpu.memory_space<vmem_shared>> -> memref<80x128xf32, #tpu.memory_space<vmem_shared>>
      %dma_wait3A_362 = arith.constant 0 : i32
      %dma_wait3A_363 = tpu.memref_slice %arg27[%add3A_5, %dma_wait3A_362] : memref<10240x128xf32, #tpu.memory_space<vmem_shared>> -> memref<80x128xf32, #tpu.memory_space<vmem_shared>>
      tpu.wait_dma2 semaphore(%run_scoped3A : memref<!tpu.dma_semaphore, #tpu.memory_space<semaphore_mem>>) src(%arg7 : memref<80x128xf32, #tpu.memory_space<vmem>>) dst(%dma_wait3A_363 : memref<80x128xf32, #tpu.memory_space<vmem_shared>>)
      tpu.yield
    }) : () -> ()
    %add3A_6 = arith.constant 80 : i32
    %add3A_7 = arith.addi %multiple_of3A, %add3A_6 : i32
    "tpu.region"() ({
      %run_scoped3A = tpu.sem_alloc : memref<!tpu.dma_semaphore, #tpu.memory_space<semaphore_mem>>
      %dma_start3A_356 = arith.constant 0 : i32
      %dma_start3A_357 = tpu.memref_slice %arg27[%add3A_7, %dma_start3A_356] : memref<10240x128xf32, #tpu.memory_space<vmem_shared>> -> memref<80x128xf32, #tpu.memory_space<vmem_shared>>
      %dma_start3A_358 = arith.constant 0 : i32
      %dma_start3A_359 = tpu.memref_slice %arg27[%add3A_7, %dma_start3A_358] : memref<10240x128xf32, #tpu.memory_space<vmem_shared>> -> memref<80x128xf32, #tpu.memory_space<vmem_shared>>
      tpu.enqueue_dma source(%arg7 : memref<80x128xf32, #tpu.memory_space<vmem>>) target(%dma_start3A_359 : memref<80x128xf32, #tpu.memory_space<vmem_shared>>) target_semaphore(%run_scoped3A : memref<!tpu.dma_semaphore, #tpu.memory_space<semaphore_mem>>)
      %dma_wait3A_360 = arith.constant 0 : i32
      %dma_wait3A_361 = tpu.memref_slice %arg27[%add3A_7, %dma_wait3A_360] : memref<10240x128xf32, #tpu.memory_space<vmem_shared>> -> memref<80x128xf32, #tpu.memory_space<vmem_shared>>
      %dma_wait3A_362 = arith.constant 0 : i32
      %dma_wait3A_363 = tpu.memref_slice %arg27[%add3A_7, %dma_wait3A_362] : memref<10240x128xf32, #tpu.memory_space<vmem_shared>> -> memref<80x128xf32, #tpu.memory_space<vmem_shared>>
      tpu.wait_dma2 semaphore(%run_scoped3A : memref<!tpu.dma_semaphore, #tpu.memory_space<semaphore_mem>>) src(%arg7 : memref<80x128xf32, #tpu.memory_space<vmem>>) dst(%dma_wait3A_363 : memref<80x128xf32, #tpu.memory_space<vmem_shared>>)
      tpu.yield
    }) : () -> ()
    %add3A_8 = arith.constant 160 : i32
    %add3A_9 = arith.addi %multiple_of3A, %add3A_8 : i32
    "tpu.region"() ({
      %run_scoped3A = tpu.sem_alloc : memref<!tpu.dma_semaphore, #tpu.memory_space<semaphore_mem>>
      %dma_start3A_356 = arith.constant 0 : i32
      %dma_start3A_357 = tpu.memref_slice %arg27[%add3A_9, %dma_start3A_356] : memref<10240x128xf32, #tpu.memory_space<vmem_shared>> -> memref<80x128xf32, #tpu.memory_space<vmem_shared>>
      %dma_start3A_358 = arith.constant 0 : i32
      %dma_start3A_359 = tpu.memref_slice %arg27[%add3A_9, %dma_start3A_358] : memref<10240x128xf32, #tpu.memory_space<vmem_shared>> -> memref<80x128xf32, #tpu.memory_space<vmem_shared>>
      tpu.enqueue_dma source(%arg7 : memref<80x128xf32, #tpu.memory_space<vmem>>) target(%dma_start3A_359 : memref<80x128xf32, #tpu.memory_space<vmem_shared>>) target_semaphore(%run_scoped3A : memref<!tpu.dma_semaphore, #tpu.memory_space<semaphore_mem>>)
      %dma_wait3A_360 = arith.constant 0 : i32
      %dma_wait3A_361 = tpu.memref_slice %arg27[%add3A_9, %dma_wait3A_360] : memref<10240x128xf32, #tpu.memory_space<vmem_shared>> -> memref<80x128xf32, #tpu.memory_space<vmem_shared>>
      %dma_wait3A_362 = arith.constant 0 : i32
      %dma_wait3A_363 = tpu.memref_slice %arg27[%add3A_9, %dma_wait3A_362] : memref<10240x128xf32, #tpu.memory_space<vmem_shared>> -> memref<80x128xf32, #tpu.memory_space<vmem_shared>>
      tpu.wait_dma2 semaphore(%run_scoped3A : memref<!tpu.dma_semaphore, #tpu.memory_space<semaphore_mem>>) src(%arg7 : memref<80x128xf32, #tpu.memory_space<vmem>>) dst(%dma_wait3A_363 : memref<80x128xf32, #tpu.memory_space<vmem_shared>>)
      tpu.yield
    }) : () -> ()
    %add3A_10 = arith.constant 240 : i32
    %add3A_11 = arith.addi %multiple_of3A, %add3A_10 : i32
    "tpu.region"() ({
      %run_scoped3A = tpu.sem_alloc : memref<!tpu.dma_semaphore, #tpu.memory_space<semaphore_mem>>
      %dma_start3A_356 = arith.constant 0 : i32
      %dma_start3A_357 = tpu.memref_slice %arg27[%add3A_11, %dma_start3A_356] : memref<10240x128xf32, #tpu.memory_space<vmem_shared>> -> memref<80x128xf32, #tpu.memory_space<vmem_shared>>
      %dma_start3A_358 = arith.constant 0 : i32
      %dma_start3A_359 = tpu.memref_slice %arg27[%add3A_11, %dma_start3A_358] : memref<10240x128xf32, #tpu.memory_space<vmem_shared>> -> memref<80x128xf32, #tpu.memory_space<vmem_shared>>
      tpu.enqueue_dma source(%arg7 : memref<80x128xf32, #tpu.memory_space<vmem>>) target(%dma_start3A_359 : memref<80x128xf32, #tpu.memory_space<vmem_shared>>) target_semaphore(%run_scoped3A : memref<!tpu.dma_semaphore, #tpu.memory_space<semaphore_mem>>)
      %dma_wait3A_360 = arith.constant 0 : i32
      %dma_wait3A_361 = tpu.memref_slice %arg27[%add3A_11, %dma_wait3A_360] : memref<10240x128xf32, #tpu.memory_space<vmem_shared>> -> memref<80x128xf32, #tpu.memory_space<vmem_shared>>
      %dma_wait3A_362 = arith.constant 0 : i32
      %dma_wait3A_363 = tpu.memref_slice %arg27[%add3A_11, %dma_wait3A_362] : memref<10240x128xf32, #tpu.memory_space<vmem_shared>> -> memref<80x128xf32, #tpu.memory_space<vmem_shared>>
      tpu.wait_dma2 semaphore(%run_scoped3A : memref<!tpu.dma_semaphore, #tpu.memory_space<semaphore_mem>>) src(%arg7 : memref<80x128xf32, #tpu.memory_space<vmem>>) dst(%dma_wait3A_363 : memref<80x128xf32, #tpu.memory_space<vmem_shared>>)
      tpu.yield
    }) : () -> ()
    %add3A_12 = arith.constant 320 : i32
    %add3A_13 = arith.addi %multiple_of3A, %add3A_12 : i32
    "tpu.region"() ({
      %run_scoped3A = tpu.sem_alloc : memref<!tpu.dma_semaphore, #tpu.memory_space<semaphore_mem>>
      %dma_start3A_356 = arith.constant 0 : i32
      %dma_start3A_357 = tpu.memref_slice %arg27[%add3A_13, %dma_start3A_356] : memref<10240x128xf32, #tpu.memory_space<vmem_shared>> -> memref<80x128xf32, #tpu.memory_space<vmem_shared>>
      %dma_start3A_358 = arith.constant 0 : i32
      %dma_start3A_359 = tpu.memref_slice %arg27[%add3A_13, %dma_start3A_358] : memref<10240x128xf32, #tpu.memory_space<vmem_shared>> -> memref<80x128xf32, #tpu.memory_space<vmem_shared>>
      tpu.enqueue_dma source(%arg7 : memref<80x128xf32, #tpu.memory_space<vmem>>) target(%dma_start3A_359 : memref<80x128xf32, #tpu.memory_space<vmem_shared>>) target_semaphore(%run_scoped3A : memref<!tpu.dma_semaphore, #tpu.memory_space<semaphore_mem>>)
      %dma_wait3A_360 = arith.constant 0 : i32
      %dma_wait3A_361 = tpu.memref_slice %arg27[%add3A_13, %dma_wait3A_360] : memref<10240x128xf32, #tpu.memory_space<vmem_shared>> -> memref<80x128xf32, #tpu.memory_space<vmem_shared>>
      %dma_wait3A_362 = arith.constant 0 : i32
      %dma_wait3A_363 = tpu.memref_slice %arg27[%add3A_13, %dma_wait3A_362] : memref<10240x128xf32, #tpu.memory_space<vmem_shared>> -> memref<80x128xf32, #tpu.memory_space<vmem_shared>>
      tpu.wait_dma2 semaphore(%run_scoped3A : memref<!tpu.dma_semaphore, #tpu.memory_space<semaphore_mem>>) src(%arg7 : memref<80x128xf32, #tpu.memory_space<vmem>>) dst(%dma_wait3A_363 : memref<80x128xf32, #tpu.memory_space<vmem_shared>>)
      tpu.yield
    }) : () -> ()
    %add3A_14 = arith.constant 400 : i32
    %add3A_15 = arith.addi %multiple_of3A, %add3A_14 : i32
    "tpu.region"() ({
      %run_scoped3A = tpu.sem_alloc : memref<!tpu.dma_semaphore, #tpu.memory_space<semaphore_mem>>
      %dma_start3A_356 = arith.constant 0 : i32
      %dma_start3A_357 = tpu.memref_slice %arg27[%add3A_15, %dma_start3A_356] : memref<10240x128xf32, #tpu.memory_space<vmem_shared>> -> memref<80x128xf32, #tpu.memory_space<vmem_shared>>
      %dma_start3A_358 = arith.constant 0 : i32
      %dma_start3A_359 = tpu.memref_slice %arg27[%add3A_15, %dma_start3A_358] : memref<10240x128xf32, #tpu.memory_space<vmem_shared>> -> memref<80x128xf32, #tpu.memory_space<vmem_shared>>
      tpu.enqueue_dma source(%arg7 : memref<80x128xf32, #tpu.memory_space<vmem>>) target(%dma_start3A_359 : memref<80x128xf32, #tpu.memory_space<vmem_shared>>) target_semaphore(%run_scoped3A : memref<!tpu.dma_semaphore, #tpu.memory_space<semaphore_mem>>)
      %dma_wait3A_360 = arith.constant 0 : i32
      %dma_wait3A_361 = tpu.memref_slice %arg27[%add3A_15, %dma_wait3A_360] : memref<10240x128xf32, #tpu.memory_space<vmem_shared>> -> memref<80x128xf32, #tpu.memory_space<vmem_shared>>
      %dma_wait3A_362 = arith.constant 0 : i32
      %dma_wait3A_363 = tpu.memref_slice %arg27[%add3A_15, %dma_wait3A_362] : memref<10240x128xf32, #tpu.memory_space<vmem_shared>> -> memref<80x128xf32, #tpu.memory_space<vmem_shared>>
      tpu.wait_dma2 semaphore(%run_scoped3A : memref<!tpu.dma_semaphore, #tpu.memory_space<semaphore_mem>>) src(%arg7 : memref<80x128xf32, #tpu.memory_space<vmem>>) dst(%dma_wait3A_363 : memref<80x128xf32, #tpu.memory_space<vmem_shared>>)
      tpu.yield
    }) : () -> ()
    %add3A_16 = arith.constant 480 : i32
    %add3A_17 = arith.addi %multiple_of3A, %add3A_16 : i32
    "tpu.region"() ({
      %run_scoped3A = tpu.sem_alloc : memref<!tpu.dma_semaphore, #tpu.memory_space<semaphore_mem>>
      %dma_start3A_356 = arith.constant 0 : i32
      %dma_start3A_357 = tpu.memref_slice %arg27[%add3A_17, %dma_start3A_356] : memref<10240x128xf32, #tpu.memory_space<vmem_shared>> -> memref<80x128xf32, #tpu.memory_space<vmem_shared>>
      %dma_start3A_358 = arith.constant 0 : i32
      %dma_start3A_359 = tpu.memref_slice %arg27[%add3A_17, %dma_start3A_358] : memref<10240x128xf32, #tpu.memory_space<vmem_shared>> -> memref<80x128xf32, #tpu.memory_space<vmem_shared>>
      tpu.enqueue_dma source(%arg7 : memref<80x128xf32, #tpu.memory_space<vmem>>) target(%dma_start3A_359 : memref<80x128xf32, #tpu.memory_space<vmem_shared>>) target_semaphore(%run_scoped3A : memref<!tpu.dma_semaphore, #tpu.memory_space<semaphore_mem>>)
      %dma_wait3A_360 = arith.constant 0 : i32
      %dma_wait3A_361 = tpu.memref_slice %arg27[%add3A_17, %dma_wait3A_360] : memref<10240x128xf32, #tpu.memory_space<vmem_shared>> -> memref<80x128xf32, #tpu.memory_space<vmem_shared>>
      %dma_wait3A_362 = arith.constant 0 : i32
      %dma_wait3A_363 = tpu.memref_slice %arg27[%add3A_17, %dma_wait3A_362] : memref<10240x128xf32, #tpu.memory_space<vmem_shared>> -> memref<80x128xf32, #tpu.memory_space<vmem_shared>>
      tpu.wait_dma2 semaphore(%run_scoped3A : memref<!tpu.dma_semaphore, #tpu.memory_space<semaphore_mem>>) src(%arg7 : memref<80x128xf32, #tpu.memory_space<vmem>>) dst(%dma_wait3A_363 : memref<80x128xf32, #tpu.memory_space<vmem_shared>>)
      tpu.yield
    }) : () -> ()
    %add3A_18 = arith.constant 560 : i32
    %add3A_19 = arith.addi %multiple_of3A, %add3A_18 : i32
    "tpu.region"() ({
      %run_scoped3A = tpu.sem_alloc : memref<!tpu.dma_semaphore, #tpu.memory_space<semaphore_mem>>
      %dma_start3A_356 = arith.constant 0 : i32
      %dma_start3A_357 = tpu.memref_slice %arg27[%add3A_19, %dma_start3A_356] : memref<10240x128xf32, #tpu.memory_space<vmem_shared>> -> memref<80x128xf32, #tpu.memory_space<vmem_shared>>
      %dma_start3A_358 = arith.constant 0 : i32
      %dma_start3A_359 = tpu.memref_slice %arg27[%add3A_19, %dma_start3A_358] : memref<10240x128xf32, #tpu.memory_space<vmem_shared>> -> memref<80x128xf32, #tpu.memory_space<vmem_shared>>
      tpu.enqueue_dma source(%arg7 : memref<80x128xf32, #tpu.memory_space<vmem>>) target(%dma_start3A_359 : memref<80x128xf32, #tpu.memory_space<vmem_shared>>) target_semaphore(%run_scoped3A : memref<!tpu.dma_semaphore, #tpu.memory_space<semaphore_mem>>)
      %dma_wait3A_360 = arith.constant 0 : i32
      %dma_wait3A_361 = tpu.memref_slice %arg27[%add3A_19, %dma_wait3A_360] : memref<10240x128xf32, #tpu.memory_space<vmem_shared>> -> memref<80x128xf32, #tpu.memory_space<vmem_shared>>
      %dma_wait3A_362 = arith.constant 0 : i32
      %dma_wait3A_363 = tpu.memref_slice %arg27[%add3A_19, %dma_wait3A_362] : memref<10240x128xf32, #tpu.memory_space<vmem_shared>> -> memref<80x128xf32, #tpu.memory_space<vmem_shared>>
      tpu.wait_dma2 semaphore(%run_scoped3A : memref<!tpu.dma_semaphore, #tpu.memory_space<semaphore_mem>>) src(%arg7 : memref<80x128xf32, #tpu.memory_space<vmem>>) dst(%dma_wait3A_363 : memref<80x128xf32, #tpu.memory_space<vmem_shared>>)
      tpu.yield
    }) : () -> ()
    %mul3A_20 = arith.constant 2 : i32
    %mul3A_21 = arith.muli %arg1, %mul3A_20 : i32
    %add3A_22 = arith.addi %mul3A_21, %arg0 : i32
    %mul3A_23 = arith.constant 10240 : i32
    %mul3A_24 = arith.muli %add3A_22, %mul3A_23 : i32
    %multiple_of3A_25 = tpu.assume_multiple %mul3A_24, 8 : i32
    "tpu.region"() ({
      %run_scoped3A = tpu.sem_alloc : memref<!tpu.dma_semaphore, #tpu.memory_space<semaphore_mem>>
      %dma_start3A_356 = tpu.memref_slice %arg2[%multiple_of3A_25] : memref<655360xi32, #tpu.memory_space<hbm>> -> memref<10240xi32, #tpu.memory_space<hbm>>
      %dma_start3A_357 = tpu.memref_slice %arg2[%multiple_of3A_25] : memref<655360xi32, #tpu.memory_space<hbm>> -> memref<10240xi32, #tpu.memory_space<hbm>>
      tpu.enqueue_dma source(%dma_start3A_357 : memref<10240xi32, #tpu.memory_space<hbm>>) target(%arg5 : memref<10240xi32, #tpu.memory_space<vmem>>) target_semaphore(%run_scoped3A : memref<!tpu.dma_semaphore, #tpu.memory_space<semaphore_mem>>)
      %dma_wait3A_358 = tpu.memref_slice %arg2[%multiple_of3A_25] : memref<655360xi32, #tpu.memory_space<hbm>> -> memref<10240xi32, #tpu.memory_space<hbm>>
      %dma_wait3A_359 = tpu.memref_slice %arg2[%multiple_of3A_25] : memref<655360xi32, #tpu.memory_space<hbm>> -> memref<10240xi32, #tpu.memory_space<hbm>>
      tpu.wait_dma2 semaphore(%run_scoped3A : memref<!tpu.dma_semaphore, #tpu.memory_space<semaphore_mem>>) src(%dma_wait3A_359 : memref<10240xi32, #tpu.memory_space<hbm>>) dst(%arg5 : memref<10240xi32, #tpu.memory_space<vmem>>)
      tpu.yield
    }) : () -> ()
    %add3A_26 = arith.constant 327680 : i32
    %add3A_27 = arith.addi %add3A_26, %mul3A_24 : i32
    %multiple_of3A_28 = tpu.assume_multiple %add3A_27, 8 : i32
    "tpu.region"() ({
      %run_scoped3A = tpu.sem_alloc : memref<!tpu.dma_semaphore, #tpu.memory_space<semaphore_mem>>
      %dma_start3A_356 = tpu.memref_slice %arg2[%multiple_of3A_28] : memref<655360xi32, #tpu.memory_space<hbm>> -> memref<10240xi32, #tpu.memory_space<hbm>>
      %dma_start3A_357 = tpu.memref_slice %arg2[%multiple_of3A_28] : memref<655360xi32, #tpu.memory_space<hbm>> -> memref<10240xi32, #tpu.memory_space<hbm>>
      tpu.enqueue_dma source(%dma_start3A_357 : memref<10240xi32, #tpu.memory_space<hbm>>) target(%arg6 : memref<10240xi32, #tpu.memory_space<vmem>>) target_semaphore(%run_scoped3A : memref<!tpu.dma_semaphore, #tpu.memory_space<semaphore_mem>>)
      %dma_wait3A_358 = tpu.memref_slice %arg2[%multiple_of3A_28] : memref<655360xi32, #tpu.memory_space<hbm>> -> memref<10240xi32, #tpu.memory_space<hbm>>
      %dma_wait3A_359 = tpu.memref_slice %arg2[%multiple_of3A_28] : memref<655360xi32, #tpu.memory_space<hbm>> -> memref<10240xi32, #tpu.memory_space<hbm>>
      tpu.wait_dma2 semaphore(%run_scoped3A : memref<!tpu.dma_semaphore, #tpu.memory_space<semaphore_mem>>) src(%dma_wait3A_359 : memref<10240xi32, #tpu.memory_space<hbm>>) dst(%arg6 : memref<10240xi32, #tpu.memory_space<vmem>>)
      tpu.yield
    }) : () -> ()
    %barrier3A = arith.constant 0 : index
    tpu.barrier barrier_id(%barrier3A)
    %multiple_of3A_29 = arith.constant 0 : i32
    %multiple_of3A_30 = tpu.assume_multiple %multiple_of3A_29, 8 : i32
    %dma_start3A = tpu.memref_slice %arg5[%multiple_of3A_30] : memref<10240xi32, #tpu.memory_space<vmem>> -> memref<80xi32, #tpu.memory_space<vmem>>
    %dma_start3A_31 = arith.constant 0 : i32
    %dma_start3A_32 = arith.constant 0 : i32
    %dma_start3A_33 = tpu.memref_slice %arg3[%dma_start3A_31, %dma_start3A_32] : memref<10000x128xf32, #tpu.memory_space<hbm>> -> memref<10000x128xf32, #tpu.memory_space<hbm>>
    tpu.enqueue_indirect_dma source(%dma_start3A_33 : memref<10000x128xf32, #tpu.memory_space<hbm>>) target(%arg7 : memref<80x128xf32, #tpu.memory_space<vmem>>) offsets(%dma_start3A : memref<80xi32, #tpu.memory_space<vmem>>) semaphore(%arg9 : memref<!tpu.dma_semaphore, #tpu.memory_space<semaphore_mem>>)
    %multiple_of3A_34 = arith.constant 80 : i32
    %multiple_of3A_35 = tpu.assume_multiple %multiple_of3A_34, 8 : i32
    %dma_start3A_36 = tpu.memref_slice %arg5[%multiple_of3A_35] : memref<10240xi32, #tpu.memory_space<vmem>> -> memref<80xi32, #tpu.memory_space<vmem>>
    %dma_start3A_37 = arith.constant 0 : i32
    %dma_start3A_38 = arith.constant 0 : i32
    %dma_start3A_39 = tpu.memref_slice %arg3[%dma_start3A_37, %dma_start3A_38] : memref<10000x128xf32, #tpu.memory_space<hbm>> -> memref<10000x128xf32, #tpu.memory_space<hbm>>
    tpu.enqueue_indirect_dma source(%dma_start3A_39 : memref<10000x128xf32, #tpu.memory_space<hbm>>) target(%arg8 : memref<80x128xf32, #tpu.memory_space<vmem>>) offsets(%dma_start3A_36 : memref<80xi32, #tpu.memory_space<vmem>>) semaphore(%arg10 : memref<!tpu.dma_semaphore, #tpu.memory_space<semaphore_mem>>)
    %scan3A_40 = arith.constant 0 : i32
    %scan3A_41 = arith.constant 63 : i32
    %scan3A_42 = arith.addi %scan3A_40, %scan3A_41 : i32
    %scan3A_43 = arith.constant 1 : i32
    scf.for %scan3A_356 = %scan3A_40 to %scan3A_42 step %scan3A_43  : i32 {
      %mul3A_357 = arith.constant 1 : i32
      %mul3A_358 = arith.muli %scan3A_356, %mul3A_357 : i32
      %add3A_359 = arith.constant 0 : i32
      %add3A_360 = arith.addi %add3A_359, %mul3A_358 : i32
      %mul3A_361 = arith.constant 2 : i32
      %mul3A_362 = arith.muli %add3A_360, %mul3A_361 : i32
      %add3A_363 = arith.constant 0 : i32
      %add3A_364 = arith.addi %mul3A_362, %add3A_363 : i32
      %mul3A_365 = arith.constant 80 : i32
      %mul3A_366 = arith.muli %add3A_364, %mul3A_365 : i32
      %multiple_of3A_367 = tpu.assume_multiple %mul3A_366, 8 : i32
      %dma_wait3A_368 = tpu.memref_slice %arg5[%multiple_of3A_367] : memref<10240xi32, #tpu.memory_space<vmem>> -> memref<80xi32, #tpu.memory_space<vmem>>
      %dma_wait3A_369 = arith.constant 0 : i32
      %dma_wait3A_370 = arith.constant 0 : i32
      %dma_wait3A_371 = tpu.memref_slice %arg3[%dma_wait3A_369, %dma_wait3A_370] : memref<10000x128xf32, #tpu.memory_space<hbm>> -> memref<10000x128xf32, #tpu.memory_space<hbm>>
      tpu.wait_indirect_dma semaphore(%arg9 : memref<!tpu.dma_semaphore, #tpu.memory_space<semaphore_mem>>) src(%dma_wait3A_371 : memref<10000x128xf32, #tpu.memory_space<hbm>>) dst(%arg7 : memref<80x128xf32, #tpu.memory_space<vmem>>)
      %add3A_372 = arith.constant 0 : i32
      %add3A_373 = arith.addi %mul3A_362, %add3A_372 : i32
      %mul3A_374 = arith.constant 80 : i32
      %mul3A_375 = arith.muli %add3A_373, %mul3A_374 : i32
      %multiple_of3A_376 = tpu.assume_multiple %mul3A_375, 8 : i32
      "tpu.region"() ({
        %run_scoped3A = tpu.sem_alloc : memref<!tpu.dma_semaphore, #tpu.memory_space<semaphore_mem>>
        %dma_start3A_413 = tpu.memref_slice %arg6[%multiple_of3A_376] : memref<10240xi32, #tpu.memory_space<vmem>> -> memref<80xi32, #tpu.memory_space<vmem>>
        %dma_start3A_414 = arith.constant 0 : i32
        %dma_start3A_415 = arith.constant 0 : i32
        %dma_start3A_416 = tpu.memref_slice %arg27[%dma_start3A_414, %dma_start3A_415] : memref<10240x128xf32, #tpu.memory_space<vmem_shared>> -> memref<10240x128xf32, #tpu.memory_space<vmem_shared>>
        tpu.enqueue_indirect_dma source(%arg7 : memref<80x128xf32, #tpu.memory_space<vmem>>) target(%dma_start3A_416 : memref<10240x128xf32, #tpu.memory_space<vmem_shared>>) offsets(%dma_start3A_413 : memref<80xi32, #tpu.memory_space<vmem>>) semaphore(%run_scoped3A : memref<!tpu.dma_semaphore, #tpu.memory_space<semaphore_mem>>) {add = true}
        %dma_wait3A_417 = tpu.memref_slice %arg6[%multiple_of3A_376] : memref<10240xi32, #tpu.memory_space<vmem>> -> memref<80xi32, #tpu.memory_space<vmem>>
        %dma_wait3A_418 = arith.constant 0 : i32
        %dma_wait3A_419 = arith.constant 0 : i32
        %dma_wait3A_420 = tpu.memref_slice %arg27[%dma_wait3A_418, %dma_wait3A_419] : memref<10240x128xf32, #tpu.memory_space<vmem_shared>> -> memref<10240x128xf32, #tpu.memory_space<vmem_shared>>
        tpu.wait_indirect_dma semaphore(%run_scoped3A : memref<!tpu.dma_semaphore, #tpu.memory_space<semaphore_mem>>) src(%arg7 : memref<80x128xf32, #tpu.memory_space<vmem>>) dst(%dma_wait3A_420 : memref<10240x128xf32, #tpu.memory_space<vmem_shared>>)
        tpu.yield
      }) : () -> ()
      %add3A_377 = arith.constant 0 : i32
      %add3A_378 = arith.addi %mul3A_362, %add3A_377 : i32
      %add3A_379 = arith.constant 2 : i32
      %add3A_380 = arith.addi %add3A_378, %add3A_379 : i32
      %mul3A_381 = arith.constant 80 : i32
      %mul3A_382 = arith.muli %add3A_380, %mul3A_381 : i32
      %multiple_of3A_383 = tpu.assume_multiple %mul3A_382, 8 : i32
      %dma_start3A_384 = tpu.memref_slice %arg5[%multiple_of3A_383] : memref<10240xi32, #tpu.memory_space<vmem>> -> memref<80xi32, #tpu.memory_space<vmem>>
      %dma_start3A_385 = arith.constant 0 : i32
      %dma_start3A_386 = arith.constant 0 : i32
      %dma_start3A_387 = tpu.memref_slice %arg3[%dma_start3A_385, %dma_start3A_386] : memref<10000x128xf32, #tpu.memory_space<hbm>> -> memref<10000x128xf32, #tpu.memory_space<hbm>>
      tpu.enqueue_indirect_dma source(%dma_start3A_387 : memref<10000x128xf32, #tpu.memory_space<hbm>>) target(%arg7 : memref<80x128xf32, #tpu.memory_space<vmem>>) offsets(%dma_start3A_384 : memref<80xi32, #tpu.memory_space<vmem>>) semaphore(%arg9 : memref<!tpu.dma_semaphore, #tpu.memory_space<semaphore_mem>>)
      %add3A_388 = arith.constant 1 : i32
      %add3A_389 = arith.addi %mul3A_362, %add3A_388 : i32
      %mul3A_390 = arith.constant 80 : i32
      %mul3A_391 = arith.muli %add3A_389, %mul3A_390 : i32
      %multiple_of3A_392 = tpu.assume_multiple %mul3A_391, 8 : i32
      %dma_wait3A_393 = tpu.memref_slice %arg5[%multiple_of3A_392] : memref<10240xi32, #tpu.memory_space<vmem>> -> memref<80xi32, #tpu.memory_space<vmem>>
      %dma_wait3A_394 = arith.constant 0 : i32
      %dma_wait3A_395 = arith.constant 0 : i32
      %dma_wait3A_396 = tpu.memref_slice %arg3[%dma_wait3A_394, %dma_wait3A_395] : memref<10000x128xf32, #tpu.memory_space<hbm>> -> memref<10000x128xf32, #tpu.memory_space<hbm>>
      tpu.wait_indirect_dma semaphore(%arg10 : memref<!tpu.dma_semaphore, #tpu.memory_space<semaphore_mem>>) src(%dma_wait3A_396 : memref<10000x128xf32, #tpu.memory_space<hbm>>) dst(%arg8 : memref<80x128xf32, #tpu.memory_space<vmem>>)
      %add3A_397 = arith.constant 1 : i32
      %add3A_398 = arith.addi %mul3A_362, %add3A_397 : i32
      %mul3A_399 = arith.constant 80 : i32
      %mul3A_400 = arith.muli %add3A_398, %mul3A_399 : i32
      %multiple_of3A_401 = tpu.assume_multiple %mul3A_400, 8 : i32
      "tpu.region"() ({
        %run_scoped3A = tpu.sem_alloc : memref<!tpu.dma_semaphore, #tpu.memory_space<semaphore_mem>>
        %dma_start3A_413 = tpu.memref_slice %arg6[%multiple_of3A_401] : memref<10240xi32, #tpu.memory_space<vmem>> -> memref<80xi32, #tpu.memory_space<vmem>>
        %dma_start3A_414 = arith.constant 0 : i32
        %dma_start3A_415 = arith.constant 0 : i32
        %dma_start3A_416 = tpu.memref_slice %arg27[%dma_start3A_414, %dma_start3A_415] : memref<10240x128xf32, #tpu.memory_space<vmem_shared>> -> memref<10240x128xf32, #tpu.memory_space<vmem_shared>>
        tpu.enqueue_indirect_dma source(%arg8 : memref<80x128xf32, #tpu.memory_space<vmem>>) target(%dma_start3A_416 : memref<10240x128xf32, #tpu.memory_space<vmem_shared>>) offsets(%dma_start3A_413 : memref<80xi32, #tpu.memory_space<vmem>>) semaphore(%run_scoped3A : memref<!tpu.dma_semaphore, #tpu.memory_space<semaphore_mem>>) {add = true}
        %dma_wait3A_417 = tpu.memref_slice %arg6[%multiple_of3A_401] : memref<10240xi32, #tpu.memory_space<vmem>> -> memref<80xi32, #tpu.memory_space<vmem>>
        %dma_wait3A_418 = arith.constant 0 : i32
        %dma_wait3A_419 = arith.constant 0 : i32
        %dma_wait3A_420 = tpu.memref_slice %arg27[%dma_wait3A_418, %dma_wait3A_419] : memref<10240x128xf32, #tpu.memory_space<vmem_shared>> -> memref<10240x128xf32, #tpu.memory_space<vmem_shared>>
        tpu.wait_indirect_dma semaphore(%run_scoped3A : memref<!tpu.dma_semaphore, #tpu.memory_space<semaphore_mem>>) src(%arg8 : memref<80x128xf32, #tpu.memory_space<vmem>>) dst(%dma_wait3A_420 : memref<10240x128xf32, #tpu.memory_space<vmem_shared>>)
        tpu.yield
      }) : () -> ()
      %add3A_402 = arith.constant 1 : i32
      %add3A_403 = arith.addi %mul3A_362, %add3A_402 : i32
      %add3A_404 = arith.constant 2 : i32
      %add3A_405 = arith.addi %add3A_403, %add3A_404 : i32
      %mul3A_406 = arith.constant 80 : i32
      %mul3A_407 = arith.muli %add3A_405, %mul3A_406 : i32
      %multiple_of3A_408 = tpu.assume_multiple %mul3A_407, 8 : i32
      %dma_start3A_409 = tpu.memref_slice %arg5[%multiple_of3A_408] : memref<10240xi32, #tpu.memory_space<vmem>> -> memref<80xi32, #tpu.memory_space<vmem>>
      %dma_start3A_410 = arith.constant 0 : i32
      %dma_start3A_411 = arith.constant 0 : i32
      %dma_start3A_412 = tpu.memref_slice %arg3[%dma_start3A_410, %dma_start3A_411] : memref<10000x128xf32, #tpu.memory_space<hbm>> -> memref<10000x128xf32, #tpu.memory_space<hbm>>
      tpu.enqueue_indirect_dma source(%dma_start3A_412 : memref<10000x128xf32, #tpu.memory_space<hbm>>) target(%arg8 : memref<80x128xf32, #tpu.memory_space<vmem>>) offsets(%dma_start3A_409 : memref<80xi32, #tpu.memory_space<vmem>>) semaphore(%arg10 : memref<!tpu.dma_semaphore, #tpu.memory_space<semaphore_mem>>)
    }
    %scan3A_44 = arith.constant 63 : i32
    %multiple_of3A_45 = arith.constant 10080 : i32
    %multiple_of3A_46 = tpu.assume_multiple %multiple_of3A_45, 8 : i32
    %dma_wait3A = tpu.memref_slice %arg5[%multiple_of3A_46] : memref<10240xi32, #tpu.memory_space<vmem>> -> memref<80xi32, #tpu.memory_space<vmem>>
    %dma_wait3A_47 = arith.constant 0 : i32
    %dma_wait3A_48 = arith.constant 0 : i32
    %dma_wait3A_49 = tpu.memref_slice %arg3[%dma_wait3A_47, %dma_wait3A_48] : memref<10000x128xf32, #tpu.memory_space<hbm>> -> memref<10000x128xf32, #tpu.memory_space<hbm>>
    tpu.wait_indirect_dma semaphore(%arg9 : memref<!tpu.dma_semaphore, #tpu.memory_space<semaphore_mem>>) src(%dma_wait3A_49 : memref<10000x128xf32, #tpu.memory_space<hbm>>) dst(%arg7 : memref<80x128xf32, #tpu.memory_space<vmem>>)
    %multiple_of3A_50 = arith.constant 10080 : i32
    %multiple_of3A_51 = tpu.assume_multiple %multiple_of3A_50, 8 : i32
    "tpu.region"() ({
      %run_scoped3A = tpu.sem_alloc : memref<!tpu.dma_semaphore, #tpu.memory_space<semaphore_mem>>
      %dma_start3A_356 = tpu.memref_slice %arg6[%multiple_of3A_51] : memref<10240xi32, #tpu.memory_space<vmem>> -> memref<80xi32, #tpu.memory_space<vmem>>
      %dma_start3A_357 = arith.constant 0 : i32
      %dma_start3A_358 = arith.constant 0 : i32
      %dma_start3A_359 = tpu.memref_slice %arg27[%dma_start3A_357, %dma_start3A_358] : memref<10240x128xf32, #tpu.memory_space<vmem_shared>> -> memref<10240x128xf32, #tpu.memory_space<vmem_shared>>
      tpu.enqueue_indirect_dma source(%arg7 : memref<80x128xf32, #tpu.memory_space<vmem>>) target(%dma_start3A_359 : memref<10240x128xf32, #tpu.memory_space<vmem_shared>>) offsets(%dma_start3A_356 : memref<80xi32, #tpu.memory_space<vmem>>) semaphore(%run_scoped3A : memref<!tpu.dma_semaphore, #tpu.memory_space<semaphore_mem>>) {add = true}
      %dma_wait3A_360 = tpu.memref_slice %arg6[%multiple_of3A_51] : memref<10240xi32, #tpu.memory_space<vmem>> -> memref<80xi32, #tpu.memory_space<vmem>>
      %dma_wait3A_361 = arith.constant 0 : i32
      %dma_wait3A_362 = arith.constant 0 : i32
      %dma_wait3A_363 = tpu.memref_slice %arg27[%dma_wait3A_361, %dma_wait3A_362] : memref<10240x128xf32, #tpu.memory_space<vmem_shared>> -> memref<10240x128xf32, #tpu.memory_space<vmem_shared>>
      tpu.wait_indirect_dma semaphore(%run_scoped3A : memref<!tpu.dma_semaphore, #tpu.memory_space<semaphore_mem>>) src(%arg7 : memref<80x128xf32, #tpu.memory_space<vmem>>) dst(%dma_wait3A_363 : memref<10240x128xf32, #tpu.memory_space<vmem_shared>>)
      tpu.yield
    }) : () -> ()
    %multiple_of3A_52 = arith.constant 10160 : i32
    %multiple_of3A_53 = tpu.assume_multiple %multiple_of3A_52, 8 : i32
    %dma_wait3A_54 = tpu.memref_slice %arg5[%multiple_of3A_53] : memref<10240xi32, #tpu.memory_space<vmem>> -> memref<80xi32, #tpu.memory_space<vmem>>
    %dma_wait3A_55 = arith.constant 0 : i32
    %dma_wait3A_56 = arith.constant 0 : i32
    %dma_wait3A_57 = tpu.memref_slice %arg3[%dma_wait3A_55, %dma_wait3A_56] : memref<10000x128xf32, #tpu.memory_space<hbm>> -> memref<10000x128xf32, #tpu.memory_space<hbm>>
    tpu.wait_indirect_dma semaphore(%arg10 : memref<!tpu.dma_semaphore, #tpu.memory_space<semaphore_mem>>) src(%dma_wait3A_57 : memref<10000x128xf32, #tpu.memory_space<hbm>>) dst(%arg8 : memref<80x128xf32, #tpu.memory_space<vmem>>)
    %multiple_of3A_58 = arith.constant 10160 : i32
    %multiple_of3A_59 = tpu.assume_multiple %multiple_of3A_58, 8 : i32
    "tpu.region"() ({
      %run_scoped3A = tpu.sem_alloc : memref<!tpu.dma_semaphore, #tpu.memory_space<semaphore_mem>>
      %dma_start3A_356 = tpu.memref_slice %arg6[%multiple_of3A_59] : memref<10240xi32, #tpu.memory_space<vmem>> -> memref<80xi32, #tpu.memory_space<vmem>>
      %dma_start3A_357 = arith.constant 0 : i32
      %dma_start3A_358 = arith.constant 0 : i32
      %dma_start3A_359 = tpu.memref_slice %arg27[%dma_start3A_357, %dma_start3A_358] : memref<10240x128xf32, #tpu.memory_space<vmem_shared>> -> memref<10240x128xf32, #tpu.memory_space<vmem_shared>>
      tpu.enqueue_indirect_dma source(%arg8 : memref<80x128xf32, #tpu.memory_space<vmem>>) target(%dma_start3A_359 : memref<10240x128xf32, #tpu.memory_space<vmem_shared>>) offsets(%dma_start3A_356 : memref<80xi32, #tpu.memory_space<vmem>>) semaphore(%run_scoped3A : memref<!tpu.dma_semaphore, #tpu.memory_space<semaphore_mem>>) {add = true}
      %dma_wait3A_360 = tpu.memref_slice %arg6[%multiple_of3A_59] : memref<10240xi32, #tpu.memory_space<vmem>> -> memref<80xi32, #tpu.memory_space<vmem>>
      %dma_wait3A_361 = arith.constant 0 : i32
      %dma_wait3A_362 = arith.constant 0 : i32
      %dma_wait3A_363 = tpu.memref_slice %arg27[%dma_wait3A_361, %dma_wait3A_362] : memref<10240x128xf32, #tpu.memory_space<vmem_shared>> -> memref<10240x128xf32, #tpu.memory_space<vmem_shared>>
      tpu.wait_indirect_dma semaphore(%run_scoped3A : memref<!tpu.dma_semaphore, #tpu.memory_space<semaphore_mem>>) src(%arg8 : memref<80x128xf32, #tpu.memory_space<vmem>>) dst(%dma_wait3A_363 : memref<10240x128xf32, #tpu.memory_space<vmem_shared>>)
      tpu.yield
    }) : () -> ()
    %barrier3A_60 = arith.constant 0 : index
    tpu.barrier barrier_id(%barrier3A_60)
    %mul3A_61 = arith.constant 1310720 : i32
    %mul3A_62 = arith.muli %arg0, %mul3A_61 : i32
    %add3A_63 = arith.constant 0 : i32
    %add3A_64 = arith.addi %multiple_of3A, %add3A_63 : i32
    %mul3A_65 = arith.constant 128 : i32
    %mul3A_66 = arith.muli %add3A_64, %mul3A_65 : i32
    %add3A_67 = arith.addi %mul3A_62, %mul3A_66 : i32
    %dma_start3A_68 = tpu.memref_slice %arg4[%add3A_67] : memref<2621440xf32, #tpu.memory_space<hbm>> -> memref<128xf32, #tpu.memory_space<hbm>>
    %dma_start3A_69 = arith.constant 0 : i32
    %dma_start3A_70 = tpu.memref_slice %arg27[%add3A_64, %dma_start3A_69] : memref<10240x128xf32, #tpu.memory_space<vmem_shared>> -> memref<1x128xf32, #tpu.memory_space<vmem_shared>>
    %dma_start3A_71 = tpu.memref_squeeze %dma_start3A_70 : memref<1x128xf32, #tpu.memory_space<vmem_shared>> -> memref<128xf32, #tpu.memory_space<vmem_shared>>
    tpu.enqueue_dma source(%dma_start3A_71 : memref<128xf32, #tpu.memory_space<vmem_shared>>) target(%dma_start3A_68 : memref<128xf32, #tpu.memory_space<hbm>>) target_semaphore(%arg11 : memref<!tpu.dma_semaphore, #tpu.memory_space<semaphore_mem>>)
    %add3A_72 = arith.constant 1 : i32
    %add3A_73 = arith.addi %multiple_of3A, %add3A_72 : i32
    %mul3A_74 = arith.constant 128 : i32
    %mul3A_75 = arith.muli %add3A_73, %mul3A_74 : i32
    %add3A_76 = arith.addi %mul3A_62, %mul3A_75 : i32
    %dma_start3A_77 = tpu.memref_slice %arg4[%add3A_76] : memref<2621440xf32, #tpu.memory_space<hbm>> -> memref<128xf32, #tpu.memory_space<hbm>>
    %dma_start3A_78 = arith.constant 0 : i32
    %dma_start3A_79 = tpu.memref_slice %arg27[%add3A_73, %dma_start3A_78] : memref<10240x128xf32, #tpu.memory_space<vmem_shared>> -> memref<1x128xf32, #tpu.memory_space<vmem_shared>>
    %dma_start3A_80 = tpu.memref_squeeze %dma_start3A_79 : memref<1x128xf32, #tpu.memory_space<vmem_shared>> -> memref<128xf32, #tpu.memory_space<vmem_shared>>
    tpu.enqueue_dma source(%dma_start3A_80 : memref<128xf32, #tpu.memory_space<vmem_shared>>) target(%dma_start3A_77 : memref<128xf32, #tpu.memory_space<hbm>>) target_semaphore(%arg12 : memref<!tpu.dma_semaphore, #tpu.memory_space<semaphore_mem>>)
    %add3A_81 = arith.constant 2 : i32
    %add3A_82 = arith.addi %multiple_of3A, %add3A_81 : i32
    %mul3A_83 = arith.constant 128 : i32
    %mul3A_84 = arith.muli %add3A_82, %mul3A_83 : i32
    %add3A_85 = arith.addi %mul3A_62, %mul3A_84 : i32
    %dma_start3A_86 = tpu.memref_slice %arg4[%add3A_85] : memref<2621440xf32, #tpu.memory_space<hbm>> -> memref<128xf32, #tpu.memory_space<hbm>>
    %dma_start3A_87 = arith.constant 0 : i32
    %dma_start3A_88 = tpu.memref_slice %arg27[%add3A_82, %dma_start3A_87] : memref<10240x128xf32, #tpu.memory_space<vmem_shared>> -> memref<1x128xf32, #tpu.memory_space<vmem_shared>>
    %dma_start3A_89 = tpu.memref_squeeze %dma_start3A_88 : memref<1x128xf32, #tpu.memory_space<vmem_shared>> -> memref<128xf32, #tpu.memory_space<vmem_shared>>
    tpu.enqueue_dma source(%dma_start3A_89 : memref<128xf32, #tpu.memory_space<vmem_shared>>) target(%dma_start3A_86 : memref<128xf32, #tpu.memory_space<hbm>>) target_semaphore(%arg13 : memref<!tpu.dma_semaphore, #tpu.memory_space<semaphore_mem>>)
    %add3A_90 = arith.constant 3 : i32
    %add3A_91 = arith.addi %multiple_of3A, %add3A_90 : i32
    %mul3A_92 = arith.constant 128 : i32
    %mul3A_93 = arith.muli %add3A_91, %mul3A_92 : i32
    %add3A_94 = arith.addi %mul3A_62, %mul3A_93 : i32
    %dma_start3A_95 = tpu.memref_slice %arg4[%add3A_94] : memref<2621440xf32, #tpu.memory_space<hbm>> -> memref<128xf32, #tpu.memory_space<hbm>>
    %dma_start3A_96 = arith.constant 0 : i32
    %dma_start3A_97 = tpu.memref_slice %arg27[%add3A_91, %dma_start3A_96] : memref<10240x128xf32, #tpu.memory_space<vmem_shared>> -> memref<1x128xf32, #tpu.memory_space<vmem_shared>>
    %dma_start3A_98 = tpu.memref_squeeze %dma_start3A_97 : memref<1x128xf32, #tpu.memory_space<vmem_shared>> -> memref<128xf32, #tpu.memory_space<vmem_shared>>
    tpu.enqueue_dma source(%dma_start3A_98 : memref<128xf32, #tpu.memory_space<vmem_shared>>) target(%dma_start3A_95 : memref<128xf32, #tpu.memory_space<hbm>>) target_semaphore(%arg14 : memref<!tpu.dma_semaphore, #tpu.memory_space<semaphore_mem>>)
    %add3A_99 = arith.constant 4 : i32
    %add3A_100 = arith.addi %multiple_of3A, %add3A_99 : i32
    %mul3A_101 = arith.constant 128 : i32
    %mul3A_102 = arith.muli %add3A_100, %mul3A_101 : i32
    %add3A_103 = arith.addi %mul3A_62, %mul3A_102 : i32
    %dma_start3A_104 = tpu.memref_slice %arg4[%add3A_103] : memref<2621440xf32, #tpu.memory_space<hbm>> -> memref<128xf32, #tpu.memory_space<hbm>>
    %dma_start3A_105 = arith.constant 0 : i32
    %dma_start3A_106 = tpu.memref_slice %arg27[%add3A_100, %dma_start3A_105] : memref<10240x128xf32, #tpu.memory_space<vmem_shared>> -> memref<1x128xf32, #tpu.memory_space<vmem_shared>>
    %dma_start3A_107 = tpu.memref_squeeze %dma_start3A_106 : memref<1x128xf32, #tpu.memory_space<vmem_shared>> -> memref<128xf32, #tpu.memory_space<vmem_shared>>
    tpu.enqueue_dma source(%dma_start3A_107 : memref<128xf32, #tpu.memory_space<vmem_shared>>) target(%dma_start3A_104 : memref<128xf32, #tpu.memory_space<hbm>>) target_semaphore(%arg15 : memref<!tpu.dma_semaphore, #tpu.memory_space<semaphore_mem>>)
    %add3A_108 = arith.constant 5 : i32
    %add3A_109 = arith.addi %multiple_of3A, %add3A_108 : i32
    %mul3A_110 = arith.constant 128 : i32
    %mul3A_111 = arith.muli %add3A_109, %mul3A_110 : i32
    %add3A_112 = arith.addi %mul3A_62, %mul3A_111 : i32
    %dma_start3A_113 = tpu.memref_slice %arg4[%add3A_112] : memref<2621440xf32, #tpu.memory_space<hbm>> -> memref<128xf32, #tpu.memory_space<hbm>>
    %dma_start3A_114 = arith.constant 0 : i32
    %dma_start3A_115 = tpu.memref_slice %arg27[%add3A_109, %dma_start3A_114] : memref<10240x128xf32, #tpu.memory_space<vmem_shared>> -> memref<1x128xf32, #tpu.memory_space<vmem_shared>>
    %dma_start3A_116 = tpu.memref_squeeze %dma_start3A_115 : memref<1x128xf32, #tpu.memory_space<vmem_shared>> -> memref<128xf32, #tpu.memory_space<vmem_shared>>
    tpu.enqueue_dma source(%dma_start3A_116 : memref<128xf32, #tpu.memory_space<vmem_shared>>) target(%dma_start3A_113 : memref<128xf32, #tpu.memory_space<hbm>>) target_semaphore(%arg16 : memref<!tpu.dma_semaphore, #tpu.memory_space<semaphore_mem>>)
    %add3A_117 = arith.constant 6 : i32
    %add3A_118 = arith.addi %multiple_of3A, %add3A_117 : i32
    %mul3A_119 = arith.constant 128 : i32
    %mul3A_120 = arith.muli %add3A_118, %mul3A_119 : i32
    %add3A_121 = arith.addi %mul3A_62, %mul3A_120 : i32
    %dma_start3A_122 = tpu.memref_slice %arg4[%add3A_121] : memref<2621440xf32, #tpu.memory_space<hbm>> -> memref<128xf32, #tpu.memory_space<hbm>>
    %dma_start3A_123 = arith.constant 0 : i32
    %dma_start3A_124 = tpu.memref_slice %arg27[%add3A_118, %dma_start3A_123] : memref<10240x128xf32, #tpu.memory_space<vmem_shared>> -> memref<1x128xf32, #tpu.memory_space<vmem_shared>>
    %dma_start3A_125 = tpu.memref_squeeze %dma_start3A_124 : memref<1x128xf32, #tpu.memory_space<vmem_shared>> -> memref<128xf32, #tpu.memory_space<vmem_shared>>
    tpu.enqueue_dma source(%dma_start3A_125 : memref<128xf32, #tpu.memory_space<vmem_shared>>) target(%dma_start3A_122 : memref<128xf32, #tpu.memory_space<hbm>>) target_semaphore(%arg17 : memref<!tpu.dma_semaphore, #tpu.memory_space<semaphore_mem>>)
    %add3A_126 = arith.constant 7 : i32
    %add3A_127 = arith.addi %multiple_of3A, %add3A_126 : i32
    %mul3A_128 = arith.constant 128 : i32
    %mul3A_129 = arith.muli %add3A_127, %mul3A_128 : i32
    %add3A_130 = arith.addi %mul3A_62, %mul3A_129 : i32
    %dma_start3A_131 = tpu.memref_slice %arg4[%add3A_130] : memref<2621440xf32, #tpu.memory_space<hbm>> -> memref<128xf32, #tpu.memory_space<hbm>>
    %dma_start3A_132 = arith.constant 0 : i32
    %dma_start3A_133 = tpu.memref_slice %arg27[%add3A_127, %dma_start3A_132] : memref<10240x128xf32, #tpu.memory_space<vmem_shared>> -> memref<1x128xf32, #tpu.memory_space<vmem_shared>>
    %dma_start3A_134 = tpu.memref_squeeze %dma_start3A_133 : memref<1x128xf32, #tpu.memory_space<vmem_shared>> -> memref<128xf32, #tpu.memory_space<vmem_shared>>
    tpu.enqueue_dma source(%dma_start3A_134 : memref<128xf32, #tpu.memory_space<vmem_shared>>) target(%dma_start3A_131 : memref<128xf32, #tpu.memory_space<hbm>>) target_semaphore(%arg18 : memref<!tpu.dma_semaphore, #tpu.memory_space<semaphore_mem>>)
    %add3A_135 = arith.constant 8 : i32
    %add3A_136 = arith.addi %multiple_of3A, %add3A_135 : i32
    %mul3A_137 = arith.constant 128 : i32
    %mul3A_138 = arith.muli %add3A_136, %mul3A_137 : i32
    %add3A_139 = arith.addi %mul3A_62, %mul3A_138 : i32
    %dma_start3A_140 = tpu.memref_slice %arg4[%add3A_139] : memref<2621440xf32, #tpu.memory_space<hbm>> -> memref<128xf32, #tpu.memory_space<hbm>>
    %dma_start3A_141 = arith.constant 0 : i32
    %dma_start3A_142 = tpu.memref_slice %arg27[%add3A_136, %dma_start3A_141] : memref<10240x128xf32, #tpu.memory_space<vmem_shared>> -> memref<1x128xf32, #tpu.memory_space<vmem_shared>>
    %dma_start3A_143 = tpu.memref_squeeze %dma_start3A_142 : memref<1x128xf32, #tpu.memory_space<vmem_shared>> -> memref<128xf32, #tpu.memory_space<vmem_shared>>
    tpu.enqueue_dma source(%dma_start3A_143 : memref<128xf32, #tpu.memory_space<vmem_shared>>) target(%dma_start3A_140 : memref<128xf32, #tpu.memory_space<hbm>>) target_semaphore(%arg19 : memref<!tpu.dma_semaphore, #tpu.memory_space<semaphore_mem>>)
    %add3A_144 = arith.constant 9 : i32
    %add3A_145 = arith.addi %multiple_of3A, %add3A_144 : i32
    %mul3A_146 = arith.constant 128 : i32
    %mul3A_147 = arith.muli %add3A_145, %mul3A_146 : i32
    %add3A_148 = arith.addi %mul3A_62, %mul3A_147 : i32
    %dma_start3A_149 = tpu.memref_slice %arg4[%add3A_148] : memref<2621440xf32, #tpu.memory_space<hbm>> -> memref<128xf32, #tpu.memory_space<hbm>>
    %dma_start3A_150 = arith.constant 0 : i32
    %dma_start3A_151 = tpu.memref_slice %arg27[%add3A_145, %dma_start3A_150] : memref<10240x128xf32, #tpu.memory_space<vmem_shared>> -> memref<1x128xf32, #tpu.memory_space<vmem_shared>>
    %dma_start3A_152 = tpu.memref_squeeze %dma_start3A_151 : memref<1x128xf32, #tpu.memory_space<vmem_shared>> -> memref<128xf32, #tpu.memory_space<vmem_shared>>
    tpu.enqueue_dma source(%dma_start3A_152 : memref<128xf32, #tpu.memory_space<vmem_shared>>) target(%dma_start3A_149 : memref<128xf32, #tpu.memory_space<hbm>>) target_semaphore(%arg20 : memref<!tpu.dma_semaphore, #tpu.memory_space<semaphore_mem>>)
    %add3A_153 = arith.constant 10 : i32
    %add3A_154 = arith.addi %multiple_of3A, %add3A_153 : i32
    %mul3A_155 = arith.constant 128 : i32
    %mul3A_156 = arith.muli %add3A_154, %mul3A_155 : i32
    %add3A_157 = arith.addi %mul3A_62, %mul3A_156 : i32
    %dma_start3A_158 = tpu.memref_slice %arg4[%add3A_157] : memref<2621440xf32, #tpu.memory_space<hbm>> -> memref<128xf32, #tpu.memory_space<hbm>>
    %dma_start3A_159 = arith.constant 0 : i32
    %dma_start3A_160 = tpu.memref_slice %arg27[%add3A_154, %dma_start3A_159] : memref<10240x128xf32, #tpu.memory_space<vmem_shared>> -> memref<1x128xf32, #tpu.memory_space<vmem_shared>>
    %dma_start3A_161 = tpu.memref_squeeze %dma_start3A_160 : memref<1x128xf32, #tpu.memory_space<vmem_shared>> -> memref<128xf32, #tpu.memory_space<vmem_shared>>
    tpu.enqueue_dma source(%dma_start3A_161 : memref<128xf32, #tpu.memory_space<vmem_shared>>) target(%dma_start3A_158 : memref<128xf32, #tpu.memory_space<hbm>>) target_semaphore(%arg21 : memref<!tpu.dma_semaphore, #tpu.memory_space<semaphore_mem>>)
    %add3A_162 = arith.constant 11 : i32
    %add3A_163 = arith.addi %multiple_of3A, %add3A_162 : i32
    %mul3A_164 = arith.constant 128 : i32
    %mul3A_165 = arith.muli %add3A_163, %mul3A_164 : i32
    %add3A_166 = arith.addi %mul3A_62, %mul3A_165 : i32
    %dma_start3A_167 = tpu.memref_slice %arg4[%add3A_166] : memref<2621440xf32, #tpu.memory_space<hbm>> -> memref<128xf32, #tpu.memory_space<hbm>>
    %dma_start3A_168 = arith.constant 0 : i32
    %dma_start3A_169 = tpu.memref_slice %arg27[%add3A_163, %dma_start3A_168] : memref<10240x128xf32, #tpu.memory_space<vmem_shared>> -> memref<1x128xf32, #tpu.memory_space<vmem_shared>>
    %dma_start3A_170 = tpu.memref_squeeze %dma_start3A_169 : memref<1x128xf32, #tpu.memory_space<vmem_shared>> -> memref<128xf32, #tpu.memory_space<vmem_shared>>
    tpu.enqueue_dma source(%dma_start3A_170 : memref<128xf32, #tpu.memory_space<vmem_shared>>) target(%dma_start3A_167 : memref<128xf32, #tpu.memory_space<hbm>>) target_semaphore(%arg22 : memref<!tpu.dma_semaphore, #tpu.memory_space<semaphore_mem>>)
    %add3A_171 = arith.constant 12 : i32
    %add3A_172 = arith.addi %multiple_of3A, %add3A_171 : i32
    %mul3A_173 = arith.constant 128 : i32
    %mul3A_174 = arith.muli %add3A_172, %mul3A_173 : i32
    %add3A_175 = arith.addi %mul3A_62, %mul3A_174 : i32
    %dma_start3A_176 = tpu.memref_slice %arg4[%add3A_175] : memref<2621440xf32, #tpu.memory_space<hbm>> -> memref<128xf32, #tpu.memory_space<hbm>>
    %dma_start3A_177 = arith.constant 0 : i32
    %dma_start3A_178 = tpu.memref_slice %arg27[%add3A_172, %dma_start3A_177] : memref<10240x128xf32, #tpu.memory_space<vmem_shared>> -> memref<1x128xf32, #tpu.memory_space<vmem_shared>>
    %dma_start3A_179 = tpu.memref_squeeze %dma_start3A_178 : memref<1x128xf32, #tpu.memory_space<vmem_shared>> -> memref<128xf32, #tpu.memory_space<vmem_shared>>
    tpu.enqueue_dma source(%dma_start3A_179 : memref<128xf32, #tpu.memory_space<vmem_shared>>) target(%dma_start3A_176 : memref<128xf32, #tpu.memory_space<hbm>>) target_semaphore(%arg23 : memref<!tpu.dma_semaphore, #tpu.memory_space<semaphore_mem>>)
    %add3A_180 = arith.constant 13 : i32
    %add3A_181 = arith.addi %multiple_of3A, %add3A_180 : i32
    %mul3A_182 = arith.constant 128 : i32
    %mul3A_183 = arith.muli %add3A_181, %mul3A_182 : i32
    %add3A_184 = arith.addi %mul3A_62, %mul3A_183 : i32
    %dma_start3A_185 = tpu.memref_slice %arg4[%add3A_184] : memref<2621440xf32, #tpu.memory_space<hbm>> -> memref<128xf32, #tpu.memory_space<hbm>>
    %dma_start3A_186 = arith.constant 0 : i32
    %dma_start3A_187 = tpu.memref_slice %arg27[%add3A_181, %dma_start3A_186] : memref<10240x128xf32, #tpu.memory_space<vmem_shared>> -> memref<1x128xf32, #tpu.memory_space<vmem_shared>>
    %dma_start3A_188 = tpu.memref_squeeze %dma_start3A_187 : memref<1x128xf32, #tpu.memory_space<vmem_shared>> -> memref<128xf32, #tpu.memory_space<vmem_shared>>
    tpu.enqueue_dma source(%dma_start3A_188 : memref<128xf32, #tpu.memory_space<vmem_shared>>) target(%dma_start3A_185 : memref<128xf32, #tpu.memory_space<hbm>>) target_semaphore(%arg24 : memref<!tpu.dma_semaphore, #tpu.memory_space<semaphore_mem>>)
    %add3A_189 = arith.constant 14 : i32
    %add3A_190 = arith.addi %multiple_of3A, %add3A_189 : i32
    %mul3A_191 = arith.constant 128 : i32
    %mul3A_192 = arith.muli %add3A_190, %mul3A_191 : i32
    %add3A_193 = arith.addi %mul3A_62, %mul3A_192 : i32
    %dma_start3A_194 = tpu.memref_slice %arg4[%add3A_193] : memref<2621440xf32, #tpu.memory_space<hbm>> -> memref<128xf32, #tpu.memory_space<hbm>>
    %dma_start3A_195 = arith.constant 0 : i32
    %dma_start3A_196 = tpu.memref_slice %arg27[%add3A_190, %dma_start3A_195] : memref<10240x128xf32, #tpu.memory_space<vmem_shared>> -> memref<1x128xf32, #tpu.memory_space<vmem_shared>>
    %dma_start3A_197 = tpu.memref_squeeze %dma_start3A_196 : memref<1x128xf32, #tpu.memory_space<vmem_shared>> -> memref<128xf32, #tpu.memory_space<vmem_shared>>
    tpu.enqueue_dma source(%dma_start3A_197 : memref<128xf32, #tpu.memory_space<vmem_shared>>) target(%dma_start3A_194 : memref<128xf32, #tpu.memory_space<hbm>>) target_semaphore(%arg25 : memref<!tpu.dma_semaphore, #tpu.memory_space<semaphore_mem>>)
    %add3A_198 = arith.constant 15 : i32
    %add3A_199 = arith.addi %multiple_of3A, %add3A_198 : i32
    %mul3A_200 = arith.constant 128 : i32
    %mul3A_201 = arith.muli %add3A_199, %mul3A_200 : i32
    %add3A_202 = arith.addi %mul3A_62, %mul3A_201 : i32
    %dma_start3A_203 = tpu.memref_slice %arg4[%add3A_202] : memref<2621440xf32, #tpu.memory_space<hbm>> -> memref<128xf32, #tpu.memory_space<hbm>>
    %dma_start3A_204 = arith.constant 0 : i32
    %dma_start3A_205 = tpu.memref_slice %arg27[%add3A_199, %dma_start3A_204] : memref<10240x128xf32, #tpu.memory_space<vmem_shared>> -> memref<1x128xf32, #tpu.memory_space<vmem_shared>>
    %dma_start3A_206 = tpu.memref_squeeze %dma_start3A_205 : memref<1x128xf32, #tpu.memory_space<vmem_shared>> -> memref<128xf32, #tpu.memory_space<vmem_shared>>
    tpu.enqueue_dma source(%dma_start3A_206 : memref<128xf32, #tpu.memory_space<vmem_shared>>) target(%dma_start3A_203 : memref<128xf32, #tpu.memory_space<hbm>>) target_semaphore(%arg26 : memref<!tpu.dma_semaphore, #tpu.memory_space<semaphore_mem>>)
    %scan3A_207 = arith.constant 0 : i32
    %scan3A_208 = arith.constant 39 : i32
    %scan3A_209 = arith.addi %scan3A_207, %scan3A_208 : i32
    %scan3A_210 = arith.constant 1 : i32
    scf.for %scan3A_356 = %scan3A_207 to %scan3A_209 step %scan3A_210  : i32 {
      %mul3A_357 = arith.constant 1 : i32
      %mul3A_358 = arith.muli %scan3A_356, %mul3A_357 : i32
      %add3A_359 = arith.constant 0 : i32
      %add3A_360 = arith.addi %add3A_359, %mul3A_358 : i32
      %mul3A_361 = arith.constant 16 : i32
      %mul3A_362 = arith.muli %add3A_360, %mul3A_361 : i32
      %add3A_363 = arith.constant 0 : i32
      %add3A_364 = arith.addi %mul3A_362, %add3A_363 : i32
      %add3A_365 = arith.addi %multiple_of3A, %add3A_364 : i32
      %mul3A_366 = arith.constant 128 : i32
      %mul3A_367 = arith.muli %add3A_365, %mul3A_366 : i32
      %add3A_368 = arith.addi %mul3A_62, %mul3A_367 : i32
      %dma_wait3A_369 = tpu.memref_slice %arg4[%add3A_368] : memref<2621440xf32, #tpu.memory_space<hbm>> -> memref<128xf32, #tpu.memory_space<hbm>>
      %dma_wait3A_370 = arith.constant 0 : i32
      %dma_wait3A_371 = tpu.memref_slice %arg27[%add3A_365, %dma_wait3A_370] : memref<10240x128xf32, #tpu.memory_space<vmem_shared>> -> memref<1x128xf32, #tpu.memory_space<vmem_shared>>
      %dma_wait3A_372 = tpu.memref_squeeze %dma_wait3A_371 : memref<1x128xf32, #tpu.memory_space<vmem_shared>> -> memref<128xf32, #tpu.memory_space<vmem_shared>>
      tpu.wait_dma2 semaphore(%arg11 : memref<!tpu.dma_semaphore, #tpu.memory_space<semaphore_mem>>) src(%dma_wait3A_372 : memref<128xf32, #tpu.memory_space<vmem_shared>>) dst(%dma_wait3A_369 : memref<128xf32, #tpu.memory_space<hbm>>)
      %add3A_373 = arith.constant 0 : i32
      %add3A_374 = arith.addi %mul3A_362, %add3A_373 : i32
      %add3A_375 = arith.constant 16 : i32
      %add3A_376 = arith.addi %add3A_374, %add3A_375 : i32
      %add3A_377 = arith.addi %multiple_of3A, %add3A_376 : i32
      %mul3A_378 = arith.constant 128 : i32
      %mul3A_379 = arith.muli %add3A_377, %mul3A_378 : i32
      %add3A_380 = arith.addi %mul3A_62, %mul3A_379 : i32
      %dma_start3A_381 = tpu.memref_slice %arg4[%add3A_380] : memref<2621440xf32, #tpu.memory_space<hbm>> -> memref<128xf32, #tpu.memory_space<hbm>>
      %dma_start3A_382 = arith.constant 0 : i32
      %dma_start3A_383 = tpu.memref_slice %arg27[%add3A_377, %dma_start3A_382] : memref<10240x128xf32, #tpu.memory_space<vmem_shared>> -> memref<1x128xf32, #tpu.memory_space<vmem_shared>>
      %dma_start3A_384 = tpu.memref_squeeze %dma_start3A_383 : memref<1x128xf32, #tpu.memory_space<vmem_shared>> -> memref<128xf32, #tpu.memory_space<vmem_shared>>
      tpu.enqueue_dma source(%dma_start3A_384 : memref<128xf32, #tpu.memory_space<vmem_shared>>) target(%dma_start3A_381 : memref<128xf32, #tpu.memory_space<hbm>>) target_semaphore(%arg11 : memref<!tpu.dma_semaphore, #tpu.memory_space<semaphore_mem>>)
      %add3A_385 = arith.constant 1 : i32
      %add3A_386 = arith.addi %mul3A_362, %add3A_385 : i32
      %add3A_387 = arith.addi %multiple_of3A, %add3A_386 : i32
      %mul3A_388 = arith.constant 128 : i32
      %mul3A_389 = arith.muli %add3A_387, %mul3A_388 : i32
      %add3A_390 = arith.addi %mul3A_62, %mul3A_389 : i32
      %dma_wait3A_391 = tpu.memref_slice %arg4[%add3A_390] : memref<2621440xf32, #tpu.memory_space<hbm>> -> memref<128xf32, #tpu.memory_space<hbm>>
      %dma_wait3A_392 = arith.constant 0 : i32
      %dma_wait3A_393 = tpu.memref_slice %arg27[%add3A_387, %dma_wait3A_392] : memref<10240x128xf32, #tpu.memory_space<vmem_shared>> -> memref<1x128xf32, #tpu.memory_space<vmem_shared>>
      %dma_wait3A_394 = tpu.memref_squeeze %dma_wait3A_393 : memref<1x128xf32, #tpu.memory_space<vmem_shared>> -> memref<128xf32, #tpu.memory_space<vmem_shared>>
      tpu.wait_dma2 semaphore(%arg12 : memref<!tpu.dma_semaphore, #tpu.memory_space<semaphore_mem>>) src(%dma_wait3A_394 : memref<128xf32, #tpu.memory_space<vmem_shared>>) dst(%dma_wait3A_391 : memref<128xf32, #tpu.memory_space<hbm>>)
      %add3A_395 = arith.constant 1 : i32
      %add3A_396 = arith.addi %mul3A_362, %add3A_395 : i32
      %add3A_397 = arith.constant 16 : i32
      %add3A_398 = arith.addi %add3A_396, %add3A_397 : i32
      %add3A_399 = arith.addi %multiple_of3A, %add3A_398 : i32
      %mul3A_400 = arith.constant 128 : i32
      %mul3A_401 = arith.muli %add3A_399, %mul3A_400 : i32
      %add3A_402 = arith.addi %mul3A_62, %mul3A_401 : i32
      %dma_start3A_403 = tpu.memref_slice %arg4[%add3A_402] : memref<2621440xf32, #tpu.memory_space<hbm>> -> memref<128xf32, #tpu.memory_space<hbm>>
      %dma_start3A_404 = arith.constant 0 : i32
      %dma_start3A_405 = tpu.memref_slice %arg27[%add3A_399, %dma_start3A_404] : memref<10240x128xf32, #tpu.memory_space<vmem_shared>> -> memref<1x128xf32, #tpu.memory_space<vmem_shared>>
      %dma_start3A_406 = tpu.memref_squeeze %dma_start3A_405 : memref<1x128xf32, #tpu.memory_space<vmem_shared>> -> memref<128xf32, #tpu.memory_space<vmem_shared>>
      tpu.enqueue_dma source(%dma_start3A_406 : memref<128xf32, #tpu.memory_space<vmem_shared>>) target(%dma_start3A_403 : memref<128xf32, #tpu.memory_space<hbm>>) target_semaphore(%arg12 : memref<!tpu.dma_semaphore, #tpu.memory_space<semaphore_mem>>)
      %add3A_407 = arith.constant 2 : i32
      %add3A_408 = arith.addi %mul3A_362, %add3A_407 : i32
      %add3A_409 = arith.addi %multiple_of3A, %add3A_408 : i32
      %mul3A_410 = arith.constant 128 : i32
      %mul3A_411 = arith.muli %add3A_409, %mul3A_410 : i32
      %add3A_412 = arith.addi %mul3A_62, %mul3A_411 : i32
      %dma_wait3A_413 = tpu.memref_slice %arg4[%add3A_412] : memref<2621440xf32, #tpu.memory_space<hbm>> -> memref<128xf32, #tpu.memory_space<hbm>>
      %dma_wait3A_414 = arith.constant 0 : i32
      %dma_wait3A_415 = tpu.memref_slice %arg27[%add3A_409, %dma_wait3A_414] : memref<10240x128xf32, #tpu.memory_space<vmem_shared>> -> memref<1x128xf32, #tpu.memory_space<vmem_shared>>
      %dma_wait3A_416 = tpu.memref_squeeze %dma_wait3A_415 : memref<1x128xf32, #tpu.memory_space<vmem_shared>> -> memref<128xf32, #tpu.memory_space<vmem_shared>>
      tpu.wait_dma2 semaphore(%arg13 : memref<!tpu.dma_semaphore, #tpu.memory_space<semaphore_mem>>) src(%dma_wait3A_416 : memref<128xf32, #tpu.memory_space<vmem_shared>>) dst(%dma_wait3A_413 : memref<128xf32, #tpu.memory_space<hbm>>)
      %add3A_417 = arith.constant 2 : i32
      %add3A_418 = arith.addi %mul3A_362, %add3A_417 : i32
      %add3A_419 = arith.constant 16 : i32
      %add3A_420 = arith.addi %add3A_418, %add3A_419 : i32
      %add3A_421 = arith.addi %multiple_of3A, %add3A_420 : i32
      %mul3A_422 = arith.constant 128 : i32
      %mul3A_423 = arith.muli %add3A_421, %mul3A_422 : i32
      %add3A_424 = arith.addi %mul3A_62, %mul3A_423 : i32
      %dma_start3A_425 = tpu.memref_slice %arg4[%add3A_424] : memref<2621440xf32, #tpu.memory_space<hbm>> -> memref<128xf32, #tpu.memory_space<hbm>>
      %dma_start3A_426 = arith.constant 0 : i32
      %dma_start3A_427 = tpu.memref_slice %arg27[%add3A_421, %dma_start3A_426] : memref<10240x128xf32, #tpu.memory_space<vmem_shared>> -> memref<1x128xf32, #tpu.memory_space<vmem_shared>>
      %dma_start3A_428 = tpu.memref_squeeze %dma_start3A_427 : memref<1x128xf32, #tpu.memory_space<vmem_shared>> -> memref<128xf32, #tpu.memory_space<vmem_shared>>
      tpu.enqueue_dma source(%dma_start3A_428 : memref<128xf32, #tpu.memory_space<vmem_shared>>) target(%dma_start3A_425 : memref<128xf32, #tpu.memory_space<hbm>>) target_semaphore(%arg13 : memref<!tpu.dma_semaphore, #tpu.memory_space<semaphore_mem>>)
      %add3A_429 = arith.constant 3 : i32
      %add3A_430 = arith.addi %mul3A_362, %add3A_429 : i32
      %add3A_431 = arith.addi %multiple_of3A, %add3A_430 : i32
      %mul3A_432 = arith.constant 128 : i32
      %mul3A_433 = arith.muli %add3A_431, %mul3A_432 : i32
      %add3A_434 = arith.addi %mul3A_62, %mul3A_433 : i32
      %dma_wait3A_435 = tpu.memref_slice %arg4[%add3A_434] : memref<2621440xf32, #tpu.memory_space<hbm>> -> memref<128xf32, #tpu.memory_space<hbm>>
      %dma_wait3A_436 = arith.constant 0 : i32
      %dma_wait3A_437 = tpu.memref_slice %arg27[%add3A_431, %dma_wait3A_436] : memref<10240x128xf32, #tpu.memory_space<vmem_shared>> -> memref<1x128xf32, #tpu.memory_space<vmem_shared>>
      %dma_wait3A_438 = tpu.memref_squeeze %dma_wait3A_437 : memref<1x128xf32, #tpu.memory_space<vmem_shared>> -> memref<128xf32, #tpu.memory_space<vmem_shared>>
      tpu.wait_dma2 semaphore(%arg14 : memref<!tpu.dma_semaphore, #tpu.memory_space<semaphore_mem>>) src(%dma_wait3A_438 : memref<128xf32, #tpu.memory_space<vmem_shared>>) dst(%dma_wait3A_435 : memref<128xf32, #tpu.memory_space<hbm>>)
      %add3A_439 = arith.constant 3 : i32
      %add3A_440 = arith.addi %mul3A_362, %add3A_439 : i32
      %add3A_441 = arith.constant 16 : i32
      %add3A_442 = arith.addi %add3A_440, %add3A_441 : i32
      %add3A_443 = arith.addi %multiple_of3A, %add3A_442 : i32
      %mul3A_444 = arith.constant 128 : i32
      %mul3A_445 = arith.muli %add3A_443, %mul3A_444 : i32
      %add3A_446 = arith.addi %mul3A_62, %mul3A_445 : i32
      %dma_start3A_447 = tpu.memref_slice %arg4[%add3A_446] : memref<2621440xf32, #tpu.memory_space<hbm>> -> memref<128xf32, #tpu.memory_space<hbm>>
      %dma_start3A_448 = arith.constant 0 : i32
      %dma_start3A_449 = tpu.memref_slice %arg27[%add3A_443, %dma_start3A_448] : memref<10240x128xf32, #tpu.memory_space<vmem_shared>> -> memref<1x128xf32, #tpu.memory_space<vmem_shared>>
      %dma_start3A_450 = tpu.memref_squeeze %dma_start3A_449 : memref<1x128xf32, #tpu.memory_space<vmem_shared>> -> memref<128xf32, #tpu.memory_space<vmem_shared>>
      tpu.enqueue_dma source(%dma_start3A_450 : memref<128xf32, #tpu.memory_space<vmem_shared>>) target(%dma_start3A_447 : memref<128xf32, #tpu.memory_space<hbm>>) target_semaphore(%arg14 : memref<!tpu.dma_semaphore, #tpu.memory_space<semaphore_mem>>)
      %add3A_451 = arith.constant 4 : i32
      %add3A_452 = arith.addi %mul3A_362, %add3A_451 : i32
      %add3A_453 = arith.addi %multiple_of3A, %add3A_452 : i32
      %mul3A_454 = arith.constant 128 : i32
      %mul3A_455 = arith.muli %add3A_453, %mul3A_454 : i32
      %add3A_456 = arith.addi %mul3A_62, %mul3A_455 : i32
      %dma_wait3A_457 = tpu.memref_slice %arg4[%add3A_456] : memref<2621440xf32, #tpu.memory_space<hbm>> -> memref<128xf32, #tpu.memory_space<hbm>>
      %dma_wait3A_458 = arith.constant 0 : i32
      %dma_wait3A_459 = tpu.memref_slice %arg27[%add3A_453, %dma_wait3A_458] : memref<10240x128xf32, #tpu.memory_space<vmem_shared>> -> memref<1x128xf32, #tpu.memory_space<vmem_shared>>
      %dma_wait3A_460 = tpu.memref_squeeze %dma_wait3A_459 : memref<1x128xf32, #tpu.memory_space<vmem_shared>> -> memref<128xf32, #tpu.memory_space<vmem_shared>>
      tpu.wait_dma2 semaphore(%arg15 : memref<!tpu.dma_semaphore, #tpu.memory_space<semaphore_mem>>) src(%dma_wait3A_460 : memref<128xf32, #tpu.memory_space<vmem_shared>>) dst(%dma_wait3A_457 : memref<128xf32, #tpu.memory_space<hbm>>)
      %add3A_461 = arith.constant 4 : i32
      %add3A_462 = arith.addi %mul3A_362, %add3A_461 : i32
      %add3A_463 = arith.constant 16 : i32
      %add3A_464 = arith.addi %add3A_462, %add3A_463 : i32
      %add3A_465 = arith.addi %multiple_of3A, %add3A_464 : i32
      %mul3A_466 = arith.constant 128 : i32
      %mul3A_467 = arith.muli %add3A_465, %mul3A_466 : i32
      %add3A_468 = arith.addi %mul3A_62, %mul3A_467 : i32
      %dma_start3A_469 = tpu.memref_slice %arg4[%add3A_468] : memref<2621440xf32, #tpu.memory_space<hbm>> -> memref<128xf32, #tpu.memory_space<hbm>>
      %dma_start3A_470 = arith.constant 0 : i32
      %dma_start3A_471 = tpu.memref_slice %arg27[%add3A_465, %dma_start3A_470] : memref<10240x128xf32, #tpu.memory_space<vmem_shared>> -> memref<1x128xf32, #tpu.memory_space<vmem_shared>>
      %dma_start3A_472 = tpu.memref_squeeze %dma_start3A_471 : memref<1x128xf32, #tpu.memory_space<vmem_shared>> -> memref<128xf32, #tpu.memory_space<vmem_shared>>
      tpu.enqueue_dma source(%dma_start3A_472 : memref<128xf32, #tpu.memory_space<vmem_shared>>) target(%dma_start3A_469 : memref<128xf32, #tpu.memory_space<hbm>>) target_semaphore(%arg15 : memref<!tpu.dma_semaphore, #tpu.memory_space<semaphore_mem>>)
      %add3A_473 = arith.constant 5 : i32
      %add3A_474 = arith.addi %mul3A_362, %add3A_473 : i32
      %add3A_475 = arith.addi %multiple_of3A, %add3A_474 : i32
      %mul3A_476 = arith.constant 128 : i32
      %mul3A_477 = arith.muli %add3A_475, %mul3A_476 : i32
      %add3A_478 = arith.addi %mul3A_62, %mul3A_477 : i32
      %dma_wait3A_479 = tpu.memref_slice %arg4[%add3A_478] : memref<2621440xf32, #tpu.memory_space<hbm>> -> memref<128xf32, #tpu.memory_space<hbm>>
      %dma_wait3A_480 = arith.constant 0 : i32
      %dma_wait3A_481 = tpu.memref_slice %arg27[%add3A_475, %dma_wait3A_480] : memref<10240x128xf32, #tpu.memory_space<vmem_shared>> -> memref<1x128xf32, #tpu.memory_space<vmem_shared>>
      %dma_wait3A_482 = tpu.memref_squeeze %dma_wait3A_481 : memref<1x128xf32, #tpu.memory_space<vmem_shared>> -> memref<128xf32, #tpu.memory_space<vmem_shared>>
      tpu.wait_dma2 semaphore(%arg16 : memref<!tpu.dma_semaphore, #tpu.memory_space<semaphore_mem>>) src(%dma_wait3A_482 : memref<128xf32, #tpu.memory_space<vmem_shared>>) dst(%dma_wait3A_479 : memref<128xf32, #tpu.memory_space<hbm>>)
      %add3A_483 = arith.constant 5 : i32
      %add3A_484 = arith.addi %mul3A_362, %add3A_483 : i32
      %add3A_485 = arith.constant 16 : i32
      %add3A_486 = arith.addi %add3A_484, %add3A_485 : i32
      %add3A_487 = arith.addi %multiple_of3A, %add3A_486 : i32
      %mul3A_488 = arith.constant 128 : i32
      %mul3A_489 = arith.muli %add3A_487, %mul3A_488 : i32
      %add3A_490 = arith.addi %mul3A_62, %mul3A_489 : i32
      %dma_start3A_491 = tpu.memref_slice %arg4[%add3A_490] : memref<2621440xf32, #tpu.memory_space<hbm>> -> memref<128xf32, #tpu.memory_space<hbm>>
      %dma_start3A_492 = arith.constant 0 : i32
      %dma_start3A_493 = tpu.memref_slice %arg27[%add3A_487, %dma_start3A_492] : memref<10240x128xf32, #tpu.memory_space<vmem_shared>> -> memref<1x128xf32, #tpu.memory_space<vmem_shared>>
      %dma_start3A_494 = tpu.memref_squeeze %dma_start3A_493 : memref<1x128xf32, #tpu.memory_space<vmem_shared>> -> memref<128xf32, #tpu.memory_space<vmem_shared>>
      tpu.enqueue_dma source(%dma_start3A_494 : memref<128xf32, #tpu.memory_space<vmem_shared>>) target(%dma_start3A_491 : memref<128xf32, #tpu.memory_space<hbm>>) target_semaphore(%arg16 : memref<!tpu.dma_semaphore, #tpu.memory_space<semaphore_mem>>)
      %add3A_495 = arith.constant 6 : i32
      %add3A_496 = arith.addi %mul3A_362, %add3A_495 : i32
      %add3A_497 = arith.addi %multiple_of3A, %add3A_496 : i32
      %mul3A_498 = arith.constant 128 : i32
      %mul3A_499 = arith.muli %add3A_497, %mul3A_498 : i32
      %add3A_500 = arith.addi %mul3A_62, %mul3A_499 : i32
      %dma_wait3A_501 = tpu.memref_slice %arg4[%add3A_500] : memref<2621440xf32, #tpu.memory_space<hbm>> -> memref<128xf32, #tpu.memory_space<hbm>>
      %dma_wait3A_502 = arith.constant 0 : i32
      %dma_wait3A_503 = tpu.memref_slice %arg27[%add3A_497, %dma_wait3A_502] : memref<10240x128xf32, #tpu.memory_space<vmem_shared>> -> memref<1x128xf32, #tpu.memory_space<vmem_shared>>
      %dma_wait3A_504 = tpu.memref_squeeze %dma_wait3A_503 : memref<1x128xf32, #tpu.memory_space<vmem_shared>> -> memref<128xf32, #tpu.memory_space<vmem_shared>>
      tpu.wait_dma2 semaphore(%arg17 : memref<!tpu.dma_semaphore, #tpu.memory_space<semaphore_mem>>) src(%dma_wait3A_504 : memref<128xf32, #tpu.memory_space<vmem_shared>>) dst(%dma_wait3A_501 : memref<128xf32, #tpu.memory_space<hbm>>)
      %add3A_505 = arith.constant 6 : i32
      %add3A_506 = arith.addi %mul3A_362, %add3A_505 : i32
      %add3A_507 = arith.constant 16 : i32
      %add3A_508 = arith.addi %add3A_506, %add3A_507 : i32
      %add3A_509 = arith.addi %multiple_of3A, %add3A_508 : i32
      %mul3A_510 = arith.constant 128 : i32
      %mul3A_511 = arith.muli %add3A_509, %mul3A_510 : i32
      %add3A_512 = arith.addi %mul3A_62, %mul3A_511 : i32
      %dma_start3A_513 = tpu.memref_slice %arg4[%add3A_512] : memref<2621440xf32, #tpu.memory_space<hbm>> -> memref<128xf32, #tpu.memory_space<hbm>>
      %dma_start3A_514 = arith.constant 0 : i32
      %dma_start3A_515 = tpu.memref_slice %arg27[%add3A_509, %dma_start3A_514] : memref<10240x128xf32, #tpu.memory_space<vmem_shared>> -> memref<1x128xf32, #tpu.memory_space<vmem_shared>>
      %dma_start3A_516 = tpu.memref_squeeze %dma_start3A_515 : memref<1x128xf32, #tpu.memory_space<vmem_shared>> -> memref<128xf32, #tpu.memory_space<vmem_shared>>
      tpu.enqueue_dma source(%dma_start3A_516 : memref<128xf32, #tpu.memory_space<vmem_shared>>) target(%dma_start3A_513 : memref<128xf32, #tpu.memory_space<hbm>>) target_semaphore(%arg17 : memref<!tpu.dma_semaphore, #tpu.memory_space<semaphore_mem>>)
      %add3A_517 = arith.constant 7 : i32
      %add3A_518 = arith.addi %mul3A_362, %add3A_517 : i32
      %add3A_519 = arith.addi %multiple_of3A, %add3A_518 : i32
      %mul3A_520 = arith.constant 128 : i32
      %mul3A_521 = arith.muli %add3A_519, %mul3A_520 : i32
      %add3A_522 = arith.addi %mul3A_62, %mul3A_521 : i32
      %dma_wait3A_523 = tpu.memref_slice %arg4[%add3A_522] : memref<2621440xf32, #tpu.memory_space<hbm>> -> memref<128xf32, #tpu.memory_space<hbm>>
      %dma_wait3A_524 = arith.constant 0 : i32
      %dma_wait3A_525 = tpu.memref_slice %arg27[%add3A_519, %dma_wait3A_524] : memref<10240x128xf32, #tpu.memory_space<vmem_shared>> -> memref<1x128xf32, #tpu.memory_space<vmem_shared>>
      %dma_wait3A_526 = tpu.memref_squeeze %dma_wait3A_525 : memref<1x128xf32, #tpu.memory_space<vmem_shared>> -> memref<128xf32, #tpu.memory_space<vmem_shared>>
      tpu.wait_dma2 semaphore(%arg18 : memref<!tpu.dma_semaphore, #tpu.memory_space<semaphore_mem>>) src(%dma_wait3A_526 : memref<128xf32, #tpu.memory_space<vmem_shared>>) dst(%dma_wait3A_523 : memref<128xf32, #tpu.memory_space<hbm>>)
      %add3A_527 = arith.constant 7 : i32
      %add3A_528 = arith.addi %mul3A_362, %add3A_527 : i32
      %add3A_529 = arith.constant 16 : i32
      %add3A_530 = arith.addi %add3A_528, %add3A_529 : i32
      %add3A_531 = arith.addi %multiple_of3A, %add3A_530 : i32
      %mul3A_532 = arith.constant 128 : i32
      %mul3A_533 = arith.muli %add3A_531, %mul3A_532 : i32
      %add3A_534 = arith.addi %mul3A_62, %mul3A_533 : i32
      %dma_start3A_535 = tpu.memref_slice %arg4[%add3A_534] : memref<2621440xf32, #tpu.memory_space<hbm>> -> memref<128xf32, #tpu.memory_space<hbm>>
      %dma_start3A_536 = arith.constant 0 : i32
      %dma_start3A_537 = tpu.memref_slice %arg27[%add3A_531, %dma_start3A_536] : memref<10240x128xf32, #tpu.memory_space<vmem_shared>> -> memref<1x128xf32, #tpu.memory_space<vmem_shared>>
      %dma_start3A_538 = tpu.memref_squeeze %dma_start3A_537 : memref<1x128xf32, #tpu.memory_space<vmem_shared>> -> memref<128xf32, #tpu.memory_space<vmem_shared>>
      tpu.enqueue_dma source(%dma_start3A_538 : memref<128xf32, #tpu.memory_space<vmem_shared>>) target(%dma_start3A_535 : memref<128xf32, #tpu.memory_space<hbm>>) target_semaphore(%arg18 : memref<!tpu.dma_semaphore, #tpu.memory_space<semaphore_mem>>)
      %add3A_539 = arith.constant 8 : i32
      %add3A_540 = arith.addi %mul3A_362, %add3A_539 : i32
      %add3A_541 = arith.addi %multiple_of3A, %add3A_540 : i32
      %mul3A_542 = arith.constant 128 : i32
      %mul3A_543 = arith.muli %add3A_541, %mul3A_542 : i32
      %add3A_544 = arith.addi %mul3A_62, %mul3A_543 : i32
      %dma_wait3A_545 = tpu.memref_slice %arg4[%add3A_544] : memref<2621440xf32, #tpu.memory_space<hbm>> -> memref<128xf32, #tpu.memory_space<hbm>>
      %dma_wait3A_546 = arith.constant 0 : i32
      %dma_wait3A_547 = tpu.memref_slice %arg27[%add3A_541, %dma_wait3A_546] : memref<10240x128xf32, #tpu.memory_space<vmem_shared>> -> memref<1x128xf32, #tpu.memory_space<vmem_shared>>
      %dma_wait3A_548 = tpu.memref_squeeze %dma_wait3A_547 : memref<1x128xf32, #tpu.memory_space<vmem_shared>> -> memref<128xf32, #tpu.memory_space<vmem_shared>>
      tpu.wait_dma2 semaphore(%arg19 : memref<!tpu.dma_semaphore, #tpu.memory_space<semaphore_mem>>) src(%dma_wait3A_548 : memref<128xf32, #tpu.memory_space<vmem_shared>>) dst(%dma_wait3A_545 : memref<128xf32, #tpu.memory_space<hbm>>)
      %add3A_549 = arith.constant 8 : i32
      %add3A_550 = arith.addi %mul3A_362, %add3A_549 : i32
      %add3A_551 = arith.constant 16 : i32
      %add3A_552 = arith.addi %add3A_550, %add3A_551 : i32
      %add3A_553 = arith.addi %multiple_of3A, %add3A_552 : i32
      %mul3A_554 = arith.constant 128 : i32
      %mul3A_555 = arith.muli %add3A_553, %mul3A_554 : i32
      %add3A_556 = arith.addi %mul3A_62, %mul3A_555 : i32
      %dma_start3A_557 = tpu.memref_slice %arg4[%add3A_556] : memref<2621440xf32, #tpu.memory_space<hbm>> -> memref<128xf32, #tpu.memory_space<hbm>>
      %dma_start3A_558 = arith.constant 0 : i32
      %dma_start3A_559 = tpu.memref_slice %arg27[%add3A_553, %dma_start3A_558] : memref<10240x128xf32, #tpu.memory_space<vmem_shared>> -> memref<1x128xf32, #tpu.memory_space<vmem_shared>>
      %dma_start3A_560 = tpu.memref_squeeze %dma_start3A_559 : memref<1x128xf32, #tpu.memory_space<vmem_shared>> -> memref<128xf32, #tpu.memory_space<vmem_shared>>
      tpu.enqueue_dma source(%dma_start3A_560 : memref<128xf32, #tpu.memory_space<vmem_shared>>) target(%dma_start3A_557 : memref<128xf32, #tpu.memory_space<hbm>>) target_semaphore(%arg19 : memref<!tpu.dma_semaphore, #tpu.memory_space<semaphore_mem>>)
      %add3A_561 = arith.constant 9 : i32
      %add3A_562 = arith.addi %mul3A_362, %add3A_561 : i32
      %add3A_563 = arith.addi %multiple_of3A, %add3A_562 : i32
      %mul3A_564 = arith.constant 128 : i32
      %mul3A_565 = arith.muli %add3A_563, %mul3A_564 : i32
      %add3A_566 = arith.addi %mul3A_62, %mul3A_565 : i32
      %dma_wait3A_567 = tpu.memref_slice %arg4[%add3A_566] : memref<2621440xf32, #tpu.memory_space<hbm>> -> memref<128xf32, #tpu.memory_space<hbm>>
      %dma_wait3A_568 = arith.constant 0 : i32
      %dma_wait3A_569 = tpu.memref_slice %arg27[%add3A_563, %dma_wait3A_568] : memref<10240x128xf32, #tpu.memory_space<vmem_shared>> -> memref<1x128xf32, #tpu.memory_space<vmem_shared>>
      %dma_wait3A_570 = tpu.memref_squeeze %dma_wait3A_569 : memref<1x128xf32, #tpu.memory_space<vmem_shared>> -> memref<128xf32, #tpu.memory_space<vmem_shared>>
      tpu.wait_dma2 semaphore(%arg20 : memref<!tpu.dma_semaphore, #tpu.memory_space<semaphore_mem>>) src(%dma_wait3A_570 : memref<128xf32, #tpu.memory_space<vmem_shared>>) dst(%dma_wait3A_567 : memref<128xf32, #tpu.memory_space<hbm>>)
      %add3A_571 = arith.constant 9 : i32
      %add3A_572 = arith.addi %mul3A_362, %add3A_571 : i32
      %add3A_573 = arith.constant 16 : i32
      %add3A_574 = arith.addi %add3A_572, %add3A_573 : i32
      %add3A_575 = arith.addi %multiple_of3A, %add3A_574 : i32
      %mul3A_576 = arith.constant 128 : i32
      %mul3A_577 = arith.muli %add3A_575, %mul3A_576 : i32
      %add3A_578 = arith.addi %mul3A_62, %mul3A_577 : i32
      %dma_start3A_579 = tpu.memref_slice %arg4[%add3A_578] : memref<2621440xf32, #tpu.memory_space<hbm>> -> memref<128xf32, #tpu.memory_space<hbm>>
      %dma_start3A_580 = arith.constant 0 : i32
      %dma_start3A_581 = tpu.memref_slice %arg27[%add3A_575, %dma_start3A_580] : memref<10240x128xf32, #tpu.memory_space<vmem_shared>> -> memref<1x128xf32, #tpu.memory_space<vmem_shared>>
      %dma_start3A_582 = tpu.memref_squeeze %dma_start3A_581 : memref<1x128xf32, #tpu.memory_space<vmem_shared>> -> memref<128xf32, #tpu.memory_space<vmem_shared>>
      tpu.enqueue_dma source(%dma_start3A_582 : memref<128xf32, #tpu.memory_space<vmem_shared>>) target(%dma_start3A_579 : memref<128xf32, #tpu.memory_space<hbm>>) target_semaphore(%arg20 : memref<!tpu.dma_semaphore, #tpu.memory_space<semaphore_mem>>)
      %add3A_583 = arith.constant 10 : i32
      %add3A_584 = arith.addi %mul3A_362, %add3A_583 : i32
      %add3A_585 = arith.addi %multiple_of3A, %add3A_584 : i32
      %mul3A_586 = arith.constant 128 : i32
      %mul3A_587 = arith.muli %add3A_585, %mul3A_586 : i32
      %add3A_588 = arith.addi %mul3A_62, %mul3A_587 : i32
      %dma_wait3A_589 = tpu.memref_slice %arg4[%add3A_588] : memref<2621440xf32, #tpu.memory_space<hbm>> -> memref<128xf32, #tpu.memory_space<hbm>>
      %dma_wait3A_590 = arith.constant 0 : i32
      %dma_wait3A_591 = tpu.memref_slice %arg27[%add3A_585, %dma_wait3A_590] : memref<10240x128xf32, #tpu.memory_space<vmem_shared>> -> memref<1x128xf32, #tpu.memory_space<vmem_shared>>
      %dma_wait3A_592 = tpu.memref_squeeze %dma_wait3A_591 : memref<1x128xf32, #tpu.memory_space<vmem_shared>> -> memref<128xf32, #tpu.memory_space<vmem_shared>>
      tpu.wait_dma2 semaphore(%arg21 : memref<!tpu.dma_semaphore, #tpu.memory_space<semaphore_mem>>) src(%dma_wait3A_592 : memref<128xf32, #tpu.memory_space<vmem_shared>>) dst(%dma_wait3A_589 : memref<128xf32, #tpu.memory_space<hbm>>)
      %add3A_593 = arith.constant 10 : i32
      %add3A_594 = arith.addi %mul3A_362, %add3A_593 : i32
      %add3A_595 = arith.constant 16 : i32
      %add3A_596 = arith.addi %add3A_594, %add3A_595 : i32
      %add3A_597 = arith.addi %multiple_of3A, %add3A_596 : i32
      %mul3A_598 = arith.constant 128 : i32
      %mul3A_599 = arith.muli %add3A_597, %mul3A_598 : i32
      %add3A_600 = arith.addi %mul3A_62, %mul3A_599 : i32
      %dma_start3A_601 = tpu.memref_slice %arg4[%add3A_600] : memref<2621440xf32, #tpu.memory_space<hbm>> -> memref<128xf32, #tpu.memory_space<hbm>>
      %dma_start3A_602 = arith.constant 0 : i32
      %dma_start3A_603 = tpu.memref_slice %arg27[%add3A_597, %dma_start3A_602] : memref<10240x128xf32, #tpu.memory_space<vmem_shared>> -> memref<1x128xf32, #tpu.memory_space<vmem_shared>>
      %dma_start3A_604 = tpu.memref_squeeze %dma_start3A_603 : memref<1x128xf32, #tpu.memory_space<vmem_shared>> -> memref<128xf32, #tpu.memory_space<vmem_shared>>
      tpu.enqueue_dma source(%dma_start3A_604 : memref<128xf32, #tpu.memory_space<vmem_shared>>) target(%dma_start3A_601 : memref<128xf32, #tpu.memory_space<hbm>>) target_semaphore(%arg21 : memref<!tpu.dma_semaphore, #tpu.memory_space<semaphore_mem>>)
      %add3A_605 = arith.constant 11 : i32
      %add3A_606 = arith.addi %mul3A_362, %add3A_605 : i32
      %add3A_607 = arith.addi %multiple_of3A, %add3A_606 : i32
      %mul3A_608 = arith.constant 128 : i32
      %mul3A_609 = arith.muli %add3A_607, %mul3A_608 : i32
      %add3A_610 = arith.addi %mul3A_62, %mul3A_609 : i32
      %dma_wait3A_611 = tpu.memref_slice %arg4[%add3A_610] : memref<2621440xf32, #tpu.memory_space<hbm>> -> memref<128xf32, #tpu.memory_space<hbm>>
      %dma_wait3A_612 = arith.constant 0 : i32
      %dma_wait3A_613 = tpu.memref_slice %arg27[%add3A_607, %dma_wait3A_612] : memref<10240x128xf32, #tpu.memory_space<vmem_shared>> -> memref<1x128xf32, #tpu.memory_space<vmem_shared>>
      %dma_wait3A_614 = tpu.memref_squeeze %dma_wait3A_613 : memref<1x128xf32, #tpu.memory_space<vmem_shared>> -> memref<128xf32, #tpu.memory_space<vmem_shared>>
      tpu.wait_dma2 semaphore(%arg22 : memref<!tpu.dma_semaphore, #tpu.memory_space<semaphore_mem>>) src(%dma_wait3A_614 : memref<128xf32, #tpu.memory_space<vmem_shared>>) dst(%dma_wait3A_611 : memref<128xf32, #tpu.memory_space<hbm>>)
      %add3A_615 = arith.constant 11 : i32
      %add3A_616 = arith.addi %mul3A_362, %add3A_615 : i32
      %add3A_617 = arith.constant 16 : i32
      %add3A_618 = arith.addi %add3A_616, %add3A_617 : i32
      %add3A_619 = arith.addi %multiple_of3A, %add3A_618 : i32
      %mul3A_620 = arith.constant 128 : i32
      %mul3A_621 = arith.muli %add3A_619, %mul3A_620 : i32
      %add3A_622 = arith.addi %mul3A_62, %mul3A_621 : i32
      %dma_start3A_623 = tpu.memref_slice %arg4[%add3A_622] : memref<2621440xf32, #tpu.memory_space<hbm>> -> memref<128xf32, #tpu.memory_space<hbm>>
      %dma_start3A_624 = arith.constant 0 : i32
      %dma_start3A_625 = tpu.memref_slice %arg27[%add3A_619, %dma_start3A_624] : memref<10240x128xf32, #tpu.memory_space<vmem_shared>> -> memref<1x128xf32, #tpu.memory_space<vmem_shared>>
      %dma_start3A_626 = tpu.memref_squeeze %dma_start3A_625 : memref<1x128xf32, #tpu.memory_space<vmem_shared>> -> memref<128xf32, #tpu.memory_space<vmem_shared>>
      tpu.enqueue_dma source(%dma_start3A_626 : memref<128xf32, #tpu.memory_space<vmem_shared>>) target(%dma_start3A_623 : memref<128xf32, #tpu.memory_space<hbm>>) target_semaphore(%arg22 : memref<!tpu.dma_semaphore, #tpu.memory_space<semaphore_mem>>)
      %add3A_627 = arith.constant 12 : i32
      %add3A_628 = arith.addi %mul3A_362, %add3A_627 : i32
      %add3A_629 = arith.addi %multiple_of3A, %add3A_628 : i32
      %mul3A_630 = arith.constant 128 : i32
      %mul3A_631 = arith.muli %add3A_629, %mul3A_630 : i32
      %add3A_632 = arith.addi %mul3A_62, %mul3A_631 : i32
      %dma_wait3A_633 = tpu.memref_slice %arg4[%add3A_632] : memref<2621440xf32, #tpu.memory_space<hbm>> -> memref<128xf32, #tpu.memory_space<hbm>>
      %dma_wait3A_634 = arith.constant 0 : i32
      %dma_wait3A_635 = tpu.memref_slice %arg27[%add3A_629, %dma_wait3A_634] : memref<10240x128xf32, #tpu.memory_space<vmem_shared>> -> memref<1x128xf32, #tpu.memory_space<vmem_shared>>
      %dma_wait3A_636 = tpu.memref_squeeze %dma_wait3A_635 : memref<1x128xf32, #tpu.memory_space<vmem_shared>> -> memref<128xf32, #tpu.memory_space<vmem_shared>>
      tpu.wait_dma2 semaphore(%arg23 : memref<!tpu.dma_semaphore, #tpu.memory_space<semaphore_mem>>) src(%dma_wait3A_636 : memref<128xf32, #tpu.memory_space<vmem_shared>>) dst(%dma_wait3A_633 : memref<128xf32, #tpu.memory_space<hbm>>)
      %add3A_637 = arith.constant 12 : i32
      %add3A_638 = arith.addi %mul3A_362, %add3A_637 : i32
      %add3A_639 = arith.constant 16 : i32
      %add3A_640 = arith.addi %add3A_638, %add3A_639 : i32
      %add3A_641 = arith.addi %multiple_of3A, %add3A_640 : i32
      %mul3A_642 = arith.constant 128 : i32
      %mul3A_643 = arith.muli %add3A_641, %mul3A_642 : i32
      %add3A_644 = arith.addi %mul3A_62, %mul3A_643 : i32
      %dma_start3A_645 = tpu.memref_slice %arg4[%add3A_644] : memref<2621440xf32, #tpu.memory_space<hbm>> -> memref<128xf32, #tpu.memory_space<hbm>>
      %dma_start3A_646 = arith.constant 0 : i32
      %dma_start3A_647 = tpu.memref_slice %arg27[%add3A_641, %dma_start3A_646] : memref<10240x128xf32, #tpu.memory_space<vmem_shared>> -> memref<1x128xf32, #tpu.memory_space<vmem_shared>>
      %dma_start3A_648 = tpu.memref_squeeze %dma_start3A_647 : memref<1x128xf32, #tpu.memory_space<vmem_shared>> -> memref<128xf32, #tpu.memory_space<vmem_shared>>
      tpu.enqueue_dma source(%dma_start3A_648 : memref<128xf32, #tpu.memory_space<vmem_shared>>) target(%dma_start3A_645 : memref<128xf32, #tpu.memory_space<hbm>>) target_semaphore(%arg23 : memref<!tpu.dma_semaphore, #tpu.memory_space<semaphore_mem>>)
      %add3A_649 = arith.constant 13 : i32
      %add3A_650 = arith.addi %mul3A_362, %add3A_649 : i32
      %add3A_651 = arith.addi %multiple_of3A, %add3A_650 : i32
      %mul3A_652 = arith.constant 128 : i32
      %mul3A_653 = arith.muli %add3A_651, %mul3A_652 : i32
      %add3A_654 = arith.addi %mul3A_62, %mul3A_653 : i32
      %dma_wait3A_655 = tpu.memref_slice %arg4[%add3A_654] : memref<2621440xf32, #tpu.memory_space<hbm>> -> memref<128xf32, #tpu.memory_space<hbm>>
      %dma_wait3A_656 = arith.constant 0 : i32
      %dma_wait3A_657 = tpu.memref_slice %arg27[%add3A_651, %dma_wait3A_656] : memref<10240x128xf32, #tpu.memory_space<vmem_shared>> -> memref<1x128xf32, #tpu.memory_space<vmem_shared>>
      %dma_wait3A_658 = tpu.memref_squeeze %dma_wait3A_657 : memref<1x128xf32, #tpu.memory_space<vmem_shared>> -> memref<128xf32, #tpu.memory_space<vmem_shared>>
      tpu.wait_dma2 semaphore(%arg24 : memref<!tpu.dma_semaphore, #tpu.memory_space<semaphore_mem>>) src(%dma_wait3A_658 : memref<128xf32, #tpu.memory_space<vmem_shared>>) dst(%dma_wait3A_655 : memref<128xf32, #tpu.memory_space<hbm>>)
      %add3A_659 = arith.constant 13 : i32
      %add3A_660 = arith.addi %mul3A_362, %add3A_659 : i32
      %add3A_661 = arith.constant 16 : i32
      %add3A_662 = arith.addi %add3A_660, %add3A_661 : i32
      %add3A_663 = arith.addi %multiple_of3A, %add3A_662 : i32
      %mul3A_664 = arith.constant 128 : i32
      %mul3A_665 = arith.muli %add3A_663, %mul3A_664 : i32
      %add3A_666 = arith.addi %mul3A_62, %mul3A_665 : i32
      %dma_start3A_667 = tpu.memref_slice %arg4[%add3A_666] : memref<2621440xf32, #tpu.memory_space<hbm>> -> memref<128xf32, #tpu.memory_space<hbm>>
      %dma_start3A_668 = arith.constant 0 : i32
      %dma_start3A_669 = tpu.memref_slice %arg27[%add3A_663, %dma_start3A_668] : memref<10240x128xf32, #tpu.memory_space<vmem_shared>> -> memref<1x128xf32, #tpu.memory_space<vmem_shared>>
      %dma_start3A_670 = tpu.memref_squeeze %dma_start3A_669 : memref<1x128xf32, #tpu.memory_space<vmem_shared>> -> memref<128xf32, #tpu.memory_space<vmem_shared>>
      tpu.enqueue_dma source(%dma_start3A_670 : memref<128xf32, #tpu.memory_space<vmem_shared>>) target(%dma_start3A_667 : memref<128xf32, #tpu.memory_space<hbm>>) target_semaphore(%arg24 : memref<!tpu.dma_semaphore, #tpu.memory_space<semaphore_mem>>)
      %add3A_671 = arith.constant 14 : i32
      %add3A_672 = arith.addi %mul3A_362, %add3A_671 : i32
      %add3A_673 = arith.addi %multiple_of3A, %add3A_672 : i32
      %mul3A_674 = arith.constant 128 : i32
      %mul3A_675 = arith.muli %add3A_673, %mul3A_674 : i32
      %add3A_676 = arith.addi %mul3A_62, %mul3A_675 : i32
      %dma_wait3A_677 = tpu.memref_slice %arg4[%add3A_676] : memref<2621440xf32, #tpu.memory_space<hbm>> -> memref<128xf32, #tpu.memory_space<hbm>>
      %dma_wait3A_678 = arith.constant 0 : i32
      %dma_wait3A_679 = tpu.memref_slice %arg27[%add3A_673, %dma_wait3A_678] : memref<10240x128xf32, #tpu.memory_space<vmem_shared>> -> memref<1x128xf32, #tpu.memory_space<vmem_shared>>
      %dma_wait3A_680 = tpu.memref_squeeze %dma_wait3A_679 : memref<1x128xf32, #tpu.memory_space<vmem_shared>> -> memref<128xf32, #tpu.memory_space<vmem_shared>>
      tpu.wait_dma2 semaphore(%arg25 : memref<!tpu.dma_semaphore, #tpu.memory_space<semaphore_mem>>) src(%dma_wait3A_680 : memref<128xf32, #tpu.memory_space<vmem_shared>>) dst(%dma_wait3A_677 : memref<128xf32, #tpu.memory_space<hbm>>)
      %add3A_681 = arith.constant 14 : i32
      %add3A_682 = arith.addi %mul3A_362, %add3A_681 : i32
      %add3A_683 = arith.constant 16 : i32
      %add3A_684 = arith.addi %add3A_682, %add3A_683 : i32
      %add3A_685 = arith.addi %multiple_of3A, %add3A_684 : i32
      %mul3A_686 = arith.constant 128 : i32
      %mul3A_687 = arith.muli %add3A_685, %mul3A_686 : i32
      %add3A_688 = arith.addi %mul3A_62, %mul3A_687 : i32
      %dma_start3A_689 = tpu.memref_slice %arg4[%add3A_688] : memref<2621440xf32, #tpu.memory_space<hbm>> -> memref<128xf32, #tpu.memory_space<hbm>>
      %dma_start3A_690 = arith.constant 0 : i32
      %dma_start3A_691 = tpu.memref_slice %arg27[%add3A_685, %dma_start3A_690] : memref<10240x128xf32, #tpu.memory_space<vmem_shared>> -> memref<1x128xf32, #tpu.memory_space<vmem_shared>>
      %dma_start3A_692 = tpu.memref_squeeze %dma_start3A_691 : memref<1x128xf32, #tpu.memory_space<vmem_shared>> -> memref<128xf32, #tpu.memory_space<vmem_shared>>
      tpu.enqueue_dma source(%dma_start3A_692 : memref<128xf32, #tpu.memory_space<vmem_shared>>) target(%dma_start3A_689 : memref<128xf32, #tpu.memory_space<hbm>>) target_semaphore(%arg25 : memref<!tpu.dma_semaphore, #tpu.memory_space<semaphore_mem>>)
      %add3A_693 = arith.constant 15 : i32
      %add3A_694 = arith.addi %mul3A_362, %add3A_693 : i32
      %add3A_695 = arith.addi %multiple_of3A, %add3A_694 : i32
      %mul3A_696 = arith.constant 128 : i32
      %mul3A_697 = arith.muli %add3A_695, %mul3A_696 : i32
      %add3A_698 = arith.addi %mul3A_62, %mul3A_697 : i32
      %dma_wait3A_699 = tpu.memref_slice %arg4[%add3A_698] : memref<2621440xf32, #tpu.memory_space<hbm>> -> memref<128xf32, #tpu.memory_space<hbm>>
      %dma_wait3A_700 = arith.constant 0 : i32
      %dma_wait3A_701 = tpu.memref_slice %arg27[%add3A_695, %dma_wait3A_700] : memref<10240x128xf32, #tpu.memory_space<vmem_shared>> -> memref<1x128xf32, #tpu.memory_space<vmem_shared>>
      %dma_wait3A_702 = tpu.memref_squeeze %dma_wait3A_701 : memref<1x128xf32, #tpu.memory_space<vmem_shared>> -> memref<128xf32, #tpu.memory_space<vmem_shared>>
      tpu.wait_dma2 semaphore(%arg26 : memref<!tpu.dma_semaphore, #tpu.memory_space<semaphore_mem>>) src(%dma_wait3A_702 : memref<128xf32, #tpu.memory_space<vmem_shared>>) dst(%dma_wait3A_699 : memref<128xf32, #tpu.memory_space<hbm>>)
      %add3A_703 = arith.constant 15 : i32
      %add3A_704 = arith.addi %mul3A_362, %add3A_703 : i32
      %add3A_705 = arith.constant 16 : i32
      %add3A_706 = arith.addi %add3A_704, %add3A_705 : i32
      %add3A_707 = arith.addi %multiple_of3A, %add3A_706 : i32
      %mul3A_708 = arith.constant 128 : i32
      %mul3A_709 = arith.muli %add3A_707, %mul3A_708 : i32
      %add3A_710 = arith.addi %mul3A_62, %mul3A_709 : i32
      %dma_start3A_711 = tpu.memref_slice %arg4[%add3A_710] : memref<2621440xf32, #tpu.memory_space<hbm>> -> memref<128xf32, #tpu.memory_space<hbm>>
      %dma_start3A_712 = arith.constant 0 : i32
      %dma_start3A_713 = tpu.memref_slice %arg27[%add3A_707, %dma_start3A_712] : memref<10240x128xf32, #tpu.memory_space<vmem_shared>> -> memref<1x128xf32, #tpu.memory_space<vmem_shared>>
      %dma_start3A_714 = tpu.memref_squeeze %dma_start3A_713 : memref<1x128xf32, #tpu.memory_space<vmem_shared>> -> memref<128xf32, #tpu.memory_space<vmem_shared>>
      tpu.enqueue_dma source(%dma_start3A_714 : memref<128xf32, #tpu.memory_space<vmem_shared>>) target(%dma_start3A_711 : memref<128xf32, #tpu.memory_space<hbm>>) target_semaphore(%arg26 : memref<!tpu.dma_semaphore, #tpu.memory_space<semaphore_mem>>)
    }
    %scan3A_211 = arith.constant 39 : i32
    %add3A_212 = arith.constant 624 : i32
    %add3A_213 = arith.addi %multiple_of3A, %add3A_212 : i32
    %mul3A_214 = arith.constant 128 : i32
    %mul3A_215 = arith.muli %add3A_213, %mul3A_214 : i32
    %add3A_216 = arith.addi %mul3A_62, %mul3A_215 : i32
    %dma_wait3A_217 = tpu.memref_slice %arg4[%add3A_216] : memref<2621440xf32, #tpu.memory_space<hbm>> -> memref<128xf32, #tpu.memory_space<hbm>>
    %dma_wait3A_218 = arith.constant 0 : i32
    %dma_wait3A_219 = tpu.memref_slice %arg27[%add3A_213, %dma_wait3A_218] : memref<10240x128xf32, #tpu.memory_space<vmem_shared>> -> memref<1x128xf32, #tpu.memory_space<vmem_shared>>
    %dma_wait3A_220 = tpu.memref_squeeze %dma_wait3A_219 : memref<1x128xf32, #tpu.memory_space<vmem_shared>> -> memref<128xf32, #tpu.memory_space<vmem_shared>>
    tpu.wait_dma2 semaphore(%arg11 : memref<!tpu.dma_semaphore, #tpu.memory_space<semaphore_mem>>) src(%dma_wait3A_220 : memref<128xf32, #tpu.memory_space<vmem_shared>>) dst(%dma_wait3A_217 : memref<128xf32, #tpu.memory_space<hbm>>)
    %add3A_221 = arith.constant 625 : i32
    %add3A_222 = arith.addi %multiple_of3A, %add3A_221 : i32
    %mul3A_223 = arith.constant 128 : i32
    %mul3A_224 = arith.muli %add3A_222, %mul3A_223 : i32
    %add3A_225 = arith.addi %mul3A_62, %mul3A_224 : i32
    %dma_wait3A_226 = tpu.memref_slice %arg4[%add3A_225] : memref<2621440xf32, #tpu.memory_space<hbm>> -> memref<128xf32, #tpu.memory_space<hbm>>
    %dma_wait3A_227 = arith.constant 0 : i32
    %dma_wait3A_228 = tpu.memref_slice %arg27[%add3A_222, %dma_wait3A_227] : memref<10240x128xf32, #tpu.memory_space<vmem_shared>> -> memref<1x128xf32, #tpu.memory_space<vmem_shared>>
    %dma_wait3A_229 = tpu.memref_squeeze %dma_wait3A_228 : memref<1x128xf32, #tpu.memory_space<vmem_shared>> -> memref<128xf32, #tpu.memory_space<vmem_shared>>
    tpu.wait_dma2 semaphore(%arg12 : memref<!tpu.dma_semaphore, #tpu.memory_space<semaphore_mem>>) src(%dma_wait3A_229 : memref<128xf32, #tpu.memory_space<vmem_shared>>) dst(%dma_wait3A_226 : memref<128xf32, #tpu.memory_space<hbm>>)
    %add3A_230 = arith.constant 626 : i32
    %add3A_231 = arith.addi %multiple_of3A, %add3A_230 : i32
    %mul3A_232 = arith.constant 128 : i32
    %mul3A_233 = arith.muli %add3A_231, %mul3A_232 : i32
    %add3A_234 = arith.addi %mul3A_62, %mul3A_233 : i32
    %dma_wait3A_235 = tpu.memref_slice %arg4[%add3A_234] : memref<2621440xf32, #tpu.memory_space<hbm>> -> memref<128xf32, #tpu.memory_space<hbm>>
    %dma_wait3A_236 = arith.constant 0 : i32
    %dma_wait3A_237 = tpu.memref_slice %arg27[%add3A_231, %dma_wait3A_236] : memref<10240x128xf32, #tpu.memory_space<vmem_shared>> -> memref<1x128xf32, #tpu.memory_space<vmem_shared>>
    %dma_wait3A_238 = tpu.memref_squeeze %dma_wait3A_237 : memref<1x128xf32, #tpu.memory_space<vmem_shared>> -> memref<128xf32, #tpu.memory_space<vmem_shared>>
    tpu.wait_dma2 semaphore(%arg13 : memref<!tpu.dma_semaphore, #tpu.memory_space<semaphore_mem>>) src(%dma_wait3A_238 : memref<128xf32, #tpu.memory_space<vmem_shared>>) dst(%dma_wait3A_235 : memref<128xf32, #tpu.memory_space<hbm>>)
    %add3A_239 = arith.constant 627 : i32
    %add3A_240 = arith.addi %multiple_of3A, %add3A_239 : i32
    %mul3A_241 = arith.constant 128 : i32
    %mul3A_242 = arith.muli %add3A_240, %mul3A_241 : i32
    %add3A_243 = arith.addi %mul3A_62, %mul3A_242 : i32
    %dma_wait3A_244 = tpu.memref_slice %arg4[%add3A_243] : memref<2621440xf32, #tpu.memory_space<hbm>> -> memref<128xf32, #tpu.memory_space<hbm>>
    %dma_wait3A_245 = arith.constant 0 : i32
    %dma_wait3A_246 = tpu.memref_slice %arg27[%add3A_240, %dma_wait3A_245] : memref<10240x128xf32, #tpu.memory_space<vmem_shared>> -> memref<1x128xf32, #tpu.memory_space<vmem_shared>>
    %dma_wait3A_247 = tpu.memref_squeeze %dma_wait3A_246 : memref<1x128xf32, #tpu.memory_space<vmem_shared>> -> memref<128xf32, #tpu.memory_space<vmem_shared>>
    tpu.wait_dma2 semaphore(%arg14 : memref<!tpu.dma_semaphore, #tpu.memory_space<semaphore_mem>>) src(%dma_wait3A_247 : memref<128xf32, #tpu.memory_space<vmem_shared>>) dst(%dma_wait3A_244 : memref<128xf32, #tpu.memory_space<hbm>>)
    %add3A_248 = arith.constant 628 : i32
    %add3A_249 = arith.addi %multiple_of3A, %add3A_248 : i32
    %mul3A_250 = arith.constant 128 : i32
    %mul3A_251 = arith.muli %add3A_249, %mul3A_250 : i32
    %add3A_252 = arith.addi %mul3A_62, %mul3A_251 : i32
    %dma_wait3A_253 = tpu.memref_slice %arg4[%add3A_252] : memref<2621440xf32, #tpu.memory_space<hbm>> -> memref<128xf32, #tpu.memory_space<hbm>>
    %dma_wait3A_254 = arith.constant 0 : i32
    %dma_wait3A_255 = tpu.memref_slice %arg27[%add3A_249, %dma_wait3A_254] : memref<10240x128xf32, #tpu.memory_space<vmem_shared>> -> memref<1x128xf32, #tpu.memory_space<vmem_shared>>
    %dma_wait3A_256 = tpu.memref_squeeze %dma_wait3A_255 : memref<1x128xf32, #tpu.memory_space<vmem_shared>> -> memref<128xf32, #tpu.memory_space<vmem_shared>>
    tpu.wait_dma2 semaphore(%arg15 : memref<!tpu.dma_semaphore, #tpu.memory_space<semaphore_mem>>) src(%dma_wait3A_256 : memref<128xf32, #tpu.memory_space<vmem_shared>>) dst(%dma_wait3A_253 : memref<128xf32, #tpu.memory_space<hbm>>)
    %add3A_257 = arith.constant 629 : i32
    %add3A_258 = arith.addi %multiple_of3A, %add3A_257 : i32
    %mul3A_259 = arith.constant 128 : i32
    %mul3A_260 = arith.muli %add3A_258, %mul3A_259 : i32
    %add3A_261 = arith.addi %mul3A_62, %mul3A_260 : i32
    %dma_wait3A_262 = tpu.memref_slice %arg4[%add3A_261] : memref<2621440xf32, #tpu.memory_space<hbm>> -> memref<128xf32, #tpu.memory_space<hbm>>
    %dma_wait3A_263 = arith.constant 0 : i32
    %dma_wait3A_264 = tpu.memref_slice %arg27[%add3A_258, %dma_wait3A_263] : memref<10240x128xf32, #tpu.memory_space<vmem_shared>> -> memref<1x128xf32, #tpu.memory_space<vmem_shared>>
    %dma_wait3A_265 = tpu.memref_squeeze %dma_wait3A_264 : memref<1x128xf32, #tpu.memory_space<vmem_shared>> -> memref<128xf32, #tpu.memory_space<vmem_shared>>
    tpu.wait_dma2 semaphore(%arg16 : memref<!tpu.dma_semaphore, #tpu.memory_space<semaphore_mem>>) src(%dma_wait3A_265 : memref<128xf32, #tpu.memory_space<vmem_shared>>) dst(%dma_wait3A_262 : memref<128xf32, #tpu.memory_space<hbm>>)
    %add3A_266 = arith.constant 630 : i32
    %add3A_267 = arith.addi %multiple_of3A, %add3A_266 : i32
    %mul3A_268 = arith.constant 128 : i32
    %mul3A_269 = arith.muli %add3A_267, %mul3A_268 : i32
    %add3A_270 = arith.addi %mul3A_62, %mul3A_269 : i32
    %dma_wait3A_271 = tpu.memref_slice %arg4[%add3A_270] : memref<2621440xf32, #tpu.memory_space<hbm>> -> memref<128xf32, #tpu.memory_space<hbm>>
    %dma_wait3A_272 = arith.constant 0 : i32
    %dma_wait3A_273 = tpu.memref_slice %arg27[%add3A_267, %dma_wait3A_272] : memref<10240x128xf32, #tpu.memory_space<vmem_shared>> -> memref<1x128xf32, #tpu.memory_space<vmem_shared>>
    %dma_wait3A_274 = tpu.memref_squeeze %dma_wait3A_273 : memref<1x128xf32, #tpu.memory_space<vmem_shared>> -> memref<128xf32, #tpu.memory_space<vmem_shared>>
    tpu.wait_dma2 semaphore(%arg17 : memref<!tpu.dma_semaphore, #tpu.memory_space<semaphore_mem>>) src(%dma_wait3A_274 : memref<128xf32, #tpu.memory_space<vmem_shared>>) dst(%dma_wait3A_271 : memref<128xf32, #tpu.memory_space<hbm>>)
    %add3A_275 = arith.constant 631 : i32
    %add3A_276 = arith.addi %multiple_of3A, %add3A_275 : i32
    %mul3A_277 = arith.constant 128 : i32
    %mul3A_278 = arith.muli %add3A_276, %mul3A_277 : i32
    %add3A_279 = arith.addi %mul3A_62, %mul3A_278 : i32
    %dma_wait3A_280 = tpu.memref_slice %arg4[%add3A_279] : memref<2621440xf32, #tpu.memory_space<hbm>> -> memref<128xf32, #tpu.memory_space<hbm>>
    %dma_wait3A_281 = arith.constant 0 : i32
    %dma_wait3A_282 = tpu.memref_slice %arg27[%add3A_276, %dma_wait3A_281] : memref<10240x128xf32, #tpu.memory_space<vmem_shared>> -> memref<1x128xf32, #tpu.memory_space<vmem_shared>>
    %dma_wait3A_283 = tpu.memref_squeeze %dma_wait3A_282 : memref<1x128xf32, #tpu.memory_space<vmem_shared>> -> memref<128xf32, #tpu.memory_space<vmem_shared>>
    tpu.wait_dma2 semaphore(%arg18 : memref<!tpu.dma_semaphore, #tpu.memory_space<semaphore_mem>>) src(%dma_wait3A_283 : memref<128xf32, #tpu.memory_space<vmem_shared>>) dst(%dma_wait3A_280 : memref<128xf32, #tpu.memory_space<hbm>>)
    %add3A_284 = arith.constant 632 : i32
    %add3A_285 = arith.addi %multiple_of3A, %add3A_284 : i32
    %mul3A_286 = arith.constant 128 : i32
    %mul3A_287 = arith.muli %add3A_285, %mul3A_286 : i32
    %add3A_288 = arith.addi %mul3A_62, %mul3A_287 : i32
    %dma_wait3A_289 = tpu.memref_slice %arg4[%add3A_288] : memref<2621440xf32, #tpu.memory_space<hbm>> -> memref<128xf32, #tpu.memory_space<hbm>>
    %dma_wait3A_290 = arith.constant 0 : i32
    %dma_wait3A_291 = tpu.memref_slice %arg27[%add3A_285, %dma_wait3A_290] : memref<10240x128xf32, #tpu.memory_space<vmem_shared>> -> memref<1x128xf32, #tpu.memory_space<vmem_shared>>
    %dma_wait3A_292 = tpu.memref_squeeze %dma_wait3A_291 : memref<1x128xf32, #tpu.memory_space<vmem_shared>> -> memref<128xf32, #tpu.memory_space<vmem_shared>>
    tpu.wait_dma2 semaphore(%arg19 : memref<!tpu.dma_semaphore, #tpu.memory_space<semaphore_mem>>) src(%dma_wait3A_292 : memref<128xf32, #tpu.memory_space<vmem_shared>>) dst(%dma_wait3A_289 : memref<128xf32, #tpu.memory_space<hbm>>)
    %add3A_293 = arith.constant 633 : i32
    %add3A_294 = arith.addi %multiple_of3A, %add3A_293 : i32
    %mul3A_295 = arith.constant 128 : i32
    %mul3A_296 = arith.muli %add3A_294, %mul3A_295 : i32
    %add3A_297 = arith.addi %mul3A_62, %mul3A_296 : i32
    %dma_wait3A_298 = tpu.memref_slice %arg4[%add3A_297] : memref<2621440xf32, #tpu.memory_space<hbm>> -> memref<128xf32, #tpu.memory_space<hbm>>
    %dma_wait3A_299 = arith.constant 0 : i32
    %dma_wait3A_300 = tpu.memref_slice %arg27[%add3A_294, %dma_wait3A_299] : memref<10240x128xf32, #tpu.memory_space<vmem_shared>> -> memref<1x128xf32, #tpu.memory_space<vmem_shared>>
    %dma_wait3A_301 = tpu.memref_squeeze %dma_wait3A_300 : memref<1x128xf32, #tpu.memory_space<vmem_shared>> -> memref<128xf32, #tpu.memory_space<vmem_shared>>
    tpu.wait_dma2 semaphore(%arg20 : memref<!tpu.dma_semaphore, #tpu.memory_space<semaphore_mem>>) src(%dma_wait3A_301 : memref<128xf32, #tpu.memory_space<vmem_shared>>) dst(%dma_wait3A_298 : memref<128xf32, #tpu.memory_space<hbm>>)
    %add3A_302 = arith.constant 634 : i32
    %add3A_303 = arith.addi %multiple_of3A, %add3A_302 : i32
    %mul3A_304 = arith.constant 128 : i32
    %mul3A_305 = arith.muli %add3A_303, %mul3A_304 : i32
    %add3A_306 = arith.addi %mul3A_62, %mul3A_305 : i32
    %dma_wait3A_307 = tpu.memref_slice %arg4[%add3A_306] : memref<2621440xf32, #tpu.memory_space<hbm>> -> memref<128xf32, #tpu.memory_space<hbm>>
    %dma_wait3A_308 = arith.constant 0 : i32
    %dma_wait3A_309 = tpu.memref_slice %arg27[%add3A_303, %dma_wait3A_308] : memref<10240x128xf32, #tpu.memory_space<vmem_shared>> -> memref<1x128xf32, #tpu.memory_space<vmem_shared>>
    %dma_wait3A_310 = tpu.memref_squeeze %dma_wait3A_309 : memref<1x128xf32, #tpu.memory_space<vmem_shared>> -> memref<128xf32, #tpu.memory_space<vmem_shared>>
    tpu.wait_dma2 semaphore(%arg21 : memref<!tpu.dma_semaphore, #tpu.memory_space<semaphore_mem>>) src(%dma_wait3A_310 : memref<128xf32, #tpu.memory_space<vmem_shared>>) dst(%dma_wait3A_307 : memref<128xf32, #tpu.memory_space<hbm>>)
    %add3A_311 = arith.constant 635 : i32
    %add3A_312 = arith.addi %multiple_of3A, %add3A_311 : i32
    %mul3A_313 = arith.constant 128 : i32
    %mul3A_314 = arith.muli %add3A_312, %mul3A_313 : i32
    %add3A_315 = arith.addi %mul3A_62, %mul3A_314 : i32
    %dma_wait3A_316 = tpu.memref_slice %arg4[%add3A_315] : memref<2621440xf32, #tpu.memory_space<hbm>> -> memref<128xf32, #tpu.memory_space<hbm>>
    %dma_wait3A_317 = arith.constant 0 : i32
    %dma_wait3A_318 = tpu.memref_slice %arg27[%add3A_312, %dma_wait3A_317] : memref<10240x128xf32, #tpu.memory_space<vmem_shared>> -> memref<1x128xf32, #tpu.memory_space<vmem_shared>>
    %dma_wait3A_319 = tpu.memref_squeeze %dma_wait3A_318 : memref<1x128xf32, #tpu.memory_space<vmem_shared>> -> memref<128xf32, #tpu.memory_space<vmem_shared>>
    tpu.wait_dma2 semaphore(%arg22 : memref<!tpu.dma_semaphore, #tpu.memory_space<semaphore_mem>>) src(%dma_wait3A_319 : memref<128xf32, #tpu.memory_space<vmem_shared>>) dst(%dma_wait3A_316 : memref<128xf32, #tpu.memory_space<hbm>>)
    %add3A_320 = arith.constant 636 : i32
    %add3A_321 = arith.addi %multiple_of3A, %add3A_320 : i32
    %mul3A_322 = arith.constant 128 : i32
    %mul3A_323 = arith.muli %add3A_321, %mul3A_322 : i32
    %add3A_324 = arith.addi %mul3A_62, %mul3A_323 : i32
    %dma_wait3A_325 = tpu.memref_slice %arg4[%add3A_324] : memref<2621440xf32, #tpu.memory_space<hbm>> -> memref<128xf32, #tpu.memory_space<hbm>>
    %dma_wait3A_326 = arith.constant 0 : i32
    %dma_wait3A_327 = tpu.memref_slice %arg27[%add3A_321, %dma_wait3A_326] : memref<10240x128xf32, #tpu.memory_space<vmem_shared>> -> memref<1x128xf32, #tpu.memory_space<vmem_shared>>
    %dma_wait3A_328 = tpu.memref_squeeze %dma_wait3A_327 : memref<1x128xf32, #tpu.memory_space<vmem_shared>> -> memref<128xf32, #tpu.memory_space<vmem_shared>>
    tpu.wait_dma2 semaphore(%arg23 : memref<!tpu.dma_semaphore, #tpu.memory_space<semaphore_mem>>) src(%dma_wait3A_328 : memref<128xf32, #tpu.memory_space<vmem_shared>>) dst(%dma_wait3A_325 : memref<128xf32, #tpu.memory_space<hbm>>)
    %add3A_329 = arith.constant 637 : i32
    %add3A_330 = arith.addi %multiple_of3A, %add3A_329 : i32
    %mul3A_331 = arith.constant 128 : i32
    %mul3A_332 = arith.muli %add3A_330, %mul3A_331 : i32
    %add3A_333 = arith.addi %mul3A_62, %mul3A_332 : i32
    %dma_wait3A_334 = tpu.memref_slice %arg4[%add3A_333] : memref<2621440xf32, #tpu.memory_space<hbm>> -> memref<128xf32, #tpu.memory_space<hbm>>
    %dma_wait3A_335 = arith.constant 0 : i32
    %dma_wait3A_336 = tpu.memref_slice %arg27[%add3A_330, %dma_wait3A_335] : memref<10240x128xf32, #tpu.memory_space<vmem_shared>> -> memref<1x128xf32, #tpu.memory_space<vmem_shared>>
    %dma_wait3A_337 = tpu.memref_squeeze %dma_wait3A_336 : memref<1x128xf32, #tpu.memory_space<vmem_shared>> -> memref<128xf32, #tpu.memory_space<vmem_shared>>
    tpu.wait_dma2 semaphore(%arg24 : memref<!tpu.dma_semaphore, #tpu.memory_space<semaphore_mem>>) src(%dma_wait3A_337 : memref<128xf32, #tpu.memory_space<vmem_shared>>) dst(%dma_wait3A_334 : memref<128xf32, #tpu.memory_space<hbm>>)
    %add3A_338 = arith.constant 638 : i32
    %add3A_339 = arith.addi %multiple_of3A, %add3A_338 : i32
    %mul3A_340 = arith.constant 128 : i32
    %mul3A_341 = arith.muli %add3A_339, %mul3A_340 : i32
    %add3A_342 = arith.addi %mul3A_62, %mul3A_341 : i32
    %dma_wait3A_343 = tpu.memref_slice %arg4[%add3A_342] : memref<2621440xf32, #tpu.memory_space<hbm>> -> memref<128xf32, #tpu.memory_space<hbm>>
    %dma_wait3A_344 = arith.constant 0 : i32
    %dma_wait3A_345 = tpu.memref_slice %arg27[%add3A_339, %dma_wait3A_344] : memref<10240x128xf32, #tpu.memory_space<vmem_shared>> -> memref<1x128xf32, #tpu.memory_space<vmem_shared>>
    %dma_wait3A_346 = tpu.memref_squeeze %dma_wait3A_345 : memref<1x128xf32, #tpu.memory_space<vmem_shared>> -> memref<128xf32, #tpu.memory_space<vmem_shared>>
    tpu.wait_dma2 semaphore(%arg25 : memref<!tpu.dma_semaphore, #tpu.memory_space<semaphore_mem>>) src(%dma_wait3A_346 : memref<128xf32, #tpu.memory_space<vmem_shared>>) dst(%dma_wait3A_343 : memref<128xf32, #tpu.memory_space<hbm>>)
    %add3A_347 = arith.constant 639 : i32
    %add3A_348 = arith.addi %multiple_of3A, %add3A_347 : i32
    %mul3A_349 = arith.constant 128 : i32
    %mul3A_350 = arith.muli %add3A_348, %mul3A_349 : i32
    %add3A_351 = arith.addi %mul3A_62, %mul3A_350 : i32
    %dma_wait3A_352 = tpu.memref_slice %arg4[%add3A_351] : memref<2621440xf32, #tpu.memory_space<hbm>> -> memref<128xf32, #tpu.memory_space<hbm>>
    %dma_wait3A_353 = arith.constant 0 : i32
    %dma_wait3A_354 = tpu.memref_slice %arg27[%add3A_348, %dma_wait3A_353] : memref<10240x128xf32, #tpu.memory_space<vmem_shared>> -> memref<1x128xf32, #tpu.memory_space<vmem_shared>>
    %dma_wait3A_355 = tpu.memref_squeeze %dma_wait3A_354 : memref<1x128xf32, #tpu.memory_space<vmem_shared>> -> memref<128xf32, #tpu.memory_space<vmem_shared>>
    tpu.wait_dma2 semaphore(%arg26 : memref<!tpu.dma_semaphore, #tpu.memory_space<semaphore_mem>>) src(%dma_wait3A_355 : memref<128xf32, #tpu.memory_space<vmem_shared>>) dst(%dma_wait3A_352 : memref<128xf32, #tpu.memory_space<hbm>>)
    return
  }
}

#map = affine_map<(d0, d1) -> (0)>
#map1 = affine_map<(d0, d1) -> (0, 0)>
module attributes {stable_mosaic.version = 14 : i64} {
  func.func @_agg_body(%arg0: i32, %arg1: i32, %arg2: memref<655360xi32, #tpu.memory_space<hbm>>, %arg3: memref<10000x128xf32, #tpu.memory_space<hbm>>, %arg4: memref<2621440xf32, #tpu.memory_space<hbm>>, %arg5: memref<10240xi32, #tpu.memory_space<vmem>>, %arg6: memref<10240xi32, #tpu.memory_space<vmem>>, %arg7: memref<80x128xf32, #tpu.memory_space<vmem>>, %arg8: memref<80x128xf32, #tpu.memory_space<vmem>>, %arg9: memref<!tpu.dma_semaphore, #tpu.memory_space<semaphore_mem>>, %arg10: memref<!tpu.dma_semaphore, #tpu.memory_space<semaphore_mem>>, %arg11: memref<!tpu.dma_semaphore, #tpu.memory_space<semaphore_mem>>, %arg12: memref<!tpu.dma_semaphore, #tpu.memory_space<semaphore_mem>>, %arg13: memref<!tpu.dma_semaphore, #tpu.memory_space<semaphore_mem>>, %arg14: memref<!tpu.dma_semaphore, #tpu.memory_space<semaphore_mem>>, %arg15: memref<!tpu.dma_semaphore, #tpu.memory_space<semaphore_mem>>, %arg16: memref<!tpu.dma_semaphore, #tpu.memory_space<semaphore_mem>>, %arg17: memref<!tpu.dma_semaphore, #tpu.memory_space<semaphore_mem>>, %arg18: memref<!tpu.dma_semaphore, #tpu.memory_space<semaphore_mem>>, %arg19: memref<!tpu.dma_semaphore, #tpu.memory_space<semaphore_mem>>, %arg20: memref<!tpu.dma_semaphore, #tpu.memory_space<semaphore_mem>>, %arg21: memref<!tpu.dma_semaphore, #tpu.memory_space<semaphore_mem>>, %arg22: memref<!tpu.dma_semaphore, #tpu.memory_space<semaphore_mem>>, %arg23: memref<!tpu.dma_semaphore, #tpu.memory_space<semaphore_mem>>, %arg24: memref<!tpu.dma_semaphore, #tpu.memory_space<semaphore_mem>>, %arg25: memref<!tpu.dma_semaphore, #tpu.memory_space<semaphore_mem>>, %arg26: memref<!tpu.dma_semaphore, #tpu.memory_space<semaphore_mem>>, %arg27: memref<10240x128xf32, #tpu.memory_space<vmem_shared>>) attributes {dimension_semantics = [#tpu.dimension_semantics<core_parallel>, #tpu.dimension_semantics<subcore_parallel>], iteration_bounds = array<i64: 2, 16>, scalar_prefetch = 0 : i64, scratch_operands = 23 : i64, tpu.core_type = #tpu.core_type<sc_vector_subcore>, window_params = [{transform_indices = #map}, {transform_indices = #map1}, {transform_indices = #map}]} {
    %mul3A = arith.constant 640 : i32
    %mul3A_0 = arith.muli %arg1, %mul3A : i32
    %multiple_of3A = tpu.assume_multiple %mul3A_0, 8 : i32
    %scan3A = arith.constant 0 : i32
    %scan3A_1 = arith.constant 80 : i32
    %scan3A_2 = arith.addi %scan3A, %scan3A_1 : i32
    %scan3A_3 = arith.constant 1 : i32
    scf.for %scan3A_356 = %scan3A to %scan3A_2 step %scan3A_3  : i32 {
      %mul3A_357 = arith.constant 1 : i32
      %mul3A_358 = arith.muli %scan3A_356, %mul3A_357 : i32
      %add3A_359 = arith.constant 0 : i32
      %add3A_360 = arith.addi %add3A_359, %mul3A_358 : i32
      %broadcast_in_dim3A = arith.constant 0.000000e+00 : f32
      %broadcast_in_dim3A_361 = vector.broadcast %broadcast_in_dim3A : f32 to vector<16xf32>
      %swap3A = arith.index_cast %add3A_360 : i32 to index
      %swap3A_362 = arith.constant 0 : index
      %swap3A_363 = tpu.vector_load %arg7[%swap3A, %swap3A_362] {strides = array<i32>} : memref<80x128xf32, #tpu.memory_space<vmem>>, vector<1x16xf32>,
      %swap3A_364 = vector.shape_cast %swap3A_363 : vector<1x16xf32> to vector<16xf32>
      %swap3A_365 = vector.shape_cast %broadcast_in_dim3A_361 : vector<16xf32> to vector<1x16xf32>
      tpu.vector_store %arg7[%swap3A, %swap3A_362], %swap3A_365 {strides = array<i32>} : memref<80x128xf32, #tpu.memory_space<vmem>>, vector<1x16xf32>,
      %broadcast_in_dim3A_366 = arith.constant 0.000000e+00 : f32
      %broadcast_in_dim3A_367 = vector.broadcast %broadcast_in_dim3A_366 : f32 to vector<16xf32>
      %swap3A_368 = arith.index_cast %add3A_360 : i32 to index
      %swap3A_369 = arith.constant 16 : index
      %swap3A_370 = tpu.vector_load %arg7[%swap3A_368, %swap3A_369] {strides = array<i32>} : memref<80x128xf32, #tpu.memory_space<vmem>>, vector<1x16xf32>,
      %swap3A_371 = vector.shape_cast %swap3A_370 : vector<1x16xf32> to vector<16xf32>
      %swap3A_372 = vector.shape_cast %broadcast_in_dim3A_367 : vector<16xf32> to vector<1x16xf32>
      tpu.vector_store %arg7[%swap3A_368, %swap3A_369], %swap3A_372 {strides = array<i32>} : memref<80x128xf32, #tpu.memory_space<vmem>>, vector<1x16xf32>,
      %broadcast_in_dim3A_373 = arith.constant 0.000000e+00 : f32
      %broadcast_in_dim3A_374 = vector.broadcast %broadcast_in_dim3A_373 : f32 to vector<16xf32>
      %swap3A_375 = arith.index_cast %add3A_360 : i32 to index
      %swap3A_376 = arith.constant 32 : index
      %swap3A_377 = tpu.vector_load %arg7[%swap3A_375, %swap3A_376] {strides = array<i32>} : memref<80x128xf32, #tpu.memory_space<vmem>>, vector<1x16xf32>,
      %swap3A_378 = vector.shape_cast %swap3A_377 : vector<1x16xf32> to vector<16xf32>
      %swap3A_379 = vector.shape_cast %broadcast_in_dim3A_374 : vector<16xf32> to vector<1x16xf32>
      tpu.vector_store %arg7[%swap3A_375, %swap3A_376], %swap3A_379 {strides = array<i32>} : memref<80x128xf32, #tpu.memory_space<vmem>>, vector<1x16xf32>,
      %broadcast_in_dim3A_380 = arith.constant 0.000000e+00 : f32
      %broadcast_in_dim3A_381 = vector.broadcast %broadcast_in_dim3A_380 : f32 to vector<16xf32>
      %swap3A_382 = arith.index_cast %add3A_360 : i32 to index
      %swap3A_383 = arith.constant 48 : index
      %swap3A_384 = tpu.vector_load %arg7[%swap3A_382, %swap3A_383] {strides = array<i32>} : memref<80x128xf32, #tpu.memory_space<vmem>>, vector<1x16xf32>,
      %swap3A_385 = vector.shape_cast %swap3A_384 : vector<1x16xf32> to vector<16xf32>
      %swap3A_386 = vector.shape_cast %broadcast_in_dim3A_381 : vector<16xf32> to vector<1x16xf32>
      tpu.vector_store %arg7[%swap3A_382, %swap3A_383], %swap3A_386 {strides = array<i32>} : memref<80x128xf32, #tpu.memory_space<vmem>>, vector<1x16xf32>,
      %broadcast_in_dim3A_387 = arith.constant 0.000000e+00 : f32
      %broadcast_in_dim3A_388 = vector.broadcast %broadcast_in_dim3A_387 : f32 to vector<16xf32>
      %swap3A_389 = arith.index_cast %add3A_360 : i32 to index
      %swap3A_390 = arith.constant 64 : index
      %swap3A_391 = tpu.vector_load %arg7[%swap3A_389, %swap3A_390] {strides = array<i32>} : memref<80x128xf32, #tpu.memory_space<vmem>>, vector<1x16xf32>,
      %swap3A_392 = vector.shape_cast %swap3A_391 : vector<1x16xf32> to vector<16xf32>
      %swap3A_393 = vector.shape_cast %broadcast_in_dim3A_388 : vector<16xf32> to vector<1x16xf32>
      tpu.vector_store %arg7[%swap3A_389, %swap3A_390], %swap3A_393 {strides = array<i32>} : memref<80x128xf32, #tpu.memory_space<vmem>>, vector<1x16xf32>,
      %broadcast_in_dim3A_394 = arith.constant 0.000000e+00 : f32
      %broadcast_in_dim3A_395 = vector.broadcast %broadcast_in_dim3A_394 : f32 to vector<16xf32>
      %swap3A_396 = arith.index_cast %add3A_360 : i32 to index
      %swap3A_397 = arith.constant 80 : index
      %swap3A_398 = tpu.vector_load %arg7[%swap3A_396, %swap3A_397] {strides = array<i32>} : memref<80x128xf32, #tpu.memory_space<vmem>>, vector<1x16xf32>,
      %swap3A_399 = vector.shape_cast %swap3A_398 : vector<1x16xf32> to vector<16xf32>
      %swap3A_400 = vector.shape_cast %broadcast_in_dim3A_395 : vector<16xf32> to vector<1x16xf32>
      tpu.vector_store %arg7[%swap3A_396, %swap3A_397], %swap3A_400 {strides = array<i32>} : memref<80x128xf32, #tpu.memory_space<vmem>>, vector<1x16xf32>,
      %broadcast_in_dim3A_401 = arith.constant 0.000000e+00 : f32
      %broadcast_in_dim3A_402 = vector.broadcast %broadcast_in_dim3A_401 : f32 to vector<16xf32>
      %swap3A_403 = arith.index_cast %add3A_360 : i32 to index
      %swap3A_404 = arith.constant 96 : index
      %swap3A_405 = tpu.vector_load %arg7[%swap3A_403, %swap3A_404] {strides = array<i32>} : memref<80x128xf32, #tpu.memory_space<vmem>>, vector<1x16xf32>,
      %swap3A_406 = vector.shape_cast %swap3A_405 : vector<1x16xf32> to vector<16xf32>
      %swap3A_407 = vector.shape_cast %broadcast_in_dim3A_402 : vector<16xf32> to vector<1x16xf32>
      tpu.vector_store %arg7[%swap3A_403, %swap3A_404], %swap3A_407 {strides = array<i32>} : memref<80x128xf32, #tpu.memory_space<vmem>>, vector<1x16xf32>,
      %broadcast_in_dim3A_408 = arith.constant 0.000000e+00 : f32
      %broadcast_in_dim3A_409 = vector.broadcast %broadcast_in_dim3A_408 : f32 to vector<16xf32>
      %swap3A_410 = arith.index_cast %add3A_360 : i32 to index
      %swap3A_411 = arith.constant 112 : index
      %swap3A_412 = tpu.vector_load %arg7[%swap3A_410, %swap3A_411] {strides = array<i32>} : memref<80x128xf32, #tpu.memory_space<vmem>>, vector<1x16xf32>,
      %swap3A_413 = vector.shape_cast %swap3A_412 : vector<1x16xf32> to vector<16xf32>
      %swap3A_414 = vector.shape_cast %broadcast_in_dim3A_409 : vector<16xf32> to vector<1x16xf32>
      tpu.vector_store %arg7[%swap3A_410, %swap3A_411], %swap3A_414 {strides = array<i32>} : memref<80x128xf32, #tpu.memory_space<vmem>>, vector<1x16xf32>,
    }
    %scan3A_4 = arith.constant 80 : i32
    %add3A = arith.constant 0 : i32
    %add3A_5 = arith.addi %multiple_of3A, %add3A : i32
    "tpu.region"() ({
      %run_scoped3A = tpu.sem_alloc : memref<!tpu.dma_semaphore, #tpu.memory_space<semaphore_mem>>
      %dma_start3A_356 = arith.constant 0 : i32
      %dma_start3A_357 = tpu.memref_slice %arg27[%add3A_5, %dma_start3A_356] : memref<10240x128xf32, #tpu.memory_space<vmem_shared>> -> memref<80x128xf32, #tpu.memory_space<vmem_shared>>
      %dma_start3A_358 = arith.constant 0 : i32
      %dma_start3A_359 = tpu.memref_slice %arg27[%add3A_5, %dma_start3A_358] : memref<10240x128xf32, #tpu.memory_space<vmem_shared>> -> memref<80x128xf32, #tpu.memory_space<vmem_shared>>
      tpu.enqueue_dma source(%arg7 : memref<80x128xf32, #tpu.memory_space<vmem>>) target(%dma_start3A_359 : memref<80x128xf32, #tpu.memory_space<vmem_shared>>) target_semaphore(%run_scoped3A : memref<!tpu.dma_semaphore, #tpu.memory_space<semaphore_mem>>)
      %dma_wait3A_360 = arith.constant 0 : i32
      %dma_wait3A_361 = tpu.memref_slice %arg27[%add3A_5, %dma_wait3A_360] : memref<10240x128xf32, #tpu.memory_space<vmem_shared>> -> memref<80x128xf32, #tpu.memory_space<vmem_shared>>
      %dma_wait3A_362 = arith.constant 0 : i32
      %dma_wait3A_363 = tpu.memref_slice %arg27[%add3A_5, %dma_wait3A_362] : memref<10240x128xf32, #tpu.memory_space<vmem_shared>> -> memref<80x128xf32, #tpu.memory_space<vmem_shared>>
      tpu.wait_dma2 semaphore(%run_scoped3A : memref<!tpu.dma_semaphore, #tpu.memory_space<semaphore_mem>>) src(%arg7 : memref<80x128xf32, #tpu.memory_space<vmem>>) dst(%dma_wait3A_363 : memref<80x128xf32, #tpu.memory_space<vmem_shared>>)
      tpu.yield
    }) : () -> ()
    %add3A_6 = arith.constant 80 : i32
    %add3A_7 = arith.addi %multiple_of3A, %add3A_6 : i32
    "tpu.region"() ({
      %run_scoped3A = tpu.sem_alloc : memref<!tpu.dma_semaphore, #tpu.memory_space<semaphore_mem>>
      %dma_start3A_356 = arith.constant 0 : i32
      %dma_start3A_357 = tpu.memref_slice %arg27[%add3A_7, %dma_start3A_356] : memref<10240x128xf32, #tpu.memory_space<vmem_shared>> -> memref<80x128xf32, #tpu.memory_space<vmem_shared>>
      %dma_start3A_358 = arith.constant 0 : i32
      %dma_start3A_359 = tpu.memref_slice %arg27[%add3A_7, %dma_start3A_358] : memref<10240x128xf32, #tpu.memory_space<vmem_shared>> -> memref<80x128xf32, #tpu.memory_space<vmem_shared>>
      tpu.enqueue_dma source(%arg7 : memref<80x128xf32, #tpu.memory_space<vmem>>) target(%dma_start3A_359 : memref<80x128xf32, #tpu.memory_space<vmem_shared>>) target_semaphore(%run_scoped3A : memref<!tpu.dma_semaphore, #tpu.memory_space<semaphore_mem>>)
      %dma_wait3A_360 = arith.constant 0 : i32
      %dma_wait3A_361 = tpu.memref_slice %arg27[%add3A_7, %dma_wait3A_360] : memref<10240x128xf32, #tpu.memory_space<vmem_shared>> -> memref<80x128xf32, #tpu.memory_space<vmem_shared>>
      %dma_wait3A_362 = arith.constant 0 : i32
      %dma_wait3A_363 = tpu.memref_slice %arg27[%add3A_7, %dma_wait3A_362] : memref<10240x128xf32, #tpu.memory_space<vmem_shared>> -> memref<80x128xf32, #tpu.memory_space<vmem_shared>>
      tpu.wait_dma2 semaphore(%run_scoped3A : memref<!tpu.dma_semaphore, #tpu.memory_space<semaphore_mem>>) src(%arg7 : memref<80x128xf32, #tpu.memory_space<vmem>>) dst(%dma_wait3A_363 : memref<80x128xf32, #tpu.memory_space<vmem_shared>>)
      tpu.yield
    }) : () -> ()
    %add3A_8 = arith.constant 160 : i32
    %add3A_9 = arith.addi %multiple_of3A, %add3A_8 : i32
    "tpu.region"() ({
      %run_scoped3A = tpu.sem_alloc : memref<!tpu.dma_semaphore, #tpu.memory_space<semaphore_mem>>
      %dma_start3A_356 = arith.constant 0 : i32
      %dma_start3A_357 = tpu.memref_slice %arg27[%add3A_9, %dma_start3A_356] : memref<10240x128xf32, #tpu.memory_space<vmem_shared>> -> memref<80x128xf32, #tpu.memory_space<vmem_shared>>
      %dma_start3A_358 = arith.constant 0 : i32
      %dma_start3A_359 = tpu.memref_slice %arg27[%add3A_9, %dma_start3A_358] : memref<10240x128xf32, #tpu.memory_space<vmem_shared>> -> memref<80x128xf32, #tpu.memory_space<vmem_shared>>
      tpu.enqueue_dma source(%arg7 : memref<80x128xf32, #tpu.memory_space<vmem>>) target(%dma_start3A_359 : memref<80x128xf32, #tpu.memory_space<vmem_shared>>) target_semaphore(%run_scoped3A : memref<!tpu.dma_semaphore, #tpu.memory_space<semaphore_mem>>)
      %dma_wait3A_360 = arith.constant 0 : i32
      %dma_wait3A_361 = tpu.memref_slice %arg27[%add3A_9, %dma_wait3A_360] : memref<10240x128xf32, #tpu.memory_space<vmem_shared>> -> memref<80x128xf32, #tpu.memory_space<vmem_shared>>
      %dma_wait3A_362 = arith.constant 0 : i32
      %dma_wait3A_363 = tpu.memref_slice %arg27[%add3A_9, %dma_wait3A_362] : memref<10240x128xf32, #tpu.memory_space<vmem_shared>> -> memref<80x128xf32, #tpu.memory_space<vmem_shared>>
      tpu.wait_dma2 semaphore(%run_scoped3A : memref<!tpu.dma_semaphore, #tpu.memory_space<semaphore_mem>>) src(%arg7 : memref<80x128xf32, #tpu.memory_space<vmem>>) dst(%dma_wait3A_363 : memref<80x128xf32, #tpu.memory_space<vmem_shared>>)
      tpu.yield
    }) : () -> ()
    %add3A_10 = arith.constant 240 : i32
    %add3A_11 = arith.addi %multiple_of3A, %add3A_10 : i32
    "tpu.region"() ({
      %run_scoped3A = tpu.sem_alloc : memref<!tpu.dma_semaphore, #tpu.memory_space<semaphore_mem>>
      %dma_start3A_356 = arith.constant 0 : i32
      %dma_start3A_357 = tpu.memref_slice %arg27[%add3A_11, %dma_start3A_356] : memref<10240x128xf32, #tpu.memory_space<vmem_shared>> -> memref<80x128xf32, #tpu.memory_space<vmem_shared>>
      %dma_start3A_358 = arith.constant 0 : i32
      %dma_start3A_359 = tpu.memref_slice %arg27[%add3A_11, %dma_start3A_358] : memref<10240x128xf32, #tpu.memory_space<vmem_shared>> -> memref<80x128xf32, #tpu.memory_space<vmem_shared>>
      tpu.enqueue_dma source(%arg7 : memref<80x128xf32, #tpu.memory_space<vmem>>) target(%dma_start3A_359 : memref<80x128xf32, #tpu.memory_space<vmem_shared>>) target_semaphore(%run_scoped3A : memref<!tpu.dma_semaphore, #tpu.memory_space<semaphore_mem>>)
      %dma_wait3A_360 = arith.constant 0 : i32
      %dma_wait3A_361 = tpu.memref_slice %arg27[%add3A_11, %dma_wait3A_360] : memref<10240x128xf32, #tpu.memory_space<vmem_shared>> -> memref<80x128xf32, #tpu.memory_space<vmem_shared>>
      %dma_wait3A_362 = arith.constant 0 : i32
      %dma_wait3A_363 = tpu.memref_slice %arg27[%add3A_11, %dma_wait3A_362] : memref<10240x128xf32, #tpu.memory_space<vmem_shared>> -> memref<80x128xf32, #tpu.memory_space<vmem_shared>>
      tpu.wait_dma2 semaphore(%run_scoped3A : memref<!tpu.dma_semaphore, #tpu.memory_space<semaphore_mem>>) src(%arg7 : memref<80x128xf32, #tpu.memory_space<vmem>>) dst(%dma_wait3A_363 : memref<80x128xf32, #tpu.memory_space<vmem_shared>>)
      tpu.yield
    }) : () -> ()
    %add3A_12 = arith.constant 320 : i32
    %add3A_13 = arith.addi %multiple_of3A, %add3A_12 : i32
    "tpu.region"() ({
      %run_scoped3A = tpu.sem_alloc : memref<!tpu.dma_semaphore, #tpu.memory_space<semaphore_mem>>
      %dma_start3A_356 = arith.constant 0 : i32
      %dma_start3A_357 = tpu.memref_slice %arg27[%add3A_13, %dma_start3A_356] : memref<10240x128xf32, #tpu.memory_space<vmem_shared>> -> memref<80x128xf32, #tpu.memory_space<vmem_shared>>
      %dma_start3A_358 = arith.constant 0 : i32
      %dma_start3A_359 = tpu.memref_slice %arg27[%add3A_13, %dma_start3A_358] : memref<10240x128xf32, #tpu.memory_space<vmem_shared>> -> memref<80x128xf32, #tpu.memory_space<vmem_shared>>
      tpu.enqueue_dma source(%arg7 : memref<80x128xf32, #tpu.memory_space<vmem>>) target(%dma_start3A_359 : memref<80x128xf32, #tpu.memory_space<vmem_shared>>) target_semaphore(%run_scoped3A : memref<!tpu.dma_semaphore, #tpu.memory_space<semaphore_mem>>)
      %dma_wait3A_360 = arith.constant 0 : i32
      %dma_wait3A_361 = tpu.memref_slice %arg27[%add3A_13, %dma_wait3A_360] : memref<10240x128xf32, #tpu.memory_space<vmem_shared>> -> memref<80x128xf32, #tpu.memory_space<vmem_shared>>
      %dma_wait3A_362 = arith.constant 0 : i32
      %dma_wait3A_363 = tpu.memref_slice %arg27[%add3A_13, %dma_wait3A_362] : memref<10240x128xf32, #tpu.memory_space<vmem_shared>> -> memref<80x128xf32, #tpu.memory_space<vmem_shared>>
      tpu.wait_dma2 semaphore(%run_scoped3A : memref<!tpu.dma_semaphore, #tpu.memory_space<semaphore_mem>>) src(%arg7 : memref<80x128xf32, #tpu.memory_space<vmem>>) dst(%dma_wait3A_363 : memref<80x128xf32, #tpu.memory_space<vmem_shared>>)
      tpu.yield
    }) : () -> ()
    %add3A_14 = arith.constant 400 : i32
    %add3A_15 = arith.addi %multiple_of3A, %add3A_14 : i32
    "tpu.region"() ({
      %run_scoped3A = tpu.sem_alloc : memref<!tpu.dma_semaphore, #tpu.memory_space<semaphore_mem>>
      %dma_start3A_356 = arith.constant 0 : i32
      %dma_start3A_357 = tpu.memref_slice %arg27[%add3A_15, %dma_start3A_356] : memref<10240x128xf32, #tpu.memory_space<vmem_shared>> -> memref<80x128xf32, #tpu.memory_space<vmem_shared>>
      %dma_start3A_358 = arith.constant 0 : i32
      %dma_start3A_359 = tpu.memref_slice %arg27[%add3A_15, %dma_start3A_358] : memref<10240x128xf32, #tpu.memory_space<vmem_shared>> -> memref<80x128xf32, #tpu.memory_space<vmem_shared>>
      tpu.enqueue_dma source(%arg7 : memref<80x128xf32, #tpu.memory_space<vmem>>) target(%dma_start3A_359 : memref<80x128xf32, #tpu.memory_space<vmem_shared>>) target_semaphore(%run_scoped3A : memref<!tpu.dma_semaphore, #tpu.memory_space<semaphore_mem>>)
      %dma_wait3A_360 = arith.constant 0 : i32
      %dma_wait3A_361 = tpu.memref_slice %arg27[%add3A_15, %dma_wait3A_360] : memref<10240x128xf32, #tpu.memory_space<vmem_shared>> -> memref<80x128xf32, #tpu.memory_space<vmem_shared>>
      %dma_wait3A_362 = arith.constant 0 : i32
      %dma_wait3A_363 = tpu.memref_slice %arg27[%add3A_15, %dma_wait3A_362] : memref<10240x128xf32, #tpu.memory_space<vmem_shared>> -> memref<80x128xf32, #tpu.memory_space<vmem_shared>>
      tpu.wait_dma2 semaphore(%run_scoped3A : memref<!tpu.dma_semaphore, #tpu.memory_space<semaphore_mem>>) src(%arg7 : memref<80x128xf32, #tpu.memory_space<vmem>>) dst(%dma_wait3A_363 : memref<80x128xf32, #tpu.memory_space<vmem_shared>>)
      tpu.yield
    }) : () -> ()
    %add3A_16 = arith.constant 480 : i32
    %add3A_17 = arith.addi %multiple_of3A, %add3A_16 : i32
    "tpu.region"() ({
      %run_scoped3A = tpu.sem_alloc : memref<!tpu.dma_semaphore, #tpu.memory_space<semaphore_mem>>
      %dma_start3A_356 = arith.constant 0 : i32
      %dma_start3A_357 = tpu.memref_slice %arg27[%add3A_17, %dma_start3A_356] : memref<10240x128xf32, #tpu.memory_space<vmem_shared>> -> memref<80x128xf32, #tpu.memory_space<vmem_shared>>
      %dma_start3A_358 = arith.constant 0 : i32
      %dma_start3A_359 = tpu.memref_slice %arg27[%add3A_17, %dma_start3A_358] : memref<10240x128xf32, #tpu.memory_space<vmem_shared>> -> memref<80x128xf32, #tpu.memory_space<vmem_shared>>
      tpu.enqueue_dma source(%arg7 : memref<80x128xf32, #tpu.memory_space<vmem>>) target(%dma_start3A_359 : memref<80x128xf32, #tpu.memory_space<vmem_shared>>) target_semaphore(%run_scoped3A : memref<!tpu.dma_semaphore, #tpu.memory_space<semaphore_mem>>)
      %dma_wait3A_360 = arith.constant 0 : i32
      %dma_wait3A_361 = tpu.memref_slice %arg27[%add3A_17, %dma_wait3A_360] : memref<10240x128xf32, #tpu.memory_space<vmem_shared>> -> memref<80x128xf32, #tpu.memory_space<vmem_shared>>
      %dma_wait3A_362 = arith.constant 0 : i32
      %dma_wait3A_363 = tpu.memref_slice %arg27[%add3A_17, %dma_wait3A_362] : memref<10240x128xf32, #tpu.memory_space<vmem_shared>> -> memref<80x128xf32, #tpu.memory_space<vmem_shared>>
      tpu.wait_dma2 semaphore(%run_scoped3A : memref<!tpu.dma_semaphore, #tpu.memory_space<semaphore_mem>>) src(%arg7 : memref<80x128xf32, #tpu.memory_space<vmem>>) dst(%dma_wait3A_363 : memref<80x128xf32, #tpu.memory_space<vmem_shared>>)
      tpu.yield
    }) : () -> ()
    %add3A_18 = arith.constant 560 : i32
    %add3A_19 = arith.addi %multiple_of3A, %add3A_18 : i32
    "tpu.region"() ({
      %run_scoped3A = tpu.sem_alloc : memref<!tpu.dma_semaphore, #tpu.memory_space<semaphore_mem>>
      %dma_start3A_356 = arith.constant 0 : i32
      %dma_start3A_357 = tpu.memref_slice %arg27[%add3A_19, %dma_start3A_356] : memref<10240x128xf32, #tpu.memory_space<vmem_shared>> -> memref<80x128xf32, #tpu.memory_space<vmem_shared>>
      %dma_start3A_358 = arith.constant 0 : i32
      %dma_start3A_359 = tpu.memref_slice %arg27[%add3A_19, %dma_start3A_358] : memref<10240x128xf32, #tpu.memory_space<vmem_shared>> -> memref<80x128xf32, #tpu.memory_space<vmem_shared>>
      tpu.enqueue_dma source(%arg7 : memref<80x128xf32, #tpu.memory_space<vmem>>) target(%dma_start3A_359 : memref<80x128xf32, #tpu.memory_space<vmem_shared>>) target_semaphore(%run_scoped3A : memref<!tpu.dma_semaphore, #tpu.memory_space<semaphore_mem>>)
      %dma_wait3A_360 = arith.constant 0 : i32
      %dma_wait3A_361 = tpu.memref_slice %arg27[%add3A_19, %dma_wait3A_360] : memref<10240x128xf32, #tpu.memory_space<vmem_shared>> -> memref<80x128xf32, #tpu.memory_space<vmem_shared>>
      %dma_wait3A_362 = arith.constant 0 : i32
      %dma_wait3A_363 = tpu.memref_slice %arg27[%add3A_19, %dma_wait3A_362] : memref<10240x128xf32, #tpu.memory_space<vmem_shared>> -> memref<80x128xf32, #tpu.memory_space<vmem_shared>>
      tpu.wait_dma2 semaphore(%run_scoped3A : memref<!tpu.dma_semaphore, #tpu.memory_space<semaphore_mem>>) src(%arg7 : memref<80x128xf32, #tpu.memory_space<vmem>>) dst(%dma_wait3A_363 : memref<80x128xf32, #tpu.memory_space<vmem_shared>>)
      tpu.yield
    }) : () -> ()
    %mul3A_20 = arith.constant 2 : i32
    %mul3A_21 = arith.muli %arg1, %mul3A_20 : i32
    %add3A_22 = arith.addi %mul3A_21, %arg0 : i32
    %mul3A_23 = arith.constant 10240 : i32
    %mul3A_24 = arith.muli %add3A_22, %mul3A_23 : i32
    %multiple_of3A_25 = tpu.assume_multiple %mul3A_24, 8 : i32
    "tpu.region"() ({
      %run_scoped3A = tpu.sem_alloc : memref<!tpu.dma_semaphore, #tpu.memory_space<semaphore_mem>>
      %dma_start3A_356 = tpu.memref_slice %arg2[%multiple_of3A_25] : memref<655360xi32, #tpu.memory_space<hbm>> -> memref<10240xi32, #tpu.memory_space<hbm>>
      %dma_start3A_357 = tpu.memref_slice %arg2[%multiple_of3A_25] : memref<655360xi32, #tpu.memory_space<hbm>> -> memref<10240xi32, #tpu.memory_space<hbm>>
      tpu.enqueue_dma source(%dma_start3A_357 : memref<10240xi32, #tpu.memory_space<hbm>>) target(%arg5 : memref<10240xi32, #tpu.memory_space<vmem>>) target_semaphore(%run_scoped3A : memref<!tpu.dma_semaphore, #tpu.memory_space<semaphore_mem>>)
      %dma_wait3A_358 = tpu.memref_slice %arg2[%multiple_of3A_25] : memref<655360xi32, #tpu.memory_space<hbm>> -> memref<10240xi32, #tpu.memory_space<hbm>>
      %dma_wait3A_359 = tpu.memref_slice %arg2[%multiple_of3A_25] : memref<655360xi32, #tpu.memory_space<hbm>> -> memref<10240xi32, #tpu.memory_space<hbm>>
      tpu.wait_dma2 semaphore(%run_scoped3A : memref<!tpu.dma_semaphore, #tpu.memory_space<semaphore_mem>>) src(%dma_wait3A_359 : memref<10240xi32, #tpu.memory_space<hbm>>) dst(%arg5 : memref<10240xi32, #tpu.memory_space<vmem>>)
      tpu.yield
    }) : () -> ()
    %add3A_26 = arith.constant 327680 : i32
    %add3A_27 = arith.addi %add3A_26, %mul3A_24 : i32
    %multiple_of3A_28 = tpu.assume_multiple %add3A_27, 8 : i32
    "tpu.region"() ({
      %run_scoped3A = tpu.sem_alloc : memref<!tpu.dma_semaphore, #tpu.memory_space<semaphore_mem>>
      %dma_start3A_356 = tpu.memref_slice %arg2[%multiple_of3A_28] : memref<655360xi32, #tpu.memory_space<hbm>> -> memref<10240xi32, #tpu.memory_space<hbm>>
      %dma_start3A_357 = tpu.memref_slice %arg2[%multiple_of3A_28] : memref<655360xi32, #tpu.memory_space<hbm>> -> memref<10240xi32, #tpu.memory_space<hbm>>
      tpu.enqueue_dma source(%dma_start3A_357 : memref<10240xi32, #tpu.memory_space<hbm>>) target(%arg6 : memref<10240xi32, #tpu.memory_space<vmem>>) target_semaphore(%run_scoped3A : memref<!tpu.dma_semaphore, #tpu.memory_space<semaphore_mem>>)
      %dma_wait3A_358 = tpu.memref_slice %arg2[%multiple_of3A_28] : memref<655360xi32, #tpu.memory_space<hbm>> -> memref<10240xi32, #tpu.memory_space<hbm>>
      %dma_wait3A_359 = tpu.memref_slice %arg2[%multiple_of3A_28] : memref<655360xi32, #tpu.memory_space<hbm>> -> memref<10240xi32, #tpu.memory_space<hbm>>
      tpu.wait_dma2 semaphore(%run_scoped3A : memref<!tpu.dma_semaphore, #tpu.memory_space<semaphore_mem>>) src(%dma_wait3A_359 : memref<10240xi32, #tpu.memory_space<hbm>>) dst(%arg6 : memref<10240xi32, #tpu.memory_space<vmem>>)
      tpu.yield
    }) : () -> ()
    %barrier3A = arith.constant 0 : index
    tpu.barrier barrier_id(%barrier3A)
    %multiple_of3A_29 = arith.constant 0 : i32
    %multiple_of3A_30 = tpu.assume_multiple %multiple_of3A_29, 8 : i32
    %dma_start3A = tpu.memref_slice %arg5[%multiple_of3A_30] : memref<10240xi32, #tpu.memory_space<vmem>> -> memref<80xi32, #tpu.memory_space<vmem>>
    %dma_start3A_31 = arith.constant 0 : i32
    %dma_start3A_32 = arith.constant 0 : i32
    %dma_start3A_33 = tpu.memref_slice %arg3[%dma_start3A_31, %dma_start3A_32] : memref<10000x128xf32, #tpu.memory_space<hbm>> -> memref<10000x128xf32, #tpu.memory_space<hbm>>
    tpu.enqueue_indirect_dma source(%dma_start3A_33 : memref<10000x128xf32, #tpu.memory_space<hbm>>) target(%arg7 : memref<80x128xf32, #tpu.memory_space<vmem>>) offsets(%dma_start3A : memref<80xi32, #tpu.memory_space<vmem>>) semaphore(%arg9 : memref<!tpu.dma_semaphore, #tpu.memory_space<semaphore_mem>>)
    %multiple_of3A_34 = arith.constant 80 : i32
    %multiple_of3A_35 = tpu.assume_multiple %multiple_of3A_34, 8 : i32
    %dma_start3A_36 = tpu.memref_slice %arg5[%multiple_of3A_35] : memref<10240xi32, #tpu.memory_space<vmem>> -> memref<80xi32, #tpu.memory_space<vmem>>
    %dma_start3A_37 = arith.constant 0 : i32
    %dma_start3A_38 = arith.constant 0 : i32
    %dma_start3A_39 = tpu.memref_slice %arg3[%dma_start3A_37, %dma_start3A_38] : memref<10000x128xf32, #tpu.memory_space<hbm>> -> memref<10000x128xf32, #tpu.memory_space<hbm>>
    tpu.enqueue_indirect_dma source(%dma_start3A_39 : memref<10000x128xf32, #tpu.memory_space<hbm>>) target(%arg8 : memref<80x128xf32, #tpu.memory_space<vmem>>) offsets(%dma_start3A_36 : memref<80xi32, #tpu.memory_space<vmem>>) semaphore(%arg10 : memref<!tpu.dma_semaphore, #tpu.memory_space<semaphore_mem>>)
    %scan3A_40 = arith.constant 0 : i32
    %scan3A_41 = arith.constant 63 : i32
    %scan3A_42 = arith.addi %scan3A_40, %scan3A_41 : i32
    %scan3A_43 = arith.constant 1 : i32
    scf.for %scan3A_356 = %scan3A_40 to %scan3A_42 step %scan3A_43  : i32 {
      %mul3A_357 = arith.constant 1 : i32
      %mul3A_358 = arith.muli %scan3A_356, %mul3A_357 : i32
      %add3A_359 = arith.constant 0 : i32
      %add3A_360 = arith.addi %add3A_359, %mul3A_358 : i32
      %mul3A_361 = arith.constant 2 : i32
      %mul3A_362 = arith.muli %add3A_360, %mul3A_361 : i32
      %add3A_363 = arith.constant 0 : i32
      %add3A_364 = arith.addi %mul3A_362, %add3A_363 : i32
      %mul3A_365 = arith.constant 80 : i32
      %mul3A_366 = arith.muli %add3A_364, %mul3A_365 : i32
      %multiple_of3A_367 = tpu.assume_multiple %mul3A_366, 8 : i32
      %dma_wait3A_368 = tpu.memref_slice %arg5[%multiple_of3A_367] : memref<10240xi32, #tpu.memory_space<vmem>> -> memref<80xi32, #tpu.memory_space<vmem>>
      %dma_wait3A_369 = arith.constant 0 : i32
      %dma_wait3A_370 = arith.constant 0 : i32
      %dma_wait3A_371 = tpu.memref_slice %arg3[%dma_wait3A_369, %dma_wait3A_370] : memref<10000x128xf32, #tpu.memory_space<hbm>> -> memref<10000x128xf32, #tpu.memory_space<hbm>>
      tpu.wait_indirect_dma semaphore(%arg9 : memref<!tpu.dma_semaphore, #tpu.memory_space<semaphore_mem>>) src(%dma_wait3A_371 : memref<10000x128xf32, #tpu.memory_space<hbm>>) dst(%arg7 : memref<80x128xf32, #tpu.memory_space<vmem>>)
      %add3A_372 = arith.constant 0 : i32
      %add3A_373 = arith.addi %mul3A_362, %add3A_372 : i32
      %mul3A_374 = arith.constant 80 : i32
      %mul3A_375 = arith.muli %add3A_373, %mul3A_374 : i32
      %multiple_of3A_376 = tpu.assume_multiple %mul3A_375, 8 : i32
      "tpu.region"() ({
        %run_scoped3A = tpu.sem_alloc : memref<!tpu.dma_semaphore, #tpu.memory_space<semaphore_mem>>
        %dma_start3A_413 = tpu.memref_slice %arg6[%multiple_of3A_376] : memref<10240xi32, #tpu.memory_space<vmem>> -> memref<80xi32, #tpu.memory_space<vmem>>
        %dma_start3A_414 = arith.constant 0 : i32
        %dma_start3A_415 = arith.constant 0 : i32
        %dma_start3A_416 = tpu.memref_slice %arg27[%dma_start3A_414, %dma_start3A_415] : memref<10240x128xf32, #tpu.memory_space<vmem_shared>> -> memref<10240x128xf32, #tpu.memory_space<vmem_shared>>
        tpu.enqueue_indirect_dma source(%arg7 : memref<80x128xf32, #tpu.memory_space<vmem>>) target(%dma_start3A_416 : memref<10240x128xf32, #tpu.memory_space<vmem_shared>>) offsets(%dma_start3A_413 : memref<80xi32, #tpu.memory_space<vmem>>) semaphore(%run_scoped3A : memref<!tpu.dma_semaphore, #tpu.memory_space<semaphore_mem>>) {add = true}
        %dma_wait3A_417 = tpu.memref_slice %arg6[%multiple_of3A_376] : memref<10240xi32, #tpu.memory_space<vmem>> -> memref<80xi32, #tpu.memory_space<vmem>>
        %dma_wait3A_418 = arith.constant 0 : i32
        %dma_wait3A_419 = arith.constant 0 : i32
        %dma_wait3A_420 = tpu.memref_slice %arg27[%dma_wait3A_418, %dma_wait3A_419] : memref<10240x128xf32, #tpu.memory_space<vmem_shared>> -> memref<10240x128xf32, #tpu.memory_space<vmem_shared>>
        tpu.wait_indirect_dma semaphore(%run_scoped3A : memref<!tpu.dma_semaphore, #tpu.memory_space<semaphore_mem>>) src(%arg7 : memref<80x128xf32, #tpu.memory_space<vmem>>) dst(%dma_wait3A_420 : memref<10240x128xf32, #tpu.memory_space<vmem_shared>>)
        tpu.yield
      }) : () -> ()
      %add3A_377 = arith.constant 0 : i32
      %add3A_378 = arith.addi %mul3A_362, %add3A_377 : i32
      %add3A_379 = arith.constant 2 : i32
      %add3A_380 = arith.addi %add3A_378, %add3A_379 : i32
      %mul3A_381 = arith.constant 80 : i32
      %mul3A_382 = arith.muli %add3A_380, %mul3A_381 : i32
      %multiple_of3A_383 = tpu.assume_multiple %mul3A_382, 8 : i32
      %dma_start3A_384 = tpu.memref_slice %arg5[%multiple_of3A_383] : memref<10240xi32, #tpu.memory_space<vmem>> -> memref<80xi32, #tpu.memory_space<vmem>>
      %dma_start3A_385 = arith.constant 0 : i32
      %dma_start3A_386 = arith.constant 0 : i32
      %dma_start3A_387 = tpu.memref_slice %arg3[%dma_start3A_385, %dma_start3A_386] : memref<10000x128xf32, #tpu.memory_space<hbm>> -> memref<10000x128xf32, #tpu.memory_space<hbm>>
      tpu.enqueue_indirect_dma source(%dma_start3A_387 : memref<10000x128xf32, #tpu.memory_space<hbm>>) target(%arg7 : memref<80x128xf32, #tpu.memory_space<vmem>>) offsets(%dma_start3A_384 : memref<80xi32, #tpu.memory_space<vmem>>) semaphore(%arg9 : memref<!tpu.dma_semaphore, #tpu.memory_space<semaphore_mem>>)
      %add3A_388 = arith.constant 1 : i32
      %add3A_389 = arith.addi %mul3A_362, %add3A_388 : i32
      %mul3A_390 = arith.constant 80 : i32
      %mul3A_391 = arith.muli %add3A_389, %mul3A_390 : i32
      %multiple_of3A_392 = tpu.assume_multiple %mul3A_391, 8 : i32
      %dma_wait3A_393 = tpu.memref_slice %arg5[%multiple_of3A_392] : memref<10240xi32, #tpu.memory_space<vmem>> -> memref<80xi32, #tpu.memory_space<vmem>>
      %dma_wait3A_394 = arith.constant 0 : i32
      %dma_wait3A_395 = arith.constant 0 : i32
      %dma_wait3A_396 = tpu.memref_slice %arg3[%dma_wait3A_394, %dma_wait3A_395] : memref<10000x128xf32, #tpu.memory_space<hbm>> -> memref<10000x128xf32, #tpu.memory_space<hbm>>
      tpu.wait_indirect_dma semaphore(%arg10 : memref<!tpu.dma_semaphore, #tpu.memory_space<semaphore_mem>>) src(%dma_wait3A_396 : memref<10000x128xf32, #tpu.memory_space<hbm>>) dst(%arg8 : memref<80x128xf32, #tpu.memory_space<vmem>>)
      %add3A_397 = arith.constant 1 : i32
      %add3A_398 = arith.addi %mul3A_362, %add3A_397 : i32
      %mul3A_399 = arith.constant 80 : i32
      %mul3A_400 = arith.muli %add3A_398, %mul3A_399 : i32
      %multiple_of3A_401 = tpu.assume_multiple %mul3A_400, 8 : i32
      "tpu.region"() ({
        %run_scoped3A = tpu.sem_alloc : memref<!tpu.dma_semaphore, #tpu.memory_space<semaphore_mem>>
        %dma_start3A_413 = tpu.memref_slice %arg6[%multiple_of3A_401] : memref<10240xi32, #tpu.memory_space<vmem>> -> memref<80xi32, #tpu.memory_space<vmem>>
        %dma_start3A_414 = arith.constant 0 : i32
        %dma_start3A_415 = arith.constant 0 : i32
        %dma_start3A_416 = tpu.memref_slice %arg27[%dma_start3A_414, %dma_start3A_415] : memref<10240x128xf32, #tpu.memory_space<vmem_shared>> -> memref<10240x128xf32, #tpu.memory_space<vmem_shared>>
        tpu.enqueue_indirect_dma source(%arg8 : memref<80x128xf32, #tpu.memory_space<vmem>>) target(%dma_start3A_416 : memref<10240x128xf32, #tpu.memory_space<vmem_shared>>) offsets(%dma_start3A_413 : memref<80xi32, #tpu.memory_space<vmem>>) semaphore(%run_scoped3A : memref<!tpu.dma_semaphore, #tpu.memory_space<semaphore_mem>>) {add = true}
        %dma_wait3A_417 = tpu.memref_slice %arg6[%multiple_of3A_401] : memref<10240xi32, #tpu.memory_space<vmem>> -> memref<80xi32, #tpu.memory_space<vmem>>
        %dma_wait3A_418 = arith.constant 0 : i32
        %dma_wait3A_419 = arith.constant 0 : i32
        %dma_wait3A_420 = tpu.memref_slice %arg27[%dma_wait3A_418, %dma_wait3A_419] : memref<10240x128xf32, #tpu.memory_space<vmem_shared>> -> memref<10240x128xf32, #tpu.memory_space<vmem_shared>>
        tpu.wait_indirect_dma semaphore(%run_scoped3A : memref<!tpu.dma_semaphore, #tpu.memory_space<semaphore_mem>>) src(%arg8 : memref<80x128xf32, #tpu.memory_space<vmem>>) dst(%dma_wait3A_420 : memref<10240x128xf32, #tpu.memory_space<vmem_shared>>)
        tpu.yield
      }) : () -> ()
      %add3A_402 = arith.constant 1 : i32
      %add3A_403 = arith.addi %mul3A_362, %add3A_402 : i32
      %add3A_404 = arith.constant 2 : i32
      %add3A_405 = arith.addi %add3A_403, %add3A_404 : i32
      %mul3A_406 = arith.constant 80 : i32
      %mul3A_407 = arith.muli %add3A_405, %mul3A_406 : i32
      %multiple_of3A_408 = tpu.assume_multiple %mul3A_407, 8 : i32
      %dma_start3A_409 = tpu.memref_slice %arg5[%multiple_of3A_408] : memref<10240xi32, #tpu.memory_space<vmem>> -> memref<80xi32, #tpu.memory_space<vmem>>
      %dma_start3A_410 = arith.constant 0 : i32
      %dma_start3A_411 = arith.constant 0 : i32
      %dma_start3A_412 = tpu.memref_slice %arg3[%dma_start3A_410, %dma_start3A_411] : memref<10000x128xf32, #tpu.memory_space<hbm>> -> memref<10000x128xf32, #tpu.memory_space<hbm>>
      tpu.enqueue_indirect_dma source(%dma_start3A_412 : memref<10000x128xf32, #tpu.memory_space<hbm>>) target(%arg8 : memref<80x128xf32, #tpu.memory_space<vmem>>) offsets(%dma_start3A_409 : memref<80xi32, #tpu.memory_space<vmem>>) semaphore(%arg10 : memref<!tpu.dma_semaphore, #tpu.memory_space<semaphore_mem>>)
    }
    %scan3A_44 = arith.constant 63 : i32
    %multiple_of3A_45 = arith.constant 10080 : i32
    %multiple_of3A_46 = tpu.assume_multiple %multiple_of3A_45, 8 : i32
    %dma_wait3A = tpu.memref_slice %arg5[%multiple_of3A_46] : memref<10240xi32, #tpu.memory_space<vmem>> -> memref<80xi32, #tpu.memory_space<vmem>>
    %dma_wait3A_47 = arith.constant 0 : i32
    %dma_wait3A_48 = arith.constant 0 : i32
    %dma_wait3A_49 = tpu.memref_slice %arg3[%dma_wait3A_47, %dma_wait3A_48] : memref<10000x128xf32, #tpu.memory_space<hbm>> -> memref<10000x128xf32, #tpu.memory_space<hbm>>
    tpu.wait_indirect_dma semaphore(%arg9 : memref<!tpu.dma_semaphore, #tpu.memory_space<semaphore_mem>>) src(%dma_wait3A_49 : memref<10000x128xf32, #tpu.memory_space<hbm>>) dst(%arg7 : memref<80x128xf32, #tpu.memory_space<vmem>>)
    %multiple_of3A_50 = arith.constant 10080 : i32
    %multiple_of3A_51 = tpu.assume_multiple %multiple_of3A_50, 8 : i32
    "tpu.region"() ({
      %run_scoped3A = tpu.sem_alloc : memref<!tpu.dma_semaphore, #tpu.memory_space<semaphore_mem>>
      %dma_start3A_356 = tpu.memref_slice %arg6[%multiple_of3A_51] : memref<10240xi32, #tpu.memory_space<vmem>> -> memref<80xi32, #tpu.memory_space<vmem>>
      %dma_start3A_357 = arith.constant 0 : i32
      %dma_start3A_358 = arith.constant 0 : i32
      %dma_start3A_359 = tpu.memref_slice %arg27[%dma_start3A_357, %dma_start3A_358] : memref<10240x128xf32, #tpu.memory_space<vmem_shared>> -> memref<10240x128xf32, #tpu.memory_space<vmem_shared>>
      tpu.enqueue_indirect_dma source(%arg7 : memref<80x128xf32, #tpu.memory_space<vmem>>) target(%dma_start3A_359 : memref<10240x128xf32, #tpu.memory_space<vmem_shared>>) offsets(%dma_start3A_356 : memref<80xi32, #tpu.memory_space<vmem>>) semaphore(%run_scoped3A : memref<!tpu.dma_semaphore, #tpu.memory_space<semaphore_mem>>) {add = true}
      %dma_wait3A_360 = tpu.memref_slice %arg6[%multiple_of3A_51] : memref<10240xi32, #tpu.memory_space<vmem>> -> memref<80xi32, #tpu.memory_space<vmem>>
      %dma_wait3A_361 = arith.constant 0 : i32
      %dma_wait3A_362 = arith.constant 0 : i32
      %dma_wait3A_363 = tpu.memref_slice %arg27[%dma_wait3A_361, %dma_wait3A_362] : memref<10240x128xf32, #tpu.memory_space<vmem_shared>> -> memref<10240x128xf32, #tpu.memory_space<vmem_shared>>
      tpu.wait_indirect_dma semaphore(%run_scoped3A : memref<!tpu.dma_semaphore, #tpu.memory_space<semaphore_mem>>) src(%arg7 : memref<80x128xf32, #tpu.memory_space<vmem>>) dst(%dma_wait3A_363 : memref<10240x128xf32, #tpu.memory_space<vmem_shared>>)
      tpu.yield
    }) : () -> ()
    %multiple_of3A_52 = arith.constant 10160 : i32
    %multiple_of3A_53 = tpu.assume_multiple %multiple_of3A_52, 8 : i32
    %dma_wait3A_54 = tpu.memref_slice %arg5[%multiple_of3A_53] : memref<10240xi32, #tpu.memory_space<vmem>> -> memref<80xi32, #tpu.memory_space<vmem>>
    %dma_wait3A_55 = arith.constant 0 : i32
    %dma_wait3A_56 = arith.constant 0 : i32
    %dma_wait3A_57 = tpu.memref_slice %arg3[%dma_wait3A_55, %dma_wait3A_56] : memref<10000x128xf32, #tpu.memory_space<hbm>> -> memref<10000x128xf32, #tpu.memory_space<hbm>>
    tpu.wait_indirect_dma semaphore(%arg10 : memref<!tpu.dma_semaphore, #tpu.memory_space<semaphore_mem>>) src(%dma_wait3A_57 : memref<10000x128xf32, #tpu.memory_space<hbm>>) dst(%arg8 : memref<80x128xf32, #tpu.memory_space<vmem>>)
    %multiple_of3A_58 = arith.constant 10160 : i32
    %multiple_of3A_59 = tpu.assume_multiple %multiple_of3A_58, 8 : i32
    "tpu.region"() ({
      %run_scoped3A = tpu.sem_alloc : memref<!tpu.dma_semaphore, #tpu.memory_space<semaphore_mem>>
      %dma_start3A_356 = tpu.memref_slice %arg6[%multiple_of3A_59] : memref<10240xi32, #tpu.memory_space<vmem>> -> memref<80xi32, #tpu.memory_space<vmem>>
      %dma_start3A_357 = arith.constant 0 : i32
      %dma_start3A_358 = arith.constant 0 : i32
      %dma_start3A_359 = tpu.memref_slice %arg27[%dma_start3A_357, %dma_start3A_358] : memref<10240x128xf32, #tpu.memory_space<vmem_shared>> -> memref<10240x128xf32, #tpu.memory_space<vmem_shared>>
      tpu.enqueue_indirect_dma source(%arg8 : memref<80x128xf32, #tpu.memory_space<vmem>>) target(%dma_start3A_359 : memref<10240x128xf32, #tpu.memory_space<vmem_shared>>) offsets(%dma_start3A_356 : memref<80xi32, #tpu.memory_space<vmem>>) semaphore(%run_scoped3A : memref<!tpu.dma_semaphore, #tpu.memory_space<semaphore_mem>>) {add = true}
      %dma_wait3A_360 = tpu.memref_slice %arg6[%multiple_of3A_59] : memref<10240xi32, #tpu.memory_space<vmem>> -> memref<80xi32, #tpu.memory_space<vmem>>
      %dma_wait3A_361 = arith.constant 0 : i32
      %dma_wait3A_362 = arith.constant 0 : i32
      %dma_wait3A_363 = tpu.memref_slice %arg27[%dma_wait3A_361, %dma_wait3A_362] : memref<10240x128xf32, #tpu.memory_space<vmem_shared>> -> memref<10240x128xf32, #tpu.memory_space<vmem_shared>>
      tpu.wait_indirect_dma semaphore(%run_scoped3A : memref<!tpu.dma_semaphore, #tpu.memory_space<semaphore_mem>>) src(%arg8 : memref<80x128xf32, #tpu.memory_space<vmem>>) dst(%dma_wait3A_363 : memref<10240x128xf32, #tpu.memory_space<vmem_shared>>)
      tpu.yield
    }) : () -> ()
    %barrier3A_60 = arith.constant 0 : index
    tpu.barrier barrier_id(%barrier3A_60)
    %mul3A_61 = arith.constant 1310720 : i32
    %mul3A_62 = arith.muli %arg0, %mul3A_61 : i32
    %add3A_63 = arith.constant 0 : i32
    %add3A_64 = arith.addi %multiple_of3A, %add3A_63 : i32
    %mul3A_65 = arith.constant 128 : i32
    %mul3A_66 = arith.muli %add3A_64, %mul3A_65 : i32
    %add3A_67 = arith.addi %mul3A_62, %mul3A_66 : i32
    %dma_start3A_68 = tpu.memref_slice %arg4[%add3A_67] : memref<2621440xf32, #tpu.memory_space<hbm>> -> memref<128xf32, #tpu.memory_space<hbm>>
    %dma_start3A_69 = arith.constant 0 : i32
    %dma_start3A_70 = tpu.memref_slice %arg27[%add3A_64, %dma_start3A_69] : memref<10240x128xf32, #tpu.memory_space<vmem_shared>> -> memref<1x128xf32, #tpu.memory_space<vmem_shared>>
    %dma_start3A_71 = tpu.memref_squeeze %dma_start3A_70 : memref<1x128xf32, #tpu.memory_space<vmem_shared>> -> memref<128xf32, #tpu.memory_space<vmem_shared>>
    tpu.enqueue_dma source(%dma_start3A_71 : memref<128xf32, #tpu.memory_space<vmem_shared>>) target(%dma_start3A_68 : memref<128xf32, #tpu.memory_space<hbm>>) target_semaphore(%arg11 : memref<!tpu.dma_semaphore, #tpu.memory_space<semaphore_mem>>)
    %add3A_72 = arith.constant 1 : i32
    %add3A_73 = arith.addi %multiple_of3A, %add3A_72 : i32
    %mul3A_74 = arith.constant 128 : i32
    %mul3A_75 = arith.muli %add3A_73, %mul3A_74 : i32
    %add3A_76 = arith.addi %mul3A_62, %mul3A_75 : i32
    %dma_start3A_77 = tpu.memref_slice %arg4[%add3A_76] : memref<2621440xf32, #tpu.memory_space<hbm>> -> memref<128xf32, #tpu.memory_space<hbm>>
    %dma_start3A_78 = arith.constant 0 : i32
    %dma_start3A_79 = tpu.memref_slice %arg27[%add3A_73, %dma_start3A_78] : memref<10240x128xf32, #tpu.memory_space<vmem_shared>> -> memref<1x128xf32, #tpu.memory_space<vmem_shared>>
    %dma_start3A_80 = tpu.memref_squeeze %dma_start3A_79 : memref<1x128xf32, #tpu.memory_space<vmem_shared>> -> memref<128xf32, #tpu.memory_space<vmem_shared>>
    tpu.enqueue_dma source(%dma_start3A_80 : memref<128xf32, #tpu.memory_space<vmem_shared>>) target(%dma_start3A_77 : memref<128xf32, #tpu.memory_space<hbm>>) target_semaphore(%arg12 : memref<!tpu.dma_semaphore, #tpu.memory_space<semaphore_mem>>)
    %add3A_81 = arith.constant 2 : i32
    %add3A_82 = arith.addi %multiple_of3A, %add3A_81 : i32
    %mul3A_83 = arith.constant 128 : i32
    %mul3A_84 = arith.muli %add3A_82, %mul3A_83 : i32
    %add3A_85 = arith.addi %mul3A_62, %mul3A_84 : i32
    %dma_start3A_86 = tpu.memref_slice %arg4[%add3A_85] : memref<2621440xf32, #tpu.memory_space<hbm>> -> memref<128xf32, #tpu.memory_space<hbm>>
    %dma_start3A_87 = arith.constant 0 : i32
    %dma_start3A_88 = tpu.memref_slice %arg27[%add3A_82, %dma_start3A_87] : memref<10240x128xf32, #tpu.memory_space<vmem_shared>> -> memref<1x128xf32, #tpu.memory_space<vmem_shared>>
    %dma_start3A_89 = tpu.memref_squeeze %dma_start3A_88 : memref<1x128xf32, #tpu.memory_space<vmem_shared>> -> memref<128xf32, #tpu.memory_space<vmem_shared>>
    tpu.enqueue_dma source(%dma_start3A_89 : memref<128xf32, #tpu.memory_space<vmem_shared>>) target(%dma_start3A_86 : memref<128xf32, #tpu.memory_space<hbm>>) target_semaphore(%arg13 : memref<!tpu.dma_semaphore, #tpu.memory_space<semaphore_mem>>)
    %add3A_90 = arith.constant 3 : i32
    %add3A_91 = arith.addi %multiple_of3A, %add3A_90 : i32
    %mul3A_92 = arith.constant 128 : i32
    %mul3A_93 = arith.muli %add3A_91, %mul3A_92 : i32
    %add3A_94 = arith.addi %mul3A_62, %mul3A_93 : i32
    %dma_start3A_95 = tpu.memref_slice %arg4[%add3A_94] : memref<2621440xf32, #tpu.memory_space<hbm>> -> memref<128xf32, #tpu.memory_space<hbm>>
    %dma_start3A_96 = arith.constant 0 : i32
    %dma_start3A_97 = tpu.memref_slice %arg27[%add3A_91, %dma_start3A_96] : memref<10240x128xf32, #tpu.memory_space<vmem_shared>> -> memref<1x128xf32, #tpu.memory_space<vmem_shared>>
    %dma_start3A_98 = tpu.memref_squeeze %dma_start3A_97 : memref<1x128xf32, #tpu.memory_space<vmem_shared>> -> memref<128xf32, #tpu.memory_space<vmem_shared>>
    tpu.enqueue_dma source(%dma_start3A_98 : memref<128xf32, #tpu.memory_space<vmem_shared>>) target(%dma_start3A_95 : memref<128xf32, #tpu.memory_space<hbm>>) target_semaphore(%arg14 : memref<!tpu.dma_semaphore, #tpu.memory_space<semaphore_mem>>)
    %add3A_99 = arith.constant 4 : i32
    %add3A_100 = arith.addi %multiple_of3A, %add3A_99 : i32
    %mul3A_101 = arith.constant 128 : i32
    %mul3A_102 = arith.muli %add3A_100, %mul3A_101 : i32
    %add3A_103 = arith.addi %mul3A_62, %mul3A_102 : i32
    %dma_start3A_104 = tpu.memref_slice %arg4[%add3A_103] : memref<2621440xf32, #tpu.memory_space<hbm>> -> memref<128xf32, #tpu.memory_space<hbm>>
    %dma_start3A_105 = arith.constant 0 : i32
    %dma_start3A_106 = tpu.memref_slice %arg27[%add3A_100, %dma_start3A_105] : memref<10240x128xf32, #tpu.memory_space<vmem_shared>> -> memref<1x128xf32, #tpu.memory_space<vmem_shared>>
    %dma_start3A_107 = tpu.memref_squeeze %dma_start3A_106 : memref<1x128xf32, #tpu.memory_space<vmem_shared>> -> memref<128xf32, #tpu.memory_space<vmem_shared>>
    tpu.enqueue_dma source(%dma_start3A_107 : memref<128xf32, #tpu.memory_space<vmem_shared>>) target(%dma_start3A_104 : memref<128xf32, #tpu.memory_space<hbm>>) target_semaphore(%arg15 : memref<!tpu.dma_semaphore, #tpu.memory_space<semaphore_mem>>)
    %add3A_108 = arith.constant 5 : i32
    %add3A_109 = arith.addi %multiple_of3A, %add3A_108 : i32
    %mul3A_110 = arith.constant 128 : i32
    %mul3A_111 = arith.muli %add3A_109, %mul3A_110 : i32
    %add3A_112 = arith.addi %mul3A_62, %mul3A_111 : i32
    %dma_start3A_113 = tpu.memref_slice %arg4[%add3A_112] : memref<2621440xf32, #tpu.memory_space<hbm>> -> memref<128xf32, #tpu.memory_space<hbm>>
    %dma_start3A_114 = arith.constant 0 : i32
    %dma_start3A_115 = tpu.memref_slice %arg27[%add3A_109, %dma_start3A_114] : memref<10240x128xf32, #tpu.memory_space<vmem_shared>> -> memref<1x128xf32, #tpu.memory_space<vmem_shared>>
    %dma_start3A_116 = tpu.memref_squeeze %dma_start3A_115 : memref<1x128xf32, #tpu.memory_space<vmem_shared>> -> memref<128xf32, #tpu.memory_space<vmem_shared>>
    tpu.enqueue_dma source(%dma_start3A_116 : memref<128xf32, #tpu.memory_space<vmem_shared>>) target(%dma_start3A_113 : memref<128xf32, #tpu.memory_space<hbm>>) target_semaphore(%arg16 : memref<!tpu.dma_semaphore, #tpu.memory_space<semaphore_mem>>)
    %add3A_117 = arith.constant 6 : i32
    %add3A_118 = arith.addi %multiple_of3A, %add3A_117 : i32
    %mul3A_119 = arith.constant 128 : i32
    %mul3A_120 = arith.muli %add3A_118, %mul3A_119 : i32
    %add3A_121 = arith.addi %mul3A_62, %mul3A_120 : i32
    %dma_start3A_122 = tpu.memref_slice %arg4[%add3A_121] : memref<2621440xf32, #tpu.memory_space<hbm>> -> memref<128xf32, #tpu.memory_space<hbm>>
    %dma_start3A_123 = arith.constant 0 : i32
    %dma_start3A_124 = tpu.memref_slice %arg27[%add3A_118, %dma_start3A_123] : memref<10240x128xf32, #tpu.memory_space<vmem_shared>> -> memref<1x128xf32, #tpu.memory_space<vmem_shared>>
    %dma_start3A_125 = tpu.memref_squeeze %dma_start3A_124 : memref<1x128xf32, #tpu.memory_space<vmem_shared>> -> memref<128xf32, #tpu.memory_space<vmem_shared>>
    tpu.enqueue_dma source(%dma_start3A_125 : memref<128xf32, #tpu.memory_space<vmem_shared>>) target(%dma_start3A_122 : memref<128xf32, #tpu.memory_space<hbm>>) target_semaphore(%arg17 : memref<!tpu.dma_semaphore, #tpu.memory_space<semaphore_mem>>)
    %add3A_126 = arith.constant 7 : i32
    %add3A_127 = arith.addi %multiple_of3A, %add3A_126 : i32
    %mul3A_128 = arith.constant 128 : i32
    %mul3A_129 = arith.muli %add3A_127, %mul3A_128 : i32
    %add3A_130 = arith.addi %mul3A_62, %mul3A_129 : i32
    %dma_start3A_131 = tpu.memref_slice %arg4[%add3A_130] : memref<2621440xf32, #tpu.memory_space<hbm>> -> memref<128xf32, #tpu.memory_space<hbm>>
    %dma_start3A_132 = arith.constant 0 : i32
    %dma_start3A_133 = tpu.memref_slice %arg27[%add3A_127, %dma_start3A_132] : memref<10240x128xf32, #tpu.memory_space<vmem_shared>> -> memref<1x128xf32, #tpu.memory_space<vmem_shared>>
    %dma_start3A_134 = tpu.memref_squeeze %dma_start3A_133 : memref<1x128xf32, #tpu.memory_space<vmem_shared>> -> memref<128xf32, #tpu.memory_space<vmem_shared>>
    tpu.enqueue_dma source(%dma_start3A_134 : memref<128xf32, #tpu.memory_space<vmem_shared>>) target(%dma_start3A_131 : memref<128xf32, #tpu.memory_space<hbm>>) target_semaphore(%arg18 : memref<!tpu.dma_semaphore, #tpu.memory_space<semaphore_mem>>)
    %add3A_135 = arith.constant 8 : i32
    %add3A_136 = arith.addi %multiple_of3A, %add3A_135 : i32
    %mul3A_137 = arith.constant 128 : i32
    %mul3A_138 = arith.muli %add3A_136, %mul3A_137 : i32
    %add3A_139 = arith.addi %mul3A_62, %mul3A_138 : i32
    %dma_start3A_140 = tpu.memref_slice %arg4[%add3A_139] : memref<2621440xf32, #tpu.memory_space<hbm>> -> memref<128xf32, #tpu.memory_space<hbm>>
    %dma_start3A_141 = arith.constant 0 : i32
    %dma_start3A_142 = tpu.memref_slice %arg27[%add3A_136, %dma_start3A_141] : memref<10240x128xf32, #tpu.memory_space<vmem_shared>> -> memref<1x128xf32, #tpu.memory_space<vmem_shared>>
    %dma_start3A_143 = tpu.memref_squeeze %dma_start3A_142 : memref<1x128xf32, #tpu.memory_space<vmem_shared>> -> memref<128xf32, #tpu.memory_space<vmem_shared>>
    tpu.enqueue_dma source(%dma_start3A_143 : memref<128xf32, #tpu.memory_space<vmem_shared>>) target(%dma_start3A_140 : memref<128xf32, #tpu.memory_space<hbm>>) target_semaphore(%arg19 : memref<!tpu.dma_semaphore, #tpu.memory_space<semaphore_mem>>)
    %add3A_144 = arith.constant 9 : i32
    %add3A_145 = arith.addi %multiple_of3A, %add3A_144 : i32
    %mul3A_146 = arith.constant 128 : i32
    %mul3A_147 = arith.muli %add3A_145, %mul3A_146 : i32
    %add3A_148 = arith.addi %mul3A_62, %mul3A_147 : i32
    %dma_start3A_149 = tpu.memref_slice %arg4[%add3A_148] : memref<2621440xf32, #tpu.memory_space<hbm>> -> memref<128xf32, #tpu.memory_space<hbm>>
    %dma_start3A_150 = arith.constant 0 : i32
    %dma_start3A_151 = tpu.memref_slice %arg27[%add3A_145, %dma_start3A_150] : memref<10240x128xf32, #tpu.memory_space<vmem_shared>> -> memref<1x128xf32, #tpu.memory_space<vmem_shared>>
    %dma_start3A_152 = tpu.memref_squeeze %dma_start3A_151 : memref<1x128xf32, #tpu.memory_space<vmem_shared>> -> memref<128xf32, #tpu.memory_space<vmem_shared>>
    tpu.enqueue_dma source(%dma_start3A_152 : memref<128xf32, #tpu.memory_space<vmem_shared>>) target(%dma_start3A_149 : memref<128xf32, #tpu.memory_space<hbm>>) target_semaphore(%arg20 : memref<!tpu.dma_semaphore, #tpu.memory_space<semaphore_mem>>)
    %add3A_153 = arith.constant 10 : i32
    %add3A_154 = arith.addi %multiple_of3A, %add3A_153 : i32
    %mul3A_155 = arith.constant 128 : i32
    %mul3A_156 = arith.muli %add3A_154, %mul3A_155 : i32
    %add3A_157 = arith.addi %mul3A_62, %mul3A_156 : i32
    %dma_start3A_158 = tpu.memref_slice %arg4[%add3A_157] : memref<2621440xf32, #tpu.memory_space<hbm>> -> memref<128xf32, #tpu.memory_space<hbm>>
    %dma_start3A_159 = arith.constant 0 : i32
    %dma_start3A_160 = tpu.memref_slice %arg27[%add3A_154, %dma_start3A_159] : memref<10240x128xf32, #tpu.memory_space<vmem_shared>> -> memref<1x128xf32, #tpu.memory_space<vmem_shared>>
    %dma_start3A_161 = tpu.memref_squeeze %dma_start3A_160 : memref<1x128xf32, #tpu.memory_space<vmem_shared>> -> memref<128xf32, #tpu.memory_space<vmem_shared>>
    tpu.enqueue_dma source(%dma_start3A_161 : memref<128xf32, #tpu.memory_space<vmem_shared>>) target(%dma_start3A_158 : memref<128xf32, #tpu.memory_space<hbm>>) target_semaphore(%arg21 : memref<!tpu.dma_semaphore, #tpu.memory_space<semaphore_mem>>)
    %add3A_162 = arith.constant 11 : i32
    %add3A_163 = arith.addi %multiple_of3A, %add3A_162 : i32
    %mul3A_164 = arith.constant 128 : i32
    %mul3A_165 = arith.muli %add3A_163, %mul3A_164 : i32
    %add3A_166 = arith.addi %mul3A_62, %mul3A_165 : i32
    %dma_start3A_167 = tpu.memref_slice %arg4[%add3A_166] : memref<2621440xf32, #tpu.memory_space<hbm>> -> memref<128xf32, #tpu.memory_space<hbm>>
    %dma_start3A_168 = arith.constant 0 : i32
    %dma_start3A_169 = tpu.memref_slice %arg27[%add3A_163, %dma_start3A_168] : memref<10240x128xf32, #tpu.memory_space<vmem_shared>> -> memref<1x128xf32, #tpu.memory_space<vmem_shared>>
    %dma_start3A_170 = tpu.memref_squeeze %dma_start3A_169 : memref<1x128xf32, #tpu.memory_space<vmem_shared>> -> memref<128xf32, #tpu.memory_space<vmem_shared>>
    tpu.enqueue_dma source(%dma_start3A_170 : memref<128xf32, #tpu.memory_space<vmem_shared>>) target(%dma_start3A_167 : memref<128xf32, #tpu.memory_space<hbm>>) target_semaphore(%arg22 : memref<!tpu.dma_semaphore, #tpu.memory_space<semaphore_mem>>)
    %add3A_171 = arith.constant 12 : i32
    %add3A_172 = arith.addi %multiple_of3A, %add3A_171 : i32
    %mul3A_173 = arith.constant 128 : i32
    %mul3A_174 = arith.muli %add3A_172, %mul3A_173 : i32
    %add3A_175 = arith.addi %mul3A_62, %mul3A_174 : i32
    %dma_start3A_176 = tpu.memref_slice %arg4[%add3A_175] : memref<2621440xf32, #tpu.memory_space<hbm>> -> memref<128xf32, #tpu.memory_space<hbm>>
    %dma_start3A_177 = arith.constant 0 : i32
    %dma_start3A_178 = tpu.memref_slice %arg27[%add3A_172, %dma_start3A_177] : memref<10240x128xf32, #tpu.memory_space<vmem_shared>> -> memref<1x128xf32, #tpu.memory_space<vmem_shared>>
    %dma_start3A_179 = tpu.memref_squeeze %dma_start3A_178 : memref<1x128xf32, #tpu.memory_space<vmem_shared>> -> memref<128xf32, #tpu.memory_space<vmem_shared>>
    tpu.enqueue_dma source(%dma_start3A_179 : memref<128xf32, #tpu.memory_space<vmem_shared>>) target(%dma_start3A_176 : memref<128xf32, #tpu.memory_space<hbm>>) target_semaphore(%arg23 : memref<!tpu.dma_semaphore, #tpu.memory_space<semaphore_mem>>)
    %add3A_180 = arith.constant 13 : i32
    %add3A_181 = arith.addi %multiple_of3A, %add3A_180 : i32
    %mul3A_182 = arith.constant 128 : i32
    %mul3A_183 = arith.muli %add3A_181, %mul3A_182 : i32
    %add3A_184 = arith.addi %mul3A_62, %mul3A_183 : i32
    %dma_start3A_185 = tpu.memref_slice %arg4[%add3A_184] : memref<2621440xf32, #tpu.memory_space<hbm>> -> memref<128xf32, #tpu.memory_space<hbm>>
    %dma_start3A_186 = arith.constant 0 : i32
    %dma_start3A_187 = tpu.memref_slice %arg27[%add3A_181, %dma_start3A_186] : memref<10240x128xf32, #tpu.memory_space<vmem_shared>> -> memref<1x128xf32, #tpu.memory_space<vmem_shared>>
    %dma_start3A_188 = tpu.memref_squeeze %dma_start3A_187 : memref<1x128xf32, #tpu.memory_space<vmem_shared>> -> memref<128xf32, #tpu.memory_space<vmem_shared>>
    tpu.enqueue_dma source(%dma_start3A_188 : memref<128xf32, #tpu.memory_space<vmem_shared>>) target(%dma_start3A_185 : memref<128xf32, #tpu.memory_space<hbm>>) target_semaphore(%arg24 : memref<!tpu.dma_semaphore, #tpu.memory_space<semaphore_mem>>)
    %add3A_189 = arith.constant 14 : i32
    %add3A_190 = arith.addi %multiple_of3A, %add3A_189 : i32
    %mul3A_191 = arith.constant 128 : i32
    %mul3A_192 = arith.muli %add3A_190, %mul3A_191 : i32
    %add3A_193 = arith.addi %mul3A_62, %mul3A_192 : i32
    %dma_start3A_194 = tpu.memref_slice %arg4[%add3A_193] : memref<2621440xf32, #tpu.memory_space<hbm>> -> memref<128xf32, #tpu.memory_space<hbm>>
    %dma_start3A_195 = arith.constant 0 : i32
    %dma_start3A_196 = tpu.memref_slice %arg27[%add3A_190, %dma_start3A_195] : memref<10240x128xf32, #tpu.memory_space<vmem_shared>> -> memref<1x128xf32, #tpu.memory_space<vmem_shared>>
    %dma_start3A_197 = tpu.memref_squeeze %dma_start3A_196 : memref<1x128xf32, #tpu.memory_space<vmem_shared>> -> memref<128xf32, #tpu.memory_space<vmem_shared>>
    tpu.enqueue_dma source(%dma_start3A_197 : memref<128xf32, #tpu.memory_space<vmem_shared>>) target(%dma_start3A_194 : memref<128xf32, #tpu.memory_space<hbm>>) target_semaphore(%arg25 : memref<!tpu.dma_semaphore, #tpu.memory_space<semaphore_mem>>)
    %add3A_198 = arith.constant 15 : i32
    %add3A_199 = arith.addi %multiple_of3A, %add3A_198 : i32
    %mul3A_200 = arith.constant 128 : i32
    %mul3A_201 = arith.muli %add3A_199, %mul3A_200 : i32
    %add3A_202 = arith.addi %mul3A_62, %mul3A_201 : i32
    %dma_start3A_203 = tpu.memref_slice %arg4[%add3A_202] : memref<2621440xf32, #tpu.memory_space<hbm>> -> memref<128xf32, #tpu.memory_space<hbm>>
    %dma_start3A_204 = arith.constant 0 : i32
    %dma_start3A_205 = tpu.memref_slice %arg27[%add3A_199, %dma_start3A_204] : memref<10240x128xf32, #tpu.memory_space<vmem_shared>> -> memref<1x128xf32, #tpu.memory_space<vmem_shared>>
    %dma_start3A_206 = tpu.memref_squeeze %dma_start3A_205 : memref<1x128xf32, #tpu.memory_space<vmem_shared>> -> memref<128xf32, #tpu.memory_space<vmem_shared>>
    tpu.enqueue_dma source(%dma_start3A_206 : memref<128xf32, #tpu.memory_space<vmem_shared>>) target(%dma_start3A_203 : memref<128xf32, #tpu.memory_space<hbm>>) target_semaphore(%arg26 : memref<!tpu.dma_semaphore, #tpu.memory_space<semaphore_mem>>)
    %scan3A_207 = arith.constant 0 : i32
    %scan3A_208 = arith.constant 39 : i32
    %scan3A_209 = arith.addi %scan3A_207, %scan3A_208 : i32
    %scan3A_210 = arith.constant 1 : i32
    scf.for %scan3A_356 = %scan3A_207 to %scan3A_209 step %scan3A_210  : i32 {
      %mul3A_357 = arith.constant 1 : i32
      %mul3A_358 = arith.muli %scan3A_356, %mul3A_357 : i32
      %add3A_359 = arith.constant 0 : i32
      %add3A_360 = arith.addi %add3A_359, %mul3A_358 : i32
      %mul3A_361 = arith.constant 16 : i32
      %mul3A_362 = arith.muli %add3A_360, %mul3A_361 : i32
      %add3A_363 = arith.constant 0 : i32
      %add3A_364 = arith.addi %mul3A_362, %add3A_363 : i32
      %add3A_365 = arith.addi %multiple_of3A, %add3A_364 : i32
      %mul3A_366 = arith.constant 128 : i32
      %mul3A_367 = arith.muli %add3A_365, %mul3A_366 : i32
      %add3A_368 = arith.addi %mul3A_62, %mul3A_367 : i32
      %dma_wait3A_369 = tpu.memref_slice %arg4[%add3A_368] : memref<2621440xf32, #tpu.memory_space<hbm>> -> memref<128xf32, #tpu.memory_space<hbm>>
      %dma_wait3A_370 = arith.constant 0 : i32
      %dma_wait3A_371 = tpu.memref_slice %arg27[%add3A_365, %dma_wait3A_370] : memref<10240x128xf32, #tpu.memory_space<vmem_shared>> -> memref<1x128xf32, #tpu.memory_space<vmem_shared>>
      %dma_wait3A_372 = tpu.memref_squeeze %dma_wait3A_371 : memref<1x128xf32, #tpu.memory_space<vmem_shared>> -> memref<128xf32, #tpu.memory_space<vmem_shared>>
      tpu.wait_dma2 semaphore(%arg11 : memref<!tpu.dma_semaphore, #tpu.memory_space<semaphore_mem>>) src(%dma_wait3A_372 : memref<128xf32, #tpu.memory_space<vmem_shared>>) dst(%dma_wait3A_369 : memref<128xf32, #tpu.memory_space<hbm>>)
      %add3A_373 = arith.constant 0 : i32
      %add3A_374 = arith.addi %mul3A_362, %add3A_373 : i32
      %add3A_375 = arith.constant 16 : i32
      %add3A_376 = arith.addi %add3A_374, %add3A_375 : i32
      %add3A_377 = arith.addi %multiple_of3A, %add3A_376 : i32
      %mul3A_378 = arith.constant 128 : i32
      %mul3A_379 = arith.muli %add3A_377, %mul3A_378 : i32
      %add3A_380 = arith.addi %mul3A_62, %mul3A_379 : i32
      %dma_start3A_381 = tpu.memref_slice %arg4[%add3A_380] : memref<2621440xf32, #tpu.memory_space<hbm>> -> memref<128xf32, #tpu.memory_space<hbm>>
      %dma_start3A_382 = arith.constant 0 : i32
      %dma_start3A_383 = tpu.memref_slice %arg27[%add3A_377, %dma_start3A_382] : memref<10240x128xf32, #tpu.memory_space<vmem_shared>> -> memref<1x128xf32, #tpu.memory_space<vmem_shared>>
      %dma_start3A_384 = tpu.memref_squeeze %dma_start3A_383 : memref<1x128xf32, #tpu.memory_space<vmem_shared>> -> memref<128xf32, #tpu.memory_space<vmem_shared>>
      tpu.enqueue_dma source(%dma_start3A_384 : memref<128xf32, #tpu.memory_space<vmem_shared>>) target(%dma_start3A_381 : memref<128xf32, #tpu.memory_space<hbm>>) target_semaphore(%arg11 : memref<!tpu.dma_semaphore, #tpu.memory_space<semaphore_mem>>)
      %add3A_385 = arith.constant 1 : i32
      %add3A_386 = arith.addi %mul3A_362, %add3A_385 : i32
      %add3A_387 = arith.addi %multiple_of3A, %add3A_386 : i32
      %mul3A_388 = arith.constant 128 : i32
      %mul3A_389 = arith.muli %add3A_387, %mul3A_388 : i32
      %add3A_390 = arith.addi %mul3A_62, %mul3A_389 : i32
      %dma_wait3A_391 = tpu.memref_slice %arg4[%add3A_390] : memref<2621440xf32, #tpu.memory_space<hbm>> -> memref<128xf32, #tpu.memory_space<hbm>>
      %dma_wait3A_392 = arith.constant 0 : i32
      %dma_wait3A_393 = tpu.memref_slice %arg27[%add3A_387, %dma_wait3A_392] : memref<10240x128xf32, #tpu.memory_space<vmem_shared>> -> memref<1x128xf32, #tpu.memory_space<vmem_shared>>
      %dma_wait3A_394 = tpu.memref_squeeze %dma_wait3A_393 : memref<1x128xf32, #tpu.memory_space<vmem_shared>> -> memref<128xf32, #tpu.memory_space<vmem_shared>>
      tpu.wait_dma2 semaphore(%arg12 : memref<!tpu.dma_semaphore, #tpu.memory_space<semaphore_mem>>) src(%dma_wait3A_394 : memref<128xf32, #tpu.memory_space<vmem_shared>>) dst(%dma_wait3A_391 : memref<128xf32, #tpu.memory_space<hbm>>)
      %add3A_395 = arith.constant 1 : i32
      %add3A_396 = arith.addi %mul3A_362, %add3A_395 : i32
      %add3A_397 = arith.constant 16 : i32
      %add3A_398 = arith.addi %add3A_396, %add3A_397 : i32
      %add3A_399 = arith.addi %multiple_of3A, %add3A_398 : i32
      %mul3A_400 = arith.constant 128 : i32
      %mul3A_401 = arith.muli %add3A_399, %mul3A_400 : i32
      %add3A_402 = arith.addi %mul3A_62, %mul3A_401 : i32
      %dma_start3A_403 = tpu.memref_slice %arg4[%add3A_402] : memref<2621440xf32, #tpu.memory_space<hbm>> -> memref<128xf32, #tpu.memory_space<hbm>>
      %dma_start3A_404 = arith.constant 0 : i32
      %dma_start3A_405 = tpu.memref_slice %arg27[%add3A_399, %dma_start3A_404] : memref<10240x128xf32, #tpu.memory_space<vmem_shared>> -> memref<1x128xf32, #tpu.memory_space<vmem_shared>>
      %dma_start3A_406 = tpu.memref_squeeze %dma_start3A_405 : memref<1x128xf32, #tpu.memory_space<vmem_shared>> -> memref<128xf32, #tpu.memory_space<vmem_shared>>
      tpu.enqueue_dma source(%dma_start3A_406 : memref<128xf32, #tpu.memory_space<vmem_shared>>) target(%dma_start3A_403 : memref<128xf32, #tpu.memory_space<hbm>>) target_semaphore(%arg12 : memref<!tpu.dma_semaphore, #tpu.memory_space<semaphore_mem>>)
      %add3A_407 = arith.constant 2 : i32
      %add3A_408 = arith.addi %mul3A_362, %add3A_407 : i32
      %add3A_409 = arith.addi %multiple_of3A, %add3A_408 : i32
      %mul3A_410 = arith.constant 128 : i32
      %mul3A_411 = arith.muli %add3A_409, %mul3A_410 : i32
      %add3A_412 = arith.addi %mul3A_62, %mul3A_411 : i32
      %dma_wait3A_413 = tpu.memref_slice %arg4[%add3A_412] : memref<2621440xf32, #tpu.memory_space<hbm>> -> memref<128xf32, #tpu.memory_space<hbm>>
      %dma_wait3A_414 = arith.constant 0 : i32
      %dma_wait3A_415 = tpu.memref_slice %arg27[%add3A_409, %dma_wait3A_414] : memref<10240x128xf32, #tpu.memory_space<vmem_shared>> -> memref<1x128xf32, #tpu.memory_space<vmem_shared>>
      %dma_wait3A_416 = tpu.memref_squeeze %dma_wait3A_415 : memref<1x128xf32, #tpu.memory_space<vmem_shared>> -> memref<128xf32, #tpu.memory_space<vmem_shared>>
      tpu.wait_dma2 semaphore(%arg13 : memref<!tpu.dma_semaphore, #tpu.memory_space<semaphore_mem>>) src(%dma_wait3A_416 : memref<128xf32, #tpu.memory_space<vmem_shared>>) dst(%dma_wait3A_413 : memref<128xf32, #tpu.memory_space<hbm>>)
      %add3A_417 = arith.constant 2 : i32
      %add3A_418 = arith.addi %mul3A_362, %add3A_417 : i32
      %add3A_419 = arith.constant 16 : i32
      %add3A_420 = arith.addi %add3A_418, %add3A_419 : i32
      %add3A_421 = arith.addi %multiple_of3A, %add3A_420 : i32
      %mul3A_422 = arith.constant 128 : i32
      %mul3A_423 = arith.muli %add3A_421, %mul3A_422 : i32
      %add3A_424 = arith.addi %mul3A_62, %mul3A_423 : i32
      %dma_start3A_425 = tpu.memref_slice %arg4[%add3A_424] : memref<2621440xf32, #tpu.memory_space<hbm>> -> memref<128xf32, #tpu.memory_space<hbm>>
      %dma_start3A_426 = arith.constant 0 : i32
      %dma_start3A_427 = tpu.memref_slice %arg27[%add3A_421, %dma_start3A_426] : memref<10240x128xf32, #tpu.memory_space<vmem_shared>> -> memref<1x128xf32, #tpu.memory_space<vmem_shared>>
      %dma_start3A_428 = tpu.memref_squeeze %dma_start3A_427 : memref<1x128xf32, #tpu.memory_space<vmem_shared>> -> memref<128xf32, #tpu.memory_space<vmem_shared>>
      tpu.enqueue_dma source(%dma_start3A_428 : memref<128xf32, #tpu.memory_space<vmem_shared>>) target(%dma_start3A_425 : memref<128xf32, #tpu.memory_space<hbm>>) target_semaphore(%arg13 : memref<!tpu.dma_semaphore, #tpu.memory_space<semaphore_mem>>)
      %add3A_429 = arith.constant 3 : i32
      %add3A_430 = arith.addi %mul3A_362, %add3A_429 : i32
      %add3A_431 = arith.addi %multiple_of3A, %add3A_430 : i32
      %mul3A_432 = arith.constant 128 : i32
      %mul3A_433 = arith.muli %add3A_431, %mul3A_432 : i32
      %add3A_434 = arith.addi %mul3A_62, %mul3A_433 : i32
      %dma_wait3A_435 = tpu.memref_slice %arg4[%add3A_434] : memref<2621440xf32, #tpu.memory_space<hbm>> -> memref<128xf32, #tpu.memory_space<hbm>>
      %dma_wait3A_436 = arith.constant 0 : i32
      %dma_wait3A_437 = tpu.memref_slice %arg27[%add3A_431, %dma_wait3A_436] : memref<10240x128xf32, #tpu.memory_space<vmem_shared>> -> memref<1x128xf32, #tpu.memory_space<vmem_shared>>
      %dma_wait3A_438 = tpu.memref_squeeze %dma_wait3A_437 : memref<1x128xf32, #tpu.memory_space<vmem_shared>> -> memref<128xf32, #tpu.memory_space<vmem_shared>>
      tpu.wait_dma2 semaphore(%arg14 : memref<!tpu.dma_semaphore, #tpu.memory_space<semaphore_mem>>) src(%dma_wait3A_438 : memref<128xf32, #tpu.memory_space<vmem_shared>>) dst(%dma_wait3A_435 : memref<128xf32, #tpu.memory_space<hbm>>)
      %add3A_439 = arith.constant 3 : i32
      %add3A_440 = arith.addi %mul3A_362, %add3A_439 : i32
      %add3A_441 = arith.constant 16 : i32
      %add3A_442 = arith.addi %add3A_440, %add3A_441 : i32
      %add3A_443 = arith.addi %multiple_of3A, %add3A_442 : i32
      %mul3A_444 = arith.constant 128 : i32
      %mul3A_445 = arith.muli %add3A_443, %mul3A_444 : i32
      %add3A_446 = arith.addi %mul3A_62, %mul3A_445 : i32
      %dma_start3A_447 = tpu.memref_slice %arg4[%add3A_446] : memref<2621440xf32, #tpu.memory_space<hbm>> -> memref<128xf32, #tpu.memory_space<hbm>>
      %dma_start3A_448 = arith.constant 0 : i32
      %dma_start3A_449 = tpu.memref_slice %arg27[%add3A_443, %dma_start3A_448] : memref<10240x128xf32, #tpu.memory_space<vmem_shared>> -> memref<1x128xf32, #tpu.memory_space<vmem_shared>>
      %dma_start3A_450 = tpu.memref_squeeze %dma_start3A_449 : memref<1x128xf32, #tpu.memory_space<vmem_shared>> -> memref<128xf32, #tpu.memory_space<vmem_shared>>
      tpu.enqueue_dma source(%dma_start3A_450 : memref<128xf32, #tpu.memory_space<vmem_shared>>) target(%dma_start3A_447 : memref<128xf32, #tpu.memory_space<hbm>>) target_semaphore(%arg14 : memref<!tpu.dma_semaphore, #tpu.memory_space<semaphore_mem>>)
      %add3A_451 = arith.constant 4 : i32
      %add3A_452 = arith.addi %mul3A_362, %add3A_451 : i32
      %add3A_453 = arith.addi %multiple_of3A, %add3A_452 : i32
      %mul3A_454 = arith.constant 128 : i32
      %mul3A_455 = arith.muli %add3A_453, %mul3A_454 : i32
      %add3A_456 = arith.addi %mul3A_62, %mul3A_455 : i32
      %dma_wait3A_457 = tpu.memref_slice %arg4[%add3A_456] : memref<2621440xf32, #tpu.memory_space<hbm>> -> memref<128xf32, #tpu.memory_space<hbm>>
      %dma_wait3A_458 = arith.constant 0 : i32
      %dma_wait3A_459 = tpu.memref_slice %arg27[%add3A_453, %dma_wait3A_458] : memref<10240x128xf32, #tpu.memory_space<vmem_shared>> -> memref<1x128xf32, #tpu.memory_space<vmem_shared>>
      %dma_wait3A_460 = tpu.memref_squeeze %dma_wait3A_459 : memref<1x128xf32, #tpu.memory_space<vmem_shared>> -> memref<128xf32, #tpu.memory_space<vmem_shared>>
      tpu.wait_dma2 semaphore(%arg15 : memref<!tpu.dma_semaphore, #tpu.memory_space<semaphore_mem>>) src(%dma_wait3A_460 : memref<128xf32, #tpu.memory_space<vmem_shared>>) dst(%dma_wait3A_457 : memref<128xf32, #tpu.memory_space<hbm>>)
      %add3A_461 = arith.constant 4 : i32
      %add3A_462 = arith.addi %mul3A_362, %add3A_461 : i32
      %add3A_463 = arith.constant 16 : i32
      %add3A_464 = arith.addi %add3A_462, %add3A_463 : i32
      %add3A_465 = arith.addi %multiple_of3A, %add3A_464 : i32
      %mul3A_466 = arith.constant 128 : i32
      %mul3A_467 = arith.muli %add3A_465, %mul3A_466 : i32
      %add3A_468 = arith.addi %mul3A_62, %mul3A_467 : i32
      %dma_start3A_469 = tpu.memref_slice %arg4[%add3A_468] : memref<2621440xf32, #tpu.memory_space<hbm>> -> memref<128xf32, #tpu.memory_space<hbm>>
      %dma_start3A_470 = arith.constant 0 : i32
      %dma_start3A_471 = tpu.memref_slice %arg27[%add3A_465, %dma_start3A_470] : memref<10240x128xf32, #tpu.memory_space<vmem_shared>> -> memref<1x128xf32, #tpu.memory_space<vmem_shared>>
      %dma_start3A_472 = tpu.memref_squeeze %dma_start3A_471 : memref<1x128xf32, #tpu.memory_space<vmem_shared>> -> memref<128xf32, #tpu.memory_space<vmem_shared>>
      tpu.enqueue_dma source(%dma_start3A_472 : memref<128xf32, #tpu.memory_space<vmem_shared>>) target(%dma_start3A_469 : memref<128xf32, #tpu.memory_space<hbm>>) target_semaphore(%arg15 : memref<!tpu.dma_semaphore, #tpu.memory_space<semaphore_mem>>)
      %add3A_473 = arith.constant 5 : i32
      %add3A_474 = arith.addi %mul3A_362, %add3A_473 : i32
      %add3A_475 = arith.addi %multiple_of3A, %add3A_474 : i32
      %mul3A_476 = arith.constant 128 : i32
      %mul3A_477 = arith.muli %add3A_475, %mul3A_476 : i32
      %add3A_478 = arith.addi %mul3A_62, %mul3A_477 : i32
      %dma_wait3A_479 = tpu.memref_slice %arg4[%add3A_478] : memref<2621440xf32, #tpu.memory_space<hbm>> -> memref<128xf32, #tpu.memory_space<hbm>>
      %dma_wait3A_480 = arith.constant 0 : i32
      %dma_wait3A_481 = tpu.memref_slice %arg27[%add3A_475, %dma_wait3A_480] : memref<10240x128xf32, #tpu.memory_space<vmem_shared>> -> memref<1x128xf32, #tpu.memory_space<vmem_shared>>
      %dma_wait3A_482 = tpu.memref_squeeze %dma_wait3A_481 : memref<1x128xf32, #tpu.memory_space<vmem_shared>> -> memref<128xf32, #tpu.memory_space<vmem_shared>>
      tpu.wait_dma2 semaphore(%arg16 : memref<!tpu.dma_semaphore, #tpu.memory_space<semaphore_mem>>) src(%dma_wait3A_482 : memref<128xf32, #tpu.memory_space<vmem_shared>>) dst(%dma_wait3A_479 : memref<128xf32, #tpu.memory_space<hbm>>)
      %add3A_483 = arith.constant 5 : i32
      %add3A_484 = arith.addi %mul3A_362, %add3A_483 : i32
      %add3A_485 = arith.constant 16 : i32
      %add3A_486 = arith.addi %add3A_484, %add3A_485 : i32
      %add3A_487 = arith.addi %multiple_of3A, %add3A_486 : i32
      %mul3A_488 = arith.constant 128 : i32
      %mul3A_489 = arith.muli %add3A_487, %mul3A_488 : i32
      %add3A_490 = arith.addi %mul3A_62, %mul3A_489 : i32
      %dma_start3A_491 = tpu.memref_slice %arg4[%add3A_490] : memref<2621440xf32, #tpu.memory_space<hbm>> -> memref<128xf32, #tpu.memory_space<hbm>>
      %dma_start3A_492 = arith.constant 0 : i32
      %dma_start3A_493 = tpu.memref_slice %arg27[%add3A_487, %dma_start3A_492] : memref<10240x128xf32, #tpu.memory_space<vmem_shared>> -> memref<1x128xf32, #tpu.memory_space<vmem_shared>>
      %dma_start3A_494 = tpu.memref_squeeze %dma_start3A_493 : memref<1x128xf32, #tpu.memory_space<vmem_shared>> -> memref<128xf32, #tpu.memory_space<vmem_shared>>
      tpu.enqueue_dma source(%dma_start3A_494 : memref<128xf32, #tpu.memory_space<vmem_shared>>) target(%dma_start3A_491 : memref<128xf32, #tpu.memory_space<hbm>>) target_semaphore(%arg16 : memref<!tpu.dma_semaphore, #tpu.memory_space<semaphore_mem>>)
      %add3A_495 = arith.constant 6 : i32
      %add3A_496 = arith.addi %mul3A_362, %add3A_495 : i32
      %add3A_497 = arith.addi %multiple_of3A, %add3A_496 : i32
      %mul3A_498 = arith.constant 128 : i32
      %mul3A_499 = arith.muli %add3A_497, %mul3A_498 : i32
      %add3A_500 = arith.addi %mul3A_62, %mul3A_499 : i32
      %dma_wait3A_501 = tpu.memref_slice %arg4[%add3A_500] : memref<2621440xf32, #tpu.memory_space<hbm>> -> memref<128xf32, #tpu.memory_space<hbm>>
      %dma_wait3A_502 = arith.constant 0 : i32
      %dma_wait3A_503 = tpu.memref_slice %arg27[%add3A_497, %dma_wait3A_502] : memref<10240x128xf32, #tpu.memory_space<vmem_shared>> -> memref<1x128xf32, #tpu.memory_space<vmem_shared>>
      %dma_wait3A_504 = tpu.memref_squeeze %dma_wait3A_503 : memref<1x128xf32, #tpu.memory_space<vmem_shared>> -> memref<128xf32, #tpu.memory_space<vmem_shared>>
      tpu.wait_dma2 semaphore(%arg17 : memref<!tpu.dma_semaphore, #tpu.memory_space<semaphore_mem>>) src(%dma_wait3A_504 : memref<128xf32, #tpu.memory_space<vmem_shared>>) dst(%dma_wait3A_501 : memref<128xf32, #tpu.memory_space<hbm>>)
      %add3A_505 = arith.constant 6 : i32
      %add3A_506 = arith.addi %mul3A_362, %add3A_505 : i32
      %add3A_507 = arith.constant 16 : i32
      %add3A_508 = arith.addi %add3A_506, %add3A_507 : i32
      %add3A_509 = arith.addi %multiple_of3A, %add3A_508 : i32
      %mul3A_510 = arith.constant 128 : i32
      %mul3A_511 = arith.muli %add3A_509, %mul3A_510 : i32
      %add3A_512 = arith.addi %mul3A_62, %mul3A_511 : i32
      %dma_start3A_513 = tpu.memref_slice %arg4[%add3A_512] : memref<2621440xf32, #tpu.memory_space<hbm>> -> memref<128xf32, #tpu.memory_space<hbm>>
      %dma_start3A_514 = arith.constant 0 : i32
      %dma_start3A_515 = tpu.memref_slice %arg27[%add3A_509, %dma_start3A_514] : memref<10240x128xf32, #tpu.memory_space<vmem_shared>> -> memref<1x128xf32, #tpu.memory_space<vmem_shared>>
      %dma_start3A_516 = tpu.memref_squeeze %dma_start3A_515 : memref<1x128xf32, #tpu.memory_space<vmem_shared>> -> memref<128xf32, #tpu.memory_space<vmem_shared>>
      tpu.enqueue_dma source(%dma_start3A_516 : memref<128xf32, #tpu.memory_space<vmem_shared>>) target(%dma_start3A_513 : memref<128xf32, #tpu.memory_space<hbm>>) target_semaphore(%arg17 : memref<!tpu.dma_semaphore, #tpu.memory_space<semaphore_mem>>)
      %add3A_517 = arith.constant 7 : i32
      %add3A_518 = arith.addi %mul3A_362, %add3A_517 : i32
      %add3A_519 = arith.addi %multiple_of3A, %add3A_518 : i32
      %mul3A_520 = arith.constant 128 : i32
      %mul3A_521 = arith.muli %add3A_519, %mul3A_520 : i32
      %add3A_522 = arith.addi %mul3A_62, %mul3A_521 : i32
      %dma_wait3A_523 = tpu.memref_slice %arg4[%add3A_522] : memref<2621440xf32, #tpu.memory_space<hbm>> -> memref<128xf32, #tpu.memory_space<hbm>>
      %dma_wait3A_524 = arith.constant 0 : i32
      %dma_wait3A_525 = tpu.memref_slice %arg27[%add3A_519, %dma_wait3A_524] : memref<10240x128xf32, #tpu.memory_space<vmem_shared>> -> memref<1x128xf32, #tpu.memory_space<vmem_shared>>
      %dma_wait3A_526 = tpu.memref_squeeze %dma_wait3A_525 : memref<1x128xf32, #tpu.memory_space<vmem_shared>> -> memref<128xf32, #tpu.memory_space<vmem_shared>>
      tpu.wait_dma2 semaphore(%arg18 : memref<!tpu.dma_semaphore, #tpu.memory_space<semaphore_mem>>) src(%dma_wait3A_526 : memref<128xf32, #tpu.memory_space<vmem_shared>>) dst(%dma_wait3A_523 : memref<128xf32, #tpu.memory_space<hbm>>)
      %add3A_527 = arith.constant 7 : i32
      %add3A_528 = arith.addi %mul3A_362, %add3A_527 : i32
      %add3A_529 = arith.constant 16 : i32
      %add3A_530 = arith.addi %add3A_528, %add3A_529 : i32
      %add3A_531 = arith.addi %multiple_of3A, %add3A_530 : i32
      %mul3A_532 = arith.constant 128 : i32
      %mul3A_533 = arith.muli %add3A_531, %mul3A_532 : i32
      %add3A_534 = arith.addi %mul3A_62, %mul3A_533 : i32
      %dma_start3A_535 = tpu.memref_slice %arg4[%add3A_534] : memref<2621440xf32, #tpu.memory_space<hbm>> -> memref<128xf32, #tpu.memory_space<hbm>>
      %dma_start3A_536 = arith.constant 0 : i32
      %dma_start3A_537 = tpu.memref_slice %arg27[%add3A_531, %dma_start3A_536] : memref<10240x128xf32, #tpu.memory_space<vmem_shared>> -> memref<1x128xf32, #tpu.memory_space<vmem_shared>>
      %dma_start3A_538 = tpu.memref_squeeze %dma_start3A_537 : memref<1x128xf32, #tpu.memory_space<vmem_shared>> -> memref<128xf32, #tpu.memory_space<vmem_shared>>
      tpu.enqueue_dma source(%dma_start3A_538 : memref<128xf32, #tpu.memory_space<vmem_shared>>) target(%dma_start3A_535 : memref<128xf32, #tpu.memory_space<hbm>>) target_semaphore(%arg18 : memref<!tpu.dma_semaphore, #tpu.memory_space<semaphore_mem>>)
      %add3A_539 = arith.constant 8 : i32
      %add3A_540 = arith.addi %mul3A_362, %add3A_539 : i32
      %add3A_541 = arith.addi %multiple_of3A, %add3A_540 : i32
      %mul3A_542 = arith.constant 128 : i32
      %mul3A_543 = arith.muli %add3A_541, %mul3A_542 : i32
      %add3A_544 = arith.addi %mul3A_62, %mul3A_543 : i32
      %dma_wait3A_545 = tpu.memref_slice %arg4[%add3A_544] : memref<2621440xf32, #tpu.memory_space<hbm>> -> memref<128xf32, #tpu.memory_space<hbm>>
      %dma_wait3A_546 = arith.constant 0 : i32
      %dma_wait3A_547 = tpu.memref_slice %arg27[%add3A_541, %dma_wait3A_546] : memref<10240x128xf32, #tpu.memory_space<vmem_shared>> -> memref<1x128xf32, #tpu.memory_space<vmem_shared>>
      %dma_wait3A_548 = tpu.memref_squeeze %dma_wait3A_547 : memref<1x128xf32, #tpu.memory_space<vmem_shared>> -> memref<128xf32, #tpu.memory_space<vmem_shared>>
      tpu.wait_dma2 semaphore(%arg19 : memref<!tpu.dma_semaphore, #tpu.memory_space<semaphore_mem>>) src(%dma_wait3A_548 : memref<128xf32, #tpu.memory_space<vmem_shared>>) dst(%dma_wait3A_545 : memref<128xf32, #tpu.memory_space<hbm>>)
      %add3A_549 = arith.constant 8 : i32
      %add3A_550 = arith.addi %mul3A_362, %add3A_549 : i32
      %add3A_551 = arith.constant 16 : i32
      %add3A_552 = arith.addi %add3A_550, %add3A_551 : i32
      %add3A_553 = arith.addi %multiple_of3A, %add3A_552 : i32
      %mul3A_554 = arith.constant 128 : i32
      %mul3A_555 = arith.muli %add3A_553, %mul3A_554 : i32
      %add3A_556 = arith.addi %mul3A_62, %mul3A_555 : i32
      %dma_start3A_557 = tpu.memref_slice %arg4[%add3A_556] : memref<2621440xf32, #tpu.memory_space<hbm>> -> memref<128xf32, #tpu.memory_space<hbm>>
      %dma_start3A_558 = arith.constant 0 : i32
      %dma_start3A_559 = tpu.memref_slice %arg27[%add3A_553, %dma_start3A_558] : memref<10240x128xf32, #tpu.memory_space<vmem_shared>> -> memref<1x128xf32, #tpu.memory_space<vmem_shared>>
      %dma_start3A_560 = tpu.memref_squeeze %dma_start3A_559 : memref<1x128xf32, #tpu.memory_space<vmem_shared>> -> memref<128xf32, #tpu.memory_space<vmem_shared>>
      tpu.enqueue_dma source(%dma_start3A_560 : memref<128xf32, #tpu.memory_space<vmem_shared>>) target(%dma_start3A_557 : memref<128xf32, #tpu.memory_space<hbm>>) target_semaphore(%arg19 : memref<!tpu.dma_semaphore, #tpu.memory_space<semaphore_mem>>)
      %add3A_561 = arith.constant 9 : i32
      %add3A_562 = arith.addi %mul3A_362, %add3A_561 : i32
      %add3A_563 = arith.addi %multiple_of3A, %add3A_562 : i32
      %mul3A_564 = arith.constant 128 : i32
      %mul3A_565 = arith.muli %add3A_563, %mul3A_564 : i32
      %add3A_566 = arith.addi %mul3A_62, %mul3A_565 : i32
      %dma_wait3A_567 = tpu.memref_slice %arg4[%add3A_566] : memref<2621440xf32, #tpu.memory_space<hbm>> -> memref<128xf32, #tpu.memory_space<hbm>>
      %dma_wait3A_568 = arith.constant 0 : i32
      %dma_wait3A_569 = tpu.memref_slice %arg27[%add3A_563, %dma_wait3A_568] : memref<10240x128xf32, #tpu.memory_space<vmem_shared>> -> memref<1x128xf32, #tpu.memory_space<vmem_shared>>
      %dma_wait3A_570 = tpu.memref_squeeze %dma_wait3A_569 : memref<1x128xf32, #tpu.memory_space<vmem_shared>> -> memref<128xf32, #tpu.memory_space<vmem_shared>>
      tpu.wait_dma2 semaphore(%arg20 : memref<!tpu.dma_semaphore, #tpu.memory_space<semaphore_mem>>) src(%dma_wait3A_570 : memref<128xf32, #tpu.memory_space<vmem_shared>>) dst(%dma_wait3A_567 : memref<128xf32, #tpu.memory_space<hbm>>)
      %add3A_571 = arith.constant 9 : i32
      %add3A_572 = arith.addi %mul3A_362, %add3A_571 : i32
      %add3A_573 = arith.constant 16 : i32
      %add3A_574 = arith.addi %add3A_572, %add3A_573 : i32
      %add3A_575 = arith.addi %multiple_of3A, %add3A_574 : i32
      %mul3A_576 = arith.constant 128 : i32
      %mul3A_577 = arith.muli %add3A_575, %mul3A_576 : i32
      %add3A_578 = arith.addi %mul3A_62, %mul3A_577 : i32
      %dma_start3A_579 = tpu.memref_slice %arg4[%add3A_578] : memref<2621440xf32, #tpu.memory_space<hbm>> -> memref<128xf32, #tpu.memory_space<hbm>>
      %dma_start3A_580 = arith.constant 0 : i32
      %dma_start3A_581 = tpu.memref_slice %arg27[%add3A_575, %dma_start3A_580] : memref<10240x128xf32, #tpu.memory_space<vmem_shared>> -> memref<1x128xf32, #tpu.memory_space<vmem_shared>>
      %dma_start3A_582 = tpu.memref_squeeze %dma_start3A_581 : memref<1x128xf32, #tpu.memory_space<vmem_shared>> -> memref<128xf32, #tpu.memory_space<vmem_shared>>
      tpu.enqueue_dma source(%dma_start3A_582 : memref<128xf32, #tpu.memory_space<vmem_shared>>) target(%dma_start3A_579 : memref<128xf32, #tpu.memory_space<hbm>>) target_semaphore(%arg20 : memref<!tpu.dma_semaphore, #tpu.memory_space<semaphore_mem>>)
      %add3A_583 = arith.constant 10 : i32
      %add3A_584 = arith.addi %mul3A_362, %add3A_583 : i32
      %add3A_585 = arith.addi %multiple_of3A, %add3A_584 : i32
      %mul3A_586 = arith.constant 128 : i32
      %mul3A_587 = arith.muli %add3A_585, %mul3A_586 : i32
      %add3A_588 = arith.addi %mul3A_62, %mul3A_587 : i32
      %dma_wait3A_589 = tpu.memref_slice %arg4[%add3A_588] : memref<2621440xf32, #tpu.memory_space<hbm>> -> memref<128xf32, #tpu.memory_space<hbm>>
      %dma_wait3A_590 = arith.constant 0 : i32
      %dma_wait3A_591 = tpu.memref_slice %arg27[%add3A_585, %dma_wait3A_590] : memref<10240x128xf32, #tpu.memory_space<vmem_shared>> -> memref<1x128xf32, #tpu.memory_space<vmem_shared>>
      %dma_wait3A_592 = tpu.memref_squeeze %dma_wait3A_591 : memref<1x128xf32, #tpu.memory_space<vmem_shared>> -> memref<128xf32, #tpu.memory_space<vmem_shared>>
      tpu.wait_dma2 semaphore(%arg21 : memref<!tpu.dma_semaphore, #tpu.memory_space<semaphore_mem>>) src(%dma_wait3A_592 : memref<128xf32, #tpu.memory_space<vmem_shared>>) dst(%dma_wait3A_589 : memref<128xf32, #tpu.memory_space<hbm>>)
      %add3A_593 = arith.constant 10 : i32
      %add3A_594 = arith.addi %mul3A_362, %add3A_593 : i32
      %add3A_595 = arith.constant 16 : i32
      %add3A_596 = arith.addi %add3A_594, %add3A_595 : i32
      %add3A_597 = arith.addi %multiple_of3A, %add3A_596 : i32
      %mul3A_598 = arith.constant 128 : i32
      %mul3A_599 = arith.muli %add3A_597, %mul3A_598 : i32
      %add3A_600 = arith.addi %mul3A_62, %mul3A_599 : i32
      %dma_start3A_601 = tpu.memref_slice %arg4[%add3A_600] : memref<2621440xf32, #tpu.memory_space<hbm>> -> memref<128xf32, #tpu.memory_space<hbm>>
      %dma_start3A_602 = arith.constant 0 : i32
      %dma_start3A_603 = tpu.memref_slice %arg27[%add3A_597, %dma_start3A_602] : memref<10240x128xf32, #tpu.memory_space<vmem_shared>> -> memref<1x128xf32, #tpu.memory_space<vmem_shared>>
      %dma_start3A_604 = tpu.memref_squeeze %dma_start3A_603 : memref<1x128xf32, #tpu.memory_space<vmem_shared>> -> memref<128xf32, #tpu.memory_space<vmem_shared>>
      tpu.enqueue_dma source(%dma_start3A_604 : memref<128xf32, #tpu.memory_space<vmem_shared>>) target(%dma_start3A_601 : memref<128xf32, #tpu.memory_space<hbm>>) target_semaphore(%arg21 : memref<!tpu.dma_semaphore, #tpu.memory_space<semaphore_mem>>)
      %add3A_605 = arith.constant 11 : i32
      %add3A_606 = arith.addi %mul3A_362, %add3A_605 : i32
      %add3A_607 = arith.addi %multiple_of3A, %add3A_606 : i32
      %mul3A_608 = arith.constant 128 : i32
      %mul3A_609 = arith.muli %add3A_607, %mul3A_608 : i32
      %add3A_610 = arith.addi %mul3A_62, %mul3A_609 : i32
      %dma_wait3A_611 = tpu.memref_slice %arg4[%add3A_610] : memref<2621440xf32, #tpu.memory_space<hbm>> -> memref<128xf32, #tpu.memory_space<hbm>>
      %dma_wait3A_612 = arith.constant 0 : i32
      %dma_wait3A_613 = tpu.memref_slice %arg27[%add3A_607, %dma_wait3A_612] : memref<10240x128xf32, #tpu.memory_space<vmem_shared>> -> memref<1x128xf32, #tpu.memory_space<vmem_shared>>
      %dma_wait3A_614 = tpu.memref_squeeze %dma_wait3A_613 : memref<1x128xf32, #tpu.memory_space<vmem_shared>> -> memref<128xf32, #tpu.memory_space<vmem_shared>>
      tpu.wait_dma2 semaphore(%arg22 : memref<!tpu.dma_semaphore, #tpu.memory_space<semaphore_mem>>) src(%dma_wait3A_614 : memref<128xf32, #tpu.memory_space<vmem_shared>>) dst(%dma_wait3A_611 : memref<128xf32, #tpu.memory_space<hbm>>)
      %add3A_615 = arith.constant 11 : i32
      %add3A_616 = arith.addi %mul3A_362, %add3A_615 : i32
      %add3A_617 = arith.constant 16 : i32
      %add3A_618 = arith.addi %add3A_616, %add3A_617 : i32
      %add3A_619 = arith.addi %multiple_of3A, %add3A_618 : i32
      %mul3A_620 = arith.constant 128 : i32
      %mul3A_621 = arith.muli %add3A_619, %mul3A_620 : i32
      %add3A_622 = arith.addi %mul3A_62, %mul3A_621 : i32
      %dma_start3A_623 = tpu.memref_slice %arg4[%add3A_622] : memref<2621440xf32, #tpu.memory_space<hbm>> -> memref<128xf32, #tpu.memory_space<hbm>>
      %dma_start3A_624 = arith.constant 0 : i32
      %dma_start3A_625 = tpu.memref_slice %arg27[%add3A_619, %dma_start3A_624] : memref<10240x128xf32, #tpu.memory_space<vmem_shared>> -> memref<1x128xf32, #tpu.memory_space<vmem_shared>>
      %dma_start3A_626 = tpu.memref_squeeze %dma_start3A_625 : memref<1x128xf32, #tpu.memory_space<vmem_shared>> -> memref<128xf32, #tpu.memory_space<vmem_shared>>
      tpu.enqueue_dma source(%dma_start3A_626 : memref<128xf32, #tpu.memory_space<vmem_shared>>) target(%dma_start3A_623 : memref<128xf32, #tpu.memory_space<hbm>>) target_semaphore(%arg22 : memref<!tpu.dma_semaphore, #tpu.memory_space<semaphore_mem>>)
      %add3A_627 = arith.constant 12 : i32
      %add3A_628 = arith.addi %mul3A_362, %add3A_627 : i32
      %add3A_629 = arith.addi %multiple_of3A, %add3A_628 : i32
      %mul3A_630 = arith.constant 128 : i32
      %mul3A_631 = arith.muli %add3A_629, %mul3A_630 : i32
      %add3A_632 = arith.addi %mul3A_62, %mul3A_631 : i32
      %dma_wait3A_633 = tpu.memref_slice %arg4[%add3A_632] : memref<2621440xf32, #tpu.memory_space<hbm>> -> memref<128xf32, #tpu.memory_space<hbm>>
      %dma_wait3A_634 = arith.constant 0 : i32
      %dma_wait3A_635 = tpu.memref_slice %arg27[%add3A_629, %dma_wait3A_634] : memref<10240x128xf32, #tpu.memory_space<vmem_shared>> -> memref<1x128xf32, #tpu.memory_space<vmem_shared>>
      %dma_wait3A_636 = tpu.memref_squeeze %dma_wait3A_635 : memref<1x128xf32, #tpu.memory_space<vmem_shared>> -> memref<128xf32, #tpu.memory_space<vmem_shared>>
      tpu.wait_dma2 semaphore(%arg23 : memref<!tpu.dma_semaphore, #tpu.memory_space<semaphore_mem>>) src(%dma_wait3A_636 : memref<128xf32, #tpu.memory_space<vmem_shared>>) dst(%dma_wait3A_633 : memref<128xf32, #tpu.memory_space<hbm>>)
      %add3A_637 = arith.constant 12 : i32
      %add3A_638 = arith.addi %mul3A_362, %add3A_637 : i32
      %add3A_639 = arith.constant 16 : i32
      %add3A_640 = arith.addi %add3A_638, %add3A_639 : i32
      %add3A_641 = arith.addi %multiple_of3A, %add3A_640 : i32
      %mul3A_642 = arith.constant 128 : i32
      %mul3A_643 = arith.muli %add3A_641, %mul3A_642 : i32
      %add3A_644 = arith.addi %mul3A_62, %mul3A_643 : i32
      %dma_start3A_645 = tpu.memref_slice %arg4[%add3A_644] : memref<2621440xf32, #tpu.memory_space<hbm>> -> memref<128xf32, #tpu.memory_space<hbm>>
      %dma_start3A_646 = arith.constant 0 : i32
      %dma_start3A_647 = tpu.memref_slice %arg27[%add3A_641, %dma_start3A_646] : memref<10240x128xf32, #tpu.memory_space<vmem_shared>> -> memref<1x128xf32, #tpu.memory_space<vmem_shared>>
      %dma_start3A_648 = tpu.memref_squeeze %dma_start3A_647 : memref<1x128xf32, #tpu.memory_space<vmem_shared>> -> memref<128xf32, #tpu.memory_space<vmem_shared>>
      tpu.enqueue_dma source(%dma_start3A_648 : memref<128xf32, #tpu.memory_space<vmem_shared>>) target(%dma_start3A_645 : memref<128xf32, #tpu.memory_space<hbm>>) target_semaphore(%arg23 : memref<!tpu.dma_semaphore, #tpu.memory_space<semaphore_mem>>)
      %add3A_649 = arith.constant 13 : i32
      %add3A_650 = arith.addi %mul3A_362, %add3A_649 : i32
      %add3A_651 = arith.addi %multiple_of3A, %add3A_650 : i32
      %mul3A_652 = arith.constant 128 : i32
      %mul3A_653 = arith.muli %add3A_651, %mul3A_652 : i32
      %add3A_654 = arith.addi %mul3A_62, %mul3A_653 : i32
      %dma_wait3A_655 = tpu.memref_slice %arg4[%add3A_654] : memref<2621440xf32, #tpu.memory_space<hbm>> -> memref<128xf32, #tpu.memory_space<hbm>>
      %dma_wait3A_656 = arith.constant 0 : i32
      %dma_wait3A_657 = tpu.memref_slice %arg27[%add3A_651, %dma_wait3A_656] : memref<10240x128xf32, #tpu.memory_space<vmem_shared>> -> memref<1x128xf32, #tpu.memory_space<vmem_shared>>
      %dma_wait3A_658 = tpu.memref_squeeze %dma_wait3A_657 : memref<1x128xf32, #tpu.memory_space<vmem_shared>> -> memref<128xf32, #tpu.memory_space<vmem_shared>>
      tpu.wait_dma2 semaphore(%arg24 : memref<!tpu.dma_semaphore, #tpu.memory_space<semaphore_mem>>) src(%dma_wait3A_658 : memref<128xf32, #tpu.memory_space<vmem_shared>>) dst(%dma_wait3A_655 : memref<128xf32, #tpu.memory_space<hbm>>)
      %add3A_659 = arith.constant 13 : i32
      %add3A_660 = arith.addi %mul3A_362, %add3A_659 : i32
      %add3A_661 = arith.constant 16 : i32
      %add3A_662 = arith.addi %add3A_660, %add3A_661 : i32
      %add3A_663 = arith.addi %multiple_of3A, %add3A_662 : i32
      %mul3A_664 = arith.constant 128 : i32
      %mul3A_665 = arith.muli %add3A_663, %mul3A_664 : i32
      %add3A_666 = arith.addi %mul3A_62, %mul3A_665 : i32
      %dma_start3A_667 = tpu.memref_slice %arg4[%add3A_666] : memref<2621440xf32, #tpu.memory_space<hbm>> -> memref<128xf32, #tpu.memory_space<hbm>>
      %dma_start3A_668 = arith.constant 0 : i32
      %dma_start3A_669 = tpu.memref_slice %arg27[%add3A_663, %dma_start3A_668] : memref<10240x128xf32, #tpu.memory_space<vmem_shared>> -> memref<1x128xf32, #tpu.memory_space<vmem_shared>>
      %dma_start3A_670 = tpu.memref_squeeze %dma_start3A_669 : memref<1x128xf32, #tpu.memory_space<vmem_shared>> -> memref<128xf32, #tpu.memory_space<vmem_shared>>
      tpu.enqueue_dma source(%dma_start3A_670 : memref<128xf32, #tpu.memory_space<vmem_shared>>) target(%dma_start3A_667 : memref<128xf32, #tpu.memory_space<hbm>>) target_semaphore(%arg24 : memref<!tpu.dma_semaphore, #tpu.memory_space<semaphore_mem>>)
      %add3A_671 = arith.constant 14 : i32
      %add3A_672 = arith.addi %mul3A_362, %add3A_671 : i32
      %add3A_673 = arith.addi %multiple_of3A, %add3A_672 : i32
      %mul3A_674 = arith.constant 128 : i32
      %mul3A_675 = arith.muli %add3A_673, %mul3A_674 : i32
      %add3A_676 = arith.addi %mul3A_62, %mul3A_675 : i32
      %dma_wait3A_677 = tpu.memref_slice %arg4[%add3A_676] : memref<2621440xf32, #tpu.memory_space<hbm>> -> memref<128xf32, #tpu.memory_space<hbm>>
      %dma_wait3A_678 = arith.constant 0 : i32
      %dma_wait3A_679 = tpu.memref_slice %arg27[%add3A_673, %dma_wait3A_678] : memref<10240x128xf32, #tpu.memory_space<vmem_shared>> -> memref<1x128xf32, #tpu.memory_space<vmem_shared>>
      %dma_wait3A_680 = tpu.memref_squeeze %dma_wait3A_679 : memref<1x128xf32, #tpu.memory_space<vmem_shared>> -> memref<128xf32, #tpu.memory_space<vmem_shared>>
      tpu.wait_dma2 semaphore(%arg25 : memref<!tpu.dma_semaphore, #tpu.memory_space<semaphore_mem>>) src(%dma_wait3A_680 : memref<128xf32, #tpu.memory_space<vmem_shared>>) dst(%dma_wait3A_677 : memref<128xf32, #tpu.memory_space<hbm>>)
      %add3A_681 = arith.constant 14 : i32
      %add3A_682 = arith.addi %mul3A_362, %add3A_681 : i32
      %add3A_683 = arith.constant 16 : i32
      %add3A_684 = arith.addi %add3A_682, %add3A_683 : i32
      %add3A_685 = arith.addi %multiple_of3A, %add3A_684 : i32
      %mul3A_686 = arith.constant 128 : i32
      %mul3A_687 = arith.muli %add3A_685, %mul3A_686 : i32
      %add3A_688 = arith.addi %mul3A_62, %mul3A_687 : i32
      %dma_start3A_689 = tpu.memref_slice %arg4[%add3A_688] : memref<2621440xf32, #tpu.memory_space<hbm>> -> memref<128xf32, #tpu.memory_space<hbm>>
      %dma_start3A_690 = arith.constant 0 : i32
      %dma_start3A_691 = tpu.memref_slice %arg27[%add3A_685, %dma_start3A_690] : memref<10240x128xf32, #tpu.memory_space<vmem_shared>> -> memref<1x128xf32, #tpu.memory_space<vmem_shared>>
      %dma_start3A_692 = tpu.memref_squeeze %dma_start3A_691 : memref<1x128xf32, #tpu.memory_space<vmem_shared>> -> memref<128xf32, #tpu.memory_space<vmem_shared>>
      tpu.enqueue_dma source(%dma_start3A_692 : memref<128xf32, #tpu.memory_space<vmem_shared>>) target(%dma_start3A_689 : memref<128xf32, #tpu.memory_space<hbm>>) target_semaphore(%arg25 : memref<!tpu.dma_semaphore, #tpu.memory_space<semaphore_mem>>)
      %add3A_693 = arith.constant 15 : i32
      %add3A_694 = arith.addi %mul3A_362, %add3A_693 : i32
      %add3A_695 = arith.addi %multiple_of3A, %add3A_694 : i32
      %mul3A_696 = arith.constant 128 : i32
      %mul3A_697 = arith.muli %add3A_695, %mul3A_696 : i32
      %add3A_698 = arith.addi %mul3A_62, %mul3A_697 : i32
      %dma_wait3A_699 = tpu.memref_slice %arg4[%add3A_698] : memref<2621440xf32, #tpu.memory_space<hbm>> -> memref<128xf32, #tpu.memory_space<hbm>>
      %dma_wait3A_700 = arith.constant 0 : i32
      %dma_wait3A_701 = tpu.memref_slice %arg27[%add3A_695, %dma_wait3A_700] : memref<10240x128xf32, #tpu.memory_space<vmem_shared>> -> memref<1x128xf32, #tpu.memory_space<vmem_shared>>
      %dma_wait3A_702 = tpu.memref_squeeze %dma_wait3A_701 : memref<1x128xf32, #tpu.memory_space<vmem_shared>> -> memref<128xf32, #tpu.memory_space<vmem_shared>>
      tpu.wait_dma2 semaphore(%arg26 : memref<!tpu.dma_semaphore, #tpu.memory_space<semaphore_mem>>) src(%dma_wait3A_702 : memref<128xf32, #tpu.memory_space<vmem_shared>>) dst(%dma_wait3A_699 : memref<128xf32, #tpu.memory_space<hbm>>)
      %add3A_703 = arith.constant 15 : i32
      %add3A_704 = arith.addi %mul3A_362, %add3A_703 : i32
      %add3A_705 = arith.constant 16 : i32
      %add3A_706 = arith.addi %add3A_704, %add3A_705 : i32
      %add3A_707 = arith.addi %multiple_of3A, %add3A_706 : i32
      %mul3A_708 = arith.constant 128 : i32
      %mul3A_709 = arith.muli %add3A_707, %mul3A_708 : i32
      %add3A_710 = arith.addi %mul3A_62, %mul3A_709 : i32
      %dma_start3A_711 = tpu.memref_slice %arg4[%add3A_710] : memref<2621440xf32, #tpu.memory_space<hbm>> -> memref<128xf32, #tpu.memory_space<hbm>>
      %dma_start3A_712 = arith.constant 0 : i32
      %dma_start3A_713 = tpu.memref_slice %arg27[%add3A_707, %dma_start3A_712] : memref<10240x128xf32, #tpu.memory_space<vmem_shared>> -> memref<1x128xf32, #tpu.memory_space<vmem_shared>>
      %dma_start3A_714 = tpu.memref_squeeze %dma_start3A_713 : memref<1x128xf32, #tpu.memory_space<vmem_shared>> -> memref<128xf32, #tpu.memory_space<vmem_shared>>
      tpu.enqueue_dma source(%dma_start3A_714 : memref<128xf32, #tpu.memory_space<vmem_shared>>) target(%dma_start3A_711 : memref<128xf32, #tpu.memory_space<hbm>>) target_semaphore(%arg26 : memref<!tpu.dma_semaphore, #tpu.memory_space<semaphore_mem>>)
    }
    %scan3A_211 = arith.constant 39 : i32
    %add3A_212 = arith.constant 624 : i32
    %add3A_213 = arith.addi %multiple_of3A, %add3A_212 : i32
    %mul3A_214 = arith.constant 128 : i32
    %mul3A_215 = arith.muli %add3A_213, %mul3A_214 : i32
    %add3A_216 = arith.addi %mul3A_62, %mul3A_215 : i32
    %dma_wait3A_217 = tpu.memref_slice %arg4[%add3A_216] : memref<2621440xf32, #tpu.memory_space<hbm>> -> memref<128xf32, #tpu.memory_space<hbm>>
    %dma_wait3A_218 = arith.constant 0 : i32
    %dma_wait3A_219 = tpu.memref_slice %arg27[%add3A_213, %dma_wait3A_218] : memref<10240x128xf32, #tpu.memory_space<vmem_shared>> -> memref<1x128xf32, #tpu.memory_space<vmem_shared>>
    %dma_wait3A_220 = tpu.memref_squeeze %dma_wait3A_219 : memref<1x128xf32, #tpu.memory_space<vmem_shared>> -> memref<128xf32, #tpu.memory_space<vmem_shared>>
    tpu.wait_dma2 semaphore(%arg11 : memref<!tpu.dma_semaphore, #tpu.memory_space<semaphore_mem>>) src(%dma_wait3A_220 : memref<128xf32, #tpu.memory_space<vmem_shared>>) dst(%dma_wait3A_217 : memref<128xf32, #tpu.memory_space<hbm>>)
    %add3A_221 = arith.constant 625 : i32
    %add3A_222 = arith.addi %multiple_of3A, %add3A_221 : i32
    %mul3A_223 = arith.constant 128 : i32
    %mul3A_224 = arith.muli %add3A_222, %mul3A_223 : i32
    %add3A_225 = arith.addi %mul3A_62, %mul3A_224 : i32
    %dma_wait3A_226 = tpu.memref_slice %arg4[%add3A_225] : memref<2621440xf32, #tpu.memory_space<hbm>> -> memref<128xf32, #tpu.memory_space<hbm>>
    %dma_wait3A_227 = arith.constant 0 : i32
    %dma_wait3A_228 = tpu.memref_slice %arg27[%add3A_222, %dma_wait3A_227] : memref<10240x128xf32, #tpu.memory_space<vmem_shared>> -> memref<1x128xf32, #tpu.memory_space<vmem_shared>>
    %dma_wait3A_229 = tpu.memref_squeeze %dma_wait3A_228 : memref<1x128xf32, #tpu.memory_space<vmem_shared>> -> memref<128xf32, #tpu.memory_space<vmem_shared>>
    tpu.wait_dma2 semaphore(%arg12 : memref<!tpu.dma_semaphore, #tpu.memory_space<semaphore_mem>>) src(%dma_wait3A_229 : memref<128xf32, #tpu.memory_space<vmem_shared>>) dst(%dma_wait3A_226 : memref<128xf32, #tpu.memory_space<hbm>>)
    %add3A_230 = arith.constant 626 : i32
    %add3A_231 = arith.addi %multiple_of3A, %add3A_230 : i32
    %mul3A_232 = arith.constant 128 : i32
    %mul3A_233 = arith.muli %add3A_231, %mul3A_232 : i32
    %add3A_234 = arith.addi %mul3A_62, %mul3A_233 : i32
    %dma_wait3A_235 = tpu.memref_slice %arg4[%add3A_234] : memref<2621440xf32, #tpu.memory_space<hbm>> -> memref<128xf32, #tpu.memory_space<hbm>>
    %dma_wait3A_236 = arith.constant 0 : i32
    %dma_wait3A_237 = tpu.memref_slice %arg27[%add3A_231, %dma_wait3A_236] : memref<10240x128xf32, #tpu.memory_space<vmem_shared>> -> memref<1x128xf32, #tpu.memory_space<vmem_shared>>
    %dma_wait3A_238 = tpu.memref_squeeze %dma_wait3A_237 : memref<1x128xf32, #tpu.memory_space<vmem_shared>> -> memref<128xf32, #tpu.memory_space<vmem_shared>>
    tpu.wait_dma2 semaphore(%arg13 : memref<!tpu.dma_semaphore, #tpu.memory_space<semaphore_mem>>) src(%dma_wait3A_238 : memref<128xf32, #tpu.memory_space<vmem_shared>>) dst(%dma_wait3A_235 : memref<128xf32, #tpu.memory_space<hbm>>)
    %add3A_239 = arith.constant 627 : i32
    %add3A_240 = arith.addi %multiple_of3A, %add3A_239 : i32
    %mul3A_241 = arith.constant 128 : i32
    %mul3A_242 = arith.muli %add3A_240, %mul3A_241 : i32
    %add3A_243 = arith.addi %mul3A_62, %mul3A_242 : i32
    %dma_wait3A_244 = tpu.memref_slice %arg4[%add3A_243] : memref<2621440xf32, #tpu.memory_space<hbm>> -> memref<128xf32, #tpu.memory_space<hbm>>
    %dma_wait3A_245 = arith.constant 0 : i32
    %dma_wait3A_246 = tpu.memref_slice %arg27[%add3A_240, %dma_wait3A_245] : memref<10240x128xf32, #tpu.memory_space<vmem_shared>> -> memref<1x128xf32, #tpu.memory_space<vmem_shared>>
    %dma_wait3A_247 = tpu.memref_squeeze %dma_wait3A_246 : memref<1x128xf32, #tpu.memory_space<vmem_shared>> -> memref<128xf32, #tpu.memory_space<vmem_shared>>
    tpu.wait_dma2 semaphore(%arg14 : memref<!tpu.dma_semaphore, #tpu.memory_space<semaphore_mem>>) src(%dma_wait3A_247 : memref<128xf32, #tpu.memory_space<vmem_shared>>) dst(%dma_wait3A_244 : memref<128xf32, #tpu.memory_space<hbm>>)
    %add3A_248 = arith.constant 628 : i32
    %add3A_249 = arith.addi %multiple_of3A, %add3A_248 : i32
    %mul3A_250 = arith.constant 128 : i32
    %mul3A_251 = arith.muli %add3A_249, %mul3A_250 : i32
    %add3A_252 = arith.addi %mul3A_62, %mul3A_251 : i32
    %dma_wait3A_253 = tpu.memref_slice %arg4[%add3A_252] : memref<2621440xf32, #tpu.memory_space<hbm>> -> memref<128xf32, #tpu.memory_space<hbm>>
    %dma_wait3A_254 = arith.constant 0 : i32
    %dma_wait3A_255 = tpu.memref_slice %arg27[%add3A_249, %dma_wait3A_254] : memref<10240x128xf32, #tpu.memory_space<vmem_shared>> -> memref<1x128xf32, #tpu.memory_space<vmem_shared>>
    %dma_wait3A_256 = tpu.memref_squeeze %dma_wait3A_255 : memref<1x128xf32, #tpu.memory_space<vmem_shared>> -> memref<128xf32, #tpu.memory_space<vmem_shared>>
    tpu.wait_dma2 semaphore(%arg15 : memref<!tpu.dma_semaphore, #tpu.memory_space<semaphore_mem>>) src(%dma_wait3A_256 : memref<128xf32, #tpu.memory_space<vmem_shared>>) dst(%dma_wait3A_253 : memref<128xf32, #tpu.memory_space<hbm>>)
    %add3A_257 = arith.constant 629 : i32
    %add3A_258 = arith.addi %multiple_of3A, %add3A_257 : i32
    %mul3A_259 = arith.constant 128 : i32
    %mul3A_260 = arith.muli %add3A_258, %mul3A_259 : i32
    %add3A_261 = arith.addi %mul3A_62, %mul3A_260 : i32
    %dma_wait3A_262 = tpu.memref_slice %arg4[%add3A_261] : memref<2621440xf32, #tpu.memory_space<hbm>> -> memref<128xf32, #tpu.memory_space<hbm>>
    %dma_wait3A_263 = arith.constant 0 : i32
    %dma_wait3A_264 = tpu.memref_slice %arg27[%add3A_258, %dma_wait3A_263] : memref<10240x128xf32, #tpu.memory_space<vmem_shared>> -> memref<1x128xf32, #tpu.memory_space<vmem_shared>>
    %dma_wait3A_265 = tpu.memref_squeeze %dma_wait3A_264 : memref<1x128xf32, #tpu.memory_space<vmem_shared>> -> memref<128xf32, #tpu.memory_space<vmem_shared>>
    tpu.wait_dma2 semaphore(%arg16 : memref<!tpu.dma_semaphore, #tpu.memory_space<semaphore_mem>>) src(%dma_wait3A_265 : memref<128xf32, #tpu.memory_space<vmem_shared>>) dst(%dma_wait3A_262 : memref<128xf32, #tpu.memory_space<hbm>>)
    %add3A_266 = arith.constant 630 : i32
    %add3A_267 = arith.addi %multiple_of3A, %add3A_266 : i32
    %mul3A_268 = arith.constant 128 : i32
    %mul3A_269 = arith.muli %add3A_267, %mul3A_268 : i32
    %add3A_270 = arith.addi %mul3A_62, %mul3A_269 : i32
    %dma_wait3A_271 = tpu.memref_slice %arg4[%add3A_270] : memref<2621440xf32, #tpu.memory_space<hbm>> -> memref<128xf32, #tpu.memory_space<hbm>>
    %dma_wait3A_272 = arith.constant 0 : i32
    %dma_wait3A_273 = tpu.memref_slice %arg27[%add3A_267, %dma_wait3A_272] : memref<10240x128xf32, #tpu.memory_space<vmem_shared>> -> memref<1x128xf32, #tpu.memory_space<vmem_shared>>
    %dma_wait3A_274 = tpu.memref_squeeze %dma_wait3A_273 : memref<1x128xf32, #tpu.memory_space<vmem_shared>> -> memref<128xf32, #tpu.memory_space<vmem_shared>>
    tpu.wait_dma2 semaphore(%arg17 : memref<!tpu.dma_semaphore, #tpu.memory_space<semaphore_mem>>) src(%dma_wait3A_274 : memref<128xf32, #tpu.memory_space<vmem_shared>>) dst(%dma_wait3A_271 : memref<128xf32, #tpu.memory_space<hbm>>)
    %add3A_275 = arith.constant 631 : i32
    %add3A_276 = arith.addi %multiple_of3A, %add3A_275 : i32
    %mul3A_277 = arith.constant 128 : i32
    %mul3A_278 = arith.muli %add3A_276, %mul3A_277 : i32
    %add3A_279 = arith.addi %mul3A_62, %mul3A_278 : i32
    %dma_wait3A_280 = tpu.memref_slice %arg4[%add3A_279] : memref<2621440xf32, #tpu.memory_space<hbm>> -> memref<128xf32, #tpu.memory_space<hbm>>
    %dma_wait3A_281 = arith.constant 0 : i32
    %dma_wait3A_282 = tpu.memref_slice %arg27[%add3A_276, %dma_wait3A_281] : memref<10240x128xf32, #tpu.memory_space<vmem_shared>> -> memref<1x128xf32, #tpu.memory_space<vmem_shared>>
    %dma_wait3A_283 = tpu.memref_squeeze %dma_wait3A_282 : memref<1x128xf32, #tpu.memory_space<vmem_shared>> -> memref<128xf32, #tpu.memory_space<vmem_shared>>
    tpu.wait_dma2 semaphore(%arg18 : memref<!tpu.dma_semaphore, #tpu.memory_space<semaphore_mem>>) src(%dma_wait3A_283 : memref<128xf32, #tpu.memory_space<vmem_shared>>) dst(%dma_wait3A_280 : memref<128xf32, #tpu.memory_space<hbm>>)
    %add3A_284 = arith.constant 632 : i32
    %add3A_285 = arith.addi %multiple_of3A, %add3A_284 : i32
    %mul3A_286 = arith.constant 128 : i32
    %mul3A_287 = arith.muli %add3A_285, %mul3A_286 : i32
    %add3A_288 = arith.addi %mul3A_62, %mul3A_287 : i32
    %dma_wait3A_289 = tpu.memref_slice %arg4[%add3A_288] : memref<2621440xf32, #tpu.memory_space<hbm>> -> memref<128xf32, #tpu.memory_space<hbm>>
    %dma_wait3A_290 = arith.constant 0 : i32
    %dma_wait3A_291 = tpu.memref_slice %arg27[%add3A_285, %dma_wait3A_290] : memref<10240x128xf32, #tpu.memory_space<vmem_shared>> -> memref<1x128xf32, #tpu.memory_space<vmem_shared>>
    %dma_wait3A_292 = tpu.memref_squeeze %dma_wait3A_291 : memref<1x128xf32, #tpu.memory_space<vmem_shared>> -> memref<128xf32, #tpu.memory_space<vmem_shared>>
    tpu.wait_dma2 semaphore(%arg19 : memref<!tpu.dma_semaphore, #tpu.memory_space<semaphore_mem>>) src(%dma_wait3A_292 : memref<128xf32, #tpu.memory_space<vmem_shared>>) dst(%dma_wait3A_289 : memref<128xf32, #tpu.memory_space<hbm>>)
    %add3A_293 = arith.constant 633 : i32
    %add3A_294 = arith.addi %multiple_of3A, %add3A_293 : i32
    %mul3A_295 = arith.constant 128 : i32
    %mul3A_296 = arith.muli %add3A_294, %mul3A_295 : i32
    %add3A_297 = arith.addi %mul3A_62, %mul3A_296 : i32
    %dma_wait3A_298 = tpu.memref_slice %arg4[%add3A_297] : memref<2621440xf32, #tpu.memory_space<hbm>> -> memref<128xf32, #tpu.memory_space<hbm>>
    %dma_wait3A_299 = arith.constant 0 : i32
    %dma_wait3A_300 = tpu.memref_slice %arg27[%add3A_294, %dma_wait3A_299] : memref<10240x128xf32, #tpu.memory_space<vmem_shared>> -> memref<1x128xf32, #tpu.memory_space<vmem_shared>>
    %dma_wait3A_301 = tpu.memref_squeeze %dma_wait3A_300 : memref<1x128xf32, #tpu.memory_space<vmem_shared>> -> memref<128xf32, #tpu.memory_space<vmem_shared>>
    tpu.wait_dma2 semaphore(%arg20 : memref<!tpu.dma_semaphore, #tpu.memory_space<semaphore_mem>>) src(%dma_wait3A_301 : memref<128xf32, #tpu.memory_space<vmem_shared>>) dst(%dma_wait3A_298 : memref<128xf32, #tpu.memory_space<hbm>>)
    %add3A_302 = arith.constant 634 : i32
    %add3A_303 = arith.addi %multiple_of3A, %add3A_302 : i32
    %mul3A_304 = arith.constant 128 : i32
    %mul3A_305 = arith.muli %add3A_303, %mul3A_304 : i32
    %add3A_306 = arith.addi %mul3A_62, %mul3A_305 : i32
    %dma_wait3A_307 = tpu.memref_slice %arg4[%add3A_306] : memref<2621440xf32, #tpu.memory_space<hbm>> -> memref<128xf32, #tpu.memory_space<hbm>>
    %dma_wait3A_308 = arith.constant 0 : i32
    %dma_wait3A_309 = tpu.memref_slice %arg27[%add3A_303, %dma_wait3A_308] : memref<10240x128xf32, #tpu.memory_space<vmem_shared>> -> memref<1x128xf32, #tpu.memory_space<vmem_shared>>
    %dma_wait3A_310 = tpu.memref_squeeze %dma_wait3A_309 : memref<1x128xf32, #tpu.memory_space<vmem_shared>> -> memref<128xf32, #tpu.memory_space<vmem_shared>>
    tpu.wait_dma2 semaphore(%arg21 : memref<!tpu.dma_semaphore, #tpu.memory_space<semaphore_mem>>) src(%dma_wait3A_310 : memref<128xf32, #tpu.memory_space<vmem_shared>>) dst(%dma_wait3A_307 : memref<128xf32, #tpu.memory_space<hbm>>)
    %add3A_311 = arith.constant 635 : i32
    %add3A_312 = arith.addi %multiple_of3A, %add3A_311 : i32
    %mul3A_313 = arith.constant 128 : i32
    %mul3A_314 = arith.muli %add3A_312, %mul3A_313 : i32
    %add3A_315 = arith.addi %mul3A_62, %mul3A_314 : i32
    %dma_wait3A_316 = tpu.memref_slice %arg4[%add3A_315] : memref<2621440xf32, #tpu.memory_space<hbm>> -> memref<128xf32, #tpu.memory_space<hbm>>
    %dma_wait3A_317 = arith.constant 0 : i32
    %dma_wait3A_318 = tpu.memref_slice %arg27[%add3A_312, %dma_wait3A_317] : memref<10240x128xf32, #tpu.memory_space<vmem_shared>> -> memref<1x128xf32, #tpu.memory_space<vmem_shared>>
    %dma_wait3A_319 = tpu.memref_squeeze %dma_wait3A_318 : memref<1x128xf32, #tpu.memory_space<vmem_shared>> -> memref<128xf32, #tpu.memory_space<vmem_shared>>
    tpu.wait_dma2 semaphore(%arg22 : memref<!tpu.dma_semaphore, #tpu.memory_space<semaphore_mem>>) src(%dma_wait3A_319 : memref<128xf32, #tpu.memory_space<vmem_shared>>) dst(%dma_wait3A_316 : memref<128xf32, #tpu.memory_space<hbm>>)
    %add3A_320 = arith.constant 636 : i32
    %add3A_321 = arith.addi %multiple_of3A, %add3A_320 : i32
    %mul3A_322 = arith.constant 128 : i32
    %mul3A_323 = arith.muli %add3A_321, %mul3A_322 : i32
    %add3A_324 = arith.addi %mul3A_62, %mul3A_323 : i32
    %dma_wait3A_325 = tpu.memref_slice %arg4[%add3A_324] : memref<2621440xf32, #tpu.memory_space<hbm>> -> memref<128xf32, #tpu.memory_space<hbm>>
    %dma_wait3A_326 = arith.constant 0 : i32
    %dma_wait3A_327 = tpu.memref_slice %arg27[%add3A_321, %dma_wait3A_326] : memref<10240x128xf32, #tpu.memory_space<vmem_shared>> -> memref<1x128xf32, #tpu.memory_space<vmem_shared>>
    %dma_wait3A_328 = tpu.memref_squeeze %dma_wait3A_327 : memref<1x128xf32, #tpu.memory_space<vmem_shared>> -> memref<128xf32, #tpu.memory_space<vmem_shared>>
    tpu.wait_dma2 semaphore(%arg23 : memref<!tpu.dma_semaphore, #tpu.memory_space<semaphore_mem>>) src(%dma_wait3A_328 : memref<128xf32, #tpu.memory_space<vmem_shared>>) dst(%dma_wait3A_325 : memref<128xf32, #tpu.memory_space<hbm>>)
    %add3A_329 = arith.constant 637 : i32
    %add3A_330 = arith.addi %multiple_of3A, %add3A_329 : i32
    %mul3A_331 = arith.constant 128 : i32
    %mul3A_332 = arith.muli %add3A_330, %mul3A_331 : i32
    %add3A_333 = arith.addi %mul3A_62, %mul3A_332 : i32
    %dma_wait3A_334 = tpu.memref_slice %arg4[%add3A_333] : memref<2621440xf32, #tpu.memory_space<hbm>> -> memref<128xf32, #tpu.memory_space<hbm>>
    %dma_wait3A_335 = arith.constant 0 : i32
    %dma_wait3A_336 = tpu.memref_slice %arg27[%add3A_330, %dma_wait3A_335] : memref<10240x128xf32, #tpu.memory_space<vmem_shared>> -> memref<1x128xf32, #tpu.memory_space<vmem_shared>>
    %dma_wait3A_337 = tpu.memref_squeeze %dma_wait3A_336 : memref<1x128xf32, #tpu.memory_space<vmem_shared>> -> memref<128xf32, #tpu.memory_space<vmem_shared>>
    tpu.wait_dma2 semaphore(%arg24 : memref<!tpu.dma_semaphore, #tpu.memory_space<semaphore_mem>>) src(%dma_wait3A_337 : memref<128xf32, #tpu.memory_space<vmem_shared>>) dst(%dma_wait3A_334 : memref<128xf32, #tpu.memory_space<hbm>>)
    %add3A_338 = arith.constant 638 : i32
    %add3A_339 = arith.addi %multiple_of3A, %add3A_338 : i32
    %mul3A_340 = arith.constant 128 : i32
    %mul3A_341 = arith.muli %add3A_339, %mul3A_340 : i32
    %add3A_342 = arith.addi %mul3A_62, %mul3A_341 : i32
    %dma_wait3A_343 = tpu.memref_slice %arg4[%add3A_342] : memref<2621440xf32, #tpu.memory_space<hbm>> -> memref<128xf32, #tpu.memory_space<hbm>>
    %dma_wait3A_344 = arith.constant 0 : i32
    %dma_wait3A_345 = tpu.memref_slice %arg27[%add3A_339, %dma_wait3A_344] : memref<10240x128xf32, #tpu.memory_space<vmem_shared>> -> memref<1x128xf32, #tpu.memory_space<vmem_shared>>
    %dma_wait3A_346 = tpu.memref_squeeze %dma_wait3A_345 : memref<1x128xf32, #tpu.memory_space<vmem_shared>> -> memref<128xf32, #tpu.memory_space<vmem_shared>>
    tpu.wait_dma2 semaphore(%arg25 : memref<!tpu.dma_semaphore, #tpu.memory_space<semaphore_mem>>) src(%dma_wait3A_346 : memref<128xf32, #tpu.memory_space<vmem_shared>>) dst(%dma_wait3A_343 : memref<128xf32, #tpu.memory_space<hbm>>)
    %add3A_347 = arith.constant 639 : i32
    %add3A_348 = arith.addi %multiple_of3A, %add3A_347 : i32
    %mul3A_349 = arith.constant 128 : i32
    %mul3A_350 = arith.muli %add3A_348, %mul3A_349 : i32
    %add3A_351 = arith.addi %mul3A_62, %mul3A_350 : i32
    %dma_wait3A_352 = tpu.memref_slice %arg4[%add3A_351] : memref<2621440xf32, #tpu.memory_space<hbm>> -> memref<128xf32, #tpu.memory_space<hbm>>
    %dma_wait3A_353 = arith.constant 0 : i32
    %dma_wait3A_354 = tpu.memref_slice %arg27[%add3A_348, %dma_wait3A_353] : memref<10240x128xf32, #tpu.memory_space<vmem_shared>> -> memref<1x128xf32, #tpu.memory_space<vmem_shared>>
    %dma_wait3A_355 = tpu.memref_squeeze %dma_wait3A_354 : memref<1x128xf32, #tpu.memory_space<vmem_shared>> -> memref<128xf32, #tpu.memory_space<vmem_shared>>
    tpu.wait_dma2 semaphore(%arg26 : memref<!tpu.dma_semaphore, #tpu.memory_space<semaphore_mem>>) src(%dma_wait3A_355 : memref<128xf32, #tpu.memory_space<vmem_shared>>) dst(%dma_wait3A_352 : memref<128xf32, #tpu.memory_space<hbm>>)
    return
  }
}

module attributes {stable_mosaic.version = 14 : i64} {
  func.func @_tc2_body(%arg0: i32, %arg1: memref<400x1xf32, #tpu.memory_space<vmem>>, %arg2: memref<400x1xf32, #tpu.memory_space<vmem>>, %arg3: memref<400x128xf32, #tpu.memory_space<vmem>>, %arg4: memref<128x128xf32, #tpu.memory_space<vmem>>, %arg5: memref<400x128xf32, #tpu.memory_space<vmem>>, %arg6: memref<400x1xf32, #tpu.memory_space<vmem>>) attributes {dimension_semantics = [#tpu.dimension_semantics<arbitrary>], iteration_bounds = array<i64: 25>, scalar_prefetch = 0 : i64, scratch_operands = 0 : i64, tpu.core_type = #tpu.core_type<tc>, window_params = [{transform_indices = @transform_0, window_bounds = array<i64: 400, 1>}, {transform_indices = @transform_1, window_bounds = array<i64: 400, 1>}, {transform_indices = @transform_2, window_bounds = array<i64: 400, 128>}, {pipeline_mode = #tpu.pipeline_mode<synchronous>, transform_indices = @transform_3, window_bounds = array<i64: 128, 128>}, {transform_indices = @transform_4, window_bounds = array<i64: 400, 128>}, {transform_indices = @transform_5, window_bounds = array<i64: 400, 1>}]} {
    %get3A = arith.constant 0 : index
    %get3A_0 = arith.constant 0 : index
    %get3A_1 = vector.load %arg1[%get3A, %get3A_0] : memref<400x1xf32, #tpu.memory_space<vmem>>, vector<400x1xf32>
    %get3A_2 = arith.constant 0 : index
    %get3A_3 = arith.constant 0 : index
    %get3A_4 = vector.load %arg2[%get3A_2, %get3A_3] : memref<400x1xf32, #tpu.memory_space<vmem>>, vector<400x1xf32>
    %add3A = arith.addf %get3A_1, %get3A_4 : vector<400x1xf32>
    %add3A_5 = arith.constant 1.000000e+00 : f32
    %add3A_6 = vector.broadcast %add3A_5 : f32 to vector<400x1xf32>
    %add3A_7 = arith.addf %add3A, %add3A_6 : vector<400x1xf32>
    %rsqrt3A = math.rsqrt %add3A_7 : vector<400x1xf32>
    %get3A_8 = arith.constant 0 : index
    %get3A_9 = arith.constant 0 : index
    %get3A_10 = vector.load %arg3[%get3A_8, %get3A_9] : memref<400x128xf32, #tpu.memory_space<vmem>>, vector<400x128xf32>
    %get3A_11 = arith.constant 0 : index
    %get3A_12 = arith.constant 0 : index
    %get3A_13 = vector.load %arg4[%get3A_11, %get3A_12] : memref<128x128xf32, #tpu.memory_space<vmem>>, vector<128x128xf32>
    %dot_general3A = arith.constant dense<0.000000e+00> : vector<400x128xf32>
    %dot_general3A_14 = tpu.matmul %get3A_10, %get3A_13, %dot_general3A {dimension_numbers = #tpu.dot_dimension_numbers<[1], [0], [0], [1], [0, 0, 1, 1], [], []>, transpose_lhs_hint = false} : vector<400x128xf32>, vector<128x128xf32>, vector<400x128xf32> -> vector<400x128xf32>
    %mul3A = vector.broadcast %rsqrt3A : vector<400x1xf32> to vector<400x128xf32>
    %mul3A_15 = arith.mulf %dot_general3A_14, %mul3A : vector<400x128xf32>
    %swap3A = arith.constant 0 : index
    %swap3A_16 = arith.constant 0 : index
    %swap3A_17 = vector.load %arg5[%swap3A, %swap3A_16] : memref<400x128xf32, #tpu.memory_space<vmem>>, vector<400x128xf32>
    tpu.vector_store %arg5[%swap3A, %swap3A_16], %mul3A_15 {strides = array<i32>} : memref<400x128xf32, #tpu.memory_space<vmem>>, vector<400x128xf32>,
    %swap3A_18 = arith.constant 0 : index
    %swap3A_19 = arith.constant 0 : index
    %swap3A_20 = vector.load %arg6[%swap3A_18, %swap3A_19] : memref<400x1xf32, #tpu.memory_space<vmem>>, vector<400x1xf32>
    tpu.vector_store %arg6[%swap3A_18, %swap3A_19], %rsqrt3A {strides = array<i32>} : memref<400x1xf32, #tpu.memory_space<vmem>>, vector<400x1xf32>,
    return
  }
  func.func @transform_0(%arg0: i32) -> (i32, i32) {
    %c0_i32 = arith.constant 0 : i32
    %c0_i32_0 = arith.constant 0 : i32
    return %arg0, %c0_i32 : i32, i32
  }
  func.func @transform_1(%arg0: i32) -> (i32, i32) {
    %c0_i32 = arith.constant 0 : i32
    %c0_i32_0 = arith.constant 0 : i32
    return %arg0, %c0_i32 : i32, i32
  }
  func.func @transform_2(%arg0: i32) -> (i32, i32) {
    %c0_i32 = arith.constant 0 : i32
    %c0_i32_0 = arith.constant 0 : i32
    return %arg0, %c0_i32 : i32, i32
  }
  func.func @transform_3(%arg0: i32) -> (i32, i32) {
    %c0_i32 = arith.constant 0 : i32
    %c0_i32_0 = arith.constant 0 : i32
    %c0_i32_1 = arith.constant 0 : i32
    return %c0_i32, %c0_i32_0 : i32, i32
  }
  func.func @transform_4(%arg0: i32) -> (i32, i32) {
    %c0_i32 = arith.constant 0 : i32
    %c0_i32_0 = arith.constant 0 : i32
    return %arg0, %c0_i32 : i32, i32
  }
  func.func @transform_5(%arg0: i32) -> (i32, i32) {
    %c0_i32 = arith.constant 0 : i32
    %c0_i32_0 = arith.constant 0 : i32
    return %arg0, %c0_i32 : i32, i32
  }
}

module attributes {stable_mosaic.version = 14 : i64} {
  func.func @_tc3_body(%arg0: i32, %arg1: memref<400x128xf32, #tpu.memory_space<vmem>>, %arg2: memref<400x128xf32, #tpu.memory_space<vmem>>, %arg3: memref<400x128xf32, #tpu.memory_space<vmem>>, %arg4: memref<400x1xf32, #tpu.memory_space<vmem>>, %arg5: memref<1x128xf32, #tpu.memory_space<vmem>>, %arg6: memref<1x128xf32, #tpu.memory_space<vmem>>, %arg7: memref<1x128xf32, #tpu.memory_space<vmem>>, %arg8: memref<128x128xf32, #tpu.memory_space<vmem>>, %arg9: memref<1x128xf32, #tpu.memory_space<vmem>>, %arg10: memref<128x128xf32, #tpu.memory_space<vmem>>, %arg11: memref<1x128xf32, #tpu.memory_space<vmem>>, %arg12: memref<128x128xf32, #tpu.memory_space<vmem>>, %arg13: memref<400x128xf32, #tpu.memory_space<vmem>>) attributes {dimension_semantics = [#tpu.dimension_semantics<arbitrary>], iteration_bounds = array<i64: 25>, scalar_prefetch = 0 : i64, scratch_operands = 0 : i64, tpu.core_type = #tpu.core_type<tc>, window_params = [{transform_indices = @transform_0, window_bounds = array<i64: 400, 128>}, {transform_indices = @transform_1, window_bounds = array<i64: 400, 128>}, {transform_indices = @transform_2, window_bounds = array<i64: 400, 128>}, {transform_indices = @transform_3, window_bounds = array<i64: 400, 1>}, {pipeline_mode = #tpu.pipeline_mode<synchronous>, transform_indices = @transform_4, window_bounds = array<i64: 1, 128>}, {pipeline_mode = #tpu.pipeline_mode<synchronous>, transform_indices = @transform_5, window_bounds = array<i64: 1, 128>}, {pipeline_mode = #tpu.pipeline_mode<synchronous>, transform_indices = @transform_6, window_bounds = array<i64: 1, 128>}, {pipeline_mode = #tpu.pipeline_mode<synchronous>, transform_indices = @transform_7, window_bounds = array<i64: 128, 128>}, {pipeline_mode = #tpu.pipeline_mode<synchronous>, transform_indices = @transform_8, window_bounds = array<i64: 1, 128>}, {pipeline_mode = #tpu.pipeline_mode<synchronous>, transform_indices = @transform_9, window_bounds = array<i64: 128, 128>}, {pipeline_mode = #tpu.pipeline_mode<synchronous>, transform_indices = @transform_10, window_bounds = array<i64: 1, 128>}, {pipeline_mode = #tpu.pipeline_mode<synchronous>, transform_indices = @transform_11, window_bounds = array<i64: 128, 128>}, {transform_indices = @transform_12, window_bounds = array<i64: 400, 128>}]} {
    %get3A = arith.constant 0 : index
    %get3A_0 = arith.constant 0 : index
    %get3A_1 = vector.load %arg4[%get3A, %get3A_0] : memref<400x1xf32, #tpu.memory_space<vmem>>, vector<400x1xf32>
    %get3A_2 = arith.constant 0 : index
    %get3A_3 = arith.constant 0 : index
    %get3A_4 = vector.load %arg1[%get3A_2, %get3A_3] : memref<400x128xf32, #tpu.memory_space<vmem>>, vector<400x128xf32>
    %get3A_5 = arith.constant 0 : index
    %get3A_6 = arith.constant 0 : index
    %get3A_7 = vector.load %arg2[%get3A_5, %get3A_6] : memref<400x128xf32, #tpu.memory_space<vmem>>, vector<400x128xf32>
    %add3A = arith.addf %get3A_4, %get3A_7 : vector<400x128xf32>
    %get3A_8 = arith.constant 0 : index
    %get3A_9 = arith.constant 0 : index
    %get3A_10 = vector.load %arg3[%get3A_8, %get3A_9] : memref<400x128xf32, #tpu.memory_space<vmem>>, vector<400x128xf32>
    %add3A_11 = arith.addf %add3A, %get3A_10 : vector<400x128xf32>
    %mul3A = vector.broadcast %get3A_1 : vector<400x1xf32> to vector<400x128xf32>
    %mul3A_12 = arith.mulf %mul3A, %add3A_11 : vector<400x128xf32>
    %get3A_13 = arith.constant 0 : index
    %get3A_14 = arith.constant 0 : index
    %get3A_15 = vector.load %arg5[%get3A_13, %get3A_14] : memref<1x128xf32, #tpu.memory_space<vmem>>, vector<1x128xf32>
    %add3A_16 = vector.broadcast %get3A_15 : vector<1x128xf32> to vector<400x128xf32>
    %add3A_17 = arith.addf %mul3A_12, %add3A_16 : vector<400x128xf32>
    %tanh3A = math.tanh %add3A_17 : vector<400x128xf32>
    %reduce_sum3A = arith.constant dense<0.000000e+00> : vector<400xf32>
    %reduce_sum3A_18 = vector.multi_reduction <add>, %tanh3A, %reduce_sum3A [1] : vector<400x128xf32> to vector<400xf32>
    %broadcast_in_dim3A = vector.shape_cast %reduce_sum3A_18 : vector<400xf32> to vector<400x1xf32>
    %div3A = arith.constant 1.280000e+02 : f32
    %div3A_19 = vector.broadcast %div3A : f32 to vector<400x1xf32>
    %div3A_20 = arith.divf %broadcast_in_dim3A, %div3A_19 : vector<400x1xf32>
    %sub3A = vector.broadcast %div3A_20 : vector<400x1xf32> to vector<400x128xf32>
    %sub3A_21 = arith.subf %tanh3A, %sub3A : vector<400x128xf32>
    %integer_pow3A = arith.mulf %sub3A_21, %sub3A_21 : vector<400x128xf32>
    %reduce_sum3A_22 = arith.constant dense<0.000000e+00> : vector<400xf32>
    %reduce_sum3A_23 = vector.multi_reduction <add>, %integer_pow3A, %reduce_sum3A_22 [1] : vector<400x128xf32> to vector<400xf32>
    %broadcast_in_dim3A_24 = vector.shape_cast %reduce_sum3A_23 : vector<400xf32> to vector<400x1xf32>
    %div3A_25 = arith.constant 1.280000e+02 : f32
    %div3A_26 = vector.broadcast %div3A_25 : f32 to vector<400x1xf32>
    %div3A_27 = arith.divf %broadcast_in_dim3A_24, %div3A_26 : vector<400x1xf32>
    %sub3A_28 = vector.broadcast %div3A_20 : vector<400x1xf32> to vector<400x128xf32>
    %sub3A_29 = arith.subf %tanh3A, %sub3A_28 : vector<400x128xf32>
    %add3A_30 = arith.constant 9.99999974E-6 : f32
    %add3A_31 = vector.broadcast %add3A_30 : f32 to vector<400x1xf32>
    %add3A_32 = arith.addf %div3A_27, %add3A_31 : vector<400x1xf32>
    %rsqrt3A = math.rsqrt %add3A_32 : vector<400x1xf32>
    %mul3A_33 = vector.broadcast %rsqrt3A : vector<400x1xf32> to vector<400x128xf32>
    %mul3A_34 = arith.mulf %sub3A_29, %mul3A_33 : vector<400x128xf32>
    %get3A_35 = arith.constant 0 : index
    %get3A_36 = arith.constant 0 : index
    %get3A_37 = vector.load %arg6[%get3A_35, %get3A_36] : memref<1x128xf32, #tpu.memory_space<vmem>>, vector<1x128xf32>
    %mul3A_38 = vector.broadcast %get3A_37 : vector<1x128xf32> to vector<400x128xf32>
    %mul3A_39 = arith.mulf %mul3A_34, %mul3A_38 : vector<400x128xf32>
    %get3A_40 = arith.constant 0 : index
    %get3A_41 = arith.constant 0 : index
    %get3A_42 = vector.load %arg7[%get3A_40, %get3A_41] : memref<1x128xf32, #tpu.memory_space<vmem>>, vector<1x128xf32>
    %add3A_43 = vector.broadcast %get3A_42 : vector<1x128xf32> to vector<400x128xf32>
    %add3A_44 = arith.addf %mul3A_39, %add3A_43 : vector<400x128xf32>
    %get3A_45 = arith.constant 0 : index
    %get3A_46 = arith.constant 0 : index
    %get3A_47 = vector.load %arg8[%get3A_45, %get3A_46] : memref<128x128xf32, #tpu.memory_space<vmem>>, vector<128x128xf32>
    %dot_general3A = arith.constant dense<0.000000e+00> : vector<400x128xf32>
    %dot_general3A_48 = tpu.matmul %add3A_44, %get3A_47, %dot_general3A {dimension_numbers = #tpu.dot_dimension_numbers<[1], [0], [0], [1], [0, 0, 1, 1], [], []>, transpose_lhs_hint = false} : vector<400x128xf32>, vector<128x128xf32>, vector<400x128xf32> -> vector<400x128xf32>
    %get3A_49 = arith.constant 0 : index
    %get3A_50 = arith.constant 0 : index
    %get3A_51 = vector.load %arg9[%get3A_49, %get3A_50] : memref<1x128xf32, #tpu.memory_space<vmem>>, vector<1x128xf32>
    %add3A_52 = vector.broadcast %get3A_51 : vector<1x128xf32> to vector<400x128xf32>
    %add3A_53 = arith.addf %dot_general3A_48, %add3A_52 : vector<400x128xf32>
    %get3A_54 = arith.constant 0 : index
    %get3A_55 = arith.constant 0 : index
    %get3A_56 = vector.load %arg10[%get3A_54, %get3A_55] : memref<128x128xf32, #tpu.memory_space<vmem>>, vector<128x128xf32>
    %dot_general3A_57 = arith.constant dense<0.000000e+00> : vector<400x128xf32>
    %dot_general3A_58 = tpu.matmul %add3A_53, %get3A_56, %dot_general3A_57 {dimension_numbers = #tpu.dot_dimension_numbers<[1], [0], [0], [1], [0, 0, 1, 1], [], []>, transpose_lhs_hint = false} : vector<400x128xf32>, vector<128x128xf32>, vector<400x128xf32> -> vector<400x128xf32>
    %get3A_59 = arith.constant 0 : index
    %get3A_60 = arith.constant 0 : index
    %get3A_61 = vector.load %arg11[%get3A_59, %get3A_60] : memref<1x128xf32, #tpu.memory_space<vmem>>, vector<1x128xf32>
    %add3A_62 = vector.broadcast %get3A_61 : vector<1x128xf32> to vector<400x128xf32>
    %add3A_63 = arith.addf %dot_general3A_58, %add3A_62 : vector<400x128xf32>
    %get3A_64 = arith.constant 0 : index
    %get3A_65 = arith.constant 0 : index
    %get3A_66 = vector.load %arg12[%get3A_64, %get3A_65] : memref<128x128xf32, #tpu.memory_space<vmem>>, vector<128x128xf32>
    %dot_general3A_67 = arith.constant dense<0.000000e+00> : vector<400x128xf32>
    %dot_general3A_68 = tpu.matmul %add3A_63, %get3A_66, %dot_general3A_67 {dimension_numbers = #tpu.dot_dimension_numbers<[1], [0], [0], [1], [0, 0, 1, 1], [], []>, transpose_lhs_hint = false} : vector<400x128xf32>, vector<128x128xf32>, vector<400x128xf32> -> vector<400x128xf32>
    %mul3A_69 = vector.broadcast %get3A_1 : vector<400x1xf32> to vector<400x128xf32>
    %mul3A_70 = arith.mulf %mul3A_69, %dot_general3A_68 : vector<400x128xf32>
    %swap3A = arith.constant 0 : index
    %swap3A_71 = arith.constant 0 : index
    %swap3A_72 = vector.load %arg13[%swap3A, %swap3A_71] : memref<400x128xf32, #tpu.memory_space<vmem>>, vector<400x128xf32>
    tpu.vector_store %arg13[%swap3A, %swap3A_71], %mul3A_70 {strides = array<i32>} : memref<400x128xf32, #tpu.memory_space<vmem>>, vector<400x128xf32>,
    return
  }
  func.func @transform_0(%arg0: i32) -> (i32, i32) {
    %c0_i32 = arith.constant 0 : i32
    %c0_i32_0 = arith.constant 0 : i32
    return %arg0, %c0_i32 : i32, i32
  }
  func.func @transform_1(%arg0: i32) -> (i32, i32) {
    %c0_i32 = arith.constant 0 : i32
    %c0_i32_0 = arith.constant 0 : i32
    return %arg0, %c0_i32 : i32, i32
  }
  func.func @transform_2(%arg0: i32) -> (i32, i32) {
    %c0_i32 = arith.constant 0 : i32
    %c0_i32_0 = arith.constant 0 : i32
    return %arg0, %c0_i32 : i32, i32
  }
  func.func @transform_3(%arg0: i32) -> (i32, i32) {
    %c0_i32 = arith.constant 0 : i32
    %c0_i32_0 = arith.constant 0 : i32
    return %arg0, %c0_i32 : i32, i32
  }
  func.func @transform_4(%arg0: i32) -> (i32, i32) {
    %c0_i32 = arith.constant 0 : i32
    %c0_i32_0 = arith.constant 0 : i32
    %c0_i32_1 = arith.constant 0 : i32
    return %c0_i32, %c0_i32_0 : i32, i32
  }
  func.func @transform_5(%arg0: i32) -> (i32, i32) {
    %c0_i32 = arith.constant 0 : i32
    %c0_i32_0 = arith.constant 0 : i32
    %c0_i32_1 = arith.constant 0 : i32
    return %c0_i32, %c0_i32_0 : i32, i32
  }
  func.func @transform_6(%arg0: i32) -> (i32, i32) {
    %c0_i32 = arith.constant 0 : i32
    %c0_i32_0 = arith.constant 0 : i32
    %c0_i32_1 = arith.constant 0 : i32
    return %c0_i32, %c0_i32_0 : i32, i32
  }
  func.func @transform_7(%arg0: i32) -> (i32, i32) {
    %c0_i32 = arith.constant 0 : i32
    %c0_i32_0 = arith.constant 0 : i32
    %c0_i32_1 = arith.constant 0 : i32
    return %c0_i32, %c0_i32_0 : i32, i32
  }
  func.func @transform_8(%arg0: i32) -> (i32, i32) {
    %c0_i32 = arith.constant 0 : i32
    %c0_i32_0 = arith.constant 0 : i32
    %c0_i32_1 = arith.constant 0 : i32
    return %c0_i32, %c0_i32_0 : i32, i32
  }
  func.func @transform_9(%arg0: i32) -> (i32, i32) {
    %c0_i32 = arith.constant 0 : i32
    %c0_i32_0 = arith.constant 0 : i32
    %c0_i32_1 = arith.constant 0 : i32
    return %c0_i32, %c0_i32_0 : i32, i32
  }
  func.func @transform_10(%arg0: i32) -> (i32, i32) {
    %c0_i32 = arith.constant 0 : i32
    %c0_i32_0 = arith.constant 0 : i32
    %c0_i32_1 = arith.constant 0 : i32
    return %c0_i32, %c0_i32_0 : i32, i32
  }
  func.func @transform_11(%arg0: i32) -> (i32, i32) {
    %c0_i32 = arith.constant 0 : i32
    %c0_i32_0 = arith.constant 0 : i32
    %c0_i32_1 = arith.constant 0 : i32
    return %c0_i32, %c0_i32_0 : i32, i32
  }
  func.func @transform_12(%arg0: i32) -> (i32, i32) {
    %c0_i32 = arith.constant 0 : i32
    %c0_i32_0 = arith.constant 0 : i32
    return %arg0, %c0_i32 : i32, i32
  }
}

module attributes {stable_mosaic.version = 14 : i64} {
  func.func @_tc4_body(%arg0: i32, %arg1: memref<400x128xf32, #tpu.memory_space<vmem>>, %arg2: memref<400x128xf32, #tpu.memory_space<vmem>>, %arg3: memref<400x128xf32, #tpu.memory_space<vmem>>, %arg4: memref<400x1xf32, #tpu.memory_space<vmem>>, %arg5: memref<1x128xf32, #tpu.memory_space<vmem>>, %arg6: memref<128x128xf32, #tpu.memory_space<vmem>>, %arg7: memref<1x128xf32, #tpu.memory_space<vmem>>, %arg8: memref<128x128xf32, #tpu.memory_space<vmem>>, %arg9: memref<1x128xf32, #tpu.memory_space<vmem>>, %arg10: memref<400x128xf32, #tpu.memory_space<vmem>>, %arg11: memref<400x128xf32, #tpu.memory_space<vmem>>) attributes {dimension_semantics = [#tpu.dimension_semantics<arbitrary>], iteration_bounds = array<i64: 25>, scalar_prefetch = 0 : i64, scratch_operands = 0 : i64, tpu.core_type = #tpu.core_type<tc>, window_params = [{transform_indices = @transform_0, window_bounds = array<i64: 400, 128>}, {transform_indices = @transform_1, window_bounds = array<i64: 400, 128>}, {transform_indices = @transform_2, window_bounds = array<i64: 400, 128>}, {transform_indices = @transform_3, window_bounds = array<i64: 400, 1>}, {pipeline_mode = #tpu.pipeline_mode<synchronous>, transform_indices = @transform_4, window_bounds = array<i64: 1, 128>}, {pipeline_mode = #tpu.pipeline_mode<synchronous>, transform_indices = @transform_5, window_bounds = array<i64: 128, 128>}, {pipeline_mode = #tpu.pipeline_mode<synchronous>, transform_indices = @transform_6, window_bounds = array<i64: 1, 128>}, {pipeline_mode = #tpu.pipeline_mode<synchronous>, transform_indices = @transform_7, window_bounds = array<i64: 128, 128>}, {pipeline_mode = #tpu.pipeline_mode<synchronous>, transform_indices = @transform_8, window_bounds = array<i64: 1, 128>}, {transform_indices = @transform_9, window_bounds = array<i64: 400, 128>}, {transform_indices = @transform_10, window_bounds = array<i64: 400, 128>}]} {
    %get3A = arith.constant 0 : index
    %get3A_0 = arith.constant 0 : index
    %get3A_1 = vector.load %arg4[%get3A, %get3A_0] : memref<400x1xf32, #tpu.memory_space<vmem>>, vector<400x1xf32>
    %get3A_2 = arith.constant 0 : index
    %get3A_3 = arith.constant 0 : index
    %get3A_4 = vector.load %arg1[%get3A_2, %get3A_3] : memref<400x128xf32, #tpu.memory_space<vmem>>, vector<400x128xf32>
    %get3A_5 = arith.constant 0 : index
    %get3A_6 = arith.constant 0 : index
    %get3A_7 = vector.load %arg2[%get3A_5, %get3A_6] : memref<400x128xf32, #tpu.memory_space<vmem>>, vector<400x128xf32>
    %add3A = arith.addf %get3A_4, %get3A_7 : vector<400x128xf32>
    %get3A_8 = arith.constant 0 : index
    %get3A_9 = arith.constant 0 : index
    %get3A_10 = vector.load %arg3[%get3A_8, %get3A_9] : memref<400x128xf32, #tpu.memory_space<vmem>>, vector<400x128xf32>
    %add3A_11 = arith.addf %add3A, %get3A_10 : vector<400x128xf32>
    %mul3A = vector.broadcast %get3A_1 : vector<400x1xf32> to vector<400x128xf32>
    %mul3A_12 = arith.mulf %mul3A, %add3A_11 : vector<400x128xf32>
    %get3A_13 = arith.constant 0 : index
    %get3A_14 = arith.constant 0 : index
    %get3A_15 = vector.load %arg5[%get3A_13, %get3A_14] : memref<1x128xf32, #tpu.memory_space<vmem>>, vector<1x128xf32>
    %add3A_16 = vector.broadcast %get3A_15 : vector<1x128xf32> to vector<400x128xf32>
    %add3A_17 = arith.addf %mul3A_12, %add3A_16 : vector<400x128xf32>
    %swap3A = arith.constant 0 : index
    %swap3A_18 = arith.constant 0 : index
    %swap3A_19 = vector.load %arg10[%swap3A, %swap3A_18] : memref<400x128xf32, #tpu.memory_space<vmem>>, vector<400x128xf32>
    tpu.vector_store %arg10[%swap3A, %swap3A_18], %add3A_17 {strides = array<i32>} : memref<400x128xf32, #tpu.memory_space<vmem>>, vector<400x128xf32>,
    %tanh3A = math.tanh %add3A_17 : vector<400x128xf32>
    %get3A_20 = arith.constant 0 : index
    %get3A_21 = arith.constant 0 : index
    %get3A_22 = vector.load %arg6[%get3A_20, %get3A_21] : memref<128x128xf32, #tpu.memory_space<vmem>>, vector<128x128xf32>
    %dot_general3A = arith.constant dense<0.000000e+00> : vector<400x128xf32>
    %dot_general3A_23 = tpu.matmul %tanh3A, %get3A_22, %dot_general3A {dimension_numbers = #tpu.dot_dimension_numbers<[1], [0], [0], [1], [0, 0, 1, 1], [], []>, transpose_lhs_hint = false} : vector<400x128xf32>, vector<128x128xf32>, vector<400x128xf32> -> vector<400x128xf32>
    %get3A_24 = arith.constant 0 : index
    %get3A_25 = arith.constant 0 : index
    %get3A_26 = vector.load %arg7[%get3A_24, %get3A_25] : memref<1x128xf32, #tpu.memory_space<vmem>>, vector<1x128xf32>
    %add3A_27 = vector.broadcast %get3A_26 : vector<1x128xf32> to vector<400x128xf32>
    %add3A_28 = arith.addf %dot_general3A_23, %add3A_27 : vector<400x128xf32>
    %get3A_29 = arith.constant 0 : index
    %get3A_30 = arith.constant 0 : index
    %get3A_31 = vector.load %arg8[%get3A_29, %get3A_30] : memref<128x128xf32, #tpu.memory_space<vmem>>, vector<128x128xf32>
    %dot_general3A_32 = arith.constant dense<0.000000e+00> : vector<400x128xf32>
    %dot_general3A_33 = tpu.matmul %add3A_28, %get3A_31, %dot_general3A_32 {dimension_numbers = #tpu.dot_dimension_numbers<[1], [0], [0], [1], [0, 0, 1, 1], [], []>, transpose_lhs_hint = false} : vector<400x128xf32>, vector<128x128xf32>, vector<400x128xf32> -> vector<400x128xf32>
    %get3A_34 = arith.constant 0 : index
    %get3A_35 = arith.constant 0 : index
    %get3A_36 = vector.load %arg9[%get3A_34, %get3A_35] : memref<1x128xf32, #tpu.memory_space<vmem>>, vector<1x128xf32>
    %add3A_37 = vector.broadcast %get3A_36 : vector<1x128xf32> to vector<400x128xf32>
    %add3A_38 = arith.addf %dot_general3A_33, %add3A_37 : vector<400x128xf32>
    %reduce_max3A = arith.constant dense<0xFF800000> : vector<400xf32>
    %reduce_max3A_39 = vector.multi_reduction <maximumf>, %add3A_38, %reduce_max3A [1] : vector<400x128xf32> to vector<400xf32>
    %broadcast_in_dim3A = vector.shape_cast %reduce_max3A_39 : vector<400xf32> to vector<400x1xf32>
    %sub3A = vector.broadcast %broadcast_in_dim3A : vector<400x1xf32> to vector<400x128xf32>
    %sub3A_40 = arith.subf %add3A_38, %sub3A : vector<400x128xf32>
    %exp3A = math.exp %sub3A_40 : vector<400x128xf32>
    %reduce_sum3A = arith.constant dense<0.000000e+00> : vector<400xf32>
    %reduce_sum3A_41 = vector.multi_reduction <add>, %exp3A, %reduce_sum3A [1] : vector<400x128xf32> to vector<400xf32>
    %broadcast_in_dim3A_42 = vector.shape_cast %reduce_sum3A_41 : vector<400xf32> to vector<400x1xf32>
    %log3A = math.log %broadcast_in_dim3A_42 : vector<400x1xf32>
    %add3A_43 = arith.addf %log3A, %broadcast_in_dim3A : vector<400x1xf32>
    %sub3A_44 = vector.broadcast %add3A_43 : vector<400x1xf32> to vector<400x128xf32>
    %sub3A_45 = arith.subf %add3A_38, %sub3A_44 : vector<400x128xf32>
    %swap3A_46 = arith.constant 0 : index
    %swap3A_47 = arith.constant 0 : index
    %swap3A_48 = vector.load %arg11[%swap3A_46, %swap3A_47] : memref<400x128xf32, #tpu.memory_space<vmem>>, vector<400x128xf32>
    tpu.vector_store %arg11[%swap3A_46, %swap3A_47], %sub3A_45 {strides = array<i32>} : memref<400x128xf32, #tpu.memory_space<vmem>>, vector<400x128xf32>,
    return
  }
  func.func @transform_0(%arg0: i32) -> (i32, i32) {
    %c0_i32 = arith.constant 0 : i32
    %c0_i32_0 = arith.constant 0 : i32
    return %arg0, %c0_i32 : i32, i32
  }
  func.func @transform_1(%arg0: i32) -> (i32, i32) {
    %c0_i32 = arith.constant 0 : i32
    %c0_i32_0 = arith.constant 0 : i32
    return %arg0, %c0_i32 : i32, i32
  }
  func.func @transform_2(%arg0: i32) -> (i32, i32) {
    %c0_i32 = arith.constant 0 : i32
    %c0_i32_0 = arith.constant 0 : i32
    return %arg0, %c0_i32 : i32, i32
  }
  func.func @transform_3(%arg0: i32) -> (i32, i32) {
    %c0_i32 = arith.constant 0 : i32
    %c0_i32_0 = arith.constant 0 : i32
    return %arg0, %c0_i32 : i32, i32
  }
  func.func @transform_4(%arg0: i32) -> (i32, i32) {
    %c0_i32 = arith.constant 0 : i32
    %c0_i32_0 = arith.constant 0 : i32
    %c0_i32_1 = arith.constant 0 : i32
    return %c0_i32, %c0_i32_0 : i32, i32
  }
  func.func @transform_5(%arg0: i32) -> (i32, i32) {
    %c0_i32 = arith.constant 0 : i32
    %c0_i32_0 = arith.constant 0 : i32
    %c0_i32_1 = arith.constant 0 : i32
    return %c0_i32, %c0_i32_0 : i32, i32
  }
  func.func @transform_6(%arg0: i32) -> (i32, i32) {
    %c0_i32 = arith.constant 0 : i32
    %c0_i32_0 = arith.constant 0 : i32
    %c0_i32_1 = arith.constant 0 : i32
    return %c0_i32, %c0_i32_0 : i32, i32
  }
  func.func @transform_7(%arg0: i32) -> (i32, i32) {
    %c0_i32 = arith.constant 0 : i32
    %c0_i32_0 = arith.constant 0 : i32
    %c0_i32_1 = arith.constant 0 : i32
    return %c0_i32, %c0_i32_0 : i32, i32
  }
  func.func @transform_8(%arg0: i32) -> (i32, i32) {
    %c0_i32 = arith.constant 0 : i32
    %c0_i32_0 = arith.constant 0 : i32
    %c0_i32_1 = arith.constant 0 : i32
    return %c0_i32, %c0_i32_0 : i32, i32
  }
  func.func @transform_9(%arg0: i32) -> (i32, i32) {
    %c0_i32 = arith.constant 0 : i32
    %c0_i32_0 = arith.constant 0 : i32
    return %arg0, %c0_i32 : i32, i32
  }
  func.func @transform_10(%arg0: i32) -> (i32, i32) {
    %c0_i32 = arith.constant 0 : i32
    %c0_i32_0 = arith.constant 0 : i32
    return %arg0, %c0_i32 : i32, i32
  }
}

</mosaic_0001>

<sc_bundles>
// kernel: kernel.11.cloned.1.call-start
scs
__scs_entry_jumppad:
0x0: {  	(pc) =	sbr.rel $0x88, $3  }
0x1: {  	(tag) =	ssettag $0x0;
	lr =	simm.s32 $0x1  }
0x2: {  	[smem:$0x3F95] =	sst lr;
	_ =	strace $0xD0000000  }
0x3: {  	_ = 	snop  }
0x4: {  	_ = 	snop  }
0x5: {  	_ = 	snop  }
0x6: {  	_ = 	snop  }
0x7: {  	_ = 	snop  }
__scs_overlays_trampoline_lowered:
0x8: {  	[smem:$0x3FA4] =	sst s0  }
0x9: {  	[smem:$0x3FA5] =	sst s1  }
0xa: {  	[smem:$0x3FA6] =	sst s2  }
0xb: {  	[smem:$0x3FA7] =	sst s3  }
0xc: {  	[smem:$0x3FA8] =	sst s4  }
0xd: {  	[smem:$0x3FA9] =	sst s5  }
0xe: {  	[smem:$0x3FAA] =	sst s6  }
0xf: {  	[smem:$0x3FAB] =	sst s7  }
0x10: {  	[smem:$0x3FAC] =	sst s8  }
0x11: {  	[smem:$0x3FAD] =	sst s9;
	s0 =	simm.s32 @!p0 $0x0  }
0x12: {  	s1 =	sld [smem:$0x3F93];
	s0 =	simm.s32 @p0 $0x1  }
0x13: {  	[smem:$0x3FAE] =	sst s0;
	s0 =	simm.s32 @!p1 $0x0  }
0x14: {  	s2 =	sld [smem:$0x3F92];
	s0 =	simm.s32 @p1 $0x1  }
0x15: {  	[smem:$0x3FAF] =	sst s0;
	s0 =	simm.s32 @!p2 $0x0  }
0x16: {  	s3 =	sld [smem:$0x3FDB];
	s0 =	simm.s32 @p2 $0x1  }
0x17: {  	s4 =	simm.s32 $0x1BF5;
	[smem:$0x3FB1] =	sst s0  }
0x18: {  	s0 =	sld [smem:$0x3F94];
	_ =	swait.ge [sflag:s4], $0x0  }
0x19: {  	s7 =	sld [smem:$0x3F95]  }
0x1a: {  	s8 =	sadd.s32 $0xFFFFE003, lr  }
0x1b: {  	s9 =	sadd.s32 $0xFFFFFEF7, lr;
	s5 =	simm.s32 $0xFFFFFFFF;
	p2 =	slt.u32 s8, $0xFFFFF086  }
0x1c: {  	p1 =	slt.u32 s9, $0xF7A;
	s5 =	simm.s32 @!p2 $0x0  }
0x1d: {  	s5 =	simm.s32 @p1 $0x1;
	p0 =	seq.s32 s7, s2  }
0x1e: {  	s7 =	smul.u32 @!p0 $0xF7A, s2;
	p2 =	seq.s32 @!p0 s5, $0x0  }
0x1f: {  	s9 =	smul.u32 $0xF7A, s1;
	s8 =	simm.s32 @!p0 $0x1BF5;
	p2 =	por !p2, p0  }
0x20: {  	[sflag:s8] =	ssyncset.s32 @!p0 $0xFFFFF086;
	s6 =	sadd.s32 @!p0 s3, s7;
	s7 =	simm.s32 @!p0 $0x108  }
0x21: {  	s3 =	sadd.s32 s3, s9;
	s6 =	sadd.s32 @!p0 $0x88, s6;
	s7 =	simm.s32 @p2 $0x1082  }
0x22: {  	[simem:s7], [sflag:s8] =	dma.local @!p0 [hbm:s6], $0xF7A  }
0x23: {  	s9 =	sor.u32 $0xD0000000, s2;
	s6 =	simm.s32 $0x108;
	_ =	swait.ge @!p0 [sflag:s8], $0x0  }
0x24: {  	s3 =	sadd.s32 $0x88, s3;
	s6 =	simm.s32 @!p1 $0x1082;
	[sflag:s4] =	ssyncset.s32 $0xFFFFF086  }
0x25: {  	[simem:s6], [sflag:s4] =	dma.local [hbm:s3], $0xF7A  }
0x26: {  	[smem:$0x3F95] =	sst s1;
	(tag) =	ssettag s2;
	_ =	strace s9  }
0x27: {  	s1 =	sld [smem:$0x3FA5]  }
0x28: {  	s2 =	sld [smem:$0x3FA6]  }
0x29: {  	s4 =	sld [smem:$0x3FA8]  }
0x2a: {  	p0 =	seq.s32 s5, $0x0;
	s5 =	sld [smem:$0x3FA9]  }
0x2b: {  	s6 =	sld [smem:$0x3FAA]  }
0x2c: {  	s7 =	sld [smem:$0x3FAB]  }
0x2d: {  	s3 =	simm.s32 $0x108;
	s8 =	sld [smem:$0x3FAC]  }
0x2e: {  	s3 =	simm.s32 @!p0 $0x1082;
	s9 =	sld [smem:$0x3FAD]  }
0x2f: {  	lr =	sadd.s32 s0, s3;
	s0 =	sld [smem:$0x3FA4]  }
0x30: {  	s3 =	sld [smem:$0x3FA7]  }
0x31: {  	[smem:$0x3FB0] =	sst s10  }
0x32: {  	s10 =	sld [smem:$0x3FAE];
	_ =	sdelay $0x3  }
0x33: {  	p0 =	seq.s32 s10, $0x1;
	s10 =	sld [smem:$0x3FB0];
	_ =	sdelay $0x3  }
0x34: {  	[smem:$0x3FB0] =	sst s10  }
0x35: {  	s10 =	sld [smem:$0x3FAF];
	_ =	sdelay $0x3  }
0x36: {  	p1 =	seq.s32 s10, $0x1;
	s10 =	sld [smem:$0x3FB0];
	_ =	sdelay $0x3  }
0x37: {  	[smem:$0x3FB0] =	sst s10  }
0x38: {  	s10 =	sld [smem:$0x3FB1]  }
0x39: {  	_ = 	snop;
	(pc) =	sbr.ind lr, $3  }
0x3a: {  	_ = 	snop  }
0x3b: {  	_ = 	snop  }
0x3c: {  	p2 =	seq.s32 s10, $0x1;
	s10 =	sld [smem:$0x3FB0]  }
0x3d: {  	_ =	shalt  }
0x3e: {  	_ =	shalt  }
0x3f: {  	_ =	shalt  }
0x40: {  	_ =	shalt  }
0x41: {  	_ =	shalt  }
0x42: {  	_ =	shalt  }
0x43: {  	_ =	shalt  }
0x44: {  	_ =	shalt  }
0x45: {  	_ =	shalt  }
0x46: {  	_ =	shalt  }
0x47: {  	_ =	shalt  }
0x48: {  	_ =	shalt  }
0x49: {  	_ =	shalt  }
0x4a: {  	_ =	shalt  }
0x4b: {  	_ =	shalt  }
0x4c: {  	_ =	shalt  }
0x4d: {  	_ =	shalt  }
0x4e: {  	_ =	shalt  }
0x4f: {  	_ =	shalt  }
0x50: {  	_ =	shalt  }
0x51: {  	_ =	shalt  }
0x52: {  	_ =	shalt  }
0x53: {  	_ =	shalt  }
0x54: {  	_ =	shalt  }
0x55: {  	_ =	shalt  }
0x56: {  	_ =	shalt  }
0x57: {  	_ =	shalt  }
0x58: {  	_ =	shalt  }
0x59: {  	_ =	shalt  }
0x5a: {  	_ =	shalt  }
0x5b: {  	_ =	shalt  }
0x5c: {  	_ =	shalt  }
0x5d: {  	_ =	shalt  }
0x5e: {  	_ =	shalt  }
0x5f: {  	_ =	shalt  }
0x60: {  	_ =	shalt  }
0x61: {  	_ =	shalt  }
0x62: {  	_ =	shalt  }
0x63: {  	_ =	shalt  }
0x64: {  	_ =	shalt  }
0x65: {  	_ =	shalt  }
0x66: {  	_ =	shalt  }
0x67: {  	_ =	shalt  }
0x68: {  	_ =	shalt  }
0x69: {  	_ =	shalt  }
0x6a: {  	_ =	shalt  }
0x6b: {  	_ =	shalt  }
0x6c: {  	_ =	shalt  }
0x6d: {  	_ =	shalt  }
0x6e: {  	_ =	shalt  }
0x6f: {  	_ =	shalt  }
0x70: {  	_ =	shalt  }
0x71: {  	_ =	shalt  }
0x72: {  	_ =	shalt  }
0x73: {  	_ =	shalt  }
0x74: {  	_ =	shalt  }
0x75: {  	_ =	shalt  }
0x76: {  	_ =	shalt  }
0x77: {  	_ =	shalt  }
0x78: {  	_ =	shalt  }
0x79: {  	_ =	shalt  }
0x7a: {  	_ =	shalt  }
0x7b: {  	_ =	shalt  }
0x7c: {  	_ =	shalt  }
0x7d: {  	_ =	shalt  }
0x7e: {  	_ =	shalt  }
0x7f: {  	_ =	shalt  }
0x80: {  	_ =	shalt  }
0x81: {  	_ =	shalt  }
0x82: {  	_ =	shalt  }
0x83: {  	_ =	shalt  }
0x84: {  	_ =	shalt  }
0x85: {  	_ =	shalt  }
0x86: {  	_ =	shalt  }
0x87: {  	_ =	shalt  }
.Lfunc_end0:
.L_simem_size_0:
called_computation.1_lowered:
.L_overlay_start_0:
0x88: {  	s2 =	sld [smem:$0x3FD9]  }
0x89: {  	s3 =	sld [smem:$0x3FFE];
	_ =	sdelay $0x1  }
0x8a: {  	s1 =	srdreg.scid  }
0x8b: {  	s0 =	sand.u32 $0x1, s1  }
0x8c: {  	s14 =	sshll.u32 s0, $0xA;
	s2 =	sadd.s32 s3, s2  }
0x8d: {  	s2 =	sadd.s32 s2, s14  }
0x8e: {  	[smem:$0x3FBC] =	sst s2  }
0x8f: {  	_ = 	snop  }
0x90: {  	s2 =	sld [smem:$0x3FD0];
	_ =	sdelay $0x2  }
0x91: {  	s15 =	simm.s32 $0xA;
	s4 =	simm.s32 $0x10  }
0x92: {  	[smem:s4], [sflag:s15] =	dma.local [hbm:s2], $0x1  }
0x93: {  	_ =	swait.eq [sflag:s15], $0x1  }
0x94: {  	[sflag:s15] =	ssyncset.done $0x0  }
0x95: {  	s16 =	sld [smem:$0x10];
	[sflag:s15] =	ssyncadd.s32 $0xFFFFFFFF  }
0x96: {  	s17 =	sld [smem:$0x11];
	(tm) =	ssettm $0x1  }
0x97: {  	s18 =	sld [smem:$0x3FFB];
	_ =	sdelay $0x3  }
0x98: {  	_ =	strace s18  }
0x99: {  	s4 =	sld [smem:$0x3FFC];
	_ =	sdelay $0x3  }
0x9a: {  	_ =	strace s4  }
0x9b: {  	s4 =	sld [smem:$0x3FFD];
	_ =	sdelay $0x3  }
0x9c: {  	_ =	strace s4  }
0x9d: {  	_ =	strace $0x8FFFFFFF  }
0x9e: {  	s19 =	sld [smem:$0x3FDB];
	_ =	sdelay $0x1  }
0x9f: {  	s5 =	simm.s32 $_scs_section_size  }
0xa0: {  	s6 =	simm.s32 $_size__tile_overlayer_lowered;
	s7 =	simm.s32 $_tile_overlayer_lowered  }
0xa1: {  	s22 =	simm.s32 $0x1BFF;
	s21 =	sshll.u32 s7, $0x1;
	s4 =	sadd.s32 s5, s19  }
0xa2: {  	s8 =	simm.s32 $0x0;
	s20 =	sshll.u32 s6, $0x1;
	s6 =	sadd.s32 s21, s4  }
0xa3: {  	[timem:s8], [sflag:s22] =	dma.local [hbm:s6], s20  }
0xa4: {  	_ =	swait.ge [sflag:s22], s20  }
0xa5: {  	s5 =	ssub.s32 $0x0, s20;
	[sflag:s22] =	ssyncset.done $0x0  }
0xa6: {  	[sflag:s22] =	ssyncadd.s32 s5;
	_ =	sdelay $0x1  }
0xa7: {  	s23 =	simm.s32 $0x1B8B  }
0xa8: {  	_ =	swait.ge [sflag:s23], $0x1  }
0xa9: {  	[sflag:s23] =	ssyncset.done $0x0  }
0xaa: {  	s25 =	simm.s32 $0x1B8E;
	s24 =	sld [smem:$0x3FFE];
	[sflag:s23] =	ssyncadd.s32 $0xFFFFFFFF  }
0xab: {  	s26 =	simm.s32 $execute0_lowered;
	[smem:$0x3FD2] =	sst s25  }
0xac: {  	s6 =	sshll.u32 s26, $0x1;
	_ =	strace $0x80000049;
	[dreg:$0x1] =	wrdreg $0xFFFFFFFF  }
0xad: {  	s28 =	simm.s32 $_size_execute0_lowered;
	s4 =	sadd.s32 s4, s6;
	[dreg:$0x0] =	wrdreg $0x0  }
0xae: {  	s6 =	sshll.u32 s28, $0x1;
	[dreg:$0x2] =	wrdreg s4  }
0xaf: {  	[dreg:$0x3] =	wrdreg s6  }
0xb0: {  	[dreg:$0x4] =	wrdreg $0xC0  }
0xb1: {  	_ =	task [dreg:s8], $0x5FFFF  }
0xb2: {  	[dreg:$0x1] =	wrdreg $0xFFFFFFFF  }
0xb3: {  	[dreg:$0x0] =	wrdreg $0x60  }
0xb4: {  	[dreg:$0x2] =	wrdreg s16  }
0xb5: {  	[dreg:$0x3] =	wrdreg s17  }
0xb6: {  	[dreg:$0x4] =	wrdreg s24  }
0xb7: {  	[dreg:$0x5] =	wrdreg $0xA0000  }
0xb8: {  	[dreg:$0x6] =	wrdreg $0x9  }
0xb9: {  	_ =	task.clear_ibuf [dreg:s8], $0x7FFFF;
	_ =	strace $0x90000049  }
0xba: {  	s29 =	simm.s32 $0x9;
	_ =	strace $0x8000004B  }
0xbb: {  	_ =	swait.ge [sflag:s29], $0x1  }
0xbc: {  	[sflag:s29] =	ssyncadd.s32 $0xFFFFFFFF  }
0xbd: {  	_ =	strace $0x9000004B  }
0xbe: {  	_ =	sfence  }
0xbf: {  	s30 =	sld [smem:$0x0];
	_ =	sdelay $0x2  }
0xc0: {  	s31 =	sshll.u32 s1, $0xD;
	s1 =	sshrl.u32 s1, $0x2  }
0xc1: {  	s3 =	sand.u32 $0x4000, s31;
	s1 =	sadd.s32 s1, s30  }
0xc2: {  	s0 =	sor.u32 s3, s0;
	s1 =	sshll.u32 s1, $0x11  }
0xc3: {  	s0 =	sor.u32 s1, s0  }
0xc4: {  	s0 =	sadd.s32 $0x8F2B, s0  }
0xc5: {  	[sflag:s0] =	ssyncadd.remote.s32 $0x1  }
0xc6: {  	_ =	sfence.sel $0xFFFF  }
0xc7: {  	[dreg:$0x0] =	wrdreg $0xFFFFFFFF;
	(pc) =	sbr.abs _section_cstart, $3  }
0xc8: {  	[dreg:$0x1] =	wrdreg $0xFFFFFFFF  }
0xc9: {  	_ =	task.clear_ibuf [dreg:s8], $0x2FFFF;
	_ =	strace $0x9FFFFFFF  }
0xca: {  	(tm) =	ssettm $0x7FFFFFFF  }
0xcb: {  	_ =	shalt  }
tec
execute0_lowered:
.L_overlay_start_1:
0x0: {  	(tag) =	ssettag $0x1  }
0x1: {  	s3 =	rddreg [dreg:$0x0]  }
0x2: {  	s22 =	rddreg [dreg:$0x1]  }
0x3: {  	s0 =	rddreg [dreg:$0x2]  }
0x4: {  	s24 =	rddreg [dreg:$0x3]  }
0x5: {  	s1 =	srdreg.scid;
	s21 =	stileid.u32;
	s25 =	simm.s32 $0x0  }
0x6: {  	s29 =	simm.s32 $0x6;
	s2 =	sand.u32 $0x1, s1;
	s1 =	smul.u32 $0x14000, s21  }
0x7: {  	s4 =	sshll.u32 s21, $0x1;
	[smem:$0x7FF] =	sst s25;
	s21 =	smul.u32 $0x50000, s21  }
0x8: {  	s4 =	sor.u32 s2, s4;
	s6 =	ssub.s32 $0x2, s2;
	s5 =	smul.u32 $0x140000, s2  }
0x9: {  	_ =	strace $0x8000004A;
	s4 =	smul.u32 $0x2800, s4;
	s14 =	sshrl.u32 s6, $0x1  }
0xa: {  	s2 =	sadd.s32 $0x3C00, s0;
	s0 =	ssub.s32 s6, s14;
	s7 =	sadd.s32 s1, s5  }
0xb: {  	s4 =	sshrl.u32 s4, $0x3;
	s15 =	sshrl.u32 s7, $0x3;
	s12 =	sor.u32 $0xF80, s7  }
0xc: {  	s26 =	sor.u32 $0xF00, s7;
	s31 =	sor.u32 $0xE80, s7;
	s13 =	sor.u32 $0xE00, s7  }
0xd: {  	s0 =	smax.u32 s0, $0x1;
	s23 =	sadd.s32 s3, s4;
	s3 =	sor.u32 $0x80, s1  }
0xe: {  	s4 =	sor.u32 $0x100, s1;
	s6 =	sadd.s32 s2, s15;
	s20 =	sshrl.u32 s12, $0x3  }
0xf: {  	s30 =	sshrl.u32 s26, $0x3;
	s12 =	sshrl.u32 s31, $0x3;
	s14 =	sshrl.u32 s13, $0x3  }
0x10: {  	s31 =	sor.u32 $0xC00, s7;
	s13 =	sor.u32 $0xB80, s7;
	[smem:$0x7E4] =	sst s0  }
0x11: {  	[dreg:$0x1f] =	wrdreg s6;
	s16 =	sadd.s32 s5, s3;
	s8 =	sadd.s32 s5, s4  }
0x12: {  	s6 =	sor.u32 $0x180, s1;
	s12 =	sadd.s32 s12, s2;
	s15 =	sadd.s32 s14, s2  }
0x13: {  	s14 =	sor.u32 $0xB00, s7;
	[dreg:$0x1e] =	wrdreg s23;
	s9 =	sshrl.u32 s16, $0x3  }
0x14: {  	s8 =	sshrl.u32 s8, $0x3;
	s17 =	sadd.s32 s5, s6;
	[dreg:$0x7] =	wrdreg s12  }
0x15: {  	s16 =	sor.u32 $0xD80, s7;
	[dreg:$0x8] =	wrdreg s15;
	s9 =	sadd.s32 s2, s9  }
0x16: {  	s8 =	sadd.s32 s2, s8;
	s10 =	sshrl.u32 s17, $0x3;
	s17 =	sshrl.u32 s16, $0x3  }
0x17: {  	s16 =	sshrl.u32 s14, $0x3;
	s14 =	sor.u32 $0x900, s7;
	[smem:$0x7D5] =	sst s9  }
0x18: {  	[smem:$0x7D6] =	sst s8;
	s8 =	sor.u32 $0x200, s1;
	s9 =	sor.u32 $0x280, s1  }
0x19: {  	s10 =	sadd.s32 s2, s10;
	s18 =	sadd.s32 s5, s8;
	s11 =	sadd.s32 s5, s9  }
0x1a: {  	[smem:$0x7D7] =	sst s10;
	s10 =	sshrl.u32 s18, $0x3;
	s11 =	sshrl.u32 s11, $0x3  }
0x1b: {  	s18 =	sor.u32 $0xD00, s7;
	s10 =	sadd.s32 s2, s10;
	s19 =	sadd.s32 s2, s11  }
0x1c: {  	s11 =	sadd.s32 s20, s2;
	s12 =	sshrl.u32 s18, $0x3;
	[smem:$0x7D8] =	sst s10  }
0x1d: {  	s18 =	sor.u32 $0xA80, s7;
	[smem:$0x7D9] =	sst s19;
	s10 =	sor.u32 $0x300, s1  }
0x1e: {  	[dreg:$0x5] =	wrdreg s11;
	s11 =	sadd.s32 s30, s2;
	s19 =	sor.u32 $0xC80, s7  }
0x1f: {  	s20 =	sadd.s32 s12, s2;
	s12 =	sshrl.u32 s31, $0x3;
	[dreg:$0x6] =	wrdreg s11  }
0x20: {  	s11 =	sadd.s32 s17, s2;
	s26 =	sshrl.u32 s19, $0x3;
	[dreg:$0xa] =	wrdreg s20  }
0x21: {  	s17 =	sadd.s32 s16, s2;
	s19 =	sshrl.u32 s18, $0x3;
	s20 =	sor.u32 $0xA00, s7  }
0x22: {  	s16 =	sor.u32 $0x880, s7;
	[dreg:$0x9] =	wrdreg s11;
	s30 =	sadd.s32 s26, s2  }
0x23: {  	s11 =	sadd.s32 s12, s2;
	s12 =	sshrl.u32 s13, $0x3;
	[dreg:$0xe] =	wrdreg s17  }
0x24: {  	s26 =	sor.u32 $0x980, s7;
	s17 =	sadd.s32 s5, s10;
	[dreg:$0xb] =	wrdreg s30  }
0x25: {  	[dreg:$0xc] =	wrdreg s11;
	s15 =	sadd.s32 s12, s2;
	s11 =	sadd.s32 s19, s2  }
0x26: {  	s12 =	sshrl.u32 s20, $0x3;
	s31 =	sshrl.u32 s26, $0x3;
	[dreg:$0xd] =	wrdreg s15  }
0x27: {  	[dreg:$0xf] =	wrdreg s11;
	s30 =	sadd.s32 s12, s2;
	s13 =	sadd.s32 s31, s2  }
0x28: {  	s15 =	sshrl.u32 s14, $0x3;
	s12 =	sshrl.u32 s16, $0x3;
	[dreg:$0x10] =	wrdreg s30  }
0x29: {  	s14 =	sor.u32 $0x480, s1;
	s16 =	sor.u32 $0x500, s1;
	[dreg:$0x11] =	wrdreg s13  }
0x2a: {  	s11 =	sadd.s32 s15, s2;
	s12 =	sadd.s32 s12, s2;
	s13 =	sshrl.u32 s17, $0x3  }
0x2b: {  	s15 =	sadd.s32 s5, s14;
	s26 =	sadd.s32 s5, s16;
	[dreg:$0x12] =	wrdreg s11  }
0x2c: {  	s17 =	sor.u32 $0x600, s1;
	s11 =	sor.u32 $0x380, s1;
	[dreg:$0x13] =	wrdreg s12  }
0x2d: {  	s13 =	sadd.s32 s2, s13;
	s20 =	sshrl.u32 s15, $0x3;
	s18 =	sadd.s32 s5, s11  }
0x2e: {  	[smem:$0x7DA] =	sst s13;
	s13 =	sor.u32 $0x400, s1;
	s12 =	sshrl.u32 s18, $0x3  }
0x2f: {  	s30 =	sshrl.u32 s26, $0x3;
	s19 =	sadd.s32 s5, s13;
	s12 =	sadd.s32 s2, s12  }
0x30: {  	s15 =	sor.u32 $0x580, s1;
	[smem:$0x7DB] =	sst s12;
	s12 =	sshrl.u32 s19, $0x3  }
0x31: {  	s31 =	sadd.s32 s5, s15;
	s18 =	sadd.s32 s5, s17;
	s12 =	sadd.s32 s2, s12  }
0x32: {  	s19 =	sor.u32 $0x680, s1;
	[smem:$0x7DC] =	sst s12;
	s12 =	sadd.s32 s2, s20  }
0x33: {  	s18 =	sshrl.u32 s18, $0x3;
	s20 =	sadd.s32 s5, s19;
	[smem:$0x7DD] =	sst s12  }
0x34: {  	s12 =	sadd.s32 s2, s30;
	s26 =	sshrl.u32 s20, $0x3;
	s30 =	sor.u32 $0x700, s1  }
0x35: {  	s20 =	sor.u32 $0x780, s1;
	[smem:$0x7DE] =	sst s12;
	s12 =	sshrl.u32 s31, $0x3  }
0x36: {  	s31 =	sadd.s32 s5, s30;
	s5 =	sadd.s32 s5, s20;
	s12 =	sadd.s32 s2, s12  }
0x37: {  	s5 =	sshrl.u32 s5, $0x3;
	[smem:$0x7DF] =	sst s12;
	s12 =	sadd.s32 s2, s18  }
0x38: {  	s7 =	sor.u32 $0x800, s7;
	s5 =	sadd.s32 s2, s5;
	[smem:$0x7E0] =	sst s12  }
0x39: {  	s7 =	sshrl.u32 s7, $0x3;
	s12 =	sadd.s32 s2, s26;
	[smem:$0x7E3] =	sst s5  }
0x3a: {  	s26 =	sadd.s32 s1, s24;
	s5 =	sadd.s32 s8, s24;
	[smem:$0x7E1] =	sst s12  }
0x3b: {  	s8 =	sadd.s32 s11, s24;
	s5 =	sshrl.u32 s5, $0x3;
	[smem:$0x7FD] =	sst s26  }
0x3c: {  	s12 =	sshrl.u32 s31, $0x3;
	s8 =	sshrl.u32 s8, $0x3;
	[smem:$0x7F0] =	sst s5  }
0x3d: {  	s12 =	sadd.s32 s2, s12;
	s2 =	sadd.s32 s7, s2;
	[smem:$0x7F3] =	sst s8  }
0x3e: {  	s7 =	sadd.s32 s10, s24;
	s10 =	sadd.s32 s14, s24;
	[smem:$0x7E2] =	sst s12  }
0x3f: {  	[dreg:$0x14] =	wrdreg s2;
	s12 =	sshrl.u32 s21, $0x2;
	s7 =	sshrl.u32 s7, $0x3  }
0x40: {  	s2 =	sadd.s32 s3, s24;
	s10 =	sshrl.u32 s10, $0x3;
	[smem:$0x7F2] =	sst s7  }
0x41: {  	s3 =	sadd.s32 s4, s24;
	s2 =	sshrl.u32 s2, $0x3;
	[smem:$0x7F5] =	sst s10  }
0x42: {  	s4 =	sadd.s32 s6, s24;
	s3 =	sshrl.u32 s3, $0x3;
	[smem:$0x7ED] =	sst s2  }
0x43: {  	s6 =	sadd.s32 s9, s24;
	s4 =	sshrl.u32 s4, $0x3;
	[smem:$0x7EE] =	sst s3  }
0x44: {  	s9 =	sadd.s32 s13, s24;
	s6 =	sshrl.u32 s6, $0x3;
	[smem:$0x7EF] =	sst s4  }
0x45: {  	s1 =	sadd.s32 s12, s24;
	s9 =	sshrl.u32 s9, $0x3;
	[smem:$0x7F1] =	sst s6  }
0x46: {  	s13 =	sadd.s32 s17, s24;
	s17 =	sadd.s32 $0x2800, s1;
	[smem:$0x7F4] =	sst s9  }
0x47: {  	s11 =	sadd.s32 s16, s24;
	s18 =	sadd.s32 $0x5000, s1;
	[smem:$0x7E5] =	sst s17  }
0x48: {  	s14 =	sadd.s32 s19, s24;
	s19 =	sadd.s32 $0x7800, s1;
	[smem:$0x7E6] =	sst s18  }
0x49: {  	s16 =	sadd.s32 s20, s24;
	s20 =	sadd.s32 $0xA000, s1;
	[smem:$0x7E7] =	sst s19  }
0x4a: {  	s12 =	sadd.s32 s15, s24;
	s21 =	sadd.s32 $0xC800, s1;
	[smem:$0x7E8] =	sst s20  }
0x4b: {  	s15 =	sadd.s32 s30, s24;
	s30 =	sadd.s32 $0xF000, s1;
	[smem:$0x7E9] =	sst s21  }
0x4c: {  	s28 =	simm.s32 $0x8;
	s31 =	sadd.s32 $0x11800, s1;
	[smem:$0x7EA] =	sst s30  }
0x4d: {  	s8 =	simm.s32 $0x50;
	s1 =	sadd.s32 $0xF80, s1;
	[smem:$0x7EB] =	sst s31  }
0x4e: {  	s7 =	simm.s32 $0x2;
	[smem:$0x7EC] =	sst s1;
	s17 =	sshrl.u32 s11, $0x3  }
0x4f: {  	s10 =	simm.s32 $0x4;
	s18 =	sshrl.u32 s12, $0x3;
	[smem:$0x7F6] =	sst s17  }
0x50: {  	s3 =	simm.s32 $0x5000;
	s19 =	sshrl.u32 s13, $0x3;
	[smem:$0x7F7] =	sst s18  }
0x51: {  	s4 =	simm.s32 $0x7800;
	s20 =	sshrl.u32 s14, $0x3;
	[smem:$0x7F8] =	sst s19  }
0x52: {  	s6 =	simm.s32 $0x1;
	s21 =	sshrl.u32 s15, $0x3;
	[smem:$0x7F9] =	sst s20  }
0x53: {  	s9 =	simm.s32 $0x3;
	s30 =	sshrl.u32 s16, $0x3;
	[smem:$0x7FA] =	sst s21  }
0x54: {  	s31 =	sadd.s32 $0xA000, s23;
	s11 =	simm.s32 $0x5;
	[smem:$0x7FB] =	sst s30  }
0x55: {  	v0 =	vimm.f32 $0.0e+00;
	s23 =	simm.s32 $0x7;
	[smem:$0x7FC] =	sst s31;
	s21 =	simm.s32 $0x13  }
.LBB2_1:
0x56: {  	s0 =	simm.s32 $0x0;
	s1 =	simm.s32 $0x200  }
.LBB2_2:
0x57: {  	p0 =	sne.s32 s1, $0x9E00;
	[tilespmem:s0+$0x5070] =	vst v0  }
0x58: {  	[tilespmem:s0+$0x5000] =	vst v0  }
0x59: {  	[tilespmem:s0+$0x5010] =	vst v0  }
.Ltmp0:
0x5a: {  	[tilespmem:s0+$0x5020] =	vst v0;
	(pc) =	sbr.rel @p0 .LBB2_2-.Ltmp0, $4  }
0x5b: {  	[tilespmem:s0+$0x5030] =	vst v0  }
0x5c: {  	[tilespmem:s0+$0x5040] =	vst v0  }
0x5d: {  	[tilespmem:s0+$0x5050] =	vst v0  }
0x5e: {  	[tilespmem:s0+$0x5060] =	vst v0;
	s0 =	sshra.s32 s1, $0x2;
	s1 =	sadd.s32 $0x200, s1  }
0x5f: {  	[tilespmem:s0+$0x5070] =	vst v0  }
0x60: {  	[tilespmem:s0+$0x5000] =	vst v0  }
0x61: {  	[tilespmem:s0+$0x5010] =	vst v0  }
0x62: {  	[tilespmem:s0+$0x5020] =	vst v0  }
0x63: {  	[tilespmem:s0+$0x5030] =	vst v0  }
0x64: {  	[tilespmem:s0+$0x5040] =	vst v0  }
0x65: {  	[tilespmem:s0+$0x5050] =	vst v0  }
0x66: {  	[dreg:$0x1d] =	wrdreg s25;
	[tilespmem:s0+$0x5060] =	vst v0  }
0x67: {  	[spmem:s26] =	stream.linear.scatter [tilespmem:s3], [sflag:$0x13], $0x2800, $0x38;
	[tilespmem:$0x1E000] =	vst v63  }
0x68: {  	_ =	swait.ge [sflag:s21], $0x2800  }
0x69: {  	s12 =	sld [smem:$0x7E5]  }
0x6a: {  	[sflag:s21] =	ssyncset.done $0x0  }
0x6b: {  	[sflag:s21] =	ssyncadd.s32 $0xFFFFD800  }
0x6c: {  	[spmem:s12] =	stream.linear.scatter [tilespmem:s3], [sflag:$0x13], $0x2800, $0x38;
	[tilespmem:$0x1E000] =	vst v63  }
0x6d: {  	_ =	swait.ge [sflag:s21], $0x2800  }
0x6e: {  	s13 =	sld [smem:$0x7E6]  }
0x6f: {  	[sflag:s21] =	ssyncset.done $0x0  }
0x70: {  	[sflag:s21] =	ssyncadd.s32 $0xFFFFD800  }
0x71: {  	[spmem:s13] =	stream.linear.scatter [tilespmem:s3], [sflag:$0x13], $0x2800, $0x38;
	[tilespmem:$0x1E000] =	vst v63  }
0x72: {  	_ =	swait.ge [sflag:s21], $0x2800  }
0x73: {  	s14 =	sld [smem:$0x7E7]  }
0x74: {  	[sflag:s21] =	ssyncset.done $0x0  }
0x75: {  	[sflag:s21] =	ssyncadd.s32 $0xFFFFD800  }
0x76: {  	[spmem:s14] =	stream.linear.scatter [tilespmem:s3], [sflag:$0x13], $0x2800, $0x38;
	[tilespmem:$0x1E000] =	vst v63  }
0x77: {  	_ =	swait.ge [sflag:s21], $0x2800  }
0x78: {  	s15 =	sld [smem:$0x7E8]  }
0x79: {  	[sflag:s21] =	ssyncset.done $0x0  }
0x7a: {  	[sflag:s21] =	ssyncadd.s32 $0xFFFFD800  }
0x7b: {  	[spmem:s15] =	stream.linear.scatter [tilespmem:s3], [sflag:$0x13], $0x2800, $0x38;
	[tilespmem:$0x1E000] =	vst v63  }
0x7c: {  	_ =	swait.ge [sflag:s21], $0x2800  }
0x7d: {  	s16 =	sld [smem:$0x7E9]  }
0x7e: {  	[sflag:s21] =	ssyncset.done $0x0  }
0x7f: {  	[sflag:s21] =	ssyncadd.s32 $0xFFFFD800  }
0x80: {  	[spmem:s16] =	stream.linear.scatter [tilespmem:s3], [sflag:$0x13], $0x2800, $0x38;
	[tilespmem:$0x1E000] =	vst v63  }
0x81: {  	_ =	swait.ge [sflag:s21], $0x2800  }
0x82: {  	s17 =	sld [smem:$0x7EA]  }
0x83: {  	[sflag:s21] =	ssyncset.done $0x0  }
0x84: {  	[sflag:s21] =	ssyncadd.s32 $0xFFFFD800  }
0x85: {  	[spmem:s17] =	stream.linear.scatter [tilespmem:s3], [sflag:$0x13], $0x2800, $0x38;
	[tilespmem:$0x1E000] =	vst v63  }
0x86: {  	_ =	swait.ge [sflag:s21], $0x2800  }
0x87: {  	s18 =	sld [smem:$0x7EB]  }
0x88: {  	[sflag:s21] =	ssyncset.done $0x0  }
0x89: {  	[sflag:s21] =	ssyncadd.s32 $0xFFFFD800  }
0x8a: {  	[spmem:s18] =	stream.linear.scatter [tilespmem:s3], [sflag:$0x13], $0x2800, $0x38;
	[tilespmem:$0x1E000] =	vst v63  }
0x8b: {  	_ =	swait.ge [sflag:s21], $0x2800  }
0x8c: {  	[sflag:s21] =	ssyncset.done $0x0  }
0x8d: {  	s19 =	simm.s32 $0x0;
	s1 =	rddreg [dreg:$0x1e];
	[sflag:s21] =	ssyncadd.s32 $0xFFFFD800  }
0x8e: {  	[tilespmem:s19], [sflag:$0x13] =	stream.linear.gather [hbm4b:s1+s19], $0x2800, $0x38;
	[tilespmem:$0x1E000] =	vst v63  }
0x8f: {  	_ =	swait.ge [sflag:s21], $0x2800  }
0x90: {  	s20 =	sld [smem:$0x7FC]  }
0x91: {  	[sflag:s21] =	ssyncset.done $0x0  }
0x92: {  	s2 =	simm.s32 $0x2800;
	[sflag:s21] =	ssyncadd.s32 $0xFFFFD800  }
0x93: {  	[tilespmem:s2], [sflag:$0x13] =	stream.linear.gather [hbm4b:s20+s19], $0x2800, $0x38;
	[tilespmem:$0x1E000] =	vst v63  }
0x94: {  	_ =	swait.ge [sflag:s21], $0x2800  }
0x95: {  	[sflag:s21] =	ssyncset.done $0x0  }
0x96: {  	[sflag:s21] =	ssyncadd.s32 $0xFFFFD800  }
0x97: {  	[bflag:$0x0] =	sbarrier.arrive $0xFFFF  }
0x98: {  	[tilespmem:s3], [sflag:$0x1] =	stream.indirect.gather [hbm4b:s22+s8], $0x80, s19, s8, $0xb8;
	[tilespmem:$0x1E000] =	vst v63  }
0x99: {  	_ = 	snop  }
0x9a: {  	[tilespmem:s4], [sflag:$0x2] =	stream.indirect.gather [hbm4b:s22+s8], $0x80, s8, s8, $0xb8;
	[tilespmem:$0x1E000] =	vst v63  }
0x9b: {  	_ =	swait.ge [sflag:s6], $0x2800  }
0x9c: {  	[sflag:s6] =	ssyncset.done $0x0  }
0x9d: {  	s25 =	simm.s32 $0x2800;
	[sflag:s6] =	ssyncadd.s32 $0xFFFFD800  }
0x9e: {  	[spmem:s24] =	stream.indirect.scatter.add.f32 [tilespmem:s3], [sflag:$0x13], $0x80, s25, s8, $0xb8;
	[tilespmem:$0x1E000] =	vst v63  }
0x9f: {  	_ =	swait.ge [sflag:s21], $0x2800  }
0xa0: {  	[sflag:s21] =	ssyncset.done $0x0  }
0xa1: {  	s30 =	simm.s32 $0xA0;
	[sflag:s21] =	ssyncadd.s32 $0xFFFFD800  }
0xa2: {  	[tilespmem:s3], [sflag:$0x1] =	stream.indirect.gather [hbm4b:s22+s8], $0x80, s30, s8, $0xb8;
	[tilespmem:$0x1E000] =	vst v63  }
0xa3: {  	_ =	swait.ge [sflag:s7], $0x2800  }
0xa4: {  	[sflag:s7] =	ssyncset.done $0x0  }
0xa5: {  	s31 =	simm.s32 $0x2850;
	[sflag:s7] =	ssyncadd.s32 $0xFFFFD800  }
0xa6: {  	[spmem:s24] =	stream.indirect.scatter.add.f32 [tilespmem:s4], [sflag:$0x13], $0x80, s31, s8, $0xb8;
	[tilespmem:$0x1E000] =	vst v63  }
0xa7: {  	_ =	swait.ge [sflag:s21], $0x2800  }
0xa8: {  	[sflag:s21] =	ssyncset.done $0x0  }
0xa9: {  	s0 =	simm.s32 $0x280;
	s1 =	simm.s32 $0xF0;
	[sflag:s21] =	ssyncadd.s32 $0xFFFFD800  }
.LBB2_4:
0xaa: {  	[tilespmem:s4], [sflag:$0x2] =	stream.indirect.gather [hbm4b:s22+s8], $0x80, s1, s8, $0xb8;
	[tilespmem:$0x1E000] =	vst v63  }
0xab: {  	s1 =	smov.u32 s0  }
0xac: {  	p0 =	sne.s32 s0, $0x9B00;
	s0 =	sadd.s32 $0x280, s0;
	_ =	swait.ge [sflag:s6], $0x2800  }
0xad: {  	s1 =	sshra.s32 s1, $0x2;
	[sflag:s6] =	ssyncset.done $0x0  }
0xae: {  	s2 =	sadd.s32 $0x2800, s1;
	[sflag:s6] =	ssyncadd.s32 $0xFFFFD800  }
0xaf: {  	[spmem:s24] =	stream.indirect.scatter.add.f32 [tilespmem:s3], [sflag:$0x13], $0x80, s2, s8, $0xb8;
	[tilespmem:$0x1E000] =	vst v63  }
0xb0: {  	_ =	swait.ge [sflag:s21], $0x2800  }
0xb1: {  	[sflag:s21] =	ssyncset.done $0x0  }
0xb2: {  	s2 =	sadd.s32 $0xA0, s1;
	[sflag:s21] =	ssyncadd.s32 $0xFFFFD800  }
0xb3: {  	[tilespmem:s3], [sflag:$0x1] =	stream.indirect.gather [hbm4b:s22+s8], $0x80, s2, s8, $0xb8;
	[tilespmem:$0x1E000] =	vst v63  }
0xb4: {  	_ =	swait.ge [sflag:s7], $0x2800  }
0xb5: {  	[sflag:s7] =	ssyncset.done $0x0  }
.Ltmp1:
0xb6: {  	s2 =	sadd.s32 $0x2850, s1;
	[sflag:s7] =	ssyncadd.s32 $0xFFFFD800;
	(pc) =	sbr.rel @p0 .LBB2_4-.Ltmp1, $4  }
0xb7: {  	[spmem:s24] =	stream.indirect.scatter.add.f32 [tilespmem:s4], [sflag:$0x13], $0x80, s2, s8, $0xb8;
	[tilespmem:$0x1E000] =	vst v63  }
0xb8: {  	_ =	swait.ge [sflag:s21], $0x2800  }
0xb9: {  	[sflag:s21] =	ssyncset.done $0x0  }
0xba: {  	s1 =	sadd.s32 $0xF0, s1;
	[sflag:s21] =	ssyncadd.s32 $0xFFFFD800  }
0xbb: {  	[tilespmem:s4], [sflag:$0x2] =	stream.indirect.gather [hbm4b:s22+s8], $0x80, s1, s8, $0xb8;
	[tilespmem:$0x1E000] =	vst v63  }
0xbc: {  	_ =	swait.ge [sflag:s6], $0x2800  }
0xbd: {  	[sflag:s6] =	ssyncset.done $0x0  }
0xbe: {  	s0 =	simm.s32 $0x4F60;
	[sflag:s6] =	ssyncadd.s32 $0xFFFFD800  }
0xbf: {  	[spmem:s24] =	stream.indirect.scatter.add.f32 [tilespmem:s3], [sflag:$0x13], $0x80, s0, s8, $0xb8;
	[tilespmem:$0x1E000] =	vst v63  }
0xc0: {  	_ =	swait.ge [sflag:s21], $0x2800  }
0xc1: {  	[sflag:s21] =	ssyncset.done $0x0  }
0xc2: {  	[sflag:s21] =	ssyncadd.s32 $0xFFFFD800  }
0xc3: {  	_ =	swait.ge [sflag:s7], $0x2800  }
0xc4: {  	[sflag:s7] =	ssyncset.done $0x0  }
0xc5: {  	s6 =	simm.s32 $0x4FB0;
	[sflag:s7] =	ssyncadd.s32 $0xFFFFD800  }
0xc6: {  	[spmem:s24] =	stream.indirect.scatter.add.f32 [tilespmem:s4], [sflag:$0x13], $0x80, s6, s8, $0xb8;
	[tilespmem:$0x1E000] =	vst v63  }
0xc7: {  	_ =	swait.ge [sflag:s21], $0x2800  }
0xc8: {  	[sflag:s21] =	ssyncset.done $0x0  }
0xc9: {  	s7 =	stileid.u32;
	[sflag:s21] =	ssyncadd.s32 $0xFFFFD800  }
0xca: {  	s8 =	sshll.u32 s7, $0x6;
	[bflag:$0x0] =	sbarrier.arrive $0xFFFF  }
0xcb: {  	s13 =	sshrl.u32 s26, $0x3;
	s4 =	sor.u32 $0x1C03, s8;
	s2 =	rddreg [dreg:$0x1f]  }
0xcc: {  	[hbm:s2], [sflag:s4] =	dma.local [spmem:s13], $0x10  }
0xcd: {  	s0 =	sld [smem:$0x7D5]  }
0xce: {  	s2 =	sld [smem:$0x7ED];
	_ =	sdelay $0x1  }
0xcf: {  	s15 =	sor.u32 $0x1C04, s8  }
0xd0: {  	[hbm:s0], [sflag:s15] =	dma.local [spmem:s2], $0x10  }
0xd1: {  	s0 =	sld [smem:$0x7D6]  }
0xd2: {  	s2 =	sld [smem:$0x7EE];
	_ =	sdelay $0x1  }
0xd3: {  	s17 =	sor.u32 $0x1C05, s8  }
0xd4: {  	[hbm:s0], [sflag:s17] =	dma.local [spmem:s2], $0x10  }
0xd5: {  	s0 =	sld [smem:$0x7D7]  }
0xd6: {  	s2 =	sld [smem:$0x7EF];
	_ =	sdelay $0x1  }
0xd7: {  	s22 =	sor.u32 $0x1C06, s8  }
0xd8: {  	[hbm:s0], [sflag:s22] =	dma.local [spmem:s2], $0x10  }
0xd9: {  	s0 =	sld [smem:$0x7D8]  }
0xda: {  	s2 =	sld [smem:$0x7F0];
	_ =	sdelay $0x1  }
0xdb: {  	s19 =	sor.u32 $0x1C07, s8  }
0xdc: {  	[hbm:s0], [sflag:s19] =	dma.local [spmem:s2], $0x10  }
0xdd: {  	s0 =	sld [smem:$0x7D9]  }
0xde: {  	s2 =	sld [smem:$0x7F1];
	_ =	sdelay $0x1  }
0xdf: {  	s18 =	sor.u32 $0x1C08, s8  }
0xe0: {  	[hbm:s0], [sflag:s18] =	dma.local [spmem:s2], $0x10  }
0xe1: {  	s2 =	sld [smem:$0x7DA]  }
0xe2: {  	s14 =	sld [smem:$0x7F2];
	_ =	sdelay $0x1  }
0xe3: {  	s0 =	sor.u32 $0x1C09, s8  }
0xe4: {  	[hbm:s2], [sflag:s0] =	dma.local [spmem:s14], $0x10  }
0xe5: {  	s3 =	sld [smem:$0x7DB]  }
0xe6: {  	s16 =	sld [smem:$0x7F3];
	_ =	sdelay $0x1  }
0xe7: {  	s2 =	sor.u32 $0x1C0A, s8  }
0xe8: {  	[hbm:s3], [sflag:s2] =	dma.local [spmem:s16], $0x10  }
0xe9: {  	s6 =	sld [smem:$0x7DC]  }
0xea: {  	s20 =	sld [smem:$0x7F4];
	_ =	sdelay $0x1  }
0xeb: {  	s16 =	sor.u32 $0x1C0B, s8  }
0xec: {  	[hbm:s6], [sflag:s16] =	dma.local [spmem:s20], $0x10  }
0xed: {  	s6 =	sld [smem:$0x7DD]  }
0xee: {  	s7 =	sld [smem:$0x7F5];
	_ =	sdelay $0x1  }
0xef: {  	s20 =	sor.u32 $0x1C0C, s8  }
0xf0: {  	[hbm:s6], [sflag:s20] =	dma.local [spmem:s7], $0x10  }
0xf1: {  	s6 =	sld [smem:$0x7DE]  }
0xf2: {  	s7 =	sld [smem:$0x7F6];
	_ =	sdelay $0x1  }
0xf3: {  	s14 =	sor.u32 $0x1C0D, s8  }
0xf4: {  	[hbm:s6], [sflag:s14] =	dma.local [spmem:s7], $0x10  }
0xf5: {  	s6 =	sld [smem:$0x7DF]  }
0xf6: {  	s7 =	sld [smem:$0x7F7];
	_ =	sdelay $0x1  }
0xf7: {  	s31 =	sor.u32 $0x1C0E, s8  }
0xf8: {  	[hbm:s6], [sflag:s31] =	dma.local [spmem:s7], $0x10  }
0xf9: {  	s6 =	sld [smem:$0x7E0]  }
0xfa: {  	s7 =	sld [smem:$0x7F8];
	_ =	sdelay $0x1  }
0xfb: {  	s13 =	sor.u32 $0x1C0F, s8  }
0xfc: {  	[hbm:s6], [sflag:s13] =	dma.local [spmem:s7], $0x10  }
0xfd: {  	s6 =	sld [smem:$0x7E1]  }
0xfe: {  	s7 =	sld [smem:$0x7F9];
	_ =	sdelay $0x1  }
0xff: {  	s12 =	sor.u32 $0x1C10, s8  }
0x100: {  	[hbm:s6], [sflag:s12] =	dma.local [spmem:s7], $0x10  }
0x101: {  	s6 =	sld [smem:$0x7E2]  }
0x102: {  	s7 =	sld [smem:$0x7FA];
	_ =	sdelay $0x1  }
0x103: {  	s5 =	sor.u32 $0x1C11, s8  }
0x104: {  	[hbm:s6], [sflag:s5] =	dma.local [spmem:s7], $0x10  }
0x105: {  	s25 =	sld [smem:$0x7E3]  }
0x106: {  	s6 =	sld [smem:$0x7FB]  }
0x107: {  	s24 =	sor.u32 $0x1C12, s8  }
0x108: {  	[dreg:$0x1c] =	wrdreg s24  }
0x109: {  	[hbm:s25], [sflag:s24] =	dma.local [spmem:s6], $0x10  }
0x10a: {  	_ =	swait.ge [sflag:s9], $0x10  }
0x10b: {  	s8 =	sld [smem:$0x7EC]  }
0x10c: {  	[dreg:$0x15] =	wrdreg s4  }
0x10d: {  	s30 =	smov.u32 s2;
	s26 =	rddreg [dreg:$0x14];
	[sflag:s9] =	ssyncset.done $0x0  }
0x10e: {  	[sflag:s9] =	ssyncadd.s32 $0xFFFFFFF0;
	s1 =	sadd.s32 $0x0, s26;
	s3 =	sadd.s32 $0xFFFFF880, s8  }
0x10f: {  	s9 =	sadd.s32 $0xFFFFF900, s8;
	s24 =	sadd.s32 $0xFFFFFA00, s8;
	s6 =	sshrl.u32 s3, $0x3  }
0x110: {  	[hbm:s1], [sflag:s4] =	dma.local [spmem:s6], $0x10  }
0x111: {  	s26 =	sadd.s32 $0xFFFFFA80, s8;
	s6 =	sshrl.u32 s9, $0x3;
	_ =	swait.ge [sflag:s10], $0x10  }
0x112: {  	s4 =	sadd.s32 $0xFFFFFB00, s8;
	s7 =	rddreg [dreg:$0x13];
	[sflag:s10] =	ssyncset.done $0x0  }
0x113: {  	[dreg:$0x16] =	wrdreg s15;
	[sflag:s10] =	ssyncadd.s32 $0xFFFFFFF0;
	s1 =	sadd.s32 $0x0, s7  }
0x114: {  	[hbm:s1], [sflag:s15] =	dma.local [spmem:s6], $0x10  }
0x115: {  	s7 =	sadd.s32 $0xFFFFFB80, s8;
	s15 =	sadd.s32 $0xFFFFF980, s8;
	_ =	swait.ge [sflag:s11], $0x10  }
0x116: {  	s6 =	sshrl.u32 s15, $0x3;
	s10 =	rddreg [dreg:$0x12];
	[sflag:s11] =	ssyncset.done $0x0  }
0x117: {  	[dreg:$0x17] =	wrdreg s17;
	[sflag:s11] =	ssyncadd.s32 $0xFFFFFFF0;
	s1 =	sadd.s32 $0x0, s10  }
0x118: {  	[hbm:s1], [sflag:s17] =	dma.local [spmem:s6], $0x10  }
0x119: {  	s15 =	simm.s32 $0x9;
	s10 =	sadd.s32 $0xFFFFFC00, s8;
	_ =	swait.ge [sflag:s29], $0x10  }
0x11a: {  	s6 =	sshrl.u32 s24, $0x3;
	s17 =	rddreg [dreg:$0x11];
	[sflag:s29] =	ssyncset.done $0x0  }
0x11b: {  	[dreg:$0x18] =	wrdreg s22;
	[sflag:s29] =	ssyncadd.s32 $0xFFFFFFF0;
	s1 =	sadd.s32 $0x0, s17  }
0x11c: {  	[hbm:s1], [sflag:s22] =	dma.local [spmem:s6], $0x10  }
0x11d: {  	s11 =	simm.s32 $0xB;
	s24 =	sadd.s32 $0xFFFFFD00, s8;
	_ =	swait.ge [sflag:s23], $0x10  }
0x11e: {  	s6 =	sshrl.u32 s26, $0x3;
	s25 =	rddreg [dreg:$0x10];
	[sflag:s23] =	ssyncset.done $0x0  }
0x11f: {  	[dreg:$0x19] =	wrdreg s19;
	[sflag:s23] =	ssyncadd.s32 $0xFFFFFFF0;
	s1 =	sadd.s32 $0x0, s25  }
0x120: {  	[hbm:s1], [sflag:s19] =	dma.local [spmem:s6], $0x10  }
0x121: {  	s17 =	simm.s32 $0xA;
	s29 =	smov.u32 s5;
	_ =	swait.ge [sflag:s28], $0x10  }
0x122: {  	s6 =	sshrl.u32 s4, $0x3;
	s3 =	rddreg [dreg:$0xf];
	[sflag:s28] =	ssyncset.done $0x0  }
0x123: {  	[dreg:$0x1a] =	wrdreg s18;
	[sflag:s28] =	ssyncadd.s32 $0xFFFFFFF0;
	s1 =	sadd.s32 $0x0, s3  }
0x124: {  	[hbm:s1], [sflag:s18] =	dma.local [spmem:s6], $0x10  }
0x125: {  	s22 =	simm.s32 $0xC;
	_ =	swait.ge [sflag:s15], $0x10;
	[dreg:$0x1b] =	wrdreg s0  }
0x126: {  	s25 =	simm.s32 $0xD;
	s6 =	rddreg [dreg:$0xe];
	[sflag:s15] =	ssyncset.done $0x0  }
0x127: {  	[sflag:s15] =	ssyncadd.s32 $0xFFFFFFF0;
	s1 =	sadd.s32 $0x0, s6;
	s6 =	sshrl.u32 s7, $0x3  }
0x128: {  	[hbm:s1], [sflag:s0] =	dma.local [spmem:s6], $0x10  }
0x129: {  	s19 =	sadd.s32 $0xFFFFFC80, s8;
	s4 =	simm.s32 $0xE;
	_ =	swait.ge [sflag:s17], $0x10  }
0x12a: {  	s3 =	smov.u32 s16;
	s9 =	rddreg [dreg:$0xd];
	[sflag:s17] =	ssyncset.done $0x0  }
0x12b: {  	s6 =	sshrl.u32 s10, $0x3;
	[sflag:s17] =	ssyncadd.s32 $0xFFFFFFF0;
	s1 =	sadd.s32 $0x0, s9  }
0x12c: {  	[hbm:s1], [sflag:s2] =	dma.local [spmem:s6], $0x10  }
0x12d: {  	s28 =	smov.u32 s13;
	s7 =	sadd.s32 $0xFFFFFE00, s8;
	_ =	swait.ge [sflag:s11], $0x10  }
0x12e: {  	s0 =	simm.s32 $0x11;
	s18 =	rddreg [dreg:$0xc];
	[sflag:s11] =	ssyncset.done $0x0  }
0x12f: {  	s6 =	sshrl.u32 s19, $0x3;
	[sflag:s11] =	ssyncadd.s32 $0xFFFFFFF0;
	s1 =	sadd.s32 $0x0, s18  }
0x130: {  	[hbm:s1], [sflag:s16] =	dma.local [spmem:s6], $0x10  }
0x131: {  	s9 =	simm.s32 $0xF;
	s2 =	sadd.s32 $0xFFFFFD80, s8;
	_ =	swait.ge [sflag:s22], $0x10  }
0x132: {  	s19 =	sadd.s32 $0xFFFFFF80, s8;
	s23 =	rddreg [dreg:$0xb];
	[sflag:s22] =	ssyncset.done $0x0  }
0x133: {  	s6 =	sshrl.u32 s24, $0x3;
	[sflag:s22] =	ssyncadd.s32 $0xFFFFFFF0;
	s1 =	sadd.s32 $0x0, s23  }
0x134: {  	[hbm:s1], [sflag:s20] =	dma.local [spmem:s6], $0x10  }
0x135: {  	s11 =	sadd.s32 $0xFFFFFE80, s8;
	s24 =	smov.u32 s20;
	_ =	swait.ge [sflag:s25], $0x10  }
0x136: {  	s16 =	sadd.s32 $0xFFFFFF00, s8;
	s26 =	rddreg [dreg:$0xa];
	[sflag:s25] =	ssyncset.done $0x0  }
0x137: {  	s6 =	sshrl.u32 s2, $0x3;
	[sflag:s25] =	ssyncadd.s32 $0xFFFFFFF0;
	s1 =	sadd.s32 $0x0, s26  }
0x138: {  	[hbm:s1], [sflag:s14] =	dma.local [spmem:s6], $0x10  }
0x139: {  	s23 =	smov.u32 s12;
	s22 =	simm.s32 $0xF;
	_ =	swait.ge [sflag:s4], $0x10  }
0x13a: {  	s2 =	simm.s32 $0x12;
	s25 =	smov.u32 s14;
	[sflag:s4] =	ssyncset.done $0x0  }
0x13b: {  	s26 =	smov.u32 s31;
	s6 =	rddreg [dreg:$0x9];
	[sflag:s4] =	ssyncadd.s32 $0xFFFFFFF0  }
0x13c: {  	s1 =	sadd.s32 $0x0, s6;
	s6 =	sshrl.u32 s7, $0x3;
	s4 =	simm.s32 $0x10  }
0x13d: {  	[hbm:s1], [sflag:s31] =	dma.local [spmem:s6], $0x10  }
0x13e: {  	s7 =	sshrl.u32 s8, $0x3;
	s6 =	sshrl.u32 s11, $0x3;
	_ =	swait.ge [sflag:s9], $0x10  }
0x13f: {  	s11 =	simm.s32 $0x5;
	s10 =	rddreg [dreg:$0x8];
	[sflag:s9] =	ssyncset.done $0x0  }
0x140: {  	s31 =	simm.s32 $0x100;
	[sflag:s9] =	ssyncadd.s32 $0xFFFFFFF0;
	s1 =	sadd.s32 $0x0, s10  }
0x141: {  	[hbm:s1], [sflag:s13] =	dma.local [spmem:s6], $0x10  }
0x142: {  	s9 =	simm.s32 $0x3;
	s10 =	simm.s32 $0x4;
	_ =	swait.ge [sflag:s4], $0x10  }
0x143: {  	s6 =	sshrl.u32 s16, $0x3;
	s14 =	rddreg [dreg:$0x7];
	[sflag:s4] =	ssyncset.done $0x0  }
0x144: {  	s13 =	simm.s32 $0x8;
	[sflag:s4] =	ssyncadd.s32 $0xFFFFFFF0;
	s1 =	sadd.s32 $0x0, s14  }
0x145: {  	[hbm:s1], [sflag:s12] =	dma.local [spmem:s6], $0x10  }
0x146: {  	s16 =	simm.s32 $0xC;
	s14 =	simm.s32 $0xB;
	_ =	swait.ge [sflag:s0], $0x10  }
0x147: {  	s6 =	sshrl.u32 s19, $0x3;
	s18 =	rddreg [dreg:$0x6];
	[sflag:s0] =	ssyncset.done $0x0  }
0x148: {  	s12 =	simm.s32 $0x7;
	[sflag:s0] =	ssyncadd.s32 $0xFFFFFFF0;
	s1 =	sadd.s32 $0x0, s18  }
0x149: {  	[hbm:s1], [sflag:s5] =	dma.local [spmem:s6], $0x10  }
0x14a: {  	s19 =	simm.s32 $0xE;
	s18 =	simm.s32 $0xD;
	_ =	swait.ge [sflag:s2], $0x10  }
0x14b: {  	s5 =	simm.s32 $0x6;
	s20 =	rddreg [dreg:$0x5];
	[sflag:s2] =	ssyncset.done $0x0  }
0x14c: {  	s1 =	sadd.s32 $0x800, s8;
	[sflag:s2] =	ssyncadd.s32 $0xFFFFFFF0;
	s6 =	sadd.s32 $0x0, s20  }
.LBB2_6:
0x14d: {  	s8 =	rddreg [dreg:$0x1c]  }
0x14e: {  	[hbm:s6], [sflag:s8] =	dma.local [spmem:s7], $0x10  }
0x14f: {  	_ =	swait.ge [sflag:s9], $0x10  }
0x150: {  	s20 =	sadd.s32 $0xFFFFF880, s1;
	[sflag:s9] =	ssyncset.done $0x0  }
0x151: {  	s6 =	smov.u32 s31;
	s8 =	rddreg [dreg:$0x14];
	[sflag:s9] =	ssyncadd.s32 $0xFFFFFFF0  }
0x152: {  	s7 =	sadd.s32 s6, s8;
	s8 =	sshrl.u32 s20, $0x3;
	s20 =	rddreg [dreg:$0x15]  }
0x153: {  	[hbm:s7], [sflag:s20] =	dma.local [spmem:s8], $0x10  }
0x154: {  	_ =	swait.ge [sflag:s10], $0x10  }
0x155: {  	[sflag:s10] =	ssyncset.done $0x0  }
0x156: {  	s20 =	sadd.s32 $0xFFFFF900, s1;
	s8 =	rddreg [dreg:$0x13];
	[sflag:s10] =	ssyncadd.s32 $0xFFFFFFF0  }
0x157: {  	s7 =	sadd.s32 s6, s8;
	s8 =	sshrl.u32 s20, $0x3;
	s20 =	rddreg [dreg:$0x16]  }
0x158: {  	[hbm:s7], [sflag:s20] =	dma.local [spmem:s8], $0x10  }
0x159: {  	_ =	swait.ge [sflag:s11], $0x10  }
0x15a: {  	[sflag:s11] =	ssyncset.done $0x0  }
0x15b: {  	s20 =	sadd.s32 $0xFFFFF980, s1;
	s8 =	rddreg [dreg:$0x12];
	[sflag:s11] =	ssyncadd.s32 $0xFFFFFFF0  }
0x15c: {  	s7 =	sadd.s32 s6, s8;
	s8 =	sshrl.u32 s20, $0x3;
	s20 =	rddreg [dreg:$0x17]  }
0x15d: {  	[hbm:s7], [sflag:s20] =	dma.local [spmem:s8], $0x10  }
0x15e: {  	_ =	swait.ge [sflag:s5], $0x10  }
0x15f: {  	[sflag:s5] =	ssyncset.done $0x0  }
0x160: {  	s20 =	sadd.s32 $0xFFFFFA00, s1;
	s8 =	rddreg [dreg:$0x11];
	[sflag:s5] =	ssyncadd.s32 $0xFFFFFFF0  }
0x161: {  	s7 =	sadd.s32 s6, s8;
	s8 =	sshrl.u32 s20, $0x3;
	s20 =	rddreg [dreg:$0x18]  }
0x162: {  	[hbm:s7], [sflag:s20] =	dma.local [spmem:s8], $0x10  }
0x163: {  	_ =	swait.ge [sflag:s12], $0x10  }
0x164: {  	[sflag:s12] =	ssyncset.done $0x0  }
0x165: {  	s20 =	sadd.s32 $0xFFFFFA80, s1;
	s8 =	rddreg [dreg:$0x10];
	[sflag:s12] =	ssyncadd.s32 $0xFFFFFFF0  }
0x166: {  	s7 =	sadd.s32 s6, s8;
	s8 =	sshrl.u32 s20, $0x3;
	s20 =	rddreg [dreg:$0x19]  }
0x167: {  	[hbm:s7], [sflag:s20] =	dma.local [spmem:s8], $0x10  }
0x168: {  	_ =	swait.ge [sflag:s13], $0x10  }
0x169: {  	[sflag:s13] =	ssyncset.done $0x0  }
0x16a: {  	s20 =	sadd.s32 $0xFFFFFB00, s1;
	s8 =	rddreg [dreg:$0xf];
	[sflag:s13] =	ssyncadd.s32 $0xFFFFFFF0  }
0x16b: {  	s7 =	sadd.s32 s6, s8;
	s8 =	sshrl.u32 s20, $0x3;
	s20 =	rddreg [dreg:$0x1a]  }
0x16c: {  	[hbm:s7], [sflag:s20] =	dma.local [spmem:s8], $0x10  }
0x16d: {  	_ =	swait.ge [sflag:s15], $0x10  }
0x16e: {  	[sflag:s15] =	ssyncset.done $0x0  }
0x16f: {  	s20 =	sadd.s32 $0xFFFFFB80, s1;
	s8 =	rddreg [dreg:$0xe];
	[sflag:s15] =	ssyncadd.s32 $0xFFFFFFF0  }
0x170: {  	s7 =	sadd.s32 s6, s8;
	s8 =	sshrl.u32 s20, $0x3;
	s20 =	rddreg [dreg:$0x1b]  }
0x171: {  	[hbm:s7], [sflag:s20] =	dma.local [spmem:s8], $0x10  }
0x172: {  	_ =	swait.ge [sflag:s17], $0x10  }
0x173: {  	s20 =	sadd.s32 $0xFFFFFC00, s1;
	[sflag:s17] =	ssyncset.done $0x0;
	s8 =	rddreg [dreg:$0xd]  }
0x174: {  	[sflag:s17] =	ssyncadd.s32 $0xFFFFFFF0;
	s7 =	sadd.s32 s6, s8;
	s8 =	sshrl.u32 s20, $0x3  }
0x175: {  	[hbm:s7], [sflag:s30] =	dma.local [spmem:s8], $0x10  }
0x176: {  	_ =	swait.ge [sflag:s14], $0x10  }
0x177: {  	s20 =	sadd.s32 $0xFFFFFC80, s1;
	[sflag:s14] =	ssyncset.done $0x0;
	s8 =	rddreg [dreg:$0xc]  }
0x178: {  	[sflag:s14] =	ssyncadd.s32 $0xFFFFFFF0;
	s7 =	sadd.s32 s6, s8;
	s8 =	sshrl.u32 s20, $0x3  }
0x179: {  	[hbm:s7], [sflag:s3] =	dma.local [spmem:s8], $0x10  }
0x17a: {  	_ =	swait.ge [sflag:s16], $0x10  }
0x17b: {  	s20 =	sadd.s32 $0xFFFFFD00, s1;
	[sflag:s16] =	ssyncset.done $0x0;
	s8 =	rddreg [dreg:$0xb]  }
0x17c: {  	[sflag:s16] =	ssyncadd.s32 $0xFFFFFFF0;
	s7 =	sadd.s32 s6, s8;
	s8 =	sshrl.u32 s20, $0x3  }
0x17d: {  	[hbm:s7], [sflag:s24] =	dma.local [spmem:s8], $0x10  }
0x17e: {  	_ =	swait.ge [sflag:s18], $0x10  }
0x17f: {  	s20 =	sadd.s32 $0xFFFFFD80, s1;
	[sflag:s18] =	ssyncset.done $0x0;
	s8 =	rddreg [dreg:$0xa]  }
0x180: {  	[sflag:s18] =	ssyncadd.s32 $0xFFFFFFF0;
	s7 =	sadd.s32 s6, s8;
	s8 =	sshrl.u32 s20, $0x3  }
0x181: {  	[hbm:s7], [sflag:s25] =	dma.local [spmem:s8], $0x10  }
0x182: {  	_ =	swait.ge [sflag:s19], $0x10  }
0x183: {  	s20 =	sadd.s32 $0xFFFFFE00, s1;
	[sflag:s19] =	ssyncset.done $0x0;
	s8 =	rddreg [dreg:$0x9]  }
0x184: {  	[sflag:s19] =	ssyncadd.s32 $0xFFFFFFF0;
	s7 =	sadd.s32 s6, s8;
	s8 =	sshrl.u32 s20, $0x3  }
0x185: {  	[hbm:s7], [sflag:s26] =	dma.local [spmem:s8], $0x10  }
0x186: {  	_ =	swait.ge [sflag:s22], $0x10  }
0x187: {  	s20 =	sadd.s32 $0xFFFFFE80, s1;
	[sflag:s22] =	ssyncset.done $0x0;
	s8 =	rddreg [dreg:$0x8]  }
0x188: {  	[sflag:s22] =	ssyncadd.s32 $0xFFFFFFF0;
	s7 =	sadd.s32 s6, s8;
	s8 =	sshrl.u32 s20, $0x3  }
0x189: {  	[hbm:s7], [sflag:s28] =	dma.local [spmem:s8], $0x10  }
0x18a: {  	_ =	swait.ge [sflag:s4], $0x10  }
0x18b: {  	s20 =	sadd.s32 $0xFFFFFF00, s1;
	[sflag:s4] =	ssyncset.done $0x0;
	s8 =	rddreg [dreg:$0x7]  }
0x18c: {  	[sflag:s4] =	ssyncadd.s32 $0xFFFFFFF0;
	s7 =	sadd.s32 s6, s8;
	s8 =	sshrl.u32 s20, $0x3  }
0x18d: {  	[hbm:s7], [sflag:s23] =	dma.local [spmem:s8], $0x10  }
0x18e: {  	_ =	swait.ge [sflag:s0], $0x10  }
0x18f: {  	p0 =	sne.s32 s31, $0x2600;
	[sflag:s0] =	ssyncset.done $0x0  }
0x190: {  	s20 =	sadd.s32 $0xFFFFFF80, s1;
	s8 =	rddreg [dreg:$0x6];
	[sflag:s0] =	ssyncadd.s32 $0xFFFFFFF0  }
.Ltmp2:
0x191: {  	s7 =	sadd.s32 s6, s8;
	s8 =	sshrl.u32 s20, $0x3;
	(pc) =	sbr.rel @p0 .LBB2_6-.Ltmp2, $4  }
0x192: {  	[hbm:s7], [sflag:s29] =	dma.local [spmem:s8], $0x10  }
0x193: {  	s31 =	sadd.s32 $0x100, s31;
	_ =	swait.ge [sflag:s2], $0x10  }
0x194: {  	s7 =	sshrl.u32 s1, $0x3;
	[sflag:s2] =	ssyncset.done $0x0;
	s20 =	rddreg [dreg:$0x5]  }
0x195: {  	s1 =	sadd.s32 $0x800, s1;
	[sflag:s2] =	ssyncadd.s32 $0xFFFFFFF0;
	s6 =	sadd.s32 s6, s20  }
0x196: {  	s1 =	rddreg [dreg:$0x1c]  }
0x197: {  	[hbm:s6], [sflag:s1] =	dma.local [spmem:s7], $0x10  }
0x198: {  	_ =	swait.ge [sflag:s9], $0x10  }
0x199: {  	[sflag:s9] =	ssyncset.done $0x0  }
0x19a: {  	[sflag:s9] =	ssyncadd.s32 $0xFFFFFFF0  }
0x19b: {  	_ =	swait.ge [sflag:s10], $0x10  }
0x19c: {  	[sflag:s10] =	ssyncset.done $0x0  }
0x19d: {  	[sflag:s10] =	ssyncadd.s32 $0xFFFFFFF0  }
0x19e: {  	_ =	swait.ge [sflag:s11], $0x10  }
0x19f: {  	[sflag:s11] =	ssyncset.done $0x0  }
0x1a0: {  	[sflag:s11] =	ssyncadd.s32 $0xFFFFFFF0  }
0x1a1: {  	_ =	swait.ge [sflag:s5], $0x10  }
0x1a2: {  	[sflag:s5] =	ssyncset.done $0x0  }
0x1a3: {  	[sflag:s5] =	ssyncadd.s32 $0xFFFFFFF0  }
0x1a4: {  	_ =	swait.ge [sflag:s12], $0x10  }
0x1a5: {  	[sflag:s12] =	ssyncset.done $0x0  }
0x1a6: {  	[sflag:s12] =	ssyncadd.s32 $0xFFFFFFF0  }
0x1a7: {  	_ =	swait.ge [sflag:s13], $0x10  }
0x1a8: {  	[sflag:s13] =	ssyncset.done $0x0  }
0x1a9: {  	[sflag:s13] =	ssyncadd.s32 $0xFFFFFFF0  }
0x1aa: {  	_ =	swait.ge [sflag:s15], $0x10  }
0x1ab: {  	[sflag:s15] =	ssyncset.done $0x0  }
0x1ac: {  	[sflag:s15] =	ssyncadd.s32 $0xFFFFFFF0  }
0x1ad: {  	_ =	swait.ge [sflag:s17], $0x10  }
0x1ae: {  	[sflag:s17] =	ssyncset.done $0x0  }
0x1af: {  	[sflag:s17] =	ssyncadd.s32 $0xFFFFFFF0  }
0x1b0: {  	_ =	swait.ge [sflag:s14], $0x10  }
0x1b1: {  	[sflag:s14] =	ssyncset.done $0x0  }
0x1b2: {  	[sflag:s14] =	ssyncadd.s32 $0xFFFFFFF0  }
0x1b3: {  	_ =	swait.ge [sflag:s16], $0x10  }
0x1b4: {  	[sflag:s16] =	ssyncset.done $0x0  }
0x1b5: {  	[sflag:s16] =	ssyncadd.s32 $0xFFFFFFF0  }
0x1b6: {  	_ =	swait.ge [sflag:s18], $0x10  }
0x1b7: {  	[sflag:s18] =	ssyncset.done $0x0  }
0x1b8: {  	[sflag:s18] =	ssyncadd.s32 $0xFFFFFFF0  }
0x1b9: {  	_ =	swait.ge [sflag:s19], $0x10  }
0x1ba: {  	[sflag:s19] =	ssyncset.done $0x0  }
0x1bb: {  	[sflag:s19] =	ssyncadd.s32 $0xFFFFFFF0  }
0x1bc: {  	_ =	swait.ge [sflag:s22], $0x10  }
0x1bd: {  	[sflag:s22] =	ssyncset.done $0x0  }
0x1be: {  	[sflag:s22] =	ssyncadd.s32 $0xFFFFFFF0  }
0x1bf: {  	_ =	swait.ge [sflag:s4], $0x10  }
0x1c0: {  	[sflag:s4] =	ssyncset.done $0x0  }
0x1c1: {  	[sflag:s4] =	ssyncadd.s32 $0xFFFFFFF0  }
0x1c2: {  	_ =	swait.ge [sflag:s0], $0x10  }
0x1c3: {  	[sflag:s0] =	ssyncset.done $0x0  }
0x1c4: {  	[sflag:s0] =	ssyncadd.s32 $0xFFFFFFF0  }
0x1c5: {  	_ =	swait.ge [sflag:s2], $0x10  }
0x1c6: {  	s31 =	sld [smem:$0x7E4]  }
0x1c7: {  	s25 =	rddreg [dreg:$0x1d]  }
0x1c8: {  	s25 =	sadd.s32 $0x1, s25  }
0x1c9: {  	s3 =	simm.s32 $0x5000;
	s29 =	simm.s32 $0x6;
	p0 =	sne.s32 s25, s31  }
.Ltmp3:
0x1ca: {  	s23 =	simm.s32 $0x7;
	s28 =	simm.s32 $0x8;
	(pc) =	sbr.rel @p0 .LBB2_1-.Ltmp3, $4  }
0x1cb: {  	s8 =	simm.s32 $0x50;
	s6 =	simm.s32 $0x1;
	[sflag:s2] =	ssyncset.done $0x0  }
0x1cc: {  	s7 =	simm.s32 $0x2;
	s26 =	sld [smem:$0x7FD];
	[sflag:s2] =	ssyncadd.s32 $0xFFFFFFF0  }
0x1cd: {  	s9 =	simm.s32 $0x3;
	s10 =	simm.s32 $0x4;
	s22 =	rddreg [dreg:$0x1]  }
0x1ce: {  	s11 =	simm.s32 $0x5;
	s4 =	simm.s32 $0x7800;
	s24 =	rddreg [dreg:$0x3]  }
0x1cf: {  	_ =	sfence.sel $0x180000  }
0x1d0: {  	[bflag:$0x0] =	sbarrier.arrive $0xFFFF  }
0x1d1: {  	_ =	strace $0x9000004A  }
0x1d2: {  	s0 =	stileid.u32;
	[bflag:$0x2] =	sbarrier.arrive $0xFFFF  }
0x1d3: {  	p0 =	sne.s32 s0, $0x0;
	s0 =	rddreg [dreg:$0x4]  }
0x1d4: {  	s0 =	sadd.s32 @!p0 $0x100000, s0  }
0x1d5: {  	[sflag:s0] =	ssyncadd.tile.s32 @!p0 $0x1;
	_ =	shalt  }
.Lfunc_end2:
_tile_overlayer_lowered:
.L_overlay_start_2:
0x1d6: {  	(tag) =	ssettag $0x2  }
0x1d7: {  	s0 =	rddreg [dreg:$0x0];
	s2 =	stileid.u32  }
0x1d8: {  	s1 =	rddreg [dreg:$0x1];
	p0 =	sne.s32 s2, $0x0  }
0x1d9: {  	s3 =	rddreg [dreg:$0x2];
	[bflag:$0x3] =	sbarrier.arrive $0xFFFF;
	s2 =	simm.s32 @!p0 $0x1C13  }
0x1da: {  	[timem:s3], [sflag:s2] =	dma.local @!p0 [hbm:s0], s1  }
0x1db: {  	s0 =	simm.s32 @!p0 $0x13  }
0x1dc: {  	_ =	swait.ge @!p0 [sflag:s0], s1  }
0x1dd: {  	s1 =	ssub.s32 @!p0 $0x0, s1;
	[sflag:s0] =	ssyncset.done @!p0 $0x0  }
0x1de: {  	[sflag:s0] =	ssyncadd.s32 @!p0 s1  }
0x1df: {  	[bflag:$0x3] =	sbarrier.arrive $0xFFFF  }
0x1e0: {  	_ =	shalt  }

// kernel: kernel.14.cloned.1.call-start
scs
__scs_entry_jumppad:
0x0: {  	(pc) =	sbr.rel $0x88, $3  }
0x1: {  	(tag) =	ssettag $0x0;
	lr =	simm.s32 $0x1  }
0x2: {  	[smem:$0x3F95] =	sst lr;
	_ =	strace $0xD0000000  }
0x3: {  	_ = 	snop  }
0x4: {  	_ = 	snop  }
0x5: {  	_ = 	snop  }
0x6: {  	_ = 	snop  }
0x7: {  	_ = 	snop  }
__scs_overlays_trampoline_lowered:
0x8: {  	[smem:$0x3FA4] =	sst s0  }
0x9: {  	[smem:$0x3FA5] =	sst s1  }
0xa: {  	[smem:$0x3FA6] =	sst s2  }
0xb: {  	[smem:$0x3FA7] =	sst s3  }
0xc: {  	[smem:$0x3FA8] =	sst s4  }
0xd: {  	[smem:$0x3FA9] =	sst s5  }
0xe: {  	[smem:$0x3FAA] =	sst s6  }
0xf: {  	[smem:$0x3FAB] =	sst s7  }
0x10: {  	[smem:$0x3FAC] =	sst s8  }
0x11: {  	[smem:$0x3FAD] =	sst s9;
	s0 =	simm.s32 @!p0 $0x0  }
0x12: {  	s1 =	sld [smem:$0x3F93];
	s0 =	simm.s32 @p0 $0x1  }
0x13: {  	[smem:$0x3FAE] =	sst s0;
	s0 =	simm.s32 @!p1 $0x0  }
0x14: {  	s2 =	sld [smem:$0x3F92];
	s0 =	simm.s32 @p1 $0x1  }
0x15: {  	[smem:$0x3FAF] =	sst s0;
	s0 =	simm.s32 @!p2 $0x0  }
0x16: {  	s3 =	sld [smem:$0x3FDB];
	s0 =	simm.s32 @p2 $0x1  }
0x17: {  	s4 =	simm.s32 $0x1BF5;
	[smem:$0x3FB1] =	sst s0  }
0x18: {  	s0 =	sld [smem:$0x3F94];
	_ =	swait.ge [sflag:s4], $0x0  }
0x19: {  	s7 =	sld [smem:$0x3F95]  }
0x1a: {  	s8 =	sadd.s32 $0xFFFFE003, lr  }
0x1b: {  	s9 =	sadd.s32 $0xFFFFFEF7, lr;
	s5 =	simm.s32 $0xFFFFFFFF;
	p2 =	slt.u32 s8, $0xFFFFF086  }
0x1c: {  	p1 =	slt.u32 s9, $0xF7A;
	s5 =	simm.s32 @!p2 $0x0  }
0x1d: {  	s5 =	simm.s32 @p1 $0x1;
	p0 =	seq.s32 s7, s2  }
0x1e: {  	s7 =	smul.u32 @!p0 $0xF7A, s2;
	p2 =	seq.s32 @!p0 s5, $0x0  }
0x1f: {  	s9 =	smul.u32 $0xF7A, s1;
	s8 =	simm.s32 @!p0 $0x1BF5;
	p2 =	por !p2, p0  }
0x20: {  	[sflag:s8] =	ssyncset.s32 @!p0 $0xFFFFF086;
	s6 =	sadd.s32 @!p0 s3, s7;
	s7 =	simm.s32 @!p0 $0x108  }
0x21: {  	s3 =	sadd.s32 s3, s9;
	s6 =	sadd.s32 @!p0 $0x88, s6;
	s7 =	simm.s32 @p2 $0x1082  }
0x22: {  	[simem:s7], [sflag:s8] =	dma.local @!p0 [hbm:s6], $0xF7A  }
0x23: {  	s9 =	sor.u32 $0xD0000000, s2;
	s6 =	simm.s32 $0x108;
	_ =	swait.ge @!p0 [sflag:s8], $0x0  }
0x24: {  	s3 =	sadd.s32 $0x88, s3;
	s6 =	simm.s32 @!p1 $0x1082;
	[sflag:s4] =	ssyncset.s32 $0xFFFFF086  }
0x25: {  	[simem:s6], [sflag:s4] =	dma.local [hbm:s3], $0xF7A  }
0x26: {  	[smem:$0x3F95] =	sst s1;
	(tag) =	ssettag s2;
	_ =	strace s9  }
0x27: {  	s1 =	sld [smem:$0x3FA5]  }
0x28: {  	s2 =	sld [smem:$0x3FA6]  }
0x29: {  	s4 =	sld [smem:$0x3FA8]  }
0x2a: {  	p0 =	seq.s32 s5, $0x0;
	s5 =	sld [smem:$0x3FA9]  }
0x2b: {  	s6 =	sld [smem:$0x3FAA]  }
0x2c: {  	s7 =	sld [smem:$0x3FAB]  }
0x2d: {  	s3 =	simm.s32 $0x108;
	s8 =	sld [smem:$0x3FAC]  }
0x2e: {  	s3 =	simm.s32 @!p0 $0x1082;
	s9 =	sld [smem:$0x3FAD]  }
0x2f: {  	lr =	sadd.s32 s0, s3;
	s0 =	sld [smem:$0x3FA4]  }
0x30: {  	s3 =	sld [smem:$0x3FA7]  }
0x31: {  	[smem:$0x3FB0] =	sst s10  }
0x32: {  	s10 =	sld [smem:$0x3FAE];
	_ =	sdelay $0x3  }
0x33: {  	p0 =	seq.s32 s10, $0x1;
	s10 =	sld [smem:$0x3FB0];
	_ =	sdelay $0x3  }
0x34: {  	[smem:$0x3FB0] =	sst s10  }
0x35: {  	s10 =	sld [smem:$0x3FAF];
	_ =	sdelay $0x3  }
0x36: {  	p1 =	seq.s32 s10, $0x1;
	s10 =	sld [smem:$0x3FB0];
	_ =	sdelay $0x3  }
0x37: {  	[smem:$0x3FB0] =	sst s10  }
0x38: {  	s10 =	sld [smem:$0x3FB1]  }
0x39: {  	_ = 	snop;
	(pc) =	sbr.ind lr, $3  }
0x3a: {  	_ = 	snop  }
0x3b: {  	_ = 	snop  }
0x3c: {  	p2 =	seq.s32 s10, $0x1;
	s10 =	sld [smem:$0x3FB0]  }
0x3d: {  	_ =	shalt  }
0x3e: {  	_ =	shalt  }
0x3f: {  	_ =	shalt  }
0x40: {  	_ =	shalt  }
0x41: {  	_ =	shalt  }
0x42: {  	_ =	shalt  }
0x43: {  	_ =	shalt  }
0x44: {  	_ =	shalt  }
0x45: {  	_ =	shalt  }
0x46: {  	_ =	shalt  }
0x47: {  	_ =	shalt  }
0x48: {  	_ =	shalt  }
0x49: {  	_ =	shalt  }
0x4a: {  	_ =	shalt  }
0x4b: {  	_ =	shalt  }
0x4c: {  	_ =	shalt  }
0x4d: {  	_ =	shalt  }
0x4e: {  	_ =	shalt  }
0x4f: {  	_ =	shalt  }
0x50: {  	_ =	shalt  }
0x51: {  	_ =	shalt  }
0x52: {  	_ =	shalt  }
0x53: {  	_ =	shalt  }
0x54: {  	_ =	shalt  }
0x55: {  	_ =	shalt  }
0x56: {  	_ =	shalt  }
0x57: {  	_ =	shalt  }
0x58: {  	_ =	shalt  }
0x59: {  	_ =	shalt  }
0x5a: {  	_ =	shalt  }
0x5b: {  	_ =	shalt  }
0x5c: {  	_ =	shalt  }
0x5d: {  	_ =	shalt  }
0x5e: {  	_ =	shalt  }
0x5f: {  	_ =	shalt  }
0x60: {  	_ =	shalt  }
0x61: {  	_ =	shalt  }
0x62: {  	_ =	shalt  }
0x63: {  	_ =	shalt  }
0x64: {  	_ =	shalt  }
0x65: {  	_ =	shalt  }
0x66: {  	_ =	shalt  }
0x67: {  	_ =	shalt  }
0x68: {  	_ =	shalt  }
0x69: {  	_ =	shalt  }
0x6a: {  	_ =	shalt  }
0x6b: {  	_ =	shalt  }
0x6c: {  	_ =	shalt  }
0x6d: {  	_ =	shalt  }
0x6e: {  	_ =	shalt  }
0x6f: {  	_ =	shalt  }
0x70: {  	_ =	shalt  }
0x71: {  	_ =	shalt  }
0x72: {  	_ =	shalt  }
0x73: {  	_ =	shalt  }
0x74: {  	_ =	shalt  }
0x75: {  	_ =	shalt  }
0x76: {  	_ =	shalt  }
0x77: {  	_ =	shalt  }
0x78: {  	_ =	shalt  }
0x79: {  	_ =	shalt  }
0x7a: {  	_ =	shalt  }
0x7b: {  	_ =	shalt  }
0x7c: {  	_ =	shalt  }
0x7d: {  	_ =	shalt  }
0x7e: {  	_ =	shalt  }
0x7f: {  	_ =	shalt  }
0x80: {  	_ =	shalt  }
0x81: {  	_ =	shalt  }
0x82: {  	_ =	shalt  }
0x83: {  	_ =	shalt  }
0x84: {  	_ =	shalt  }
0x85: {  	_ =	shalt  }
0x86: {  	_ =	shalt  }
0x87: {  	_ =	shalt  }
.Lfunc_end0:
.L_simem_size_0:
called_computation.2_lowered:
.L_overlay_start_0:
0x88: {  	s2 =	sld [smem:$0x3FD9]  }
0x89: {  	s3 =	sld [smem:$0x3FFE];
	_ =	sdelay $0x1  }
0x8a: {  	s1 =	srdreg.scid  }
0x8b: {  	s0 =	sand.u32 $0x1, s1  }
0x8c: {  	s14 =	sshll.u32 s0, $0xA;
	s2 =	sadd.s32 s3, s2  }
0x8d: {  	s2 =	sadd.s32 s2, s14  }
0x8e: {  	[smem:$0x3FBC] =	sst s2  }
0x8f: {  	_ = 	snop  }
0x90: {  	s2 =	sld [smem:$0x3FD0];
	_ =	sdelay $0x2  }
0x91: {  	s15 =	simm.s32 $0xA;
	s4 =	simm.s32 $0x10  }
0x92: {  	[smem:s4], [sflag:s15] =	dma.local [hbm:s2], $0x1  }
0x93: {  	_ =	swait.eq [sflag:s15], $0x1  }
0x94: {  	[sflag:s15] =	ssyncset.done $0x0  }
0x95: {  	s16 =	sld [smem:$0x10];
	[sflag:s15] =	ssyncadd.s32 $0xFFFFFFFF  }
0x96: {  	s17 =	sld [smem:$0x11];
	(tm) =	ssettm $0x1  }
0x97: {  	s18 =	sld [smem:$0x3FFB];
	_ =	sdelay $0x3  }
0x98: {  	_ =	strace s18  }
0x99: {  	s4 =	sld [smem:$0x3FFC];
	_ =	sdelay $0x3  }
0x9a: {  	_ =	strace s4  }
0x9b: {  	s4 =	sld [smem:$0x3FFD];
	_ =	sdelay $0x3  }
0x9c: {  	_ =	strace s4  }
0x9d: {  	_ =	strace $0x8FFFFFFF  }
0x9e: {  	s19 =	sld [smem:$0x3FDB];
	_ =	sdelay $0x1  }
0x9f: {  	s5 =	simm.s32 $_scs_section_size  }
0xa0: {  	s6 =	simm.s32 $_size__tile_overlayer_lowered;
	s7 =	simm.s32 $_tile_overlayer_lowered  }
0xa1: {  	s22 =	simm.s32 $0x1BFF;
	s21 =	sshll.u32 s7, $0x1;
	s4 =	sadd.s32 s5, s19  }
0xa2: {  	s8 =	simm.s32 $0x0;
	s20 =	sshll.u32 s6, $0x1;
	s6 =	sadd.s32 s21, s4  }
0xa3: {  	[timem:s8], [sflag:s22] =	dma.local [hbm:s6], s20  }
0xa4: {  	_ =	swait.ge [sflag:s22], s20  }
0xa5: {  	s5 =	ssub.s32 $0x0, s20;
	[sflag:s22] =	ssyncset.done $0x0  }
0xa6: {  	[sflag:s22] =	ssyncadd.s32 s5;
	_ =	sdelay $0x1  }
0xa7: {  	s23 =	simm.s32 $0x1B8B  }
0xa8: {  	_ =	swait.ge [sflag:s23], $0x1  }
0xa9: {  	[sflag:s23] =	ssyncset.done $0x0  }
0xaa: {  	s25 =	simm.s32 $0x1B8E;
	s24 =	sld [smem:$0x3FFE];
	[sflag:s23] =	ssyncadd.s32 $0xFFFFFFFF  }
0xab: {  	s26 =	simm.s32 $execute0_lowered;
	[smem:$0x3FD2] =	sst s25  }
0xac: {  	s6 =	sshll.u32 s26, $0x1;
	_ =	strace $0x8000004C;
	[dreg:$0x1] =	wrdreg $0xFFFFFFFF  }
0xad: {  	s28 =	simm.s32 $_size_execute0_lowered;
	s4 =	sadd.s32 s4, s6;
	[dreg:$0x0] =	wrdreg $0x0  }
0xae: {  	s6 =	sshll.u32 s28, $0x1;
	[dreg:$0x2] =	wrdreg s4  }
0xaf: {  	[dreg:$0x3] =	wrdreg s6  }
0xb0: {  	[dreg:$0x4] =	wrdreg $0xC0  }
0xb1: {  	_ =	task [dreg:s8], $0x5FFFF  }
0xb2: {  	[dreg:$0x1] =	wrdreg $0xFFFFFFFF  }
0xb3: {  	[dreg:$0x0] =	wrdreg $0x60  }
0xb4: {  	[dreg:$0x2] =	wrdreg s16  }
0xb5: {  	[dreg:$0x3] =	wrdreg s17  }
0xb6: {  	[dreg:$0x4] =	wrdreg s24  }
0xb7: {  	[dreg:$0x5] =	wrdreg $0xA0000  }
0xb8: {  	[dreg:$0x6] =	wrdreg $0x9  }
0xb9: {  	_ =	task.clear_ibuf [dreg:s8], $0x7FFFF;
	_ =	strace $0x9000004C  }
0xba: {  	s29 =	simm.s32 $0x9;
	_ =	strace $0x8000004E  }
0xbb: {  	_ =	swait.ge [sflag:s29], $0x1  }
0xbc: {  	[sflag:s29] =	ssyncadd.s32 $0xFFFFFFFF  }
0xbd: {  	_ =	strace $0x9000004E  }
0xbe: {  	_ =	sfence  }
0xbf: {  	s30 =	sld [smem:$0x0];
	_ =	sdelay $0x2  }
0xc0: {  	s31 =	sshll.u32 s1, $0xD;
	s1 =	sshrl.u32 s1, $0x2  }
0xc1: {  	s3 =	sand.u32 $0x4000, s31;
	s1 =	sadd.s32 s1, s30  }
0xc2: {  	s0 =	sor.u32 s3, s0;
	s1 =	sshll.u32 s1, $0x11  }
0xc3: {  	s0 =	sor.u32 s1, s0  }
0xc4: {  	s0 =	sadd.s32 $0x8F2B, s0  }
0xc5: {  	[sflag:s0] =	ssyncadd.remote.s32 $0x1  }
0xc6: {  	_ =	sfence.sel $0xFFFF  }
0xc7: {  	[dreg:$0x0] =	wrdreg $0xFFFFFFFF;
	(pc) =	sbr.abs _section_cstart, $3  }
0xc8: {  	[dreg:$0x1] =	wrdreg $0xFFFFFFFF  }
0xc9: {  	_ =	task.clear_ibuf [dreg:s8], $0x2FFFF;
	_ =	strace $0x9FFFFFFF  }
0xca: {  	(tm) =	ssettm $0x7FFFFFFF  }
0xcb: {  	_ =	shalt  }
tec
execute0_lowered:
.L_overlay_start_1:
0x0: {  	(tag) =	ssettag $0x1  }
0x1: {  	s3 =	rddreg [dreg:$0x0]  }
0x2: {  	s22 =	rddreg [dreg:$0x1]  }
0x3: {  	s0 =	rddreg [dreg:$0x2]  }
0x4: {  	s24 =	rddreg [dreg:$0x3]  }
0x5: {  	s1 =	srdreg.scid;
	s21 =	stileid.u32;
	s25 =	simm.s32 $0x0  }
0x6: {  	s29 =	simm.s32 $0x6;
	s2 =	sand.u32 $0x1, s1;
	s1 =	smul.u32 $0x14000, s21  }
0x7: {  	s4 =	sshll.u32 s21, $0x1;
	[smem:$0x7FF] =	sst s25;
	s21 =	smul.u32 $0x50000, s21  }
0x8: {  	s4 =	sor.u32 s2, s4;
	s6 =	ssub.s32 $0x2, s2;
	s5 =	smul.u32 $0x140000, s2  }
0x9: {  	_ =	strace $0x8000004D;
	s4 =	smul.u32 $0x2800, s4;
	s14 =	sshrl.u32 s6, $0x1  }
0xa: {  	s2 =	sadd.s32 $0x3C00, s0;
	s0 =	ssub.s32 s6, s14;
	s7 =	sadd.s32 s1, s5  }
0xb: {  	s4 =	sshrl.u32 s4, $0x3;
	s15 =	sshrl.u32 s7, $0x3;
	s12 =	sor.u32 $0xF80, s7  }
0xc: {  	s26 =	sor.u32 $0xF00, s7;
	s31 =	sor.u32 $0xE80, s7;
	s13 =	sor.u32 $0xE00, s7  }
0xd: {  	s0 =	smax.u32 s0, $0x1;
	s23 =	sadd.s32 s3, s4;
	s3 =	sor.u32 $0x80, s1  }
0xe: {  	s4 =	sor.u32 $0x100, s1;
	s6 =	sadd.s32 s2, s15;
	s20 =	sshrl.u32 s12, $0x3  }
0xf: {  	s30 =	sshrl.u32 s26, $0x3;
	s12 =	sshrl.u32 s31, $0x3;
	s14 =	sshrl.u32 s13, $0x3  }
0x10: {  	s31 =	sor.u32 $0xC00, s7;
	s13 =	sor.u32 $0xB80, s7;
	[smem:$0x7E4] =	sst s0  }
0x11: {  	[dreg:$0x1f] =	wrdreg s6;
	s16 =	sadd.s32 s5, s3;
	s8 =	sadd.s32 s5, s4  }
0x12: {  	s6 =	sor.u32 $0x180, s1;
	s12 =	sadd.s32 s12, s2;
	s15 =	sadd.s32 s14, s2  }
0x13: {  	s14 =	sor.u32 $0xB00, s7;
	[dreg:$0x1e] =	wrdreg s23;
	s9 =	sshrl.u32 s16, $0x3  }
0x14: {  	s8 =	sshrl.u32 s8, $0x3;
	s17 =	sadd.s32 s5, s6;
	[dreg:$0x7] =	wrdreg s12  }
0x15: {  	s16 =	sor.u32 $0xD80, s7;
	[dreg:$0x8] =	wrdreg s15;
	s9 =	sadd.s32 s2, s9  }
0x16: {  	s8 =	sadd.s32 s2, s8;
	s10 =	sshrl.u32 s17, $0x3;
	s17 =	sshrl.u32 s16, $0x3  }
0x17: {  	s16 =	sshrl.u32 s14, $0x3;
	s14 =	sor.u32 $0x900, s7;
	[smem:$0x7D5] =	sst s9  }
0x18: {  	[smem:$0x7D6] =	sst s8;
	s8 =	sor.u32 $0x200, s1;
	s9 =	sor.u32 $0x280, s1  }
0x19: {  	s10 =	sadd.s32 s2, s10;
	s18 =	sadd.s32 s5, s8;
	s11 =	sadd.s32 s5, s9  }
0x1a: {  	[smem:$0x7D7] =	sst s10;
	s10 =	sshrl.u32 s18, $0x3;
	s11 =	sshrl.u32 s11, $0x3  }
0x1b: {  	s18 =	sor.u32 $0xD00, s7;
	s10 =	sadd.s32 s2, s10;
	s19 =	sadd.s32 s2, s11  }
0x1c: {  	s11 =	sadd.s32 s20, s2;
	s12 =	sshrl.u32 s18, $0x3;
	[smem:$0x7D8] =	sst s10  }
0x1d: {  	s18 =	sor.u32 $0xA80, s7;
	[smem:$0x7D9] =	sst s19;
	s10 =	sor.u32 $0x300, s1  }
0x1e: {  	[dreg:$0x5] =	wrdreg s11;
	s11 =	sadd.s32 s30, s2;
	s19 =	sor.u32 $0xC80, s7  }
0x1f: {  	s20 =	sadd.s32 s12, s2;
	s12 =	sshrl.u32 s31, $0x3;
	[dreg:$0x6] =	wrdreg s11  }
0x20: {  	s11 =	sadd.s32 s17, s2;
	s26 =	sshrl.u32 s19, $0x3;
	[dreg:$0xa] =	wrdreg s20  }
0x21: {  	s17 =	sadd.s32 s16, s2;
	s19 =	sshrl.u32 s18, $0x3;
	s20 =	sor.u32 $0xA00, s7  }
0x22: {  	s16 =	sor.u32 $0x880, s7;
	[dreg:$0x9] =	wrdreg s11;
	s30 =	sadd.s32 s26, s2  }
0x23: {  	s11 =	sadd.s32 s12, s2;
	s12 =	sshrl.u32 s13, $0x3;
	[dreg:$0xe] =	wrdreg s17  }
0x24: {  	s26 =	sor.u32 $0x980, s7;
	s17 =	sadd.s32 s5, s10;
	[dreg:$0xb] =	wrdreg s30  }
0x25: {  	[dreg:$0xc] =	wrdreg s11;
	s15 =	sadd.s32 s12, s2;
	s11 =	sadd.s32 s19, s2  }
0x26: {  	s12 =	sshrl.u32 s20, $0x3;
	s31 =	sshrl.u32 s26, $0x3;
	[dreg:$0xd] =	wrdreg s15  }
0x27: {  	[dreg:$0xf] =	wrdreg s11;
	s30 =	sadd.s32 s12, s2;
	s13 =	sadd.s32 s31, s2  }
0x28: {  	s15 =	sshrl.u32 s14, $0x3;
	s12 =	sshrl.u32 s16, $0x3;
	[dreg:$0x10] =	wrdreg s30  }
0x29: {  	s14 =	sor.u32 $0x480, s1;
	s16 =	sor.u32 $0x500, s1;
	[dreg:$0x11] =	wrdreg s13  }
0x2a: {  	s11 =	sadd.s32 s15, s2;
	s12 =	sadd.s32 s12, s2;
	s13 =	sshrl.u32 s17, $0x3  }
0x2b: {  	s15 =	sadd.s32 s5, s14;
	s26 =	sadd.s32 s5, s16;
	[dreg:$0x12] =	wrdreg s11  }
0x2c: {  	s17 =	sor.u32 $0x600, s1;
	s11 =	sor.u32 $0x380, s1;
	[dreg:$0x13] =	wrdreg s12  }
0x2d: {  	s13 =	sadd.s32 s2, s13;
	s20 =	sshrl.u32 s15, $0x3;
	s18 =	sadd.s32 s5, s11  }
0x2e: {  	[smem:$0x7DA] =	sst s13;
	s13 =	sor.u32 $0x400, s1;
	s12 =	sshrl.u32 s18, $0x3  }
0x2f: {  	s30 =	sshrl.u32 s26, $0x3;
	s19 =	sadd.s32 s5, s13;
	s12 =	sadd.s32 s2, s12  }
0x30: {  	s15 =	sor.u32 $0x580, s1;
	[smem:$0x7DB] =	sst s12;
	s12 =	sshrl.u32 s19, $0x3  }
0x31: {  	s31 =	sadd.s32 s5, s15;
	s18 =	sadd.s32 s5, s17;
	s12 =	sadd.s32 s2, s12  }
0x32: {  	s19 =	sor.u32 $0x680, s1;
	[smem:$0x7DC] =	sst s12;
	s12 =	sadd.s32 s2, s20  }
0x33: {  	s18 =	sshrl.u32 s18, $0x3;
	s20 =	sadd.s32 s5, s19;
	[smem:$0x7DD] =	sst s12  }
0x34: {  	s12 =	sadd.s32 s2, s30;
	s26 =	sshrl.u32 s20, $0x3;
	s30 =	sor.u32 $0x700, s1  }
0x35: {  	s20 =	sor.u32 $0x780, s1;
	[smem:$0x7DE] =	sst s12;
	s12 =	sshrl.u32 s31, $0x3  }
0x36: {  	s31 =	sadd.s32 s5, s30;
	s5 =	sadd.s32 s5, s20;
	s12 =	sadd.s32 s2, s12  }
0x37: {  	s5 =	sshrl.u32 s5, $0x3;
	[smem:$0x7DF] =	sst s12;
	s12 =	sadd.s32 s2, s18  }
0x38: {  	s7 =	sor.u32 $0x800, s7;
	s5 =	sadd.s32 s2, s5;
	[smem:$0x7E0] =	sst s12  }
0x39: {  	s7 =	sshrl.u32 s7, $0x3;
	s12 =	sadd.s32 s2, s26;
	[smem:$0x7E3] =	sst s5  }
0x3a: {  	s26 =	sadd.s32 s1, s24;
	s5 =	sadd.s32 s8, s24;
	[smem:$0x7E1] =	sst s12  }
0x3b: {  	s8 =	sadd.s32 s11, s24;
	s5 =	sshrl.u32 s5, $0x3;
	[smem:$0x7FD] =	sst s26  }
0x3c: {  	s12 =	sshrl.u32 s31, $0x3;
	s8 =	sshrl.u32 s8, $0x3;
	[smem:$0x7F0] =	sst s5  }
0x3d: {  	s12 =	sadd.s32 s2, s12;
	s2 =	sadd.s32 s7, s2;
	[smem:$0x7F3] =	sst s8  }
0x3e: {  	s7 =	sadd.s32 s10, s24;
	s10 =	sadd.s32 s14, s24;
	[smem:$0x7E2] =	sst s12  }
0x3f: {  	[dreg:$0x14] =	wrdreg s2;
	s12 =	sshrl.u32 s21, $0x2;
	s7 =	sshrl.u32 s7, $0x3  }
0x40: {  	s2 =	sadd.s32 s3, s24;
	s10 =	sshrl.u32 s10, $0x3;
	[smem:$0x7F2] =	sst s7  }
0x41: {  	s3 =	sadd.s32 s4, s24;
	s2 =	sshrl.u32 s2, $0x3;
	[smem:$0x7F5] =	sst s10  }
0x42: {  	s4 =	sadd.s32 s6, s24;
	s3 =	sshrl.u32 s3, $0x3;
	[smem:$0x7ED] =	sst s2  }
0x43: {  	s6 =	sadd.s32 s9, s24;
	s4 =	sshrl.u32 s4, $0x3;
	[smem:$0x7EE] =	sst s3  }
0x44: {  	s9 =	sadd.s32 s13, s24;
	s6 =	sshrl.u32 s6, $0x3;
	[smem:$0x7EF] =	sst s4  }
0x45: {  	s1 =	sadd.s32 s12, s24;
	s9 =	sshrl.u32 s9, $0x3;
	[smem:$0x7F1] =	sst s6  }
0x46: {  	s13 =	sadd.s32 s17, s24;
	s17 =	sadd.s32 $0x2800, s1;
	[smem:$0x7F4] =	sst s9  }
0x47: {  	s11 =	sadd.s32 s16, s24;
	s18 =	sadd.s32 $0x5000, s1;
	[smem:$0x7E5] =	sst s17  }
0x48: {  	s14 =	sadd.s32 s19, s24;
	s19 =	sadd.s32 $0x7800, s1;
	[smem:$0x7E6] =	sst s18  }
0x49: {  	s16 =	sadd.s32 s20, s24;
	s20 =	sadd.s32 $0xA000, s1;
	[smem:$0x7E7] =	sst s19  }
0x4a: {  	s12 =	sadd.s32 s15, s24;
	s21 =	sadd.s32 $0xC800, s1;
	[smem:$0x7E8] =	sst s20  }
0x4b: {  	s15 =	sadd.s32 s30, s24;
	s30 =	sadd.s32 $0xF000, s1;
	[smem:$0x7E9] =	sst s21  }
0x4c: {  	s28 =	simm.s32 $0x8;
	s31 =	sadd.s32 $0x11800, s1;
	[smem:$0x7EA] =	sst s30  }
0x4d: {  	s8 =	simm.s32 $0x50;
	s1 =	sadd.s32 $0xF80, s1;
	[smem:$0x7EB] =	sst s31  }
0x4e: {  	s7 =	simm.s32 $0x2;
	[smem:$0x7EC] =	sst s1;
	s17 =	sshrl.u32 s11, $0x3  }
0x4f: {  	s10 =	simm.s32 $0x4;
	s18 =	sshrl.u32 s12, $0x3;
	[smem:$0x7F6] =	sst s17  }
0x50: {  	s3 =	simm.s32 $0x5000;
	s19 =	sshrl.u32 s13, $0x3;
	[smem:$0x7F7] =	sst s18  }
0x51: {  	s4 =	simm.s32 $0x7800;
	s20 =	sshrl.u32 s14, $0x3;
	[smem:$0x7F8] =	sst s19  }
0x52: {  	s6 =	simm.s32 $0x1;
	s21 =	sshrl.u32 s15, $0x3;
	[smem:$0x7F9] =	sst s20  }
0x53: {  	s9 =	simm.s32 $0x3;
	s30 =	sshrl.u32 s16, $0x3;
	[smem:$0x7FA] =	sst s21  }
0x54: {  	s31 =	sadd.s32 $0xA000, s23;
	s11 =	simm.s32 $0x5;
	[smem:$0x7FB] =	sst s30  }
0x55: {  	v0 =	vimm.f32 $0.0e+00;
	s23 =	simm.s32 $0x7;
	[smem:$0x7FC] =	sst s31;
	s21 =	simm.s32 $0x13  }
.LBB2_1:
0x56: {  	s0 =	simm.s32 $0x0;
	s1 =	simm.s32 $0x200  }
.LBB2_2:
0x57: {  	p0 =	sne.s32 s1, $0x9E00;
	[tilespmem:s0+$0x5070] =	vst v0  }
0x58: {  	[tilespmem:s0+$0x5000] =	vst v0  }
0x59: {  	[tilespmem:s0+$0x5010] =	vst v0  }
.Ltmp0:
0x5a: {  	[tilespmem:s0+$0x5020] =	vst v0;
	(pc) =	sbr.rel @p0 .LBB2_2-.Ltmp0, $4  }
0x5b: {  	[tilespmem:s0+$0x5030] =	vst v0  }
0x5c: {  	[tilespmem:s0+$0x5040] =	vst v0  }
0x5d: {  	[tilespmem:s0+$0x5050] =	vst v0  }
0x5e: {  	[tilespmem:s0+$0x5060] =	vst v0;
	s0 =	sshra.s32 s1, $0x2;
	s1 =	sadd.s32 $0x200, s1  }
0x5f: {  	[tilespmem:s0+$0x5070] =	vst v0  }
0x60: {  	[tilespmem:s0+$0x5000] =	vst v0  }
0x61: {  	[tilespmem:s0+$0x5010] =	vst v0  }
0x62: {  	[tilespmem:s0+$0x5020] =	vst v0  }
0x63: {  	[tilespmem:s0+$0x5030] =	vst v0  }
0x64: {  	[tilespmem:s0+$0x5040] =	vst v0  }
0x65: {  	[tilespmem:s0+$0x5050] =	vst v0  }
0x66: {  	[dreg:$0x1d] =	wrdreg s25;
	[tilespmem:s0+$0x5060] =	vst v0  }
0x67: {  	[spmem:s26] =	stream.linear.scatter [tilespmem:s3], [sflag:$0x13], $0x2800, $0x38;
	[tilespmem:$0x1E000] =	vst v63  }
0x68: {  	_ =	swait.ge [sflag:s21], $0x2800  }
0x69: {  	s12 =	sld [smem:$0x7E5]  }
0x6a: {  	[sflag:s21] =	ssyncset.done $0x0  }
0x6b: {  	[sflag:s21] =	ssyncadd.s32 $0xFFFFD800  }
0x6c: {  	[spmem:s12] =	stream.linear.scatter [tilespmem:s3], [sflag:$0x13], $0x2800, $0x38;
	[tilespmem:$0x1E000] =	vst v63  }
0x6d: {  	_ =	swait.ge [sflag:s21], $0x2800  }
0x6e: {  	s13 =	sld [smem:$0x7E6]  }
0x6f: {  	[sflag:s21] =	ssyncset.done $0x0  }
0x70: {  	[sflag:s21] =	ssyncadd.s32 $0xFFFFD800  }
0x71: {  	[spmem:s13] =	stream.linear.scatter [tilespmem:s3], [sflag:$0x13], $0x2800, $0x38;
	[tilespmem:$0x1E000] =	vst v63  }
0x72: {  	_ =	swait.ge [sflag:s21], $0x2800  }
0x73: {  	s14 =	sld [smem:$0x7E7]  }
0x74: {  	[sflag:s21] =	ssyncset.done $0x0  }
0x75: {  	[sflag:s21] =	ssyncadd.s32 $0xFFFFD800  }
0x76: {  	[spmem:s14] =	stream.linear.scatter [tilespmem:s3], [sflag:$0x13], $0x2800, $0x38;
	[tilespmem:$0x1E000] =	vst v63  }
0x77: {  	_ =	swait.ge [sflag:s21], $0x2800  }
0x78: {  	s15 =	sld [smem:$0x7E8]  }
0x79: {  	[sflag:s21] =	ssyncset.done $0x0  }
0x7a: {  	[sflag:s21] =	ssyncadd.s32 $0xFFFFD800  }
0x7b: {  	[spmem:s15] =	stream.linear.scatter [tilespmem:s3], [sflag:$0x13], $0x2800, $0x38;
	[tilespmem:$0x1E000] =	vst v63  }
0x7c: {  	_ =	swait.ge [sflag:s21], $0x2800  }
0x7d: {  	s16 =	sld [smem:$0x7E9]  }
0x7e: {  	[sflag:s21] =	ssyncset.done $0x0  }
0x7f: {  	[sflag:s21] =	ssyncadd.s32 $0xFFFFD800  }
0x80: {  	[spmem:s16] =	stream.linear.scatter [tilespmem:s3], [sflag:$0x13], $0x2800, $0x38;
	[tilespmem:$0x1E000] =	vst v63  }
0x81: {  	_ =	swait.ge [sflag:s21], $0x2800  }
0x82: {  	s17 =	sld [smem:$0x7EA]  }
0x83: {  	[sflag:s21] =	ssyncset.done $0x0  }
0x84: {  	[sflag:s21] =	ssyncadd.s32 $0xFFFFD800  }
0x85: {  	[spmem:s17] =	stream.linear.scatter [tilespmem:s3], [sflag:$0x13], $0x2800, $0x38;
	[tilespmem:$0x1E000] =	vst v63  }
0x86: {  	_ =	swait.ge [sflag:s21], $0x2800  }
0x87: {  	s18 =	sld [smem:$0x7EB]  }
0x88: {  	[sflag:s21] =	ssyncset.done $0x0  }
0x89: {  	[sflag:s21] =	ssyncadd.s32 $0xFFFFD800  }
0x8a: {  	[spmem:s18] =	stream.linear.scatter [tilespmem:s3], [sflag:$0x13], $0x2800, $0x38;
	[tilespmem:$0x1E000] =	vst v63  }
0x8b: {  	_ =	swait.ge [sflag:s21], $0x2800  }
0x8c: {  	[sflag:s21] =	ssyncset.done $0x0  }
0x8d: {  	s19 =	simm.s32 $0x0;
	s1 =	rddreg [dreg:$0x1e];
	[sflag:s21] =	ssyncadd.s32 $0xFFFFD800  }
0x8e: {  	[tilespmem:s19], [sflag:$0x13] =	stream.linear.gather [hbm4b:s1+s19], $0x2800, $0x38;
	[tilespmem:$0x1E000] =	vst v63  }
0x8f: {  	_ =	swait.ge [sflag:s21], $0x2800  }
0x90: {  	s20 =	sld [smem:$0x7FC]  }
0x91: {  	[sflag:s21] =	ssyncset.done $0x0  }
0x92: {  	s2 =	simm.s32 $0x2800;
	[sflag:s21] =	ssyncadd.s32 $0xFFFFD800  }
0x93: {  	[tilespmem:s2], [sflag:$0x13] =	stream.linear.gather [hbm4b:s20+s19], $0x2800, $0x38;
	[tilespmem:$0x1E000] =	vst v63  }
0x94: {  	_ =	swait.ge [sflag:s21], $0x2800  }
0x95: {  	[sflag:s21] =	ssyncset.done $0x0  }
0x96: {  	[sflag:s21] =	ssyncadd.s32 $0xFFFFD800  }
0x97: {  	[bflag:$0x0] =	sbarrier.arrive $0xFFFF  }
0x98: {  	[tilespmem:s3], [sflag:$0x1] =	stream.indirect.gather [hbm4b:s22+s8], $0x80, s19, s8, $0xb8;
	[tilespmem:$0x1E000] =	vst v63  }
0x99: {  	_ = 	snop  }
0x9a: {  	[tilespmem:s4], [sflag:$0x2] =	stream.indirect.gather [hbm4b:s22+s8], $0x80, s8, s8, $0xb8;
	[tilespmem:$0x1E000] =	vst v63  }
0x9b: {  	_ =	swait.ge [sflag:s6], $0x2800  }
0x9c: {  	[sflag:s6] =	ssyncset.done $0x0  }
0x9d: {  	s25 =	simm.s32 $0x2800;
	[sflag:s6] =	ssyncadd.s32 $0xFFFFD800  }
0x9e: {  	[spmem:s24] =	stream.indirect.scatter.add.f32 [tilespmem:s3], [sflag:$0x13], $0x80, s25, s8, $0xb8;
	[tilespmem:$0x1E000] =	vst v63  }
0x9f: {  	_ =	swait.ge [sflag:s21], $0x2800  }
0xa0: {  	[sflag:s21] =	ssyncset.done $0x0  }
0xa1: {  	s30 =	simm.s32 $0xA0;
	[sflag:s21] =	ssyncadd.s32 $0xFFFFD800  }
0xa2: {  	[tilespmem:s3], [sflag:$0x1] =	stream.indirect.gather [hbm4b:s22+s8], $0x80, s30, s8, $0xb8;
	[tilespmem:$0x1E000] =	vst v63  }
0xa3: {  	_ =	swait.ge [sflag:s7], $0x2800  }
0xa4: {  	[sflag:s7] =	ssyncset.done $0x0  }
0xa5: {  	s31 =	simm.s32 $0x2850;
	[sflag:s7] =	ssyncadd.s32 $0xFFFFD800  }
0xa6: {  	[spmem:s24] =	stream.indirect.scatter.add.f32 [tilespmem:s4], [sflag:$0x13], $0x80, s31, s8, $0xb8;
	[tilespmem:$0x1E000] =	vst v63  }
0xa7: {  	_ =	swait.ge [sflag:s21], $0x2800  }
0xa8: {  	[sflag:s21] =	ssyncset.done $0x0  }
0xa9: {  	s0 =	simm.s32 $0x280;
	s1 =	simm.s32 $0xF0;
	[sflag:s21] =	ssyncadd.s32 $0xFFFFD800  }
.LBB2_4:
0xaa: {  	[tilespmem:s4], [sflag:$0x2] =	stream.indirect.gather [hbm4b:s22+s8], $0x80, s1, s8, $0xb8;
	[tilespmem:$0x1E000] =	vst v63  }
0xab: {  	s1 =	smov.u32 s0  }
0xac: {  	p0 =	sne.s32 s0, $0x9B00;
	s0 =	sadd.s32 $0x280, s0;
	_ =	swait.ge [sflag:s6], $0x2800  }
0xad: {  	s1 =	sshra.s32 s1, $0x2;
	[sflag:s6] =	ssyncset.done $0x0  }
0xae: {  	s2 =	sadd.s32 $0x2800, s1;
	[sflag:s6] =	ssyncadd.s32 $0xFFFFD800  }
0xaf: {  	[spmem:s24] =	stream.indirect.scatter.add.f32 [tilespmem:s3], [sflag:$0x13], $0x80, s2, s8, $0xb8;
	[tilespmem:$0x1E000] =	vst v63  }
0xb0: {  	_ =	swait.ge [sflag:s21], $0x2800  }
0xb1: {  	[sflag:s21] =	ssyncset.done $0x0  }
0xb2: {  	s2 =	sadd.s32 $0xA0, s1;
	[sflag:s21] =	ssyncadd.s32 $0xFFFFD800  }
0xb3: {  	[tilespmem:s3], [sflag:$0x1] =	stream.indirect.gather [hbm4b:s22+s8], $0x80, s2, s8, $0xb8;
	[tilespmem:$0x1E000] =	vst v63  }
0xb4: {  	_ =	swait.ge [sflag:s7], $0x2800  }
0xb5: {  	[sflag:s7] =	ssyncset.done $0x0  }
.Ltmp1:
0xb6: {  	s2 =	sadd.s32 $0x2850, s1;
	[sflag:s7] =	ssyncadd.s32 $0xFFFFD800;
	(pc) =	sbr.rel @p0 .LBB2_4-.Ltmp1, $4  }
0xb7: {  	[spmem:s24] =	stream.indirect.scatter.add.f32 [tilespmem:s4], [sflag:$0x13], $0x80, s2, s8, $0xb8;
	[tilespmem:$0x1E000] =	vst v63  }
0xb8: {  	_ =	swait.ge [sflag:s21], $0x2800  }
0xb9: {  	[sflag:s21] =	ssyncset.done $0x0  }
0xba: {  	s1 =	sadd.s32 $0xF0, s1;
	[sflag:s21] =	ssyncadd.s32 $0xFFFFD800  }
0xbb: {  	[tilespmem:s4], [sflag:$0x2] =	stream.indirect.gather [hbm4b:s22+s8], $0x80, s1, s8, $0xb8;
	[tilespmem:$0x1E000] =	vst v63  }
0xbc: {  	_ =	swait.ge [sflag:s6], $0x2800  }
0xbd: {  	[sflag:s6] =	ssyncset.done $0x0  }
0xbe: {  	s0 =	simm.s32 $0x4F60;
	[sflag:s6] =	ssyncadd.s32 $0xFFFFD800  }
0xbf: {  	[spmem:s24] =	stream.indirect.scatter.add.f32 [tilespmem:s3], [sflag:$0x13], $0x80, s0, s8, $0xb8;
	[tilespmem:$0x1E000] =	vst v63  }
0xc0: {  	_ =	swait.ge [sflag:s21], $0x2800  }
0xc1: {  	[sflag:s21] =	ssyncset.done $0x0  }
0xc2: {  	[sflag:s21] =	ssyncadd.s32 $0xFFFFD800  }
0xc3: {  	_ =	swait.ge [sflag:s7], $0x2800  }
0xc4: {  	[sflag:s7] =	ssyncset.done $0x0  }
0xc5: {  	s6 =	simm.s32 $0x4FB0;
	[sflag:s7] =	ssyncadd.s32 $0xFFFFD800  }
0xc6: {  	[spmem:s24] =	stream.indirect.scatter.add.f32 [tilespmem:s4], [sflag:$0x13], $0x80, s6, s8, $0xb8;
	[tilespmem:$0x1E000] =	vst v63  }
0xc7: {  	_ =	swait.ge [sflag:s21], $0x2800  }
0xc8: {  	[sflag:s21] =	ssyncset.done $0x0  }
0xc9: {  	s7 =	stileid.u32;
	[sflag:s21] =	ssyncadd.s32 $0xFFFFD800  }
0xca: {  	s8 =	sshll.u32 s7, $0x6;
	[bflag:$0x0] =	sbarrier.arrive $0xFFFF  }
0xcb: {  	s13 =	sshrl.u32 s26, $0x3;
	s4 =	sor.u32 $0x1C03, s8;
	s2 =	rddreg [dreg:$0x1f]  }
0xcc: {  	[hbm:s2], [sflag:s4] =	dma.local [spmem:s13], $0x10  }
0xcd: {  	s0 =	sld [smem:$0x7D5]  }
0xce: {  	s2 =	sld [smem:$0x7ED];
	_ =	sdelay $0x1  }
0xcf: {  	s15 =	sor.u32 $0x1C04, s8  }
0xd0: {  	[hbm:s0], [sflag:s15] =	dma.local [spmem:s2], $0x10  }
0xd1: {  	s0 =	sld [smem:$0x7D6]  }
0xd2: {  	s2 =	sld [smem:$0x7EE];
	_ =	sdelay $0x1  }
0xd3: {  	s17 =	sor.u32 $0x1C05, s8  }
0xd4: {  	[hbm:s0], [sflag:s17] =	dma.local [spmem:s2], $0x10  }
0xd5: {  	s0 =	sld [smem:$0x7D7]  }
0xd6: {  	s2 =	sld [smem:$0x7EF];
	_ =	sdelay $0x1  }
0xd7: {  	s22 =	sor.u32 $0x1C06, s8  }
0xd8: {  	[hbm:s0], [sflag:s22] =	dma.local [spmem:s2], $0x10  }
0xd9: {  	s0 =	sld [smem:$0x7D8]  }
0xda: {  	s2 =	sld [smem:$0x7F0];
	_ =	sdelay $0x1  }
0xdb: {  	s19 =	sor.u32 $0x1C07, s8  }
0xdc: {  	[hbm:s0], [sflag:s19] =	dma.local [spmem:s2], $0x10  }
0xdd: {  	s0 =	sld [smem:$0x7D9]  }
0xde: {  	s2 =	sld [smem:$0x7F1];
	_ =	sdelay $0x1  }
0xdf: {  	s18 =	sor.u32 $0x1C08, s8  }
0xe0: {  	[hbm:s0], [sflag:s18] =	dma.local [spmem:s2], $0x10  }
0xe1: {  	s2 =	sld [smem:$0x7DA]  }
0xe2: {  	s14 =	sld [smem:$0x7F2];
	_ =	sdelay $0x1  }
0xe3: {  	s0 =	sor.u32 $0x1C09, s8  }
0xe4: {  	[hbm:s2], [sflag:s0] =	dma.local [spmem:s14], $0x10  }
0xe5: {  	s3 =	sld [smem:$0x7DB]  }
0xe6: {  	s16 =	sld [smem:$0x7F3];
	_ =	sdelay $0x1  }
0xe7: {  	s2 =	sor.u32 $0x1C0A, s8  }
0xe8: {  	[hbm:s3], [sflag:s2] =	dma.local [spmem:s16], $0x10  }
0xe9: {  	s6 =	sld [smem:$0x7DC]  }
0xea: {  	s20 =	sld [smem:$0x7F4];
	_ =	sdelay $0x1  }
0xeb: {  	s16 =	sor.u32 $0x1C0B, s8  }
0xec: {  	[hbm:s6], [sflag:s16] =	dma.local [spmem:s20], $0x10  }
0xed: {  	s6 =	sld [smem:$0x7DD]  }
0xee: {  	s7 =	sld [smem:$0x7F5];
	_ =	sdelay $0x1  }
0xef: {  	s20 =	sor.u32 $0x1C0C, s8  }
0xf0: {  	[hbm:s6], [sflag:s20] =	dma.local [spmem:s7], $0x10  }
0xf1: {  	s6 =	sld [smem:$0x7DE]  }
0xf2: {  	s7 =	sld [smem:$0x7F6];
	_ =	sdelay $0x1  }
0xf3: {  	s14 =	sor.u32 $0x1C0D, s8  }
0xf4: {  	[hbm:s6], [sflag:s14] =	dma.local [spmem:s7], $0x10  }
0xf5: {  	s6 =	sld [smem:$0x7DF]  }
0xf6: {  	s7 =	sld [smem:$0x7F7];
	_ =	sdelay $0x1  }
0xf7: {  	s31 =	sor.u32 $0x1C0E, s8  }
0xf8: {  	[hbm:s6], [sflag:s31] =	dma.local [spmem:s7], $0x10  }
0xf9: {  	s6 =	sld [smem:$0x7E0]  }
0xfa: {  	s7 =	sld [smem:$0x7F8];
	_ =	sdelay $0x1  }
0xfb: {  	s13 =	sor.u32 $0x1C0F, s8  }
0xfc: {  	[hbm:s6], [sflag:s13] =	dma.local [spmem:s7], $0x10  }
0xfd: {  	s6 =	sld [smem:$0x7E1]  }
0xfe: {  	s7 =	sld [smem:$0x7F9];
	_ =	sdelay $0x1  }
0xff: {  	s12 =	sor.u32 $0x1C10, s8  }
0x100: {  	[hbm:s6], [sflag:s12] =	dma.local [spmem:s7], $0x10  }
0x101: {  	s6 =	sld [smem:$0x7E2]  }
0x102: {  	s7 =	sld [smem:$0x7FA];
	_ =	sdelay $0x1  }
0x103: {  	s5 =	sor.u32 $0x1C11, s8  }
0x104: {  	[hbm:s6], [sflag:s5] =	dma.local [spmem:s7], $0x10  }
0x105: {  	s25 =	sld [smem:$0x7E3]  }
0x106: {  	s6 =	sld [smem:$0x7FB]  }
0x107: {  	s24 =	sor.u32 $0x1C12, s8  }
0x108: {  	[dreg:$0x1c] =	wrdreg s24  }
0x109: {  	[hbm:s25], [sflag:s24] =	dma.local [spmem:s6], $0x10  }
0x10a: {  	_ =	swait.ge [sflag:s9], $0x10  }
0x10b: {  	s8 =	sld [smem:$0x7EC]  }
0x10c: {  	[dreg:$0x15] =	wrdreg s4  }
0x10d: {  	s30 =	smov.u32 s2;
	s26 =	rddreg [dreg:$0x14];
	[sflag:s9] =	ssyncset.done $0x0  }
0x10e: {  	[sflag:s9] =	ssyncadd.s32 $0xFFFFFFF0;
	s1 =	sadd.s32 $0x0, s26;
	s3 =	sadd.s32 $0xFFFFF880, s8  }
0x10f: {  	s9 =	sadd.s32 $0xFFFFF900, s8;
	s24 =	sadd.s32 $0xFFFFFA00, s8;
	s6 =	sshrl.u32 s3, $0x3  }
0x110: {  	[hbm:s1], [sflag:s4] =	dma.local [spmem:s6], $0x10  }
0x111: {  	s26 =	sadd.s32 $0xFFFFFA80, s8;
	s6 =	sshrl.u32 s9, $0x3;
	_ =	swait.ge [sflag:s10], $0x10  }
0x112: {  	s4 =	sadd.s32 $0xFFFFFB00, s8;
	s7 =	rddreg [dreg:$0x13];
	[sflag:s10] =	ssyncset.done $0x0  }
0x113: {  	[dreg:$0x16] =	wrdreg s15;
	[sflag:s10] =	ssyncadd.s32 $0xFFFFFFF0;
	s1 =	sadd.s32 $0x0, s7  }
0x114: {  	[hbm:s1], [sflag:s15] =	dma.local [spmem:s6], $0x10  }
0x115: {  	s7 =	sadd.s32 $0xFFFFFB80, s8;
	s15 =	sadd.s32 $0xFFFFF980, s8;
	_ =	swait.ge [sflag:s11], $0x10  }
0x116: {  	s6 =	sshrl.u32 s15, $0x3;
	s10 =	rddreg [dreg:$0x12];
	[sflag:s11] =	ssyncset.done $0x0  }
0x117: {  	[dreg:$0x17] =	wrdreg s17;
	[sflag:s11] =	ssyncadd.s32 $0xFFFFFFF0;
	s1 =	sadd.s32 $0x0, s10  }
0x118: {  	[hbm:s1], [sflag:s17] =	dma.local [spmem:s6], $0x10  }
0x119: {  	s15 =	simm.s32 $0x9;
	s10 =	sadd.s32 $0xFFFFFC00, s8;
	_ =	swait.ge [sflag:s29], $0x10  }
0x11a: {  	s6 =	sshrl.u32 s24, $0x3;
	s17 =	rddreg [dreg:$0x11];
	[sflag:s29] =	ssyncset.done $0x0  }
0x11b: {  	[dreg:$0x18] =	wrdreg s22;
	[sflag:s29] =	ssyncadd.s32 $0xFFFFFFF0;
	s1 =	sadd.s32 $0x0, s17  }
0x11c: {  	[hbm:s1], [sflag:s22] =	dma.local [spmem:s6], $0x10  }
0x11d: {  	s11 =	simm.s32 $0xB;
	s24 =	sadd.s32 $0xFFFFFD00, s8;
	_ =	swait.ge [sflag:s23], $0x10  }
0x11e: {  	s6 =	sshrl.u32 s26, $0x3;
	s25 =	rddreg [dreg:$0x10];
	[sflag:s23] =	ssyncset.done $0x0  }
0x11f: {  	[dreg:$0x19] =	wrdreg s19;
	[sflag:s23] =	ssyncadd.s32 $0xFFFFFFF0;
	s1 =	sadd.s32 $0x0, s25  }
0x120: {  	[hbm:s1], [sflag:s19] =	dma.local [spmem:s6], $0x10  }
0x121: {  	s17 =	simm.s32 $0xA;
	s29 =	smov.u32 s5;
	_ =	swait.ge [sflag:s28], $0x10  }
0x122: {  	s6 =	sshrl.u32 s4, $0x3;
	s3 =	rddreg [dreg:$0xf];
	[sflag:s28] =	ssyncset.done $0x0  }
0x123: {  	[dreg:$0x1a] =	wrdreg s18;
	[sflag:s28] =	ssyncadd.s32 $0xFFFFFFF0;
	s1 =	sadd.s32 $0x0, s3  }
0x124: {  	[hbm:s1], [sflag:s18] =	dma.local [spmem:s6], $0x10  }
0x125: {  	s22 =	simm.s32 $0xC;
	_ =	swait.ge [sflag:s15], $0x10;
	[dreg:$0x1b] =	wrdreg s0  }
0x126: {  	s25 =	simm.s32 $0xD;
	s6 =	rddreg [dreg:$0xe];
	[sflag:s15] =	ssyncset.done $0x0  }
0x127: {  	[sflag:s15] =	ssyncadd.s32 $0xFFFFFFF0;
	s1 =	sadd.s32 $0x0, s6;
	s6 =	sshrl.u32 s7, $0x3  }
0x128: {  	[hbm:s1], [sflag:s0] =	dma.local [spmem:s6], $0x10  }
0x129: {  	s19 =	sadd.s32 $0xFFFFFC80, s8;
	s4 =	simm.s32 $0xE;
	_ =	swait.ge [sflag:s17], $0x10  }
0x12a: {  	s3 =	smov.u32 s16;
	s9 =	rddreg [dreg:$0xd];
	[sflag:s17] =	ssyncset.done $0x0  }
0x12b: {  	s6 =	sshrl.u32 s10, $0x3;
	[sflag:s17] =	ssyncadd.s32 $0xFFFFFFF0;
	s1 =	sadd.s32 $0x0, s9  }
0x12c: {  	[hbm:s1], [sflag:s2] =	dma.local [spmem:s6], $0x10  }
0x12d: {  	s28 =	smov.u32 s13;
	s7 =	sadd.s32 $0xFFFFFE00, s8;
	_ =	swait.ge [sflag:s11], $0x10  }
0x12e: {  	s0 =	simm.s32 $0x11;
	s18 =	rddreg [dreg:$0xc];
	[sflag:s11] =	ssyncset.done $0x0  }
0x12f: {  	s6 =	sshrl.u32 s19, $0x3;
	[sflag:s11] =	ssyncadd.s32 $0xFFFFFFF0;
	s1 =	sadd.s32 $0x0, s18  }
0x130: {  	[hbm:s1], [sflag:s16] =	dma.local [spmem:s6], $0x10  }
0x131: {  	s9 =	simm.s32 $0xF;
	s2 =	sadd.s32 $0xFFFFFD80, s8;
	_ =	swait.ge [sflag:s22], $0x10  }
0x132: {  	s19 =	sadd.s32 $0xFFFFFF80, s8;
	s23 =	rddreg [dreg:$0xb];
	[sflag:s22] =	ssyncset.done $0x0  }
0x133: {  	s6 =	sshrl.u32 s24, $0x3;
	[sflag:s22] =	ssyncadd.s32 $0xFFFFFFF0;
	s1 =	sadd.s32 $0x0, s23  }
0x134: {  	[hbm:s1], [sflag:s20] =	dma.local [spmem:s6], $0x10  }
0x135: {  	s11 =	sadd.s32 $0xFFFFFE80, s8;
	s24 =	smov.u32 s20;
	_ =	swait.ge [sflag:s25], $0x10  }
0x136: {  	s16 =	sadd.s32 $0xFFFFFF00, s8;
	s26 =	rddreg [dreg:$0xa];
	[sflag:s25] =	ssyncset.done $0x0  }
0x137: {  	s6 =	sshrl.u32 s2, $0x3;
	[sflag:s25] =	ssyncadd.s32 $0xFFFFFFF0;
	s1 =	sadd.s32 $0x0, s26  }
0x138: {  	[hbm:s1], [sflag:s14] =	dma.local [spmem:s6], $0x10  }
0x139: {  	s23 =	smov.u32 s12;
	s22 =	simm.s32 $0xF;
	_ =	swait.ge [sflag:s4], $0x10  }
0x13a: {  	s2 =	simm.s32 $0x12;
	s25 =	smov.u32 s14;
	[sflag:s4] =	ssyncset.done $0x0  }
0x13b: {  	s26 =	smov.u32 s31;
	s6 =	rddreg [dreg:$0x9];
	[sflag:s4] =	ssyncadd.s32 $0xFFFFFFF0  }
0x13c: {  	s1 =	sadd.s32 $0x0, s6;
	s6 =	sshrl.u32 s7, $0x3;
	s4 =	simm.s32 $0x10  }
0x13d: {  	[hbm:s1], [sflag:s31] =	dma.local [spmem:s6], $0x10  }
0x13e: {  	s7 =	sshrl.u32 s8, $0x3;
	s6 =	sshrl.u32 s11, $0x3;
	_ =	swait.ge [sflag:s9], $0x10  }
0x13f: {  	s11 =	simm.s32 $0x5;
	s10 =	rddreg [dreg:$0x8];
	[sflag:s9] =	ssyncset.done $0x0  }
0x140: {  	s31 =	simm.s32 $0x100;
	[sflag:s9] =	ssyncadd.s32 $0xFFFFFFF0;
	s1 =	sadd.s32 $0x0, s10  }
0x141: {  	[hbm:s1], [sflag:s13] =	dma.local [spmem:s6], $0x10  }
0x142: {  	s9 =	simm.s32 $0x3;
	s10 =	simm.s32 $0x4;
	_ =	swait.ge [sflag:s4], $0x10  }
0x143: {  	s6 =	sshrl.u32 s16, $0x3;
	s14 =	rddreg [dreg:$0x7];
	[sflag:s4] =	ssyncset.done $0x0  }
0x144: {  	s13 =	simm.s32 $0x8;
	[sflag:s4] =	ssyncadd.s32 $0xFFFFFFF0;
	s1 =	sadd.s32 $0x0, s14  }
0x145: {  	[hbm:s1], [sflag:s12] =	dma.local [spmem:s6], $0x10  }
0x146: {  	s16 =	simm.s32 $0xC;
	s14 =	simm.s32 $0xB;
	_ =	swait.ge [sflag:s0], $0x10  }
0x147: {  	s6 =	sshrl.u32 s19, $0x3;
	s18 =	rddreg [dreg:$0x6];
	[sflag:s0] =	ssyncset.done $0x0  }
0x148: {  	s12 =	simm.s32 $0x7;
	[sflag:s0] =	ssyncadd.s32 $0xFFFFFFF0;
	s1 =	sadd.s32 $0x0, s18  }
0x149: {  	[hbm:s1], [sflag:s5] =	dma.local [spmem:s6], $0x10  }
0x14a: {  	s19 =	simm.s32 $0xE;
	s18 =	simm.s32 $0xD;
	_ =	swait.ge [sflag:s2], $0x10  }
0x14b: {  	s5 =	simm.s32 $0x6;
	s20 =	rddreg [dreg:$0x5];
	[sflag:s2] =	ssyncset.done $0x0  }
0x14c: {  	s1 =	sadd.s32 $0x800, s8;
	[sflag:s2] =	ssyncadd.s32 $0xFFFFFFF0;
	s6 =	sadd.s32 $0x0, s20  }
.LBB2_6:
0x14d: {  	s8 =	rddreg [dreg:$0x1c]  }
0x14e: {  	[hbm:s6], [sflag:s8] =	dma.local [spmem:s7], $0x10  }
0x14f: {  	_ =	swait.ge [sflag:s9], $0x10  }
0x150: {  	s20 =	sadd.s32 $0xFFFFF880, s1;
	[sflag:s9] =	ssyncset.done $0x0  }
0x151: {  	s6 =	smov.u32 s31;
	s8 =	rddreg [dreg:$0x14];
	[sflag:s9] =	ssyncadd.s32 $0xFFFFFFF0  }
0x152: {  	s7 =	sadd.s32 s6, s8;
	s8 =	sshrl.u32 s20, $0x3;
	s20 =	rddreg [dreg:$0x15]  }
0x153: {  	[hbm:s7], [sflag:s20] =	dma.local [spmem:s8], $0x10  }
0x154: {  	_ =	swait.ge [sflag:s10], $0x10  }
0x155: {  	[sflag:s10] =	ssyncset.done $0x0  }
0x156: {  	s20 =	sadd.s32 $0xFFFFF900, s1;
	s8 =	rddreg [dreg:$0x13];
	[sflag:s10] =	ssyncadd.s32 $0xFFFFFFF0  }
0x157: {  	s7 =	sadd.s32 s6, s8;
	s8 =	sshrl.u32 s20, $0x3;
	s20 =	rddreg [dreg:$0x16]  }
0x158: {  	[hbm:s7], [sflag:s20] =	dma.local [spmem:s8], $0x10  }
0x159: {  	_ =	swait.ge [sflag:s11], $0x10  }
0x15a: {  	[sflag:s11] =	ssyncset.done $0x0  }
0x15b: {  	s20 =	sadd.s32 $0xFFFFF980, s1;
	s8 =	rddreg [dreg:$0x12];
	[sflag:s11] =	ssyncadd.s32 $0xFFFFFFF0  }
0x15c: {  	s7 =	sadd.s32 s6, s8;
	s8 =	sshrl.u32 s20, $0x3;
	s20 =	rddreg [dreg:$0x17]  }
0x15d: {  	[hbm:s7], [sflag:s20] =	dma.local [spmem:s8], $0x10  }
0x15e: {  	_ =	swait.ge [sflag:s5], $0x10  }
0x15f: {  	[sflag:s5] =	ssyncset.done $0x0  }
0x160: {  	s20 =	sadd.s32 $0xFFFFFA00, s1;
	s8 =	rddreg [dreg:$0x11];
	[sflag:s5] =	ssyncadd.s32 $0xFFFFFFF0  }
0x161: {  	s7 =	sadd.s32 s6, s8;
	s8 =	sshrl.u32 s20, $0x3;
	s20 =	rddreg [dreg:$0x18]  }
0x162: {  	[hbm:s7], [sflag:s20] =	dma.local [spmem:s8], $0x10  }
0x163: {  	_ =	swait.ge [sflag:s12], $0x10  }
0x164: {  	[sflag:s12] =	ssyncset.done $0x0  }
0x165: {  	s20 =	sadd.s32 $0xFFFFFA80, s1;
	s8 =	rddreg [dreg:$0x10];
	[sflag:s12] =	ssyncadd.s32 $0xFFFFFFF0  }
0x166: {  	s7 =	sadd.s32 s6, s8;
	s8 =	sshrl.u32 s20, $0x3;
	s20 =	rddreg [dreg:$0x19]  }
0x167: {  	[hbm:s7], [sflag:s20] =	dma.local [spmem:s8], $0x10  }
0x168: {  	_ =	swait.ge [sflag:s13], $0x10  }
0x169: {  	[sflag:s13] =	ssyncset.done $0x0  }
0x16a: {  	s20 =	sadd.s32 $0xFFFFFB00, s1;
	s8 =	rddreg [dreg:$0xf];
	[sflag:s13] =	ssyncadd.s32 $0xFFFFFFF0  }
0x16b: {  	s7 =	sadd.s32 s6, s8;
	s8 =	sshrl.u32 s20, $0x3;
	s20 =	rddreg [dreg:$0x1a]  }
0x16c: {  	[hbm:s7], [sflag:s20] =	dma.local [spmem:s8], $0x10  }
0x16d: {  	_ =	swait.ge [sflag:s15], $0x10  }
0x16e: {  	[sflag:s15] =	ssyncset.done $0x0  }
0x16f: {  	s20 =	sadd.s32 $0xFFFFFB80, s1;
	s8 =	rddreg [dreg:$0xe];
	[sflag:s15] =	ssyncadd.s32 $0xFFFFFFF0  }
0x170: {  	s7 =	sadd.s32 s6, s8;
	s8 =	sshrl.u32 s20, $0x3;
	s20 =	rddreg [dreg:$0x1b]  }
0x171: {  	[hbm:s7], [sflag:s20] =	dma.local [spmem:s8], $0x10  }
0x172: {  	_ =	swait.ge [sflag:s17], $0x10  }
0x173: {  	s20 =	sadd.s32 $0xFFFFFC00, s1;
	[sflag:s17] =	ssyncset.done $0x0;
	s8 =	rddreg [dreg:$0xd]  }
0x174: {  	[sflag:s17] =	ssyncadd.s32 $0xFFFFFFF0;
	s7 =	sadd.s32 s6, s8;
	s8 =	sshrl.u32 s20, $0x3  }
0x175: {  	[hbm:s7], [sflag:s30] =	dma.local [spmem:s8], $0x10  }
0x176: {  	_ =	swait.ge [sflag:s14], $0x10  }
0x177: {  	s20 =	sadd.s32 $0xFFFFFC80, s1;
	[sflag:s14] =	ssyncset.done $0x0;
	s8 =	rddreg [dreg:$0xc]  }
0x178: {  	[sflag:s14] =	ssyncadd.s32 $0xFFFFFFF0;
	s7 =	sadd.s32 s6, s8;
	s8 =	sshrl.u32 s20, $0x3  }
0x179: {  	[hbm:s7], [sflag:s3] =	dma.local [spmem:s8], $0x10  }
0x17a: {  	_ =	swait.ge [sflag:s16], $0x10  }
0x17b: {  	s20 =	sadd.s32 $0xFFFFFD00, s1;
	[sflag:s16] =	ssyncset.done $0x0;
	s8 =	rddreg [dreg:$0xb]  }
0x17c: {  	[sflag:s16] =	ssyncadd.s32 $0xFFFFFFF0;
	s7 =	sadd.s32 s6, s8;
	s8 =	sshrl.u32 s20, $0x3  }
0x17d: {  	[hbm:s7], [sflag:s24] =	dma.local [spmem:s8], $0x10  }
0x17e: {  	_ =	swait.ge [sflag:s18], $0x10  }
0x17f: {  	s20 =	sadd.s32 $0xFFFFFD80, s1;
	[sflag:s18] =	ssyncset.done $0x0;
	s8 =	rddreg [dreg:$0xa]  }
0x180: {  	[sflag:s18] =	ssyncadd.s32 $0xFFFFFFF0;
	s7 =	sadd.s32 s6, s8;
	s8 =	sshrl.u32 s20, $0x3  }
0x181: {  	[hbm:s7], [sflag:s25] =	dma.local [spmem:s8], $0x10  }
0x182: {  	_ =	swait.ge [sflag:s19], $0x10  }
0x183: {  	s20 =	sadd.s32 $0xFFFFFE00, s1;
	[sflag:s19] =	ssyncset.done $0x0;
	s8 =	rddreg [dreg:$0x9]  }
0x184: {  	[sflag:s19] =	ssyncadd.s32 $0xFFFFFFF0;
	s7 =	sadd.s32 s6, s8;
	s8 =	sshrl.u32 s20, $0x3  }
0x185: {  	[hbm:s7], [sflag:s26] =	dma.local [spmem:s8], $0x10  }
0x186: {  	_ =	swait.ge [sflag:s22], $0x10  }
0x187: {  	s20 =	sadd.s32 $0xFFFFFE80, s1;
	[sflag:s22] =	ssyncset.done $0x0;
	s8 =	rddreg [dreg:$0x8]  }
0x188: {  	[sflag:s22] =	ssyncadd.s32 $0xFFFFFFF0;
	s7 =	sadd.s32 s6, s8;
	s8 =	sshrl.u32 s20, $0x3  }
0x189: {  	[hbm:s7], [sflag:s28] =	dma.local [spmem:s8], $0x10  }
0x18a: {  	_ =	swait.ge [sflag:s4], $0x10  }
0x18b: {  	s20 =	sadd.s32 $0xFFFFFF00, s1;
	[sflag:s4] =	ssyncset.done $0x0;
	s8 =	rddreg [dreg:$0x7]  }
0x18c: {  	[sflag:s4] =	ssyncadd.s32 $0xFFFFFFF0;
	s7 =	sadd.s32 s6, s8;
	s8 =	sshrl.u32 s20, $0x3  }
0x18d: {  	[hbm:s7], [sflag:s23] =	dma.local [spmem:s8], $0x10  }
0x18e: {  	_ =	swait.ge [sflag:s0], $0x10  }
0x18f: {  	p0 =	sne.s32 s31, $0x2600;
	[sflag:s0] =	ssyncset.done $0x0  }
0x190: {  	s20 =	sadd.s32 $0xFFFFFF80, s1;
	s8 =	rddreg [dreg:$0x6];
	[sflag:s0] =	ssyncadd.s32 $0xFFFFFFF0  }
.Ltmp2:
0x191: {  	s7 =	sadd.s32 s6, s8;
	s8 =	sshrl.u32 s20, $0x3;
	(pc) =	sbr.rel @p0 .LBB2_6-.Ltmp2, $4  }
0x192: {  	[hbm:s7], [sflag:s29] =	dma.local [spmem:s8], $0x10  }
0x193: {  	s31 =	sadd.s32 $0x100, s31;
	_ =	swait.ge [sflag:s2], $0x10  }
0x194: {  	s7 =	sshrl.u32 s1, $0x3;
	[sflag:s2] =	ssyncset.done $0x0;
	s20 =	rddreg [dreg:$0x5]  }
0x195: {  	s1 =	sadd.s32 $0x800, s1;
	[sflag:s2] =	ssyncadd.s32 $0xFFFFFFF0;
	s6 =	sadd.s32 s6, s20  }
0x196: {  	s1 =	rddreg [dreg:$0x1c]  }
0x197: {  	[hbm:s6], [sflag:s1] =	dma.local [spmem:s7], $0x10  }
0x198: {  	_ =	swait.ge [sflag:s9], $0x10  }
0x199: {  	[sflag:s9] =	ssyncset.done $0x0  }
0x19a: {  	[sflag:s9] =	ssyncadd.s32 $0xFFFFFFF0  }
0x19b: {  	_ =	swait.ge [sflag:s10], $0x10  }
0x19c: {  	[sflag:s10] =	ssyncset.done $0x0  }
0x19d: {  	[sflag:s10] =	ssyncadd.s32 $0xFFFFFFF0  }
0x19e: {  	_ =	swait.ge [sflag:s11], $0x10  }
0x19f: {  	[sflag:s11] =	ssyncset.done $0x0  }
0x1a0: {  	[sflag:s11] =	ssyncadd.s32 $0xFFFFFFF0  }
0x1a1: {  	_ =	swait.ge [sflag:s5], $0x10  }
0x1a2: {  	[sflag:s5] =	ssyncset.done $0x0  }
0x1a3: {  	[sflag:s5] =	ssyncadd.s32 $0xFFFFFFF0  }
0x1a4: {  	_ =	swait.ge [sflag:s12], $0x10  }
0x1a5: {  	[sflag:s12] =	ssyncset.done $0x0  }
0x1a6: {  	[sflag:s12] =	ssyncadd.s32 $0xFFFFFFF0  }
0x1a7: {  	_ =	swait.ge [sflag:s13], $0x10  }
0x1a8: {  	[sflag:s13] =	ssyncset.done $0x0  }
0x1a9: {  	[sflag:s13] =	ssyncadd.s32 $0xFFFFFFF0  }
0x1aa: {  	_ =	swait.ge [sflag:s15], $0x10  }
0x1ab: {  	[sflag:s15] =	ssyncset.done $0x0  }
0x1ac: {  	[sflag:s15] =	ssyncadd.s32 $0xFFFFFFF0  }
0x1ad: {  	_ =	swait.ge [sflag:s17], $0x10  }
0x1ae: {  	[sflag:s17] =	ssyncset.done $0x0  }
0x1af: {  	[sflag:s17] =	ssyncadd.s32 $0xFFFFFFF0  }
0x1b0: {  	_ =	swait.ge [sflag:s14], $0x10  }
0x1b1: {  	[sflag:s14] =	ssyncset.done $0x0  }
0x1b2: {  	[sflag:s14] =	ssyncadd.s32 $0xFFFFFFF0  }
0x1b3: {  	_ =	swait.ge [sflag:s16], $0x10  }
0x1b4: {  	[sflag:s16] =	ssyncset.done $0x0  }
0x1b5: {  	[sflag:s16] =	ssyncadd.s32 $0xFFFFFFF0  }
0x1b6: {  	_ =	swait.ge [sflag:s18], $0x10  }
0x1b7: {  	[sflag:s18] =	ssyncset.done $0x0  }
0x1b8: {  	[sflag:s18] =	ssyncadd.s32 $0xFFFFFFF0  }
0x1b9: {  	_ =	swait.ge [sflag:s19], $0x10  }
0x1ba: {  	[sflag:s19] =	ssyncset.done $0x0  }
0x1bb: {  	[sflag:s19] =	ssyncadd.s32 $0xFFFFFFF0  }
0x1bc: {  	_ =	swait.ge [sflag:s22], $0x10  }
0x1bd: {  	[sflag:s22] =	ssyncset.done $0x0  }
0x1be: {  	[sflag:s22] =	ssyncadd.s32 $0xFFFFFFF0  }
0x1bf: {  	_ =	swait.ge [sflag:s4], $0x10  }
0x1c0: {  	[sflag:s4] =	ssyncset.done $0x0  }
0x1c1: {  	[sflag:s4] =	ssyncadd.s32 $0xFFFFFFF0  }
0x1c2: {  	_ =	swait.ge [sflag:s0], $0x10  }
0x1c3: {  	[sflag:s0] =	ssyncset.done $0x0  }
0x1c4: {  	[sflag:s0] =	ssyncadd.s32 $0xFFFFFFF0  }
0x1c5: {  	_ =	swait.ge [sflag:s2], $0x10  }
0x1c6: {  	s31 =	sld [smem:$0x7E4]  }
0x1c7: {  	s25 =	rddreg [dreg:$0x1d]  }
0x1c8: {  	s25 =	sadd.s32 $0x1, s25  }
0x1c9: {  	s3 =	simm.s32 $0x5000;
	s29 =	simm.s32 $0x6;
	p0 =	sne.s32 s25, s31  }
.Ltmp3:
0x1ca: {  	s23 =	simm.s32 $0x7;
	s28 =	simm.s32 $0x8;
	(pc) =	sbr.rel @p0 .LBB2_1-.Ltmp3, $4  }
0x1cb: {  	s8 =	simm.s32 $0x50;
	s6 =	simm.s32 $0x1;
	[sflag:s2] =	ssyncset.done $0x0  }
0x1cc: {  	s7 =	simm.s32 $0x2;
	s26 =	sld [smem:$0x7FD];
	[sflag:s2] =	ssyncadd.s32 $0xFFFFFFF0  }
0x1cd: {  	s9 =	simm.s32 $0x3;
	s10 =	simm.s32 $0x4;
	s22 =	rddreg [dreg:$0x1]  }
0x1ce: {  	s11 =	simm.s32 $0x5;
	s4 =	simm.s32 $0x7800;
	s24 =	rddreg [dreg:$0x3]  }
0x1cf: {  	_ =	sfence.sel $0x180000  }
0x1d0: {  	[bflag:$0x0] =	sbarrier.arrive $0xFFFF  }
0x1d1: {  	_ =	strace $0x9000004D  }
0x1d2: {  	s0 =	stileid.u32;
	[bflag:$0x2] =	sbarrier.arrive $0xFFFF  }
0x1d3: {  	p0 =	sne.s32 s0, $0x0;
	s0 =	rddreg [dreg:$0x4]  }
0x1d4: {  	s0 =	sadd.s32 @!p0 $0x100000, s0  }
0x1d5: {  	[sflag:s0] =	ssyncadd.tile.s32 @!p0 $0x1;
	_ =	shalt  }
.Lfunc_end2:
_tile_overlayer_lowered:
.L_overlay_start_2:
0x1d6: {  	(tag) =	ssettag $0x2  }
0x1d7: {  	s0 =	rddreg [dreg:$0x0];
	s2 =	stileid.u32  }
0x1d8: {  	s1 =	rddreg [dreg:$0x1];
	p0 =	sne.s32 s2, $0x0  }
0x1d9: {  	s3 =	rddreg [dreg:$0x2];
	[bflag:$0x3] =	sbarrier.arrive $0xFFFF;
	s2 =	simm.s32 @!p0 $0x1C13  }
0x1da: {  	[timem:s3], [sflag:s2] =	dma.local @!p0 [hbm:s0], s1  }
0x1db: {  	s0 =	simm.s32 @!p0 $0x13  }
0x1dc: {  	_ =	swait.ge @!p0 [sflag:s0], s1  }
0x1dd: {  	s1 =	ssub.s32 @!p0 $0x0, s1;
	[sflag:s0] =	ssyncset.done @!p0 $0x0  }
0x1de: {  	[sflag:s0] =	ssyncadd.s32 @!p0 s1  }
0x1df: {  	[bflag:$0x3] =	sbarrier.arrive $0xFFFF  }
0x1e0: {  	_ =	shalt  }

// kernel: kernel.8.cloned.1.call-start
scs
__scs_entry_jumppad:
0x0: {  	(pc) =	sbr.rel $0x88, $3  }
0x1: {  	(tag) =	ssettag $0x0;
	lr =	simm.s32 $0x1  }
0x2: {  	[smem:$0x3F95] =	sst lr;
	_ =	strace $0xD0000000  }
0x3: {  	_ = 	snop  }
0x4: {  	_ = 	snop  }
0x5: {  	_ = 	snop  }
0x6: {  	_ = 	snop  }
0x7: {  	_ = 	snop  }
__scs_overlays_trampoline_lowered:
0x8: {  	[smem:$0x3FA4] =	sst s0  }
0x9: {  	[smem:$0x3FA5] =	sst s1  }
0xa: {  	[smem:$0x3FA6] =	sst s2  }
0xb: {  	[smem:$0x3FA7] =	sst s3  }
0xc: {  	[smem:$0x3FA8] =	sst s4  }
0xd: {  	[smem:$0x3FA9] =	sst s5  }
0xe: {  	[smem:$0x3FAA] =	sst s6  }
0xf: {  	[smem:$0x3FAB] =	sst s7  }
0x10: {  	[smem:$0x3FAC] =	sst s8  }
0x11: {  	[smem:$0x3FAD] =	sst s9;
	s0 =	simm.s32 @!p0 $0x0  }
0x12: {  	s1 =	sld [smem:$0x3F93];
	s0 =	simm.s32 @p0 $0x1  }
0x13: {  	[smem:$0x3FAE] =	sst s0;
	s0 =	simm.s32 @!p1 $0x0  }
0x14: {  	s2 =	sld [smem:$0x3F92];
	s0 =	simm.s32 @p1 $0x1  }
0x15: {  	[smem:$0x3FAF] =	sst s0;
	s0 =	simm.s32 @!p2 $0x0  }
0x16: {  	s3 =	sld [smem:$0x3FDB];
	s0 =	simm.s32 @p2 $0x1  }
0x17: {  	s4 =	simm.s32 $0x1BF5;
	[smem:$0x3FB1] =	sst s0  }
0x18: {  	s0 =	sld [smem:$0x3F94];
	_ =	swait.ge [sflag:s4], $0x0  }
0x19: {  	s7 =	sld [smem:$0x3F95]  }
0x1a: {  	s8 =	sadd.s32 $0xFFFFE003, lr  }
0x1b: {  	s9 =	sadd.s32 $0xFFFFFEF7, lr;
	s5 =	simm.s32 $0xFFFFFFFF;
	p2 =	slt.u32 s8, $0xFFFFF086  }
0x1c: {  	p1 =	slt.u32 s9, $0xF7A;
	s5 =	simm.s32 @!p2 $0x0  }
0x1d: {  	s5 =	simm.s32 @p1 $0x1;
	p0 =	seq.s32 s7, s2  }
0x1e: {  	s7 =	smul.u32 @!p0 $0xF7A, s2;
	p2 =	seq.s32 @!p0 s5, $0x0  }
0x1f: {  	s9 =	smul.u32 $0xF7A, s1;
	s8 =	simm.s32 @!p0 $0x1BF5;
	p2 =	por !p2, p0  }
0x20: {  	[sflag:s8] =	ssyncset.s32 @!p0 $0xFFFFF086;
	s6 =	sadd.s32 @!p0 s3, s7;
	s7 =	simm.s32 @!p0 $0x108  }
0x21: {  	s3 =	sadd.s32 s3, s9;
	s6 =	sadd.s32 @!p0 $0x88, s6;
	s7 =	simm.s32 @p2 $0x1082  }
0x22: {  	[simem:s7], [sflag:s8] =	dma.local @!p0 [hbm:s6], $0xF7A  }
0x23: {  	s9 =	sor.u32 $0xD0000000, s2;
	s6 =	simm.s32 $0x108;
	_ =	swait.ge @!p0 [sflag:s8], $0x0  }
0x24: {  	s3 =	sadd.s32 $0x88, s3;
	s6 =	simm.s32 @!p1 $0x1082;
	[sflag:s4] =	ssyncset.s32 $0xFFFFF086  }
0x25: {  	[simem:s6], [sflag:s4] =	dma.local [hbm:s3], $0xF7A  }
0x26: {  	[smem:$0x3F95] =	sst s1;
	(tag) =	ssettag s2;
	_ =	strace s9  }
0x27: {  	s1 =	sld [smem:$0x3FA5]  }
0x28: {  	s2 =	sld [smem:$0x3FA6]  }
0x29: {  	s4 =	sld [smem:$0x3FA8]  }
0x2a: {  	p0 =	seq.s32 s5, $0x0;
	s5 =	sld [smem:$0x3FA9]  }
0x2b: {  	s6 =	sld [smem:$0x3FAA]  }
0x2c: {  	s7 =	sld [smem:$0x3FAB]  }
0x2d: {  	s3 =	simm.s32 $0x108;
	s8 =	sld [smem:$0x3FAC]  }
0x2e: {  	s3 =	simm.s32 @!p0 $0x1082;
	s9 =	sld [smem:$0x3FAD]  }
0x2f: {  	lr =	sadd.s32 s0, s3;
	s0 =	sld [smem:$0x3FA4]  }
0x30: {  	s3 =	sld [smem:$0x3FA7]  }
0x31: {  	[smem:$0x3FB0] =	sst s10  }
0x32: {  	s10 =	sld [smem:$0x3FAE];
	_ =	sdelay $0x3  }
0x33: {  	p0 =	seq.s32 s10, $0x1;
	s10 =	sld [smem:$0x3FB0];
	_ =	sdelay $0x3  }
0x34: {  	[smem:$0x3FB0] =	sst s10  }
0x35: {  	s10 =	sld [smem:$0x3FAF];
	_ =	sdelay $0x3  }
0x36: {  	p1 =	seq.s32 s10, $0x1;
	s10 =	sld [smem:$0x3FB0];
	_ =	sdelay $0x3  }
0x37: {  	[smem:$0x3FB0] =	sst s10  }
0x38: {  	s10 =	sld [smem:$0x3FB1]  }
0x39: {  	_ = 	snop;
	(pc) =	sbr.ind lr, $3  }
0x3a: {  	_ = 	snop  }
0x3b: {  	_ = 	snop  }
0x3c: {  	p2 =	seq.s32 s10, $0x1;
	s10 =	sld [smem:$0x3FB0]  }
0x3d: {  	_ =	shalt  }
0x3e: {  	_ =	shalt  }
0x3f: {  	_ =	shalt  }
0x40: {  	_ =	shalt  }
0x41: {  	_ =	shalt  }
0x42: {  	_ =	shalt  }
0x43: {  	_ =	shalt  }
0x44: {  	_ =	shalt  }
0x45: {  	_ =	shalt  }
0x46: {  	_ =	shalt  }
0x47: {  	_ =	shalt  }
0x48: {  	_ =	shalt  }
0x49: {  	_ =	shalt  }
0x4a: {  	_ =	shalt  }
0x4b: {  	_ =	shalt  }
0x4c: {  	_ =	shalt  }
0x4d: {  	_ =	shalt  }
0x4e: {  	_ =	shalt  }
0x4f: {  	_ =	shalt  }
0x50: {  	_ =	shalt  }
0x51: {  	_ =	shalt  }
0x52: {  	_ =	shalt  }
0x53: {  	_ =	shalt  }
0x54: {  	_ =	shalt  }
0x55: {  	_ =	shalt  }
0x56: {  	_ =	shalt  }
0x57: {  	_ =	shalt  }
0x58: {  	_ =	shalt  }
0x59: {  	_ =	shalt  }
0x5a: {  	_ =	shalt  }
0x5b: {  	_ =	shalt  }
0x5c: {  	_ =	shalt  }
0x5d: {  	_ =	shalt  }
0x5e: {  	_ =	shalt  }
0x5f: {  	_ =	shalt  }
0x60: {  	_ =	shalt  }
0x61: {  	_ =	shalt  }
0x62: {  	_ =	shalt  }
0x63: {  	_ =	shalt  }
0x64: {  	_ =	shalt  }
0x65: {  	_ =	shalt  }
0x66: {  	_ =	shalt  }
0x67: {  	_ =	shalt  }
0x68: {  	_ =	shalt  }
0x69: {  	_ =	shalt  }
0x6a: {  	_ =	shalt  }
0x6b: {  	_ =	shalt  }
0x6c: {  	_ =	shalt  }
0x6d: {  	_ =	shalt  }
0x6e: {  	_ =	shalt  }
0x6f: {  	_ =	shalt  }
0x70: {  	_ =	shalt  }
0x71: {  	_ =	shalt  }
0x72: {  	_ =	shalt  }
0x73: {  	_ =	shalt  }
0x74: {  	_ =	shalt  }
0x75: {  	_ =	shalt  }
0x76: {  	_ =	shalt  }
0x77: {  	_ =	shalt  }
0x78: {  	_ =	shalt  }
0x79: {  	_ =	shalt  }
0x7a: {  	_ =	shalt  }
0x7b: {  	_ =	shalt  }
0x7c: {  	_ =	shalt  }
0x7d: {  	_ =	shalt  }
0x7e: {  	_ =	shalt  }
0x7f: {  	_ =	shalt  }
0x80: {  	_ =	shalt  }
0x81: {  	_ =	shalt  }
0x82: {  	_ =	shalt  }
0x83: {  	_ =	shalt  }
0x84: {  	_ =	shalt  }
0x85: {  	_ =	shalt  }
0x86: {  	_ =	shalt  }
0x87: {  	_ =	shalt  }
.Lfunc_end0:
.L_simem_size_0:
called_computation_lowered:
.L_overlay_start_0:
0x88: {  	s2 =	sld [smem:$0x3FD9]  }
0x89: {  	s3 =	sld [smem:$0x3FFE];
	_ =	sdelay $0x1  }
0x8a: {  	s1 =	srdreg.scid  }
0x8b: {  	s0 =	sand.u32 $0x1, s1  }
0x8c: {  	s14 =	sshll.u32 s0, $0xA;
	s2 =	sadd.s32 s3, s2  }
0x8d: {  	s2 =	sadd.s32 s2, s14  }
0x8e: {  	[smem:$0x3FBC] =	sst s2  }
0x8f: {  	_ = 	snop  }
0x90: {  	s2 =	sld [smem:$0x3FD0];
	_ =	sdelay $0x2  }
0x91: {  	s15 =	simm.s32 $0xA;
	s4 =	simm.s32 $0x10  }
0x92: {  	[smem:s4], [sflag:s15] =	dma.local [hbm:s2], $0x1  }
0x93: {  	_ =	swait.eq [sflag:s15], $0x1  }
0x94: {  	[sflag:s15] =	ssyncset.done $0x0  }
0x95: {  	[sflag:s15] =	ssyncadd.s32 $0xFFFFFFFF  }
0x96: {  	s16 =	sld [smem:$0x11];
	(tm) =	ssettm $0x1  }
0x97: {  	s17 =	sld [smem:$0x3FFB];
	_ =	sdelay $0x3  }
0x98: {  	_ =	strace s17  }
0x99: {  	s3 =	sld [smem:$0x3FFC];
	_ =	sdelay $0x3  }
0x9a: {  	_ =	strace s3  }
0x9b: {  	s3 =	sld [smem:$0x3FFD];
	_ =	sdelay $0x3  }
0x9c: {  	_ =	strace s3  }
0x9d: {  	_ =	strace $0x8FFFFFFF  }
0x9e: {  	s18 =	sld [smem:$0x3FDB];
	_ =	sdelay $0x1  }
0x9f: {  	s19 =	simm.s32 $_scs_section_size  }
0xa0: {  	s5 =	simm.s32 $_size__tile_overlayer_lowered;
	s6 =	simm.s32 $_tile_overlayer_lowered  }
0xa1: {  	s22 =	simm.s32 $0x1BFF;
	s21 =	sshll.u32 s6, $0x1;
	s3 =	sadd.s32 s19, s18  }
0xa2: {  	s7 =	simm.s32 $0x0;
	s20 =	sshll.u32 s5, $0x1;
	s5 =	sadd.s32 s21, s3  }
0xa3: {  	[timem:s7], [sflag:s22] =	dma.local [hbm:s5], s20  }
0xa4: {  	_ =	swait.ge [sflag:s22], s20  }
0xa5: {  	s4 =	ssub.s32 $0x0, s20;
	[sflag:s22] =	ssyncset.done $0x0  }
0xa6: {  	[sflag:s22] =	ssyncadd.s32 s4;
	_ =	sdelay $0x1  }
0xa7: {  	s23 =	simm.s32 $0x1B8B  }
0xa8: {  	_ =	swait.ge [sflag:s23], $0x1  }
0xa9: {  	[sflag:s23] =	ssyncset.done $0x0  }
0xaa: {  	s25 =	simm.s32 $0x1B8E;
	s24 =	sld [smem:$0x3FFE];
	[sflag:s23] =	ssyncadd.s32 $0xFFFFFFFF  }
0xab: {  	s26 =	simm.s32 $execute0_lowered;
	[smem:$0x3FD2] =	sst s25  }
0xac: {  	s5 =	sshll.u32 s26, $0x1;
	_ =	strace $0x80000046;
	[dreg:$0x1] =	wrdreg $0xFFFFFFFF  }
0xad: {  	s28 =	simm.s32 $_size_execute0_lowered;
	s3 =	sadd.s32 s3, s5;
	[dreg:$0x0] =	wrdreg $0x0  }
0xae: {  	s5 =	sshll.u32 s28, $0x1;
	[dreg:$0x2] =	wrdreg s3  }
0xaf: {  	[dreg:$0x3] =	wrdreg s5  }
0xb0: {  	[dreg:$0x4] =	wrdreg $0xC0  }
0xb1: {  	_ =	task [dreg:s7], $0x5FFFF  }
0xb2: {  	[dreg:$0x1] =	wrdreg $0xFFFFFFFF  }
0xb3: {  	[dreg:$0x0] =	wrdreg $0x60  }
0xb4: {  	[dreg:$0x2] =	wrdreg s16  }
0xb5: {  	[dreg:$0x3] =	wrdreg s24  }
0xb6: {  	[dreg:$0x4] =	wrdreg $0x43000  }
0xb7: {  	[dreg:$0x5] =	wrdreg $0x9  }
0xb8: {  	_ =	task.clear_ibuf [dreg:s7], $0x6FFFF;
	_ =	strace $0x90000046  }
0xb9: {  	s29 =	simm.s32 $0x9;
	_ =	strace $0x80000048  }
0xba: {  	_ =	swait.ge [sflag:s29], $0x1  }
0xbb: {  	[sflag:s29] =	ssyncadd.s32 $0xFFFFFFFF  }
0xbc: {  	_ =	strace $0x90000048  }
0xbd: {  	_ =	sfence  }
0xbe: {  	s30 =	sld [smem:$0x0];
	_ =	sdelay $0x2  }
0xbf: {  	s31 =	sshll.u32 s1, $0xD;
	s1 =	sshrl.u32 s1, $0x2  }
0xc0: {  	s3 =	sand.u32 $0x4000, s31;
	s1 =	sadd.s32 s1, s30  }
0xc1: {  	s0 =	sor.u32 s3, s0;
	s1 =	sshll.u32 s1, $0x11  }
0xc2: {  	s0 =	sor.u32 s1, s0  }
0xc3: {  	s0 =	sadd.s32 $0x8F2B, s0  }
0xc4: {  	[sflag:s0] =	ssyncadd.remote.s32 $0x1  }
0xc5: {  	_ =	sfence.sel $0xFFFF  }
0xc6: {  	[dreg:$0x0] =	wrdreg $0xFFFFFFFF;
	(pc) =	sbr.abs _section_cstart, $3  }
0xc7: {  	[dreg:$0x1] =	wrdreg $0xFFFFFFFF  }
0xc8: {  	_ =	task.clear_ibuf [dreg:s7], $0x2FFFF;
	_ =	strace $0x9FFFFFFF  }
0xc9: {  	(tm) =	ssettm $0x7FFFFFFF  }
tec
execute0_lowered:
.L_overlay_start_1:
0x0: {  	(tag) =	ssettag $0x1  }
0x1: {  	s4 =	rddreg [dreg:$0x0]  }
0x2: {  	s7 =	rddreg [dreg:$0x1]  }
0x3: {  	s0 =	srdreg.scid;
	s1 =	rddreg [dreg:$0x2]  }
0x4: {  	s2 =	simm.s32 $0x0;
	s3 =	stileid.u32;
	s11 =	simm.s32 $0x3C00  }
0x5: {  	s14 =	simm.s32 $0x0;
	s5 =	sand.u32 $0x1, s0;
	s0 =	rddreg [dreg:$0x3]  }
0x6: {  	[smem:$0x7FF] =	sst s2;
	s31 =	smul.u32 $0x280, s3;
	s9 =	sshll.u32 s3, $0xC  }
0x7: {  	s12 =	sshll.u32 s3, $0x6;
	s6 =	ssub.s32 $0x2, s5;
	_ =	strace $0x80000047  }
0x8: {  	s10 =	sshll.u32 s5, $0xB;
	p0 =	seq.s32 s5, $0x1;
	s12 =	sor.u32 $0x1C01, s12  }
0x9: {  	s8 =	sshrl.u32 s6, $0x1;
	s10 =	sadd.s32 s4, s10;
	s4 =	sadd.s32 s31, s1  }
0xa: {  	s11 =	simm.s32 @!p0 $0x4200;
	s6 =	ssub.s32 s6, s8;
	s5 =	sadd.s32 s9, s10  }
0xb: {  	s8 =	sshrl.u32 s31, $0x3;
	s7 =	sadd.s32 s11, s7;
	s9 =	simm.s32 $0x1  }
0xc: {  	s10 =	simm.s32 $0x50;
	s11 =	simm.s32 $0x4000;
	s13 =	sshrl.u32 s4, $0x3  }
0xd: {  	v0 =	vimm.f32 $0.0e+00;
	v1 =	vimm.f32 $1.000000000e+00;
	s6 =	smax.u32 s6, $0x1;
	s7 =	sadd.s32 s7, s8;
	s8 =	simm.s32 $0x4080  }
.LBB2_1:
0xe: {  	[tilespmem:$0x4080] =	vst v0  }
0xf: {  	[tilespmem:$0x4090] =	vst v0  }
0x10: {  	[tilespmem:$0x40A0] =	vst v0  }
0x11: {  	[tilespmem:$0x40B0] =	vst v0  }
0x12: {  	[tilespmem:$0x40C0] =	vst v0  }
0x13: {  	[tilespmem:$0x40D0] =	vst v0  }
0x14: {  	[tilespmem:$0x40E0] =	vst v0  }
0x15: {  	[tilespmem:$0x40F0] =	vst v0  }
0x16: {  	[tilespmem:$0x4100] =	vst v0  }
0x17: {  	[tilespmem:$0x4110] =	vst v0  }
0x18: {  	[tilespmem:$0x4120] =	vst v0  }
0x19: {  	[tilespmem:$0x4130] =	vst v0  }
0x1a: {  	[tilespmem:$0x4140] =	vst v0  }
0x1b: {  	[tilespmem:$0x4150] =	vst v0  }
0x1c: {  	[tilespmem:$0x4160] =	vst v0  }
0x1d: {  	[tilespmem:$0x4170] =	vst v0  }
0x1e: {  	[tilespmem:$0x4180] =	vst v0  }
0x1f: {  	[tilespmem:$0x4190] =	vst v0  }
0x20: {  	[tilespmem:$0x41A0] =	vst v0  }
0x21: {  	[tilespmem:$0x41B0] =	vst v0  }
0x22: {  	[tilespmem:$0x41C0] =	vst v0  }
0x23: {  	[tilespmem:$0x41D0] =	vst v0  }
0x24: {  	[tilespmem:$0x41E0] =	vst v0  }
0x25: {  	[tilespmem:$0x41F0] =	vst v0  }
0x26: {  	[tilespmem:$0x4200] =	vst v0  }
0x27: {  	[tilespmem:$0x4210] =	vst v0  }
0x28: {  	[tilespmem:$0x4220] =	vst v0  }
0x29: {  	[tilespmem:$0x4230] =	vst v0  }
0x2a: {  	[tilespmem:$0x4240] =	vst v0  }
0x2b: {  	[tilespmem:$0x4250] =	vst v0  }
0x2c: {  	[tilespmem:$0x4260] =	vst v0  }
0x2d: {  	[tilespmem:$0x4270] =	vst v0  }
0x2e: {  	[tilespmem:$0x4280] =	vst v0  }
0x2f: {  	[tilespmem:$0x4290] =	vst v0  }
0x30: {  	[tilespmem:$0x42A0] =	vst v0  }
0x31: {  	[tilespmem:$0x42B0] =	vst v0  }
0x32: {  	[tilespmem:$0x42C0] =	vst v0  }
0x33: {  	[tilespmem:$0x42D0] =	vst v0  }
0x34: {  	[tilespmem:$0x42E0] =	vst v0  }
0x35: {  	[tilespmem:$0x42F0] =	vst v0  }
0x36: {  	[spmem:s4] =	stream.linear.scatter [tilespmem:s8], [sflag:$0x1], $0x280, $0x38;
	[tilespmem:$0x4580] =	vst v63  }
0x37: {  	_ =	swait.ge [sflag:s9], $0x280  }
0x38: {  	[sflag:s9] =	ssyncset.done $0x0  }
0x39: {  	[sflag:s9] =	ssyncadd.s32 $0xFFFFFD80  }
0x3a: {  	[tilespmem:$0x4000] =	vst v1  }
0x3b: {  	[tilespmem:$0x4010] =	vst v1  }
0x3c: {  	[tilespmem:$0x4020] =	vst v1  }
0x3d: {  	[tilespmem:$0x4030] =	vst v1  }
0x3e: {  	[tilespmem:$0x4040] =	vst v1  }
0x3f: {  	[tilespmem:s2], [sflag:$0x1] =	stream.linear.gather [hbm4b:s5+s2], $0x4000, $0x38;
	[tilespmem:$0x4580] =	vst v63  }
0x40: {  	_ =	swait.ge [sflag:s9], $0x4000  }
0x41: {  	[sflag:s9] =	ssyncset.done $0x0  }
0x42: {  	[sflag:s9] =	ssyncadd.s32 $0xFFFFC000  }
0x43: {  	s15 =	simm.s32 $0x0;
	[bflag:$0x0] =	sbarrier.arrive $0xFFFF  }
0x44: {  	[spmem:s1] =	stream.indirect.scatter.add.f32 [tilespmem:s11], [sflag:$0x1], $0x1, s15, s10, $0xb8;
	[tilespmem:$0x4580] =	vst v63  }
0x45: {  	_ =	swait.ge [sflag:s9], $0x50  }
0x46: {  	s15 =	simm.s32 $0x200;
	[sflag:s9] =	ssyncset.done $0x0  }
.LBB2_2:
0x47: {  	s16 =	sshra.s32 s15, $0x2;
	[sflag:s9] =	ssyncadd.s32 $0xFFFFFFB0;
	p0 =	sne.s32 s15, $0xFE00  }
0x48: {  	[spmem:s1] =	stream.indirect.scatter.add.f32 [tilespmem:s11], [sflag:$0x1], $0x1, s16, s10, $0xb8;
	[tilespmem:$0x4580] =	vst v63  }
.Ltmp0:
0x49: {  	_ = 	snop;
	(pc) =	sbr.rel @p0 .LBB2_2-.Ltmp0, $4  }
0x4a: {  	_ = 	snop  }
0x4b: {  	s15 =	sadd.s32 $0x200, s15  }
0x4c: {  	_ =	swait.ge [sflag:s9], $0x50  }
0x4d: {  	[sflag:s9] =	ssyncset.done $0x0  }
0x4e: {  	s14 =	sadd.s32 $0x1, s14  }
0x4f: {  	[sflag:s9] =	ssyncadd.s32 $0xFFFFFFB0;
	p0 =	sne.s32 s14, s6  }
.Ltmp1:
0x50: {  	[bflag:$0x0] =	sbarrier.arrive $0xFFFF;
	(pc) =	sbr.rel @p0 .LBB2_1-.Ltmp1, $4  }
0x51: {  	[hbm:s7], [sflag:s12] =	dma.local [spmem:s13], $0x50  }
0x52: {  	_ =	swait.ge [sflag:s9], $0x50  }
0x53: {  	[sflag:s9] =	ssyncset.done $0x0  }
0x54: {  	[sflag:s9] =	ssyncadd.s32 $0xFFFFFFB0  }
0x55: {  	_ =	sfence.sel $0x180000  }
0x56: {  	[bflag:$0x0] =	sbarrier.arrive $0xFFFF  }
0x57: {  	p0 =	sne.s32 s3, $0x0;
	_ =	strace $0x90000047  }
0x58: {  	s0 =	sadd.s32 @!p0 $0x100000, s0;
	[bflag:$0x2] =	sbarrier.arrive $0xFFFF  }
0x59: {  	[sflag:s0] =	ssyncadd.tile.s32 @!p0 $0x1;
	_ =	shalt  }
.Lfunc_end2:
_tile_overlayer_lowered:
.L_overlay_start_2:
0x5a: {  	(tag) =	ssettag $0x2  }
0x5b: {  	s0 =	rddreg [dreg:$0x0];
	s2 =	stileid.u32  }
0x5c: {  	s1 =	rddreg [dreg:$0x1];
	p0 =	sne.s32 s2, $0x0  }
0x5d: {  	s3 =	rddreg [dreg:$0x2];
	[bflag:$0x3] =	sbarrier.arrive $0xFFFF;
	s2 =	simm.s32 @!p0 $0x1C01  }
0x5e: {  	[timem:s3], [sflag:s2] =	dma.local @!p0 [hbm:s0], s1  }
0x5f: {  	s0 =	simm.s32 @!p0 $0x1  }
0x60: {  	_ =	swait.ge @!p0 [sflag:s0], s1  }
0x61: {  	s1 =	ssub.s32 @!p0 $0x0, s1;
	[sflag:s0] =	ssyncset.done @!p0 $0x0  }
0x62: {  	[sflag:s0] =	ssyncadd.s32 @!p0 s1  }
0x63: {  	[bflag:$0x3] =	sbarrier.arrive $0xFFFF  }
0x64: {  	_ =	shalt  }

</sc_bundles>
